<compile_context>
chip_gen: v7x
topology: tpu7x:2x2x1
jax: 0.10.2.dev20260603
libtpu: 0.0.44.dev20260713+nightly
codegen_flags: <defaults>
</compile_context>

<pallas_src>
import functools

import jax
import jax.numpy as jnp
from jax import lax
from jax.experimental import pallas as pl
from jax.experimental.pallas import tpu as pltpu
from jax.experimental.pallas import tpu_sc as plsc

VOCAB = 1000
D = 1000
BATCH = 1024
SEQ = 50
NC, NS = 2, 16
NW = NC * NS
NK = D // 8
KPW = 4
NM = BATCH // 16

_mesh = plsc.VectorSubcoreMesh(core_axis_name="c", subcore_axis_name="s")


@functools.partial(
    pl.kernel,
    mesh=_mesh,
    out_type=jax.ShapeDtypeStruct((SEQ * D, BATCH), jnp.float32),
    compiler_params=pltpu.CompilerParams(use_tc_tiling_on_sc=True,
                                         needs_layout_passes=False),
    scratch_types=[
        pltpu.VMEM((SEQ, BATCH), jnp.int32),
        pltpu.VMEM((8, VOCAB), jnp.float32),
        pltpu.VMEM((8, BATCH), jnp.float32),
        pltpu.VMEM((8, BATCH), jnp.float32),
        pltpu.SemaphoreType.DMA,
        pltpu.SemaphoreType.DMA,
    ],
)
def _emb_tgather(xt_hbm, tablet_hbm, out_hbm, xt_v, ech, outb0, outb1,
                 osem0, osem1):
    wid = lax.axis_index("s") * NC + lax.axis_index("c")
    outbs = (outb0, outb1)
    osems = (osem0, osem1)

    pltpu.sync_copy(xt_hbm, xt_v)

    for kk in range(KPW):
        kf = wid + NW * kk

        @pl.when(kf < NK)
        def _():
            pltpu.sync_copy(tablet_hbm.at[pl.ds(8 * kf, 8)], ech)

            def sbody(jj, carry):
                for b2 in range(2):
                    s = 2 * jj + b2
                    dst_prev = out_hbm.at[pl.ds(8 * ((s - 2) * NK + kf), 8)]

                    @pl.when(jj > 0)
                    def _():
                        pltpu.make_async_copy(outbs[b2], dst_prev,
                                              osems[b2]).wait()

                    @plsc.parallel_loop(0, NM, unroll=8)
                    def _(m):
                        xv = xt_v[s, pl.ds(16 * m, 16)]
                        for vp in range(8):
                            sub = jnp.full((16,), vp, dtype=jnp.int32)
                            vals = plsc.load_gather(ech, [sub, xv])
                            outbs[b2][vp, pl.ds(16 * m, 16)] = vals
                    pltpu.async_copy(
                        outbs[b2],
                        out_hbm.at[pl.ds(8 * (s * NK + kf), 8)], osems[b2])
                return carry

            lax.fori_loop(0, SEQ // 2, sbody, 0)

            for b2 in range(2):
                s = SEQ - 2 + b2
                pltpu.make_async_copy(
                    outbs[b2],
                    out_hbm.at[pl.ds(8 * (s * NK + kf), 8)],
                    osems[b2]).wait()


def kernel(x, emb):
    tablet = emb.T
    xt = x.T.astype(jnp.int32)
    out = _emb_tgather(xt, tablet)
    return out.reshape(SEQ, D, BATCH).transpose(2, 0, 1)

# --- scband reference (transcript-rebuilt; emitter-appended) ---
"""Pipeline reference for scband-bigram-lm-59974923321781 (READ-ONLY COPY).

The authoritative reference and input builder live on the scoring server;
editing this copy changes nothing except your own understanding.
"""

import jax, jax.numpy as jnp
import numpy as np

VOCAB = 1000
BATCH = 1024
SEQ = 50

def setup_inputs(seed: int = 0) -> dict:
    key = jax.random.key(seed)
    k_idx, k_emb = jax.random.split(key)
    x = jax.random.randint(k_idx, (BATCH, SEQ), 0, VOCAB, dtype=jnp.int64 if jax.config.jax_enable_x64 else jnp.int32)
    emb = jax.random.normal(k_emb, (VOCAB, VOCAB), dtype=jnp.float32)
    return {"x": x, "emb": emb}

def reference(x, emb):
    # nn.Embedding(vocab_size, vocab_size): row gather from the table
    return jnp.take(emb, x, axis=0)

if __name__ == "__main__":
    import jax
    _d = setup_inputs()
    print(jax.jit(kernel)(*tuple(_d.values())))

</pallas_src>

<mosaic_0001>
#map = affine_map<(d0, d1) -> (0, 0)>
module attributes {stable_mosaic.version = 14 : i64} {
  func.func @_emb_tgather(%arg0: i32, %arg1: i32, %arg2: memref<50x1024xi32, #tpu.memory_space<hbm>>, %arg3: memref<1000x1000xf32, #tpu.memory_space<hbm>>, %arg4: memref<50000x1024xf32, #tpu.memory_space<hbm>>, %arg5: memref<50x1024xi32, #tpu.memory_space<vmem>>, %arg6: memref<8x1000xf32, #tpu.memory_space<vmem>>, %arg7: memref<8x1024xf32, #tpu.memory_space<vmem>>, %arg8: memref<8x1024xf32, #tpu.memory_space<vmem>>, %arg9: memref<!tpu.dma_semaphore, #tpu.memory_space<semaphore_mem>>, %arg10: memref<!tpu.dma_semaphore, #tpu.memory_space<semaphore_mem>>) attributes {dimension_semantics = [#tpu.dimension_semantics<core_parallel>, #tpu.dimension_semantics<subcore_parallel>], iteration_bounds = array<i64: 2, 16>, scalar_prefetch = 0 : i64, scratch_operands = 6 : i64, tpu.core_type = #tpu.core_type<sc_vector_subcore>, window_params = [{transform_indices = #map}, {transform_indices = #map}, {transform_indices = #map}]} {
    %mul3A = arith.constant 2 : i32
    %mul3A_0 = arith.muli %arg1, %mul3A : i32
    %add3A = arith.addi %mul3A_0, %arg0 : i32
    "tpu.region"() ({
      %run_scoped3A = tpu.sem_alloc : memref<!tpu.dma_semaphore, #tpu.memory_space<semaphore_mem>>
      tpu.enqueue_dma source(%arg2 : memref<50x1024xi32, #tpu.memory_space<hbm>>) target(%arg5 : memref<50x1024xi32, #tpu.memory_space<vmem>>) target_semaphore(%run_scoped3A : memref<!tpu.dma_semaphore, #tpu.memory_space<semaphore_mem>>)
      tpu.wait_dma2 semaphore(%run_scoped3A : memref<!tpu.dma_semaphore, #tpu.memory_space<semaphore_mem>>) src(%arg2 : memref<50x1024xi32, #tpu.memory_space<hbm>>) dst(%arg5 : memref<50x1024xi32, #tpu.memory_space<vmem>>)
      tpu.yield
    }) : () -> ()
    %add3A_1 = arith.constant 0 : i32
    %add3A_2 = arith.addi %add3A, %add3A_1 : i32
    %lt3A = arith.constant 125 : i32
    %lt3A_3 = arith.cmpi slt, %add3A_2, %lt3A : i32
    %convert_element_type3A = arith.extui %lt3A_3 : i1 to i32
    %cond3A = arith.constant 0 : i32
    %cond3A_4 = arith.cmpi ne, %convert_element_type3A, %cond3A : i32
    scf.if %cond3A_4 {
      %mul3A_26 = arith.constant 8 : i32
      %mul3A_27 = arith.muli %mul3A_26, %add3A_2 : i32
      "tpu.region"() ({
        %run_scoped3A = tpu.sem_alloc : memref<!tpu.dma_semaphore, #tpu.memory_space<semaphore_mem>>
        %dma_start3A = arith.constant 0 : i32
        %dma_start3A_48 = tpu.memref_slice %arg3[%mul3A_27, %dma_start3A] : memref<1000x1000xf32, #tpu.memory_space<hbm>> -> memref<8x1000xf32, #tpu.memory_space<hbm>>
        %dma_start3A_49 = arith.constant 0 : i32
        %dma_start3A_50 = tpu.memref_slice %arg3[%mul3A_27, %dma_start3A_49] : memref<1000x1000xf32, #tpu.memory_space<hbm>> -> memref<8x1000xf32, #tpu.memory_space<hbm>>
        tpu.enqueue_dma source(%dma_start3A_50 : memref<8x1000xf32, #tpu.memory_space<hbm>>) target(%arg6 : memref<8x1000xf32, #tpu.memory_space<vmem>>) target_semaphore(%run_scoped3A : memref<!tpu.dma_semaphore, #tpu.memory_space<semaphore_mem>>)
        %dma_wait3A_51 = arith.constant 0 : i32
        %dma_wait3A_52 = tpu.memref_slice %arg3[%mul3A_27, %dma_wait3A_51] : memref<1000x1000xf32, #tpu.memory_space<hbm>> -> memref<8x1000xf32, #tpu.memory_space<hbm>>
        %dma_wait3A_53 = arith.constant 0 : i32
        %dma_wait3A_54 = tpu.memref_slice %arg3[%mul3A_27, %dma_wait3A_53] : memref<1000x1000xf32, #tpu.memory_space<hbm>> -> memref<8x1000xf32, #tpu.memory_space<hbm>>
        tpu.wait_dma2 semaphore(%run_scoped3A : memref<!tpu.dma_semaphore, #tpu.memory_space<semaphore_mem>>) src(%dma_wait3A_54 : memref<8x1000xf32, #tpu.memory_space<hbm>>) dst(%arg6 : memref<8x1000xf32, #tpu.memory_space<vmem>>)
        tpu.yield
      }) : () -> ()
      %scan3A = arith.constant 0 : i32
      %scan3A_28 = arith.constant 0 : i32
      %scan3A_29 = arith.constant 25 : i32
      %scan3A_30 = arith.addi %scan3A_28, %scan3A_29 : i32
      %scan3A_31 = arith.constant 1 : i32
      scf.for %scan3A_48 = %scan3A_28 to %scan3A_30 step %scan3A_31  : i32 {
        %mul3A_49 = arith.constant 2 : i32
        %mul3A_50 = arith.muli %mul3A_49, %scan3A_48 : i32
        %add3A_51 = arith.constant 0 : i32
        %add3A_52 = arith.addi %mul3A_50, %add3A_51 : i32
        %sub3A = arith.constant 2 : i32
        %sub3A_53 = arith.subi %add3A_52, %sub3A : i32
        %mul3A_54 = arith.constant 125 : i32
        %mul3A_55 = arith.muli %sub3A_53, %mul3A_54 : i32
        %add3A_56 = arith.addi %mul3A_55, %add3A_2 : i32
        %mul3A_57 = arith.constant 8 : i32
        %mul3A_58 = arith.muli %mul3A_57, %add3A_56 : i32
        %gt3A = arith.constant 0 : i32
        %gt3A_59 = arith.cmpi sgt, %scan3A_48, %gt3A : i32
        %convert_element_type3A_60 = arith.extui %gt3A_59 : i1 to i32
        %cond3A_61 = arith.constant 0 : i32
        %cond3A_62 = arith.cmpi ne, %convert_element_type3A_60, %cond3A_61 : i32
        scf.if %cond3A_62 {
          %dma_wait3A_101 = arith.constant 0 : i32
          %dma_wait3A_102 = tpu.memref_slice %arg4[%mul3A_58, %dma_wait3A_101] : memref<50000x1024xf32, #tpu.memory_space<hbm>> -> memref<8x1024xf32, #tpu.memory_space<hbm>>
          %dma_wait3A_103 = arith.constant 0 : i32
          %dma_wait3A_104 = tpu.memref_slice %arg4[%mul3A_58, %dma_wait3A_103] : memref<50000x1024xf32, #tpu.memory_space<hbm>> -> memref<8x1024xf32, #tpu.memory_space<hbm>>
          tpu.wait_dma2 semaphore(%arg9 : memref<!tpu.dma_semaphore, #tpu.memory_space<semaphore_mem>>) src(%arg7 : memref<8x1024xf32, #tpu.memory_space<vmem>>) dst(%dma_wait3A_104 : memref<8x1024xf32, #tpu.memory_space<hbm>>)
        } else {
        }
        %parallel_loop3A = arith.constant 0 : i32
        %parallel_loop3A_63 = arith.constant 64 : i32
        %parallel_loop3A_64 = arith.constant 1 : i32
        scf.for %parallel_loop3A_101 = %parallel_loop3A to %parallel_loop3A_63 step %parallel_loop3A_64  : i32 {
          %parallel_loop3A_102 = arith.constant 16 : i32
          %parallel_loop3A_103 = arith.muli %parallel_loop3A_102, %parallel_loop3A_101 : i32
          %parallel_loop3A_104 = arith.index_cast %add3A_52 : i32 to index
          %parallel_loop3A_105 = arith.index_cast %parallel_loop3A_103 : i32 to index
          %parallel_loop3A_106 = tpu.vector_load %arg5[%parallel_loop3A_104, %parallel_loop3A_105] {strides = array<i32>} : memref<50x1024xi32, #tpu.memory_space<vmem>>, vector<16xi32>,
          %parallel_loop3A_107 = arith.constant 0 : i32
          %parallel_loop3A_108 = vector.broadcast %parallel_loop3A_107 : i32 to vector<16xi32>
          %parallel_loop3A_109 = tpu.vector_load_idx %arg6[%parallel_loop3A_108, %parallel_loop3A_106] : memref<8x1000xf32, #tpu.memory_space<vmem>>[vector<16xi32>, vector<16xi32>], vector<16xf32>,
          %parallel_loop3A_110 = arith.constant 16 : i32
          %parallel_loop3A_111 = arith.muli %parallel_loop3A_110, %parallel_loop3A_101 : i32
          %parallel_loop3A_112 = arith.constant 0 : i32
          %parallel_loop3A_113 = arith.index_cast %parallel_loop3A_112 : i32 to index
          %parallel_loop3A_114 = arith.index_cast %parallel_loop3A_111 : i32 to index
          %parallel_loop3A_115 = tpu.vector_load %arg7[%parallel_loop3A_113, %parallel_loop3A_114] {strides = array<i32>} : memref<8x1024xf32, #tpu.memory_space<vmem>>, vector<16xf32>,
          tpu.vector_store %arg7[%parallel_loop3A_113, %parallel_loop3A_114], %parallel_loop3A_109 {strides = array<i32>} : memref<8x1024xf32, #tpu.memory_space<vmem>>, vector<16xf32>,
          %parallel_loop3A_116 = arith.constant 1 : i32
          %parallel_loop3A_117 = vector.broadcast %parallel_loop3A_116 : i32 to vector<16xi32>
          %parallel_loop3A_118 = tpu.vector_load_idx %arg6[%parallel_loop3A_117, %parallel_loop3A_106] : memref<8x1000xf32, #tpu.memory_space<vmem>>[vector<16xi32>, vector<16xi32>], vector<16xf32>,
          %parallel_loop3A_119 = arith.constant 16 : i32
          %parallel_loop3A_120 = arith.muli %parallel_loop3A_119, %parallel_loop3A_101 : i32
          %parallel_loop3A_121 = arith.constant 1 : i32
          %parallel_loop3A_122 = arith.index_cast %parallel_loop3A_121 : i32 to index
          %parallel_loop3A_123 = arith.index_cast %parallel_loop3A_120 : i32 to index
          %parallel_loop3A_124 = tpu.vector_load %arg7[%parallel_loop3A_122, %parallel_loop3A_123] {strides = array<i32>} : memref<8x1024xf32, #tpu.memory_space<vmem>>, vector<16xf32>,
          tpu.vector_store %arg7[%parallel_loop3A_122, %parallel_loop3A_123], %parallel_loop3A_118 {strides = array<i32>} : memref<8x1024xf32, #tpu.memory_space<vmem>>, vector<16xf32>,
          %parallel_loop3A_125 = arith.constant 2 : i32
          %parallel_loop3A_126 = vector.broadcast %parallel_loop3A_125 : i32 to vector<16xi32>
          %parallel_loop3A_127 = tpu.vector_load_idx %arg6[%parallel_loop3A_126, %parallel_loop3A_106] : memref<8x1000xf32, #tpu.memory_space<vmem>>[vector<16xi32>, vector<16xi32>], vector<16xf32>,
          %parallel_loop3A_128 = arith.constant 16 : i32
          %parallel_loop3A_129 = arith.muli %parallel_loop3A_128, %parallel_loop3A_101 : i32
          %parallel_loop3A_130 = arith.constant 2 : i32
          %parallel_loop3A_131 = arith.index_cast %parallel_loop3A_130 : i32 to index
          %parallel_loop3A_132 = arith.index_cast %parallel_loop3A_129 : i32 to index
          %parallel_loop3A_133 = tpu.vector_load %arg7[%parallel_loop3A_131, %parallel_loop3A_132] {strides = array<i32>} : memref<8x1024xf32, #tpu.memory_space<vmem>>, vector<16xf32>,
          tpu.vector_store %arg7[%parallel_loop3A_131, %parallel_loop3A_132], %parallel_loop3A_127 {strides = array<i32>} : memref<8x1024xf32, #tpu.memory_space<vmem>>, vector<16xf32>,
          %parallel_loop3A_134 = arith.constant 3 : i32
          %parallel_loop3A_135 = vector.broadcast %parallel_loop3A_134 : i32 to vector<16xi32>
          %parallel_loop3A_136 = tpu.vector_load_idx %arg6[%parallel_loop3A_135, %parallel_loop3A_106] : memref<8x1000xf32, #tpu.memory_space<vmem>>[vector<16xi32>, vector<16xi32>], vector<16xf32>,
          %parallel_loop3A_137 = arith.constant 16 : i32
          %parallel_loop3A_138 = arith.muli %parallel_loop3A_137, %parallel_loop3A_101 : i32
          %parallel_loop3A_139 = arith.constant 3 : i32
          %parallel_loop3A_140 = arith.index_cast %parallel_loop3A_139 : i32 to index
          %parallel_loop3A_141 = arith.index_cast %parallel_loop3A_138 : i32 to index
          %parallel_loop3A_142 = tpu.vector_load %arg7[%parallel_loop3A_140, %parallel_loop3A_141] {strides = array<i32>} : memref<8x1024xf32, #tpu.memory_space<vmem>>, vector<16xf32>,
          tpu.vector_store %arg7[%parallel_loop3A_140, %parallel_loop3A_141], %parallel_loop3A_136 {strides = array<i32>} : memref<8x1024xf32, #tpu.memory_space<vmem>>, vector<16xf32>,
          %parallel_loop3A_143 = arith.constant 4 : i32
          %parallel_loop3A_144 = vector.broadcast %parallel_loop3A_143 : i32 to vector<16xi32>
          %parallel_loop3A_145 = tpu.vector_load_idx %arg6[%parallel_loop3A_144, %parallel_loop3A_106] : memref<8x1000xf32, #tpu.memory_space<vmem>>[vector<16xi32>, vector<16xi32>], vector<16xf32>,
          %parallel_loop3A_146 = arith.constant 16 : i32
          %parallel_loop3A_147 = arith.muli %parallel_loop3A_146, %parallel_loop3A_101 : i32
          %parallel_loop3A_148 = arith.constant 4 : i32
          %parallel_loop3A_149 = arith.index_cast %parallel_loop3A_148 : i32 to index
          %parallel_loop3A_150 = arith.index_cast %parallel_loop3A_147 : i32 to index
          %parallel_loop3A_151 = tpu.vector_load %arg7[%parallel_loop3A_149, %parallel_loop3A_150] {strides = array<i32>} : memref<8x1024xf32, #tpu.memory_space<vmem>>, vector<16xf32>,
          tpu.vector_store %arg7[%parallel_loop3A_149, %parallel_loop3A_150], %parallel_loop3A_145 {strides = array<i32>} : memref<8x1024xf32, #tpu.memory_space<vmem>>, vector<16xf32>,
          %parallel_loop3A_152 = arith.constant 5 : i32
          %parallel_loop3A_153 = vector.broadcast %parallel_loop3A_152 : i32 to vector<16xi32>
          %parallel_loop3A_154 = tpu.vector_load_idx %arg6[%parallel_loop3A_153, %parallel_loop3A_106] : memref<8x1000xf32, #tpu.memory_space<vmem>>[vector<16xi32>, vector<16xi32>], vector<16xf32>,
          %parallel_loop3A_155 = arith.constant 16 : i32
          %parallel_loop3A_156 = arith.muli %parallel_loop3A_155, %parallel_loop3A_101 : i32
          %parallel_loop3A_157 = arith.constant 5 : i32
          %parallel_loop3A_158 = arith.index_cast %parallel_loop3A_157 : i32 to index
          %parallel_loop3A_159 = arith.index_cast %parallel_loop3A_156 : i32 to index
          %parallel_loop3A_160 = tpu.vector_load %arg7[%parallel_loop3A_158, %parallel_loop3A_159] {strides = array<i32>} : memref<8x1024xf32, #tpu.memory_space<vmem>>, vector<16xf32>,
          tpu.vector_store %arg7[%parallel_loop3A_158, %parallel_loop3A_159], %parallel_loop3A_154 {strides = array<i32>} : memref<8x1024xf32, #tpu.memory_space<vmem>>, vector<16xf32>,
          %parallel_loop3A_161 = arith.constant 6 : i32
          %parallel_loop3A_162 = vector.broadcast %parallel_loop3A_161 : i32 to vector<16xi32>
          %parallel_loop3A_163 = tpu.vector_load_idx %arg6[%parallel_loop3A_162, %parallel_loop3A_106] : memref<8x1000xf32, #tpu.memory_space<vmem>>[vector<16xi32>, vector<16xi32>], vector<16xf32>,
          %parallel_loop3A_164 = arith.constant 16 : i32
          %parallel_loop3A_165 = arith.muli %parallel_loop3A_164, %parallel_loop3A_101 : i32
          %parallel_loop3A_166 = arith.constant 6 : i32
          %parallel_loop3A_167 = arith.index_cast %parallel_loop3A_166 : i32 to index
          %parallel_loop3A_168 = arith.index_cast %parallel_loop3A_165 : i32 to index
          %parallel_loop3A_169 = tpu.vector_load %arg7[%parallel_loop3A_167, %parallel_loop3A_168] {strides = array<i32>} : memref<8x1024xf32, #tpu.memory_space<vmem>>, vector<16xf32>,
          tpu.vector_store %arg7[%parallel_loop3A_167, %parallel_loop3A_168], %parallel_loop3A_163 {strides = array<i32>} : memref<8x1024xf32, #tpu.memory_space<vmem>>, vector<16xf32>,
          %parallel_loop3A_170 = arith.constant 7 : i32
          %parallel_loop3A_171 = vector.broadcast %parallel_loop3A_170 : i32 to vector<16xi32>
          %parallel_loop3A_172 = tpu.vector_load_idx %arg6[%parallel_loop3A_171, %parallel_loop3A_106] : memref<8x1000xf32, #tpu.memory_space<vmem>>[vector<16xi32>, vector<16xi32>], vector<16xf32>,
          %parallel_loop3A_173 = arith.constant 16 : i32
          %parallel_loop3A_174 = arith.muli %parallel_loop3A_173, %parallel_loop3A_101 : i32
          %parallel_loop3A_175 = arith.constant 7 : i32
          %parallel_loop3A_176 = arith.index_cast %parallel_loop3A_175 : i32 to index
          %parallel_loop3A_177 = arith.index_cast %parallel_loop3A_174 : i32 to index
          %parallel_loop3A_178 = tpu.vector_load %arg7[%parallel_loop3A_176, %parallel_loop3A_177] {strides = array<i32>} : memref<8x1024xf32, #tpu.memory_space<vmem>>, vector<16xf32>,
          tpu.vector_store %arg7[%parallel_loop3A_176, %parallel_loop3A_177], %parallel_loop3A_172 {strides = array<i32>} : memref<8x1024xf32, #tpu.memory_space<vmem>>, vector<16xf32>,
        } {sc.loop_unroll_factor = 8 : i64, sc.parallel_access}
        %mul3A_65 = arith.constant 125 : i32
        %mul3A_66 = arith.muli %add3A_52, %mul3A_65 : i32
        %add3A_67 = arith.addi %mul3A_66, %add3A_2 : i32
        %mul3A_68 = arith.constant 8 : i32
        %mul3A_69 = arith.muli %mul3A_68, %add3A_67 : i32
        %dma_start3A = arith.constant 0 : i32
        %dma_start3A_70 = tpu.memref_slice %arg4[%mul3A_69, %dma_start3A] : memref<50000x1024xf32, #tpu.memory_space<hbm>> -> memref<8x1024xf32, #tpu.memory_space<hbm>>
        %dma_start3A_71 = arith.constant 0 : i32
        %dma_start3A_72 = tpu.memref_slice %arg4[%mul3A_69, %dma_start3A_71] : memref<50000x1024xf32, #tpu.memory_space<hbm>> -> memref<8x1024xf32, #tpu.memory_space<hbm>>
        tpu.enqueue_dma source(%arg7 : memref<8x1024xf32, #tpu.memory_space<vmem>>) target(%dma_start3A_72 : memref<8x1024xf32, #tpu.memory_space<hbm>>) target_semaphore(%arg9 : memref<!tpu.dma_semaphore, #tpu.memory_space<semaphore_mem>>)
        %mul3A_73 = arith.constant 2 : i32
        %mul3A_74 = arith.muli %mul3A_73, %scan3A_48 : i32
        %add3A_75 = arith.constant 1 : i32
        %add3A_76 = arith.addi %mul3A_74, %add3A_75 : i32
        %sub3A_77 = arith.constant 2 : i32
        %sub3A_78 = arith.subi %add3A_76, %sub3A_77 : i32
        %mul3A_79 = arith.constant 125 : i32
        %mul3A_80 = arith.muli %sub3A_78, %mul3A_79 : i32
        %add3A_81 = arith.addi %mul3A_80, %add3A_2 : i32
        %mul3A_82 = arith.constant 8 : i32
        %mul3A_83 = arith.muli %mul3A_82, %add3A_81 : i32
        %gt3A_84 = arith.constant 0 : i32
        %gt3A_85 = arith.cmpi sgt, %scan3A_48, %gt3A_84 : i32
        %convert_element_type3A_86 = arith.extui %gt3A_85 : i1 to i32
        %cond3A_87 = arith.constant 0 : i32
        %cond3A_88 = arith.cmpi ne, %convert_element_type3A_86, %cond3A_87 : i32
        scf.if %cond3A_88 {
          %dma_wait3A_101 = arith.constant 0 : i32
          %dma_wait3A_102 = tpu.memref_slice %arg4[%mul3A_83, %dma_wait3A_101] : memref<50000x1024xf32, #tpu.memory_space<hbm>> -> memref<8x1024xf32, #tpu.memory_space<hbm>>
          %dma_wait3A_103 = arith.constant 0 : i32
          %dma_wait3A_104 = tpu.memref_slice %arg4[%mul3A_83, %dma_wait3A_103] : memref<50000x1024xf32, #tpu.memory_space<hbm>> -> memref<8x1024xf32, #tpu.memory_space<hbm>>
          tpu.wait_dma2 semaphore(%arg10 : memref<!tpu.dma_semaphore, #tpu.memory_space<semaphore_mem>>) src(%arg8 : memref<8x1024xf32, #tpu.memory_space<vmem>>) dst(%dma_wait3A_104 : memref<8x1024xf32, #tpu.memory_space<hbm>>)
        } else {
        }
        %parallel_loop3A_89 = arith.constant 0 : i32
        %parallel_loop3A_90 = arith.constant 64 : i32
        %parallel_loop3A_91 = arith.constant 1 : i32
        scf.for %parallel_loop3A_101 = %parallel_loop3A_89 to %parallel_loop3A_90 step %parallel_loop3A_91  : i32 {
          %parallel_loop3A_102 = arith.constant 16 : i32
          %parallel_loop3A_103 = arith.muli %parallel_loop3A_102, %parallel_loop3A_101 : i32
          %parallel_loop3A_104 = arith.index_cast %add3A_76 : i32 to index
          %parallel_loop3A_105 = arith.index_cast %parallel_loop3A_103 : i32 to index
          %parallel_loop3A_106 = tpu.vector_load %arg5[%parallel_loop3A_104, %parallel_loop3A_105] {strides = array<i32>} : memref<50x1024xi32, #tpu.memory_space<vmem>>, vector<16xi32>,
          %parallel_loop3A_107 = arith.constant 0 : i32
          %parallel_loop3A_108 = vector.broadcast %parallel_loop3A_107 : i32 to vector<16xi32>
          %parallel_loop3A_109 = tpu.vector_load_idx %arg6[%parallel_loop3A_108, %parallel_loop3A_106] : memref<8x1000xf32, #tpu.memory_space<vmem>>[vector<16xi32>, vector<16xi32>], vector<16xf32>,
          %parallel_loop3A_110 = arith.constant 16 : i32
          %parallel_loop3A_111 = arith.muli %parallel_loop3A_110, %parallel_loop3A_101 : i32
          %parallel_loop3A_112 = arith.constant 0 : i32
          %parallel_loop3A_113 = arith.index_cast %parallel_loop3A_112 : i32 to index
          %parallel_loop3A_114 = arith.index_cast %parallel_loop3A_111 : i32 to index
          %parallel_loop3A_115 = tpu.vector_load %arg8[%parallel_loop3A_113, %parallel_loop3A_114] {strides = array<i32>} : memref<8x1024xf32, #tpu.memory_space<vmem>>, vector<16xf32>,
          tpu.vector_store %arg8[%parallel_loop3A_113, %parallel_loop3A_114], %parallel_loop3A_109 {strides = array<i32>} : memref<8x1024xf32, #tpu.memory_space<vmem>>, vector<16xf32>,
          %parallel_loop3A_116 = arith.constant 1 : i32
          %parallel_loop3A_117 = vector.broadcast %parallel_loop3A_116 : i32 to vector<16xi32>
          %parallel_loop3A_118 = tpu.vector_load_idx %arg6[%parallel_loop3A_117, %parallel_loop3A_106] : memref<8x1000xf32, #tpu.memory_space<vmem>>[vector<16xi32>, vector<16xi32>], vector<16xf32>,
          %parallel_loop3A_119 = arith.constant 16 : i32
          %parallel_loop3A_120 = arith.muli %parallel_loop3A_119, %parallel_loop3A_101 : i32
          %parallel_loop3A_121 = arith.constant 1 : i32
          %parallel_loop3A_122 = arith.index_cast %parallel_loop3A_121 : i32 to index
          %parallel_loop3A_123 = arith.index_cast %parallel_loop3A_120 : i32 to index
          %parallel_loop3A_124 = tpu.vector_load %arg8[%parallel_loop3A_122, %parallel_loop3A_123] {strides = array<i32>} : memref<8x1024xf32, #tpu.memory_space<vmem>>, vector<16xf32>,
          tpu.vector_store %arg8[%parallel_loop3A_122, %parallel_loop3A_123], %parallel_loop3A_118 {strides = array<i32>} : memref<8x1024xf32, #tpu.memory_space<vmem>>, vector<16xf32>,
          %parallel_loop3A_125 = arith.constant 2 : i32
          %parallel_loop3A_126 = vector.broadcast %parallel_loop3A_125 : i32 to vector<16xi32>
          %parallel_loop3A_127 = tpu.vector_load_idx %arg6[%parallel_loop3A_126, %parallel_loop3A_106] : memref<8x1000xf32, #tpu.memory_space<vmem>>[vector<16xi32>, vector<16xi32>], vector<16xf32>,
          %parallel_loop3A_128 = arith.constant 16 : i32
          %parallel_loop3A_129 = arith.muli %parallel_loop3A_128, %parallel_loop3A_101 : i32
          %parallel_loop3A_130 = arith.constant 2 : i32
          %parallel_loop3A_131 = arith.index_cast %parallel_loop3A_130 : i32 to index
          %parallel_loop3A_132 = arith.index_cast %parallel_loop3A_129 : i32 to index
          %parallel_loop3A_133 = tpu.vector_load %arg8[%parallel_loop3A_131, %parallel_loop3A_132] {strides = array<i32>} : memref<8x1024xf32, #tpu.memory_space<vmem>>, vector<16xf32>,
          tpu.vector_store %arg8[%parallel_loop3A_131, %parallel_loop3A_132], %parallel_loop3A_127 {strides = array<i32>} : memref<8x1024xf32, #tpu.memory_space<vmem>>, vector<16xf32>,
          %parallel_loop3A_134 = arith.constant 3 : i32
          %parallel_loop3A_135 = vector.broadcast %parallel_loop3A_134 : i32 to vector<16xi32>
          %parallel_loop3A_136 = tpu.vector_load_idx %arg6[%parallel_loop3A_135, %parallel_loop3A_106] : memref<8x1000xf32, #tpu.memory_space<vmem>>[vector<16xi32>, vector<16xi32>], vector<16xf32>,
          %parallel_loop3A_137 = arith.constant 16 : i32
          %parallel_loop3A_138 = arith.muli %parallel_loop3A_137, %parallel_loop3A_101 : i32
          %parallel_loop3A_139 = arith.constant 3 : i32
          %parallel_loop3A_140 = arith.index_cast %parallel_loop3A_139 : i32 to index
          %parallel_loop3A_141 = arith.index_cast %parallel_loop3A_138 : i32 to index
          %parallel_loop3A_142 = tpu.vector_load %arg8[%parallel_loop3A_140, %parallel_loop3A_141] {strides = array<i32>} : memref<8x1024xf32, #tpu.memory_space<vmem>>, vector<16xf32>,
          tpu.vector_store %arg8[%parallel_loop3A_140, %parallel_loop3A_141], %parallel_loop3A_136 {strides = array<i32>} : memref<8x1024xf32, #tpu.memory_space<vmem>>, vector<16xf32>,
          %parallel_loop3A_143 = arith.constant 4 : i32
          %parallel_loop3A_144 = vector.broadcast %parallel_loop3A_143 : i32 to vector<16xi32>
          %parallel_loop3A_145 = tpu.vector_load_idx %arg6[%parallel_loop3A_144, %parallel_loop3A_106] : memref<8x1000xf32, #tpu.memory_space<vmem>>[vector<16xi32>, vector<16xi32>], vector<16xf32>,
          %parallel_loop3A_146 = arith.constant 16 : i32
          %parallel_loop3A_147 = arith.muli %parallel_loop3A_146, %parallel_loop3A_101 : i32
          %parallel_loop3A_148 = arith.constant 4 : i32
          %parallel_loop3A_149 = arith.index_cast %parallel_loop3A_148 : i32 to index
          %parallel_loop3A_150 = arith.index_cast %parallel_loop3A_147 : i32 to index
          %parallel_loop3A_151 = tpu.vector_load %arg8[%parallel_loop3A_149, %parallel_loop3A_150] {strides = array<i32>} : memref<8x1024xf32, #tpu.memory_space<vmem>>, vector<16xf32>,
          tpu.vector_store %arg8[%parallel_loop3A_149, %parallel_loop3A_150], %parallel_loop3A_145 {strides = array<i32>} : memref<8x1024xf32, #tpu.memory_space<vmem>>, vector<16xf32>,
          %parallel_loop3A_152 = arith.constant 5 : i32
          %parallel_loop3A_153 = vector.broadcast %parallel_loop3A_152 : i32 to vector<16xi32>
          %parallel_loop3A_154 = tpu.vector_load_idx %arg6[%parallel_loop3A_153, %parallel_loop3A_106] : memref<8x1000xf32, #tpu.memory_space<vmem>>[vector<16xi32>, vector<16xi32>], vector<16xf32>,
          %parallel_loop3A_155 = arith.constant 16 : i32
          %parallel_loop3A_156 = arith.muli %parallel_loop3A_155, %parallel_loop3A_101 : i32
          %parallel_loop3A_157 = arith.constant 5 : i32
          %parallel_loop3A_158 = arith.index_cast %parallel_loop3A_157 : i32 to index
          %parallel_loop3A_159 = arith.index_cast %parallel_loop3A_156 : i32 to index
          %parallel_loop3A_160 = tpu.vector_load %arg8[%parallel_loop3A_158, %parallel_loop3A_159] {strides = array<i32>} : memref<8x1024xf32, #tpu.memory_space<vmem>>, vector<16xf32>,
          tpu.vector_store %arg8[%parallel_loop3A_158, %parallel_loop3A_159], %parallel_loop3A_154 {strides = array<i32>} : memref<8x1024xf32, #tpu.memory_space<vmem>>, vector<16xf32>,
          %parallel_loop3A_161 = arith.constant 6 : i32
          %parallel_loop3A_162 = vector.broadcast %parallel_loop3A_161 : i32 to vector<16xi32>
          %parallel_loop3A_163 = tpu.vector_load_idx %arg6[%parallel_loop3A_162, %parallel_loop3A_106] : memref<8x1000xf32, #tpu.memory_space<vmem>>[vector<16xi32>, vector<16xi32>], vector<16xf32>,
          %parallel_loop3A_164 = arith.constant 16 : i32
          %parallel_loop3A_165 = arith.muli %parallel_loop3A_164, %parallel_loop3A_101 : i32
          %parallel_loop3A_166 = arith.constant 6 : i32
          %parallel_loop3A_167 = arith.index_cast %parallel_loop3A_166 : i32 to index
          %parallel_loop3A_168 = arith.index_cast %parallel_loop3A_165 : i32 to index
          %parallel_loop3A_169 = tpu.vector_load %arg8[%parallel_loop3A_167, %parallel_loop3A_168] {strides = array<i32>} : memref<8x1024xf32, #tpu.memory_space<vmem>>, vector<16xf32>,
          tpu.vector_store %arg8[%parallel_loop3A_167, %parallel_loop3A_168], %parallel_loop3A_163 {strides = array<i32>} : memref<8x1024xf32, #tpu.memory_space<vmem>>, vector<16xf32>,
          %parallel_loop3A_170 = arith.constant 7 : i32
          %parallel_loop3A_171 = vector.broadcast %parallel_loop3A_170 : i32 to vector<16xi32>
          %parallel_loop3A_172 = tpu.vector_load_idx %arg6[%parallel_loop3A_171, %parallel_loop3A_106] : memref<8x1000xf32, #tpu.memory_space<vmem>>[vector<16xi32>, vector<16xi32>], vector<16xf32>,
          %parallel_loop3A_173 = arith.constant 16 : i32
          %parallel_loop3A_174 = arith.muli %parallel_loop3A_173, %parallel_loop3A_101 : i32
          %parallel_loop3A_175 = arith.constant 7 : i32
          %parallel_loop3A_176 = arith.index_cast %parallel_loop3A_175 : i32 to index
          %parallel_loop3A_177 = arith.index_cast %parallel_loop3A_174 : i32 to index
          %parallel_loop3A_178 = tpu.vector_load %arg8[%parallel_loop3A_176, %parallel_loop3A_177] {strides = array<i32>} : memref<8x1024xf32, #tpu.memory_space<vmem>>, vector<16xf32>,
          tpu.vector_store %arg8[%parallel_loop3A_176, %parallel_loop3A_177], %parallel_loop3A_172 {strides = array<i32>} : memref<8x1024xf32, #tpu.memory_space<vmem>>, vector<16xf32>,
        } {sc.loop_unroll_factor = 8 : i64, sc.parallel_access}
        %mul3A_92 = arith.constant 125 : i32
        %mul3A_93 = arith.muli %add3A_76, %mul3A_92 : i32
        %add3A_94 = arith.addi %mul3A_93, %add3A_2 : i32
        %mul3A_95 = arith.constant 8 : i32
        %mul3A_96 = arith.muli %mul3A_95, %add3A_94 : i32
        %dma_start3A_97 = arith.constant 0 : i32
        %dma_start3A_98 = tpu.memref_slice %arg4[%mul3A_96, %dma_start3A_97] : memref<50000x1024xf32, #tpu.memory_space<hbm>> -> memref<8x1024xf32, #tpu.memory_space<hbm>>
        %dma_start3A_99 = arith.constant 0 : i32
        %dma_start3A_100 = tpu.memref_slice %arg4[%mul3A_96, %dma_start3A_99] : memref<50000x1024xf32, #tpu.memory_space<hbm>> -> memref<8x1024xf32, #tpu.memory_space<hbm>>
        tpu.enqueue_dma source(%arg8 : memref<8x1024xf32, #tpu.memory_space<vmem>>) target(%dma_start3A_100 : memref<8x1024xf32, #tpu.memory_space<hbm>>) target_semaphore(%arg10 : memref<!tpu.dma_semaphore, #tpu.memory_space<semaphore_mem>>)
      }
      %scan3A_32 = arith.constant 25 : i32
      %add3A_33 = arith.constant 6000 : i32
      %add3A_34 = arith.addi %add3A_33, %add3A_2 : i32
      %mul3A_35 = arith.constant 8 : i32
      %mul3A_36 = arith.muli %mul3A_35, %add3A_34 : i32
      %dma_wait3A = arith.constant 0 : i32
      %dma_wait3A_37 = tpu.memref_slice %arg4[%mul3A_36, %dma_wait3A] : memref<50000x1024xf32, #tpu.memory_space<hbm>> -> memref<8x1024xf32, #tpu.memory_space<hbm>>
      %dma_wait3A_38 = arith.constant 0 : i32
      %dma_wait3A_39 = tpu.memref_slice %arg4[%mul3A_36, %dma_wait3A_38] : memref<50000x1024xf32, #tpu.memory_space<hbm>> -> memref<8x1024xf32, #tpu.memory_space<hbm>>
      tpu.wait_dma2 semaphore(%arg9 : memref<!tpu.dma_semaphore, #tpu.memory_space<semaphore_mem>>) src(%arg7 : memref<8x1024xf32, #tpu.memory_space<vmem>>) dst(%dma_wait3A_39 : memref<8x1024xf32, #tpu.memory_space<hbm>>)
      %add3A_40 = arith.constant 6125 : i32
      %add3A_41 = arith.addi %add3A_40, %add3A_2 : i32
      %mul3A_42 = arith.constant 8 : i32
      %mul3A_43 = arith.muli %mul3A_42, %add3A_41 : i32
      %dma_wait3A_44 = arith.constant 0 : i32
      %dma_wait3A_45 = tpu.memref_slice %arg4[%mul3A_43, %dma_wait3A_44] : memref<50000x1024xf32, #tpu.memory_space<hbm>> -> memref<8x1024xf32, #tpu.memory_space<hbm>>
      %dma_wait3A_46 = arith.constant 0 : i32
      %dma_wait3A_47 = tpu.memref_slice %arg4[%mul3A_43, %dma_wait3A_46] : memref<50000x1024xf32, #tpu.memory_space<hbm>> -> memref<8x1024xf32, #tpu.memory_space<hbm>>
      tpu.wait_dma2 semaphore(%arg10 : memref<!tpu.dma_semaphore, #tpu.memory_space<semaphore_mem>>) src(%arg8 : memref<8x1024xf32, #tpu.memory_space<vmem>>) dst(%dma_wait3A_47 : memref<8x1024xf32, #tpu.memory_space<hbm>>)
    } else {
    }
    %add3A_5 = arith.constant 32 : i32
    %add3A_6 = arith.addi %add3A, %add3A_5 : i32
    %lt3A_7 = arith.constant 125 : i32
    %lt3A_8 = arith.cmpi slt, %add3A_6, %lt3A_7 : i32
    %convert_element_type3A_9 = arith.extui %lt3A_8 : i1 to i32
    %cond3A_10 = arith.constant 0 : i32
    %cond3A_11 = arith.cmpi ne, %convert_element_type3A_9, %cond3A_10 : i32
    scf.if %cond3A_11 {
      %mul3A_26 = arith.constant 8 : i32
      %mul3A_27 = arith.muli %mul3A_26, %add3A_6 : i32
      "tpu.region"() ({
        %run_scoped3A = tpu.sem_alloc : memref<!tpu.dma_semaphore, #tpu.memory_space<semaphore_mem>>
        %dma_start3A = arith.constant 0 : i32
        %dma_start3A_48 = tpu.memref_slice %arg3[%mul3A_27, %dma_start3A] : memref<1000x1000xf32, #tpu.memory_space<hbm>> -> memref<8x1000xf32, #tpu.memory_space<hbm>>
        %dma_start3A_49 = arith.constant 0 : i32
        %dma_start3A_50 = tpu.memref_slice %arg3[%mul3A_27, %dma_start3A_49] : memref<1000x1000xf32, #tpu.memory_space<hbm>> -> memref<8x1000xf32, #tpu.memory_space<hbm>>
        tpu.enqueue_dma source(%dma_start3A_50 : memref<8x1000xf32, #tpu.memory_space<hbm>>) target(%arg6 : memref<8x1000xf32, #tpu.memory_space<vmem>>) target_semaphore(%run_scoped3A : memref<!tpu.dma_semaphore, #tpu.memory_space<semaphore_mem>>)
        %dma_wait3A_51 = arith.constant 0 : i32
        %dma_wait3A_52 = tpu.memref_slice %arg3[%mul3A_27, %dma_wait3A_51] : memref<1000x1000xf32, #tpu.memory_space<hbm>> -> memref<8x1000xf32, #tpu.memory_space<hbm>>
        %dma_wait3A_53 = arith.constant 0 : i32
        %dma_wait3A_54 = tpu.memref_slice %arg3[%mul3A_27, %dma_wait3A_53] : memref<1000x1000xf32, #tpu.memory_space<hbm>> -> memref<8x1000xf32, #tpu.memory_space<hbm>>
        tpu.wait_dma2 semaphore(%run_scoped3A : memref<!tpu.dma_semaphore, #tpu.memory_space<semaphore_mem>>) src(%dma_wait3A_54 : memref<8x1000xf32, #tpu.memory_space<hbm>>) dst(%arg6 : memref<8x1000xf32, #tpu.memory_space<vmem>>)
        tpu.yield
      }) : () -> ()
      %scan3A = arith.constant 0 : i32
      %scan3A_28 = arith.constant 0 : i32
      %scan3A_29 = arith.constant 25 : i32
      %scan3A_30 = arith.addi %scan3A_28, %scan3A_29 : i32
      %scan3A_31 = arith.constant 1 : i32
      scf.for %scan3A_48 = %scan3A_28 to %scan3A_30 step %scan3A_31  : i32 {
        %mul3A_49 = arith.constant 2 : i32
        %mul3A_50 = arith.muli %mul3A_49, %scan3A_48 : i32
        %add3A_51 = arith.constant 0 : i32
        %add3A_52 = arith.addi %mul3A_50, %add3A_51 : i32
        %sub3A = arith.constant 2 : i32
        %sub3A_53 = arith.subi %add3A_52, %sub3A : i32
        %mul3A_54 = arith.constant 125 : i32
        %mul3A_55 = arith.muli %sub3A_53, %mul3A_54 : i32
        %add3A_56 = arith.addi %mul3A_55, %add3A_6 : i32
        %mul3A_57 = arith.constant 8 : i32
        %mul3A_58 = arith.muli %mul3A_57, %add3A_56 : i32
        %gt3A = arith.constant 0 : i32
        %gt3A_59 = arith.cmpi sgt, %scan3A_48, %gt3A : i32
        %convert_element_type3A_60 = arith.extui %gt3A_59 : i1 to i32
        %cond3A_61 = arith.constant 0 : i32
        %cond3A_62 = arith.cmpi ne, %convert_element_type3A_60, %cond3A_61 : i32
        scf.if %cond3A_62 {
          %dma_wait3A_101 = arith.constant 0 : i32
          %dma_wait3A_102 = tpu.memref_slice %arg4[%mul3A_58, %dma_wait3A_101] : memref<50000x1024xf32, #tpu.memory_space<hbm>> -> memref<8x1024xf32, #tpu.memory_space<hbm>>
          %dma_wait3A_103 = arith.constant 0 : i32
          %dma_wait3A_104 = tpu.memref_slice %arg4[%mul3A_58, %dma_wait3A_103] : memref<50000x1024xf32, #tpu.memory_space<hbm>> -> memref<8x1024xf32, #tpu.memory_space<hbm>>
          tpu.wait_dma2 semaphore(%arg9 : memref<!tpu.dma_semaphore, #tpu.memory_space<semaphore_mem>>) src(%arg7 : memref<8x1024xf32, #tpu.memory_space<vmem>>) dst(%dma_wait3A_104 : memref<8x1024xf32, #tpu.memory_space<hbm>>)
        } else {
        }
        %parallel_loop3A = arith.constant 0 : i32
        %parallel_loop3A_63 = arith.constant 64 : i32
        %parallel_loop3A_64 = arith.constant 1 : i32
        scf.for %parallel_loop3A_101 = %parallel_loop3A to %parallel_loop3A_63 step %parallel_loop3A_64  : i32 {
          %parallel_loop3A_102 = arith.constant 16 : i32
          %parallel_loop3A_103 = arith.muli %parallel_loop3A_102, %parallel_loop3A_101 : i32
          %parallel_loop3A_104 = arith.index_cast %add3A_52 : i32 to index
          %parallel_loop3A_105 = arith.index_cast %parallel_loop3A_103 : i32 to index
          %parallel_loop3A_106 = tpu.vector_load %arg5[%parallel_loop3A_104, %parallel_loop3A_105] {strides = array<i32>} : memref<50x1024xi32, #tpu.memory_space<vmem>>, vector<16xi32>,
          %parallel_loop3A_107 = arith.constant 0 : i32
          %parallel_loop3A_108 = vector.broadcast %parallel_loop3A_107 : i32 to vector<16xi32>
          %parallel_loop3A_109 = tpu.vector_load_idx %arg6[%parallel_loop3A_108, %parallel_loop3A_106] : memref<8x1000xf32, #tpu.memory_space<vmem>>[vector<16xi32>, vector<16xi32>], vector<16xf32>,
          %parallel_loop3A_110 = arith.constant 16 : i32
          %parallel_loop3A_111 = arith.muli %parallel_loop3A_110, %parallel_loop3A_101 : i32
          %parallel_loop3A_112 = arith.constant 0 : i32
          %parallel_loop3A_113 = arith.index_cast %parallel_loop3A_112 : i32 to index
          %parallel_loop3A_114 = arith.index_cast %parallel_loop3A_111 : i32 to index
          %parallel_loop3A_115 = tpu.vector_load %arg7[%parallel_loop3A_113, %parallel_loop3A_114] {strides = array<i32>} : memref<8x1024xf32, #tpu.memory_space<vmem>>, vector<16xf32>,
          tpu.vector_store %arg7[%parallel_loop3A_113, %parallel_loop3A_114], %parallel_loop3A_109 {strides = array<i32>} : memref<8x1024xf32, #tpu.memory_space<vmem>>, vector<16xf32>,
          %parallel_loop3A_116 = arith.constant 1 : i32
          %parallel_loop3A_117 = vector.broadcast %parallel_loop3A_116 : i32 to vector<16xi32>
          %parallel_loop3A_118 = tpu.vector_load_idx %arg6[%parallel_loop3A_117, %parallel_loop3A_106] : memref<8x1000xf32, #tpu.memory_space<vmem>>[vector<16xi32>, vector<16xi32>], vector<16xf32>,
          %parallel_loop3A_119 = arith.constant 16 : i32
          %parallel_loop3A_120 = arith.muli %parallel_loop3A_119, %parallel_loop3A_101 : i32
          %parallel_loop3A_121 = arith.constant 1 : i32
          %parallel_loop3A_122 = arith.index_cast %parallel_loop3A_121 : i32 to index
          %parallel_loop3A_123 = arith.index_cast %parallel_loop3A_120 : i32 to index
          %parallel_loop3A_124 = tpu.vector_load %arg7[%parallel_loop3A_122, %parallel_loop3A_123] {strides = array<i32>} : memref<8x1024xf32, #tpu.memory_space<vmem>>, vector<16xf32>,
          tpu.vector_store %arg7[%parallel_loop3A_122, %parallel_loop3A_123], %parallel_loop3A_118 {strides = array<i32>} : memref<8x1024xf32, #tpu.memory_space<vmem>>, vector<16xf32>,
          %parallel_loop3A_125 = arith.constant 2 : i32
          %parallel_loop3A_126 = vector.broadcast %parallel_loop3A_125 : i32 to vector<16xi32>
          %parallel_loop3A_127 = tpu.vector_load_idx %arg6[%parallel_loop3A_126, %parallel_loop3A_106] : memref<8x1000xf32, #tpu.memory_space<vmem>>[vector<16xi32>, vector<16xi32>], vector<16xf32>,
          %parallel_loop3A_128 = arith.constant 16 : i32
          %parallel_loop3A_129 = arith.muli %parallel_loop3A_128, %parallel_loop3A_101 : i32
          %parallel_loop3A_130 = arith.constant 2 : i32
          %parallel_loop3A_131 = arith.index_cast %parallel_loop3A_130 : i32 to index
          %parallel_loop3A_132 = arith.index_cast %parallel_loop3A_129 : i32 to index
          %parallel_loop3A_133 = tpu.vector_load %arg7[%parallel_loop3A_131, %parallel_loop3A_132] {strides = array<i32>} : memref<8x1024xf32, #tpu.memory_space<vmem>>, vector<16xf32>,
          tpu.vector_store %arg7[%parallel_loop3A_131, %parallel_loop3A_132], %parallel_loop3A_127 {strides = array<i32>} : memref<8x1024xf32, #tpu.memory_space<vmem>>, vector<16xf32>,
          %parallel_loop3A_134 = arith.constant 3 : i32
          %parallel_loop3A_135 = vector.broadcast %parallel_loop3A_134 : i32 to vector<16xi32>
          %parallel_loop3A_136 = tpu.vector_load_idx %arg6[%parallel_loop3A_135, %parallel_loop3A_106] : memref<8x1000xf32, #tpu.memory_space<vmem>>[vector<16xi32>, vector<16xi32>], vector<16xf32>,
          %parallel_loop3A_137 = arith.constant 16 : i32
          %parallel_loop3A_138 = arith.muli %parallel_loop3A_137, %parallel_loop3A_101 : i32
          %parallel_loop3A_139 = arith.constant 3 : i32
          %parallel_loop3A_140 = arith.index_cast %parallel_loop3A_139 : i32 to index
          %parallel_loop3A_141 = arith.index_cast %parallel_loop3A_138 : i32 to index
          %parallel_loop3A_142 = tpu.vector_load %arg7[%parallel_loop3A_140, %parallel_loop3A_141] {strides = array<i32>} : memref<8x1024xf32, #tpu.memory_space<vmem>>, vector<16xf32>,
          tpu.vector_store %arg7[%parallel_loop3A_140, %parallel_loop3A_141], %parallel_loop3A_136 {strides = array<i32>} : memref<8x1024xf32, #tpu.memory_space<vmem>>, vector<16xf32>,
          %parallel_loop3A_143 = arith.constant 4 : i32
          %parallel_loop3A_144 = vector.broadcast %parallel_loop3A_143 : i32 to vector<16xi32>
          %parallel_loop3A_145 = tpu.vector_load_idx %arg6[%parallel_loop3A_144, %parallel_loop3A_106] : memref<8x1000xf32, #tpu.memory_space<vmem>>[vector<16xi32>, vector<16xi32>], vector<16xf32>,
          %parallel_loop3A_146 = arith.constant 16 : i32
          %parallel_loop3A_147 = arith.muli %parallel_loop3A_146, %parallel_loop3A_101 : i32
          %parallel_loop3A_148 = arith.constant 4 : i32
          %parallel_loop3A_149 = arith.index_cast %parallel_loop3A_148 : i32 to index
          %parallel_loop3A_150 = arith.index_cast %parallel_loop3A_147 : i32 to index
          %parallel_loop3A_151 = tpu.vector_load %arg7[%parallel_loop3A_149, %parallel_loop3A_150] {strides = array<i32>} : memref<8x1024xf32, #tpu.memory_space<vmem>>, vector<16xf32>,
          tpu.vector_store %arg7[%parallel_loop3A_149, %parallel_loop3A_150], %parallel_loop3A_145 {strides = array<i32>} : memref<8x1024xf32, #tpu.memory_space<vmem>>, vector<16xf32>,
          %parallel_loop3A_152 = arith.constant 5 : i32
          %parallel_loop3A_153 = vector.broadcast %parallel_loop3A_152 : i32 to vector<16xi32>
          %parallel_loop3A_154 = tpu.vector_load_idx %arg6[%parallel_loop3A_153, %parallel_loop3A_106] : memref<8x1000xf32, #tpu.memory_space<vmem>>[vector<16xi32>, vector<16xi32>], vector<16xf32>,
          %parallel_loop3A_155 = arith.constant 16 : i32
          %parallel_loop3A_156 = arith.muli %parallel_loop3A_155, %parallel_loop3A_101 : i32
          %parallel_loop3A_157 = arith.constant 5 : i32
          %parallel_loop3A_158 = arith.index_cast %parallel_loop3A_157 : i32 to index
          %parallel_loop3A_159 = arith.index_cast %parallel_loop3A_156 : i32 to index
          %parallel_loop3A_160 = tpu.vector_load %arg7[%parallel_loop3A_158, %parallel_loop3A_159] {strides = array<i32>} : memref<8x1024xf32, #tpu.memory_space<vmem>>, vector<16xf32>,
          tpu.vector_store %arg7[%parallel_loop3A_158, %parallel_loop3A_159], %parallel_loop3A_154 {strides = array<i32>} : memref<8x1024xf32, #tpu.memory_space<vmem>>, vector<16xf32>,
          %parallel_loop3A_161 = arith.constant 6 : i32
          %parallel_loop3A_162 = vector.broadcast %parallel_loop3A_161 : i32 to vector<16xi32>
          %parallel_loop3A_163 = tpu.vector_load_idx %arg6[%parallel_loop3A_162, %parallel_loop3A_106] : memref<8x1000xf32, #tpu.memory_space<vmem>>[vector<16xi32>, vector<16xi32>], vector<16xf32>,
          %parallel_loop3A_164 = arith.constant 16 : i32
          %parallel_loop3A_165 = arith.muli %parallel_loop3A_164, %parallel_loop3A_101 : i32
          %parallel_loop3A_166 = arith.constant 6 : i32
          %parallel_loop3A_167 = arith.index_cast %parallel_loop3A_166 : i32 to index
          %parallel_loop3A_168 = arith.index_cast %parallel_loop3A_165 : i32 to index
          %parallel_loop3A_169 = tpu.vector_load %arg7[%parallel_loop3A_167, %parallel_loop3A_168] {strides = array<i32>} : memref<8x1024xf32, #tpu.memory_space<vmem>>, vector<16xf32>,
          tpu.vector_store %arg7[%parallel_loop3A_167, %parallel_loop3A_168], %parallel_loop3A_163 {strides = array<i32>} : memref<8x1024xf32, #tpu.memory_space<vmem>>, vector<16xf32>,
          %parallel_loop3A_170 = arith.constant 7 : i32
          %parallel_loop3A_171 = vector.broadcast %parallel_loop3A_170 : i32 to vector<16xi32>
          %parallel_loop3A_172 = tpu.vector_load_idx %arg6[%parallel_loop3A_171, %parallel_loop3A_106] : memref<8x1000xf32, #tpu.memory_space<vmem>>[vector<16xi32>, vector<16xi32>], vector<16xf32>,
          %parallel_loop3A_173 = arith.constant 16 : i32
          %parallel_loop3A_174 = arith.muli %parallel_loop3A_173, %parallel_loop3A_101 : i32
          %parallel_loop3A_175 = arith.constant 7 : i32
          %parallel_loop3A_176 = arith.index_cast %parallel_loop3A_175 : i32 to index
          %parallel_loop3A_177 = arith.index_cast %parallel_loop3A_174 : i32 to index
          %parallel_loop3A_178 = tpu.vector_load %arg7[%parallel_loop3A_176, %parallel_loop3A_177] {strides = array<i32>} : memref<8x1024xf32, #tpu.memory_space<vmem>>, vector<16xf32>,
          tpu.vector_store %arg7[%parallel_loop3A_176, %parallel_loop3A_177], %parallel_loop3A_172 {strides = array<i32>} : memref<8x1024xf32, #tpu.memory_space<vmem>>, vector<16xf32>,
        } {sc.loop_unroll_factor = 8 : i64, sc.parallel_access}
        %mul3A_65 = arith.constant 125 : i32
        %mul3A_66 = arith.muli %add3A_52, %mul3A_65 : i32
        %add3A_67 = arith.addi %mul3A_66, %add3A_6 : i32
        %mul3A_68 = arith.constant 8 : i32
        %mul3A_69 = arith.muli %mul3A_68, %add3A_67 : i32
        %dma_start3A = arith.constant 0 : i32
        %dma_start3A_70 = tpu.memref_slice %arg4[%mul3A_69, %dma_start3A] : memref<50000x1024xf32, #tpu.memory_space<hbm>> -> memref<8x1024xf32, #tpu.memory_space<hbm>>
        %dma_start3A_71 = arith.constant 0 : i32
        %dma_start3A_72 = tpu.memref_slice %arg4[%mul3A_69, %dma_start3A_71] : memref<50000x1024xf32, #tpu.memory_space<hbm>> -> memref<8x1024xf32, #tpu.memory_space<hbm>>
        tpu.enqueue_dma source(%arg7 : memref<8x1024xf32, #tpu.memory_space<vmem>>) target(%dma_start3A_72 : memref<8x1024xf32, #tpu.memory_space<hbm>>) target_semaphore(%arg9 : memref<!tpu.dma_semaphore, #tpu.memory_space<semaphore_mem>>)
        %mul3A_73 = arith.constant 2 : i32
        %mul3A_74 = arith.muli %mul3A_73, %scan3A_48 : i32
        %add3A_75 = arith.constant 1 : i32
        %add3A_76 = arith.addi %mul3A_74, %add3A_75 : i32
        %sub3A_77 = arith.constant 2 : i32
        %sub3A_78 = arith.subi %add3A_76, %sub3A_77 : i32
        %mul3A_79 = arith.constant 125 : i32
        %mul3A_80 = arith.muli %sub3A_78, %mul3A_79 : i32
        %add3A_81 = arith.addi %mul3A_80, %add3A_6 : i32
        %mul3A_82 = arith.constant 8 : i32
        %mul3A_83 = arith.muli %mul3A_82, %add3A_81 : i32
        %gt3A_84 = arith.constant 0 : i32
        %gt3A_85 = arith.cmpi sgt, %scan3A_48, %gt3A_84 : i32
        %convert_element_type3A_86 = arith.extui %gt3A_85 : i1 to i32
        %cond3A_87 = arith.constant 0 : i32
        %cond3A_88 = arith.cmpi ne, %convert_element_type3A_86, %cond3A_87 : i32
        scf.if %cond3A_88 {
          %dma_wait3A_101 = arith.constant 0 : i32
          %dma_wait3A_102 = tpu.memref_slice %arg4[%mul3A_83, %dma_wait3A_101] : memref<50000x1024xf32, #tpu.memory_space<hbm>> -> memref<8x1024xf32, #tpu.memory_space<hbm>>
          %dma_wait3A_103 = arith.constant 0 : i32
          %dma_wait3A_104 = tpu.memref_slice %arg4[%mul3A_83, %dma_wait3A_103] : memref<50000x1024xf32, #tpu.memory_space<hbm>> -> memref<8x1024xf32, #tpu.memory_space<hbm>>
          tpu.wait_dma2 semaphore(%arg10 : memref<!tpu.dma_semaphore, #tpu.memory_space<semaphore_mem>>) src(%arg8 : memref<8x1024xf32, #tpu.memory_space<vmem>>) dst(%dma_wait3A_104 : memref<8x1024xf32, #tpu.memory_space<hbm>>)
        } else {
        }
        %parallel_loop3A_89 = arith.constant 0 : i32
        %parallel_loop3A_90 = arith.constant 64 : i32
        %parallel_loop3A_91 = arith.constant 1 : i32
        scf.for %parallel_loop3A_101 = %parallel_loop3A_89 to %parallel_loop3A_90 step %parallel_loop3A_91  : i32 {
          %parallel_loop3A_102 = arith.constant 16 : i32
          %parallel_loop3A_103 = arith.muli %parallel_loop3A_102, %parallel_loop3A_101 : i32
          %parallel_loop3A_104 = arith.index_cast %add3A_76 : i32 to index
          %parallel_loop3A_105 = arith.index_cast %parallel_loop3A_103 : i32 to index
          %parallel_loop3A_106 = tpu.vector_load %arg5[%parallel_loop3A_104, %parallel_loop3A_105] {strides = array<i32>} : memref<50x1024xi32, #tpu.memory_space<vmem>>, vector<16xi32>,
          %parallel_loop3A_107 = arith.constant 0 : i32
          %parallel_loop3A_108 = vector.broadcast %parallel_loop3A_107 : i32 to vector<16xi32>
          %parallel_loop3A_109 = tpu.vector_load_idx %arg6[%parallel_loop3A_108, %parallel_loop3A_106] : memref<8x1000xf32, #tpu.memory_space<vmem>>[vector<16xi32>, vector<16xi32>], vector<16xf32>,
          %parallel_loop3A_110 = arith.constant 16 : i32
          %parallel_loop3A_111 = arith.muli %parallel_loop3A_110, %parallel_loop3A_101 : i32
          %parallel_loop3A_112 = arith.constant 0 : i32
          %parallel_loop3A_113 = arith.index_cast %parallel_loop3A_112 : i32 to index
          %parallel_loop3A_114 = arith.index_cast %parallel_loop3A_111 : i32 to index
          %parallel_loop3A_115 = tpu.vector_load %arg8[%parallel_loop3A_113, %parallel_loop3A_114] {strides = array<i32>} : memref<8x1024xf32, #tpu.memory_space<vmem>>, vector<16xf32>,
          tpu.vector_store %arg8[%parallel_loop3A_113, %parallel_loop3A_114], %parallel_loop3A_109 {strides = array<i32>} : memref<8x1024xf32, #tpu.memory_space<vmem>>, vector<16xf32>,
          %parallel_loop3A_116 = arith.constant 1 : i32
          %parallel_loop3A_117 = vector.broadcast %parallel_loop3A_116 : i32 to vector<16xi32>
          %parallel_loop3A_118 = tpu.vector_load_idx %arg6[%parallel_loop3A_117, %parallel_loop3A_106] : memref<8x1000xf32, #tpu.memory_space<vmem>>[vector<16xi32>, vector<16xi32>], vector<16xf32>,
          %parallel_loop3A_119 = arith.constant 16 : i32
          %parallel_loop3A_120 = arith.muli %parallel_loop3A_119, %parallel_loop3A_101 : i32
          %parallel_loop3A_121 = arith.constant 1 : i32
          %parallel_loop3A_122 = arith.index_cast %parallel_loop3A_121 : i32 to index
          %parallel_loop3A_123 = arith.index_cast %parallel_loop3A_120 : i32 to index
          %parallel_loop3A_124 = tpu.vector_load %arg8[%parallel_loop3A_122, %parallel_loop3A_123] {strides = array<i32>} : memref<8x1024xf32, #tpu.memory_space<vmem>>, vector<16xf32>,
          tpu.vector_store %arg8[%parallel_loop3A_122, %parallel_loop3A_123], %parallel_loop3A_118 {strides = array<i32>} : memref<8x1024xf32, #tpu.memory_space<vmem>>, vector<16xf32>,
          %parallel_loop3A_125 = arith.constant 2 : i32
          %parallel_loop3A_126 = vector.broadcast %parallel_loop3A_125 : i32 to vector<16xi32>
          %parallel_loop3A_127 = tpu.vector_load_idx %arg6[%parallel_loop3A_126, %parallel_loop3A_106] : memref<8x1000xf32, #tpu.memory_space<vmem>>[vector<16xi32>, vector<16xi32>], vector<16xf32>,
          %parallel_loop3A_128 = arith.constant 16 : i32
          %parallel_loop3A_129 = arith.muli %parallel_loop3A_128, %parallel_loop3A_101 : i32
          %parallel_loop3A_130 = arith.constant 2 : i32
          %parallel_loop3A_131 = arith.index_cast %parallel_loop3A_130 : i32 to index
          %parallel_loop3A_132 = arith.index_cast %parallel_loop3A_129 : i32 to index
          %parallel_loop3A_133 = tpu.vector_load %arg8[%parallel_loop3A_131, %parallel_loop3A_132] {strides = array<i32>} : memref<8x1024xf32, #tpu.memory_space<vmem>>, vector<16xf32>,
          tpu.vector_store %arg8[%parallel_loop3A_131, %parallel_loop3A_132], %parallel_loop3A_127 {strides = array<i32>} : memref<8x1024xf32, #tpu.memory_space<vmem>>, vector<16xf32>,
          %parallel_loop3A_134 = arith.constant 3 : i32
          %parallel_loop3A_135 = vector.broadcast %parallel_loop3A_134 : i32 to vector<16xi32>
          %parallel_loop3A_136 = tpu.vector_load_idx %arg6[%parallel_loop3A_135, %parallel_loop3A_106] : memref<8x1000xf32, #tpu.memory_space<vmem>>[vector<16xi32>, vector<16xi32>], vector<16xf32>,
          %parallel_loop3A_137 = arith.constant 16 : i32
          %parallel_loop3A_138 = arith.muli %parallel_loop3A_137, %parallel_loop3A_101 : i32
          %parallel_loop3A_139 = arith.constant 3 : i32
          %parallel_loop3A_140 = arith.index_cast %parallel_loop3A_139 : i32 to index
          %parallel_loop3A_141 = arith.index_cast %parallel_loop3A_138 : i32 to index
          %parallel_loop3A_142 = tpu.vector_load %arg8[%parallel_loop3A_140, %parallel_loop3A_141] {strides = array<i32>} : memref<8x1024xf32, #tpu.memory_space<vmem>>, vector<16xf32>,
          tpu.vector_store %arg8[%parallel_loop3A_140, %parallel_loop3A_141], %parallel_loop3A_136 {strides = array<i32>} : memref<8x1024xf32, #tpu.memory_space<vmem>>, vector<16xf32>,
          %parallel_loop3A_143 = arith.constant 4 : i32
          %parallel_loop3A_144 = vector.broadcast %parallel_loop3A_143 : i32 to vector<16xi32>
          %parallel_loop3A_145 = tpu.vector_load_idx %arg6[%parallel_loop3A_144, %parallel_loop3A_106] : memref<8x1000xf32, #tpu.memory_space<vmem>>[vector<16xi32>, vector<16xi32>], vector<16xf32>,
          %parallel_loop3A_146 = arith.constant 16 : i32
          %parallel_loop3A_147 = arith.muli %parallel_loop3A_146, %parallel_loop3A_101 : i32
          %parallel_loop3A_148 = arith.constant 4 : i32
          %parallel_loop3A_149 = arith.index_cast %parallel_loop3A_148 : i32 to index
          %parallel_loop3A_150 = arith.index_cast %parallel_loop3A_147 : i32 to index
          %parallel_loop3A_151 = tpu.vector_load %arg8[%parallel_loop3A_149, %parallel_loop3A_150] {strides = array<i32>} : memref<8x1024xf32, #tpu.memory_space<vmem>>, vector<16xf32>,
          tpu.vector_store %arg8[%parallel_loop3A_149, %parallel_loop3A_150], %parallel_loop3A_145 {strides = array<i32>} : memref<8x1024xf32, #tpu.memory_space<vmem>>, vector<16xf32>,
          %parallel_loop3A_152 = arith.constant 5 : i32
          %parallel_loop3A_153 = vector.broadcast %parallel_loop3A_152 : i32 to vector<16xi32>
          %parallel_loop3A_154 = tpu.vector_load_idx %arg6[%parallel_loop3A_153, %parallel_loop3A_106] : memref<8x1000xf32, #tpu.memory_space<vmem>>[vector<16xi32>, vector<16xi32>], vector<16xf32>,
          %parallel_loop3A_155 = arith.constant 16 : i32
          %parallel_loop3A_156 = arith.muli %parallel_loop3A_155, %parallel_loop3A_101 : i32
          %parallel_loop3A_157 = arith.constant 5 : i32
          %parallel_loop3A_158 = arith.index_cast %parallel_loop3A_157 : i32 to index
          %parallel_loop3A_159 = arith.index_cast %parallel_loop3A_156 : i32 to index
          %parallel_loop3A_160 = tpu.vector_load %arg8[%parallel_loop3A_158, %parallel_loop3A_159] {strides = array<i32>} : memref<8x1024xf32, #tpu.memory_space<vmem>>, vector<16xf32>,
          tpu.vector_store %arg8[%parallel_loop3A_158, %parallel_loop3A_159], %parallel_loop3A_154 {strides = array<i32>} : memref<8x1024xf32, #tpu.memory_space<vmem>>, vector<16xf32>,
          %parallel_loop3A_161 = arith.constant 6 : i32
          %parallel_loop3A_162 = vector.broadcast %parallel_loop3A_161 : i32 to vector<16xi32>
          %parallel_loop3A_163 = tpu.vector_load_idx %arg6[%parallel_loop3A_162, %parallel_loop3A_106] : memref<8x1000xf32, #tpu.memory_space<vmem>>[vector<16xi32>, vector<16xi32>], vector<16xf32>,
          %parallel_loop3A_164 = arith.constant 16 : i32
          %parallel_loop3A_165 = arith.muli %parallel_loop3A_164, %parallel_loop3A_101 : i32
          %parallel_loop3A_166 = arith.constant 6 : i32
          %parallel_loop3A_167 = arith.index_cast %parallel_loop3A_166 : i32 to index
          %parallel_loop3A_168 = arith.index_cast %parallel_loop3A_165 : i32 to index
          %parallel_loop3A_169 = tpu.vector_load %arg8[%parallel_loop3A_167, %parallel_loop3A_168] {strides = array<i32>} : memref<8x1024xf32, #tpu.memory_space<vmem>>, vector<16xf32>,
          tpu.vector_store %arg8[%parallel_loop3A_167, %parallel_loop3A_168], %parallel_loop3A_163 {strides = array<i32>} : memref<8x1024xf32, #tpu.memory_space<vmem>>, vector<16xf32>,
          %parallel_loop3A_170 = arith.constant 7 : i32
          %parallel_loop3A_171 = vector.broadcast %parallel_loop3A_170 : i32 to vector<16xi32>
          %parallel_loop3A_172 = tpu.vector_load_idx %arg6[%parallel_loop3A_171, %parallel_loop3A_106] : memref<8x1000xf32, #tpu.memory_space<vmem>>[vector<16xi32>, vector<16xi32>], vector<16xf32>,
          %parallel_loop3A_173 = arith.constant 16 : i32
          %parallel_loop3A_174 = arith.muli %parallel_loop3A_173, %parallel_loop3A_101 : i32
          %parallel_loop3A_175 = arith.constant 7 : i32
          %parallel_loop3A_176 = arith.index_cast %parallel_loop3A_175 : i32 to index
          %parallel_loop3A_177 = arith.index_cast %parallel_loop3A_174 : i32 to index
          %parallel_loop3A_178 = tpu.vector_load %arg8[%parallel_loop3A_176, %parallel_loop3A_177] {strides = array<i32>} : memref<8x1024xf32, #tpu.memory_space<vmem>>, vector<16xf32>,
          tpu.vector_store %arg8[%parallel_loop3A_176, %parallel_loop3A_177], %parallel_loop3A_172 {strides = array<i32>} : memref<8x1024xf32, #tpu.memory_space<vmem>>, vector<16xf32>,
        } {sc.loop_unroll_factor = 8 : i64, sc.parallel_access}
        %mul3A_92 = arith.constant 125 : i32
        %mul3A_93 = arith.muli %add3A_76, %mul3A_92 : i32
        %add3A_94 = arith.addi %mul3A_93, %add3A_6 : i32
        %mul3A_95 = arith.constant 8 : i32
        %mul3A_96 = arith.muli %mul3A_95, %add3A_94 : i32
        %dma_start3A_97 = arith.constant 0 : i32
        %dma_start3A_98 = tpu.memref_slice %arg4[%mul3A_96, %dma_start3A_97] : memref<50000x1024xf32, #tpu.memory_space<hbm>> -> memref<8x1024xf32, #tpu.memory_space<hbm>>
        %dma_start3A_99 = arith.constant 0 : i32
        %dma_start3A_100 = tpu.memref_slice %arg4[%mul3A_96, %dma_start3A_99] : memref<50000x1024xf32, #tpu.memory_space<hbm>> -> memref<8x1024xf32, #tpu.memory_space<hbm>>
        tpu.enqueue_dma source(%arg8 : memref<8x1024xf32, #tpu.memory_space<vmem>>) target(%dma_start3A_100 : memref<8x1024xf32, #tpu.memory_space<hbm>>) target_semaphore(%arg10 : memref<!tpu.dma_semaphore, #tpu.memory_space<semaphore_mem>>)
      }
      %scan3A_32 = arith.constant 25 : i32
      %add3A_33 = arith.constant 6000 : i32
      %add3A_34 = arith.addi %add3A_33, %add3A_6 : i32
      %mul3A_35 = arith.constant 8 : i32
      %mul3A_36 = arith.muli %mul3A_35, %add3A_34 : i32
      %dma_wait3A = arith.constant 0 : i32
      %dma_wait3A_37 = tpu.memref_slice %arg4[%mul3A_36, %dma_wait3A] : memref<50000x1024xf32, #tpu.memory_space<hbm>> -> memref<8x1024xf32, #tpu.memory_space<hbm>>
      %dma_wait3A_38 = arith.constant 0 : i32
      %dma_wait3A_39 = tpu.memref_slice %arg4[%mul3A_36, %dma_wait3A_38] : memref<50000x1024xf32, #tpu.memory_space<hbm>> -> memref<8x1024xf32, #tpu.memory_space<hbm>>
      tpu.wait_dma2 semaphore(%arg9 : memref<!tpu.dma_semaphore, #tpu.memory_space<semaphore_mem>>) src(%arg7 : memref<8x1024xf32, #tpu.memory_space<vmem>>) dst(%dma_wait3A_39 : memref<8x1024xf32, #tpu.memory_space<hbm>>)
      %add3A_40 = arith.constant 6125 : i32
      %add3A_41 = arith.addi %add3A_40, %add3A_6 : i32
      %mul3A_42 = arith.constant 8 : i32
      %mul3A_43 = arith.muli %mul3A_42, %add3A_41 : i32
      %dma_wait3A_44 = arith.constant 0 : i32
      %dma_wait3A_45 = tpu.memref_slice %arg4[%mul3A_43, %dma_wait3A_44] : memref<50000x1024xf32, #tpu.memory_space<hbm>> -> memref<8x1024xf32, #tpu.memory_space<hbm>>
      %dma_wait3A_46 = arith.constant 0 : i32
      %dma_wait3A_47 = tpu.memref_slice %arg4[%mul3A_43, %dma_wait3A_46] : memref<50000x1024xf32, #tpu.memory_space<hbm>> -> memref<8x1024xf32, #tpu.memory_space<hbm>>
      tpu.wait_dma2 semaphore(%arg10 : memref<!tpu.dma_semaphore, #tpu.memory_space<semaphore_mem>>) src(%arg8 : memref<8x1024xf32, #tpu.memory_space<vmem>>) dst(%dma_wait3A_47 : memref<8x1024xf32, #tpu.memory_space<hbm>>)
    } else {
    }
    %add3A_12 = arith.constant 64 : i32
    %add3A_13 = arith.addi %add3A, %add3A_12 : i32
    %lt3A_14 = arith.constant 125 : i32
    %lt3A_15 = arith.cmpi slt, %add3A_13, %lt3A_14 : i32
    %convert_element_type3A_16 = arith.extui %lt3A_15 : i1 to i32
    %cond3A_17 = arith.constant 0 : i32
    %cond3A_18 = arith.cmpi ne, %convert_element_type3A_16, %cond3A_17 : i32
    scf.if %cond3A_18 {
      %mul3A_26 = arith.constant 8 : i32
      %mul3A_27 = arith.muli %mul3A_26, %add3A_13 : i32
      "tpu.region"() ({
        %run_scoped3A = tpu.sem_alloc : memref<!tpu.dma_semaphore, #tpu.memory_space<semaphore_mem>>
        %dma_start3A = arith.constant 0 : i32
        %dma_start3A_48 = tpu.memref_slice %arg3[%mul3A_27, %dma_start3A] : memref<1000x1000xf32, #tpu.memory_space<hbm>> -> memref<8x1000xf32, #tpu.memory_space<hbm>>
        %dma_start3A_49 = arith.constant 0 : i32
        %dma_start3A_50 = tpu.memref_slice %arg3[%mul3A_27, %dma_start3A_49] : memref<1000x1000xf32, #tpu.memory_space<hbm>> -> memref<8x1000xf32, #tpu.memory_space<hbm>>
        tpu.enqueue_dma source(%dma_start3A_50 : memref<8x1000xf32, #tpu.memory_space<hbm>>) target(%arg6 : memref<8x1000xf32, #tpu.memory_space<vmem>>) target_semaphore(%run_scoped3A : memref<!tpu.dma_semaphore, #tpu.memory_space<semaphore_mem>>)
        %dma_wait3A_51 = arith.constant 0 : i32
        %dma_wait3A_52 = tpu.memref_slice %arg3[%mul3A_27, %dma_wait3A_51] : memref<1000x1000xf32, #tpu.memory_space<hbm>> -> memref<8x1000xf32, #tpu.memory_space<hbm>>
        %dma_wait3A_53 = arith.constant 0 : i32
        %dma_wait3A_54 = tpu.memref_slice %arg3[%mul3A_27, %dma_wait3A_53] : memref<1000x1000xf32, #tpu.memory_space<hbm>> -> memref<8x1000xf32, #tpu.memory_space<hbm>>
        tpu.wait_dma2 semaphore(%run_scoped3A : memref<!tpu.dma_semaphore, #tpu.memory_space<semaphore_mem>>) src(%dma_wait3A_54 : memref<8x1000xf32, #tpu.memory_space<hbm>>) dst(%arg6 : memref<8x1000xf32, #tpu.memory_space<vmem>>)
        tpu.yield
      }) : () -> ()
      %scan3A = arith.constant 0 : i32
      %scan3A_28 = arith.constant 0 : i32
      %scan3A_29 = arith.constant 25 : i32
      %scan3A_30 = arith.addi %scan3A_28, %scan3A_29 : i32
      %scan3A_31 = arith.constant 1 : i32
      scf.for %scan3A_48 = %scan3A_28 to %scan3A_30 step %scan3A_31  : i32 {
        %mul3A_49 = arith.constant 2 : i32
        %mul3A_50 = arith.muli %mul3A_49, %scan3A_48 : i32
        %add3A_51 = arith.constant 0 : i32
        %add3A_52 = arith.addi %mul3A_50, %add3A_51 : i32
        %sub3A = arith.constant 2 : i32
        %sub3A_53 = arith.subi %add3A_52, %sub3A : i32
        %mul3A_54 = arith.constant 125 : i32
        %mul3A_55 = arith.muli %sub3A_53, %mul3A_54 : i32
        %add3A_56 = arith.addi %mul3A_55, %add3A_13 : i32
        %mul3A_57 = arith.constant 8 : i32
        %mul3A_58 = arith.muli %mul3A_57, %add3A_56 : i32
        %gt3A = arith.constant 0 : i32
        %gt3A_59 = arith.cmpi sgt, %scan3A_48, %gt3A : i32
        %convert_element_type3A_60 = arith.extui %gt3A_59 : i1 to i32
        %cond3A_61 = arith.constant 0 : i32
        %cond3A_62 = arith.cmpi ne, %convert_element_type3A_60, %cond3A_61 : i32
        scf.if %cond3A_62 {
          %dma_wait3A_101 = arith.constant 0 : i32
          %dma_wait3A_102 = tpu.memref_slice %arg4[%mul3A_58, %dma_wait3A_101] : memref<50000x1024xf32, #tpu.memory_space<hbm>> -> memref<8x1024xf32, #tpu.memory_space<hbm>>
          %dma_wait3A_103 = arith.constant 0 : i32
          %dma_wait3A_104 = tpu.memref_slice %arg4[%mul3A_58, %dma_wait3A_103] : memref<50000x1024xf32, #tpu.memory_space<hbm>> -> memref<8x1024xf32, #tpu.memory_space<hbm>>
          tpu.wait_dma2 semaphore(%arg9 : memref<!tpu.dma_semaphore, #tpu.memory_space<semaphore_mem>>) src(%arg7 : memref<8x1024xf32, #tpu.memory_space<vmem>>) dst(%dma_wait3A_104 : memref<8x1024xf32, #tpu.memory_space<hbm>>)
        } else {
        }
        %parallel_loop3A = arith.constant 0 : i32
        %parallel_loop3A_63 = arith.constant 64 : i32
        %parallel_loop3A_64 = arith.constant 1 : i32
        scf.for %parallel_loop3A_101 = %parallel_loop3A to %parallel_loop3A_63 step %parallel_loop3A_64  : i32 {
          %parallel_loop3A_102 = arith.constant 16 : i32
          %parallel_loop3A_103 = arith.muli %parallel_loop3A_102, %parallel_loop3A_101 : i32
          %parallel_loop3A_104 = arith.index_cast %add3A_52 : i32 to index
          %parallel_loop3A_105 = arith.index_cast %parallel_loop3A_103 : i32 to index
          %parallel_loop3A_106 = tpu.vector_load %arg5[%parallel_loop3A_104, %parallel_loop3A_105] {strides = array<i32>} : memref<50x1024xi32, #tpu.memory_space<vmem>>, vector<16xi32>,
          %parallel_loop3A_107 = arith.constant 0 : i32
          %parallel_loop3A_108 = vector.broadcast %parallel_loop3A_107 : i32 to vector<16xi32>
          %parallel_loop3A_109 = tpu.vector_load_idx %arg6[%parallel_loop3A_108, %parallel_loop3A_106] : memref<8x1000xf32, #tpu.memory_space<vmem>>[vector<16xi32>, vector<16xi32>], vector<16xf32>,
          %parallel_loop3A_110 = arith.constant 16 : i32
          %parallel_loop3A_111 = arith.muli %parallel_loop3A_110, %parallel_loop3A_101 : i32
          %parallel_loop3A_112 = arith.constant 0 : i32
          %parallel_loop3A_113 = arith.index_cast %parallel_loop3A_112 : i32 to index
          %parallel_loop3A_114 = arith.index_cast %parallel_loop3A_111 : i32 to index
          %parallel_loop3A_115 = tpu.vector_load %arg7[%parallel_loop3A_113, %parallel_loop3A_114] {strides = array<i32>} : memref<8x1024xf32, #tpu.memory_space<vmem>>, vector<16xf32>,
          tpu.vector_store %arg7[%parallel_loop3A_113, %parallel_loop3A_114], %parallel_loop3A_109 {strides = array<i32>} : memref<8x1024xf32, #tpu.memory_space<vmem>>, vector<16xf32>,
          %parallel_loop3A_116 = arith.constant 1 : i32
          %parallel_loop3A_117 = vector.broadcast %parallel_loop3A_116 : i32 to vector<16xi32>
          %parallel_loop3A_118 = tpu.vector_load_idx %arg6[%parallel_loop3A_117, %parallel_loop3A_106] : memref<8x1000xf32, #tpu.memory_space<vmem>>[vector<16xi32>, vector<16xi32>], vector<16xf32>,
          %parallel_loop3A_119 = arith.constant 16 : i32
          %parallel_loop3A_120 = arith.muli %parallel_loop3A_119, %parallel_loop3A_101 : i32
          %parallel_loop3A_121 = arith.constant 1 : i32
          %parallel_loop3A_122 = arith.index_cast %parallel_loop3A_121 : i32 to index
          %parallel_loop3A_123 = arith.index_cast %parallel_loop3A_120 : i32 to index
          %parallel_loop3A_124 = tpu.vector_load %arg7[%parallel_loop3A_122, %parallel_loop3A_123] {strides = array<i32>} : memref<8x1024xf32, #tpu.memory_space<vmem>>, vector<16xf32>,
          tpu.vector_store %arg7[%parallel_loop3A_122, %parallel_loop3A_123], %parallel_loop3A_118 {strides = array<i32>} : memref<8x1024xf32, #tpu.memory_space<vmem>>, vector<16xf32>,
          %parallel_loop3A_125 = arith.constant 2 : i32
          %parallel_loop3A_126 = vector.broadcast %parallel_loop3A_125 : i32 to vector<16xi32>
          %parallel_loop3A_127 = tpu.vector_load_idx %arg6[%parallel_loop3A_126, %parallel_loop3A_106] : memref<8x1000xf32, #tpu.memory_space<vmem>>[vector<16xi32>, vector<16xi32>], vector<16xf32>,
          %parallel_loop3A_128 = arith.constant 16 : i32
          %parallel_loop3A_129 = arith.muli %parallel_loop3A_128, %parallel_loop3A_101 : i32
          %parallel_loop3A_130 = arith.constant 2 : i32
          %parallel_loop3A_131 = arith.index_cast %parallel_loop3A_130 : i32 to index
          %parallel_loop3A_132 = arith.index_cast %parallel_loop3A_129 : i32 to index
          %parallel_loop3A_133 = tpu.vector_load %arg7[%parallel_loop3A_131, %parallel_loop3A_132] {strides = array<i32>} : memref<8x1024xf32, #tpu.memory_space<vmem>>, vector<16xf32>,
          tpu.vector_store %arg7[%parallel_loop3A_131, %parallel_loop3A_132], %parallel_loop3A_127 {strides = array<i32>} : memref<8x1024xf32, #tpu.memory_space<vmem>>, vector<16xf32>,
          %parallel_loop3A_134 = arith.constant 3 : i32
          %parallel_loop3A_135 = vector.broadcast %parallel_loop3A_134 : i32 to vector<16xi32>
          %parallel_loop3A_136 = tpu.vector_load_idx %arg6[%parallel_loop3A_135, %parallel_loop3A_106] : memref<8x1000xf32, #tpu.memory_space<vmem>>[vector<16xi32>, vector<16xi32>], vector<16xf32>,
          %parallel_loop3A_137 = arith.constant 16 : i32
          %parallel_loop3A_138 = arith.muli %parallel_loop3A_137, %parallel_loop3A_101 : i32
          %parallel_loop3A_139 = arith.constant 3 : i32
          %parallel_loop3A_140 = arith.index_cast %parallel_loop3A_139 : i32 to index
          %parallel_loop3A_141 = arith.index_cast %parallel_loop3A_138 : i32 to index
          %parallel_loop3A_142 = tpu.vector_load %arg7[%parallel_loop3A_140, %parallel_loop3A_141] {strides = array<i32>} : memref<8x1024xf32, #tpu.memory_space<vmem>>, vector<16xf32>,
          tpu.vector_store %arg7[%parallel_loop3A_140, %parallel_loop3A_141], %parallel_loop3A_136 {strides = array<i32>} : memref<8x1024xf32, #tpu.memory_space<vmem>>, vector<16xf32>,
          %parallel_loop3A_143 = arith.constant 4 : i32
          %parallel_loop3A_144 = vector.broadcast %parallel_loop3A_143 : i32 to vector<16xi32>
          %parallel_loop3A_145 = tpu.vector_load_idx %arg6[%parallel_loop3A_144, %parallel_loop3A_106] : memref<8x1000xf32, #tpu.memory_space<vmem>>[vector<16xi32>, vector<16xi32>], vector<16xf32>,
          %parallel_loop3A_146 = arith.constant 16 : i32
          %parallel_loop3A_147 = arith.muli %parallel_loop3A_146, %parallel_loop3A_101 : i32
          %parallel_loop3A_148 = arith.constant 4 : i32
          %parallel_loop3A_149 = arith.index_cast %parallel_loop3A_148 : i32 to index
          %parallel_loop3A_150 = arith.index_cast %parallel_loop3A_147 : i32 to index
          %parallel_loop3A_151 = tpu.vector_load %arg7[%parallel_loop3A_149, %parallel_loop3A_150] {strides = array<i32>} : memref<8x1024xf32, #tpu.memory_space<vmem>>, vector<16xf32>,
          tpu.vector_store %arg7[%parallel_loop3A_149, %parallel_loop3A_150], %parallel_loop3A_145 {strides = array<i32>} : memref<8x1024xf32, #tpu.memory_space<vmem>>, vector<16xf32>,
          %parallel_loop3A_152 = arith.constant 5 : i32
          %parallel_loop3A_153 = vector.broadcast %parallel_loop3A_152 : i32 to vector<16xi32>
          %parallel_loop3A_154 = tpu.vector_load_idx %arg6[%parallel_loop3A_153, %parallel_loop3A_106] : memref<8x1000xf32, #tpu.memory_space<vmem>>[vector<16xi32>, vector<16xi32>], vector<16xf32>,
          %parallel_loop3A_155 = arith.constant 16 : i32
          %parallel_loop3A_156 = arith.muli %parallel_loop3A_155, %parallel_loop3A_101 : i32
          %parallel_loop3A_157 = arith.constant 5 : i32
          %parallel_loop3A_158 = arith.index_cast %parallel_loop3A_157 : i32 to index
          %parallel_loop3A_159 = arith.index_cast %parallel_loop3A_156 : i32 to index
          %parallel_loop3A_160 = tpu.vector_load %arg7[%parallel_loop3A_158, %parallel_loop3A_159] {strides = array<i32>} : memref<8x1024xf32, #tpu.memory_space<vmem>>, vector<16xf32>,
          tpu.vector_store %arg7[%parallel_loop3A_158, %parallel_loop3A_159], %parallel_loop3A_154 {strides = array<i32>} : memref<8x1024xf32, #tpu.memory_space<vmem>>, vector<16xf32>,
          %parallel_loop3A_161 = arith.constant 6 : i32
          %parallel_loop3A_162 = vector.broadcast %parallel_loop3A_161 : i32 to vector<16xi32>
          %parallel_loop3A_163 = tpu.vector_load_idx %arg6[%parallel_loop3A_162, %parallel_loop3A_106] : memref<8x1000xf32, #tpu.memory_space<vmem>>[vector<16xi32>, vector<16xi32>], vector<16xf32>,
          %parallel_loop3A_164 = arith.constant 16 : i32
          %parallel_loop3A_165 = arith.muli %parallel_loop3A_164, %parallel_loop3A_101 : i32
          %parallel_loop3A_166 = arith.constant 6 : i32
          %parallel_loop3A_167 = arith.index_cast %parallel_loop3A_166 : i32 to index
          %parallel_loop3A_168 = arith.index_cast %parallel_loop3A_165 : i32 to index
          %parallel_loop3A_169 = tpu.vector_load %arg7[%parallel_loop3A_167, %parallel_loop3A_168] {strides = array<i32>} : memref<8x1024xf32, #tpu.memory_space<vmem>>, vector<16xf32>,
          tpu.vector_store %arg7[%parallel_loop3A_167, %parallel_loop3A_168], %parallel_loop3A_163 {strides = array<i32>} : memref<8x1024xf32, #tpu.memory_space<vmem>>, vector<16xf32>,
          %parallel_loop3A_170 = arith.constant 7 : i32
          %parallel_loop3A_171 = vector.broadcast %parallel_loop3A_170 : i32 to vector<16xi32>
          %parallel_loop3A_172 = tpu.vector_load_idx %arg6[%parallel_loop3A_171, %parallel_loop3A_106] : memref<8x1000xf32, #tpu.memory_space<vmem>>[vector<16xi32>, vector<16xi32>], vector<16xf32>,
          %parallel_loop3A_173 = arith.constant 16 : i32
          %parallel_loop3A_174 = arith.muli %parallel_loop3A_173, %parallel_loop3A_101 : i32
          %parallel_loop3A_175 = arith.constant 7 : i32
          %parallel_loop3A_176 = arith.index_cast %parallel_loop3A_175 : i32 to index
          %parallel_loop3A_177 = arith.index_cast %parallel_loop3A_174 : i32 to index
          %parallel_loop3A_178 = tpu.vector_load %arg7[%parallel_loop3A_176, %parallel_loop3A_177] {strides = array<i32>} : memref<8x1024xf32, #tpu.memory_space<vmem>>, vector<16xf32>,
          tpu.vector_store %arg7[%parallel_loop3A_176, %parallel_loop3A_177], %parallel_loop3A_172 {strides = array<i32>} : memref<8x1024xf32, #tpu.memory_space<vmem>>, vector<16xf32>,
        } {sc.loop_unroll_factor = 8 : i64, sc.parallel_access}
        %mul3A_65 = arith.constant 125 : i32
        %mul3A_66 = arith.muli %add3A_52, %mul3A_65 : i32
        %add3A_67 = arith.addi %mul3A_66, %add3A_13 : i32
        %mul3A_68 = arith.constant 8 : i32
        %mul3A_69 = arith.muli %mul3A_68, %add3A_67 : i32
        %dma_start3A = arith.constant 0 : i32
        %dma_start3A_70 = tpu.memref_slice %arg4[%mul3A_69, %dma_start3A] : memref<50000x1024xf32, #tpu.memory_space<hbm>> -> memref<8x1024xf32, #tpu.memory_space<hbm>>
        %dma_start3A_71 = arith.constant 0 : i32
        %dma_start3A_72 = tpu.memref_slice %arg4[%mul3A_69, %dma_start3A_71] : memref<50000x1024xf32, #tpu.memory_space<hbm>> -> memref<8x1024xf32, #tpu.memory_space<hbm>>
        tpu.enqueue_dma source(%arg7 : memref<8x1024xf32, #tpu.memory_space<vmem>>) target(%dma_start3A_72 : memref<8x1024xf32, #tpu.memory_space<hbm>>) target_semaphore(%arg9 : memref<!tpu.dma_semaphore, #tpu.memory_space<semaphore_mem>>)
        %mul3A_73 = arith.constant 2 : i32
        %mul3A_74 = arith.muli %mul3A_73, %scan3A_48 : i32
        %add3A_75 = arith.constant 1 : i32
        %add3A_76 = arith.addi %mul3A_74, %add3A_75 : i32
        %sub3A_77 = arith.constant 2 : i32
        %sub3A_78 = arith.subi %add3A_76, %sub3A_77 : i32
        %mul3A_79 = arith.constant 125 : i32
        %mul3A_80 = arith.muli %sub3A_78, %mul3A_79 : i32
        %add3A_81 = arith.addi %mul3A_80, %add3A_13 : i32
        %mul3A_82 = arith.constant 8 : i32
        %mul3A_83 = arith.muli %mul3A_82, %add3A_81 : i32
        %gt3A_84 = arith.constant 0 : i32
        %gt3A_85 = arith.cmpi sgt, %scan3A_48, %gt3A_84 : i32
        %convert_element_type3A_86 = arith.extui %gt3A_85 : i1 to i32
        %cond3A_87 = arith.constant 0 : i32
        %cond3A_88 = arith.cmpi ne, %convert_element_type3A_86, %cond3A_87 : i32
        scf.if %cond3A_88 {
          %dma_wait3A_101 = arith.constant 0 : i32
          %dma_wait3A_102 = tpu.memref_slice %arg4[%mul3A_83, %dma_wait3A_101] : memref<50000x1024xf32, #tpu.memory_space<hbm>> -> memref<8x1024xf32, #tpu.memory_space<hbm>>
          %dma_wait3A_103 = arith.constant 0 : i32
          %dma_wait3A_104 = tpu.memref_slice %arg4[%mul3A_83, %dma_wait3A_103] : memref<50000x1024xf32, #tpu.memory_space<hbm>> -> memref<8x1024xf32, #tpu.memory_space<hbm>>
          tpu.wait_dma2 semaphore(%arg10 : memref<!tpu.dma_semaphore, #tpu.memory_space<semaphore_mem>>) src(%arg8 : memref<8x1024xf32, #tpu.memory_space<vmem>>) dst(%dma_wait3A_104 : memref<8x1024xf32, #tpu.memory_space<hbm>>)
        } else {
        }
        %parallel_loop3A_89 = arith.constant 0 : i32
        %parallel_loop3A_90 = arith.constant 64 : i32
        %parallel_loop3A_91 = arith.constant 1 : i32
        scf.for %parallel_loop3A_101 = %parallel_loop3A_89 to %parallel_loop3A_90 step %parallel_loop3A_91  : i32 {
          %parallel_loop3A_102 = arith.constant 16 : i32
          %parallel_loop3A_103 = arith.muli %parallel_loop3A_102, %parallel_loop3A_101 : i32
          %parallel_loop3A_104 = arith.index_cast %add3A_76 : i32 to index
          %parallel_loop3A_105 = arith.index_cast %parallel_loop3A_103 : i32 to index
          %parallel_loop3A_106 = tpu.vector_load %arg5[%parallel_loop3A_104, %parallel_loop3A_105] {strides = array<i32>} : memref<50x1024xi32, #tpu.memory_space<vmem>>, vector<16xi32>,
          %parallel_loop3A_107 = arith.constant 0 : i32
          %parallel_loop3A_108 = vector.broadcast %parallel_loop3A_107 : i32 to vector<16xi32>
          %parallel_loop3A_109 = tpu.vector_load_idx %arg6[%parallel_loop3A_108, %parallel_loop3A_106] : memref<8x1000xf32, #tpu.memory_space<vmem>>[vector<16xi32>, vector<16xi32>], vector<16xf32>,
          %parallel_loop3A_110 = arith.constant 16 : i32
          %parallel_loop3A_111 = arith.muli %parallel_loop3A_110, %parallel_loop3A_101 : i32
          %parallel_loop3A_112 = arith.constant 0 : i32
          %parallel_loop3A_113 = arith.index_cast %parallel_loop3A_112 : i32 to index
          %parallel_loop3A_114 = arith.index_cast %parallel_loop3A_111 : i32 to index
          %parallel_loop3A_115 = tpu.vector_load %arg8[%parallel_loop3A_113, %parallel_loop3A_114] {strides = array<i32>} : memref<8x1024xf32, #tpu.memory_space<vmem>>, vector<16xf32>,
          tpu.vector_store %arg8[%parallel_loop3A_113, %parallel_loop3A_114], %parallel_loop3A_109 {strides = array<i32>} : memref<8x1024xf32, #tpu.memory_space<vmem>>, vector<16xf32>,
          %parallel_loop3A_116 = arith.constant 1 : i32
          %parallel_loop3A_117 = vector.broadcast %parallel_loop3A_116 : i32 to vector<16xi32>
          %parallel_loop3A_118 = tpu.vector_load_idx %arg6[%parallel_loop3A_117, %parallel_loop3A_106] : memref<8x1000xf32, #tpu.memory_space<vmem>>[vector<16xi32>, vector<16xi32>], vector<16xf32>,
          %parallel_loop3A_119 = arith.constant 16 : i32
          %parallel_loop3A_120 = arith.muli %parallel_loop3A_119, %parallel_loop3A_101 : i32
          %parallel_loop3A_121 = arith.constant 1 : i32
          %parallel_loop3A_122 = arith.index_cast %parallel_loop3A_121 : i32 to index
          %parallel_loop3A_123 = arith.index_cast %parallel_loop3A_120 : i32 to index
          %parallel_loop3A_124 = tpu.vector_load %arg8[%parallel_loop3A_122, %parallel_loop3A_123] {strides = array<i32>} : memref<8x1024xf32, #tpu.memory_space<vmem>>, vector<16xf32>,
          tpu.vector_store %arg8[%parallel_loop3A_122, %parallel_loop3A_123], %parallel_loop3A_118 {strides = array<i32>} : memref<8x1024xf32, #tpu.memory_space<vmem>>, vector<16xf32>,
          %parallel_loop3A_125 = arith.constant 2 : i32
          %parallel_loop3A_126 = vector.broadcast %parallel_loop3A_125 : i32 to vector<16xi32>
          %parallel_loop3A_127 = tpu.vector_load_idx %arg6[%parallel_loop3A_126, %parallel_loop3A_106] : memref<8x1000xf32, #tpu.memory_space<vmem>>[vector<16xi32>, vector<16xi32>], vector<16xf32>,
          %parallel_loop3A_128 = arith.constant 16 : i32
          %parallel_loop3A_129 = arith.muli %parallel_loop3A_128, %parallel_loop3A_101 : i32
          %parallel_loop3A_130 = arith.constant 2 : i32
          %parallel_loop3A_131 = arith.index_cast %parallel_loop3A_130 : i32 to index
          %parallel_loop3A_132 = arith.index_cast %parallel_loop3A_129 : i32 to index
          %parallel_loop3A_133 = tpu.vector_load %arg8[%parallel_loop3A_131, %parallel_loop3A_132] {strides = array<i32>} : memref<8x1024xf32, #tpu.memory_space<vmem>>, vector<16xf32>,
          tpu.vector_store %arg8[%parallel_loop3A_131, %parallel_loop3A_132], %parallel_loop3A_127 {strides = array<i32>} : memref<8x1024xf32, #tpu.memory_space<vmem>>, vector<16xf32>,
          %parallel_loop3A_134 = arith.constant 3 : i32
          %parallel_loop3A_135 = vector.broadcast %parallel_loop3A_134 : i32 to vector<16xi32>
          %parallel_loop3A_136 = tpu.vector_load_idx %arg6[%parallel_loop3A_135, %parallel_loop3A_106] : memref<8x1000xf32, #tpu.memory_space<vmem>>[vector<16xi32>, vector<16xi32>], vector<16xf32>,
          %parallel_loop3A_137 = arith.constant 16 : i32
          %parallel_loop3A_138 = arith.muli %parallel_loop3A_137, %parallel_loop3A_101 : i32
          %parallel_loop3A_139 = arith.constant 3 : i32
          %parallel_loop3A_140 = arith.index_cast %parallel_loop3A_139 : i32 to index
          %parallel_loop3A_141 = arith.index_cast %parallel_loop3A_138 : i32 to index
          %parallel_loop3A_142 = tpu.vector_load %arg8[%parallel_loop3A_140, %parallel_loop3A_141] {strides = array<i32>} : memref<8x1024xf32, #tpu.memory_space<vmem>>, vector<16xf32>,
          tpu.vector_store %arg8[%parallel_loop3A_140, %parallel_loop3A_141], %parallel_loop3A_136 {strides = array<i32>} : memref<8x1024xf32, #tpu.memory_space<vmem>>, vector<16xf32>,
          %parallel_loop3A_143 = arith.constant 4 : i32
          %parallel_loop3A_144 = vector.broadcast %parallel_loop3A_143 : i32 to vector<16xi32>
          %parallel_loop3A_145 = tpu.vector_load_idx %arg6[%parallel_loop3A_144, %parallel_loop3A_106] : memref<8x1000xf32, #tpu.memory_space<vmem>>[vector<16xi32>, vector<16xi32>], vector<16xf32>,
          %parallel_loop3A_146 = arith.constant 16 : i32
          %parallel_loop3A_147 = arith.muli %parallel_loop3A_146, %parallel_loop3A_101 : i32
          %parallel_loop3A_148 = arith.constant 4 : i32
          %parallel_loop3A_149 = arith.index_cast %parallel_loop3A_148 : i32 to index
          %parallel_loop3A_150 = arith.index_cast %parallel_loop3A_147 : i32 to index
          %parallel_loop3A_151 = tpu.vector_load %arg8[%parallel_loop3A_149, %parallel_loop3A_150] {strides = array<i32>} : memref<8x1024xf32, #tpu.memory_space<vmem>>, vector<16xf32>,
          tpu.vector_store %arg8[%parallel_loop3A_149, %parallel_loop3A_150], %parallel_loop3A_145 {strides = array<i32>} : memref<8x1024xf32, #tpu.memory_space<vmem>>, vector<16xf32>,
          %parallel_loop3A_152 = arith.constant 5 : i32
          %parallel_loop3A_153 = vector.broadcast %parallel_loop3A_152 : i32 to vector<16xi32>
          %parallel_loop3A_154 = tpu.vector_load_idx %arg6[%parallel_loop3A_153, %parallel_loop3A_106] : memref<8x1000xf32, #tpu.memory_space<vmem>>[vector<16xi32>, vector<16xi32>], vector<16xf32>,
          %parallel_loop3A_155 = arith.constant 16 : i32
          %parallel_loop3A_156 = arith.muli %parallel_loop3A_155, %parallel_loop3A_101 : i32
          %parallel_loop3A_157 = arith.constant 5 : i32
          %parallel_loop3A_158 = arith.index_cast %parallel_loop3A_157 : i32 to index
          %parallel_loop3A_159 = arith.index_cast %parallel_loop3A_156 : i32 to index
          %parallel_loop3A_160 = tpu.vector_load %arg8[%parallel_loop3A_158, %parallel_loop3A_159] {strides = array<i32>} : memref<8x1024xf32, #tpu.memory_space<vmem>>, vector<16xf32>,
          tpu.vector_store %arg8[%parallel_loop3A_158, %parallel_loop3A_159], %parallel_loop3A_154 {strides = array<i32>} : memref<8x1024xf32, #tpu.memory_space<vmem>>, vector<16xf32>,
          %parallel_loop3A_161 = arith.constant 6 : i32
          %parallel_loop3A_162 = vector.broadcast %parallel_loop3A_161 : i32 to vector<16xi32>
          %parallel_loop3A_163 = tpu.vector_load_idx %arg6[%parallel_loop3A_162, %parallel_loop3A_106] : memref<8x1000xf32, #tpu.memory_space<vmem>>[vector<16xi32>, vector<16xi32>], vector<16xf32>,
          %parallel_loop3A_164 = arith.constant 16 : i32
          %parallel_loop3A_165 = arith.muli %parallel_loop3A_164, %parallel_loop3A_101 : i32
          %parallel_loop3A_166 = arith.constant 6 : i32
          %parallel_loop3A_167 = arith.index_cast %parallel_loop3A_166 : i32 to index
          %parallel_loop3A_168 = arith.index_cast %parallel_loop3A_165 : i32 to index
          %parallel_loop3A_169 = tpu.vector_load %arg8[%parallel_loop3A_167, %parallel_loop3A_168] {strides = array<i32>} : memref<8x1024xf32, #tpu.memory_space<vmem>>, vector<16xf32>,
          tpu.vector_store %arg8[%parallel_loop3A_167, %parallel_loop3A_168], %parallel_loop3A_163 {strides = array<i32>} : memref<8x1024xf32, #tpu.memory_space<vmem>>, vector<16xf32>,
          %parallel_loop3A_170 = arith.constant 7 : i32
          %parallel_loop3A_171 = vector.broadcast %parallel_loop3A_170 : i32 to vector<16xi32>
          %parallel_loop3A_172 = tpu.vector_load_idx %arg6[%parallel_loop3A_171, %parallel_loop3A_106] : memref<8x1000xf32, #tpu.memory_space<vmem>>[vector<16xi32>, vector<16xi32>], vector<16xf32>,
          %parallel_loop3A_173 = arith.constant 16 : i32
          %parallel_loop3A_174 = arith.muli %parallel_loop3A_173, %parallel_loop3A_101 : i32
          %parallel_loop3A_175 = arith.constant 7 : i32
          %parallel_loop3A_176 = arith.index_cast %parallel_loop3A_175 : i32 to index
          %parallel_loop3A_177 = arith.index_cast %parallel_loop3A_174 : i32 to index
          %parallel_loop3A_178 = tpu.vector_load %arg8[%parallel_loop3A_176, %parallel_loop3A_177] {strides = array<i32>} : memref<8x1024xf32, #tpu.memory_space<vmem>>, vector<16xf32>,
          tpu.vector_store %arg8[%parallel_loop3A_176, %parallel_loop3A_177], %parallel_loop3A_172 {strides = array<i32>} : memref<8x1024xf32, #tpu.memory_space<vmem>>, vector<16xf32>,
        } {sc.loop_unroll_factor = 8 : i64, sc.parallel_access}
        %mul3A_92 = arith.constant 125 : i32
        %mul3A_93 = arith.muli %add3A_76, %mul3A_92 : i32
        %add3A_94 = arith.addi %mul3A_93, %add3A_13 : i32
        %mul3A_95 = arith.constant 8 : i32
        %mul3A_96 = arith.muli %mul3A_95, %add3A_94 : i32
        %dma_start3A_97 = arith.constant 0 : i32
        %dma_start3A_98 = tpu.memref_slice %arg4[%mul3A_96, %dma_start3A_97] : memref<50000x1024xf32, #tpu.memory_space<hbm>> -> memref<8x1024xf32, #tpu.memory_space<hbm>>
        %dma_start3A_99 = arith.constant 0 : i32
        %dma_start3A_100 = tpu.memref_slice %arg4[%mul3A_96, %dma_start3A_99] : memref<50000x1024xf32, #tpu.memory_space<hbm>> -> memref<8x1024xf32, #tpu.memory_space<hbm>>
        tpu.enqueue_dma source(%arg8 : memref<8x1024xf32, #tpu.memory_space<vmem>>) target(%dma_start3A_100 : memref<8x1024xf32, #tpu.memory_space<hbm>>) target_semaphore(%arg10 : memref<!tpu.dma_semaphore, #tpu.memory_space<semaphore_mem>>)
      }
      %scan3A_32 = arith.constant 25 : i32
      %add3A_33 = arith.constant 6000 : i32
      %add3A_34 = arith.addi %add3A_33, %add3A_13 : i32
      %mul3A_35 = arith.constant 8 : i32
      %mul3A_36 = arith.muli %mul3A_35, %add3A_34 : i32
      %dma_wait3A = arith.constant 0 : i32
      %dma_wait3A_37 = tpu.memref_slice %arg4[%mul3A_36, %dma_wait3A] : memref<50000x1024xf32, #tpu.memory_space<hbm>> -> memref<8x1024xf32, #tpu.memory_space<hbm>>
      %dma_wait3A_38 = arith.constant 0 : i32
      %dma_wait3A_39 = tpu.memref_slice %arg4[%mul3A_36, %dma_wait3A_38] : memref<50000x1024xf32, #tpu.memory_space<hbm>> -> memref<8x1024xf32, #tpu.memory_space<hbm>>
      tpu.wait_dma2 semaphore(%arg9 : memref<!tpu.dma_semaphore, #tpu.memory_space<semaphore_mem>>) src(%arg7 : memref<8x1024xf32, #tpu.memory_space<vmem>>) dst(%dma_wait3A_39 : memref<8x1024xf32, #tpu.memory_space<hbm>>)
      %add3A_40 = arith.constant 6125 : i32
      %add3A_41 = arith.addi %add3A_40, %add3A_13 : i32
      %mul3A_42 = arith.constant 8 : i32
      %mul3A_43 = arith.muli %mul3A_42, %add3A_41 : i32
      %dma_wait3A_44 = arith.constant 0 : i32
      %dma_wait3A_45 = tpu.memref_slice %arg4[%mul3A_43, %dma_wait3A_44] : memref<50000x1024xf32, #tpu.memory_space<hbm>> -> memref<8x1024xf32, #tpu.memory_space<hbm>>
      %dma_wait3A_46 = arith.constant 0 : i32
      %dma_wait3A_47 = tpu.memref_slice %arg4[%mul3A_43, %dma_wait3A_46] : memref<50000x1024xf32, #tpu.memory_space<hbm>> -> memref<8x1024xf32, #tpu.memory_space<hbm>>
      tpu.wait_dma2 semaphore(%arg10 : memref<!tpu.dma_semaphore, #tpu.memory_space<semaphore_mem>>) src(%arg8 : memref<8x1024xf32, #tpu.memory_space<vmem>>) dst(%dma_wait3A_47 : memref<8x1024xf32, #tpu.memory_space<hbm>>)
    } else {
    }
    %add3A_19 = arith.constant 96 : i32
    %add3A_20 = arith.addi %add3A, %add3A_19 : i32
    %lt3A_21 = arith.constant 125 : i32
    %lt3A_22 = arith.cmpi slt, %add3A_20, %lt3A_21 : i32
    %convert_element_type3A_23 = arith.extui %lt3A_22 : i1 to i32
    %cond3A_24 = arith.constant 0 : i32
    %cond3A_25 = arith.cmpi ne, %convert_element_type3A_23, %cond3A_24 : i32
    scf.if %cond3A_25 {
      %mul3A_26 = arith.constant 8 : i32
      %mul3A_27 = arith.muli %mul3A_26, %add3A_20 : i32
      "tpu.region"() ({
        %run_scoped3A = tpu.sem_alloc : memref<!tpu.dma_semaphore, #tpu.memory_space<semaphore_mem>>
        %dma_start3A = arith.constant 0 : i32
        %dma_start3A_48 = tpu.memref_slice %arg3[%mul3A_27, %dma_start3A] : memref<1000x1000xf32, #tpu.memory_space<hbm>> -> memref<8x1000xf32, #tpu.memory_space<hbm>>
        %dma_start3A_49 = arith.constant 0 : i32
        %dma_start3A_50 = tpu.memref_slice %arg3[%mul3A_27, %dma_start3A_49] : memref<1000x1000xf32, #tpu.memory_space<hbm>> -> memref<8x1000xf32, #tpu.memory_space<hbm>>
        tpu.enqueue_dma source(%dma_start3A_50 : memref<8x1000xf32, #tpu.memory_space<hbm>>) target(%arg6 : memref<8x1000xf32, #tpu.memory_space<vmem>>) target_semaphore(%run_scoped3A : memref<!tpu.dma_semaphore, #tpu.memory_space<semaphore_mem>>)
        %dma_wait3A_51 = arith.constant 0 : i32
        %dma_wait3A_52 = tpu.memref_slice %arg3[%mul3A_27, %dma_wait3A_51] : memref<1000x1000xf32, #tpu.memory_space<hbm>> -> memref<8x1000xf32, #tpu.memory_space<hbm>>
        %dma_wait3A_53 = arith.constant 0 : i32
        %dma_wait3A_54 = tpu.memref_slice %arg3[%mul3A_27, %dma_wait3A_53] : memref<1000x1000xf32, #tpu.memory_space<hbm>> -> memref<8x1000xf32, #tpu.memory_space<hbm>>
        tpu.wait_dma2 semaphore(%run_scoped3A : memref<!tpu.dma_semaphore, #tpu.memory_space<semaphore_mem>>) src(%dma_wait3A_54 : memref<8x1000xf32, #tpu.memory_space<hbm>>) dst(%arg6 : memref<8x1000xf32, #tpu.memory_space<vmem>>)
        tpu.yield
      }) : () -> ()
      %scan3A = arith.constant 0 : i32
      %scan3A_28 = arith.constant 0 : i32
      %scan3A_29 = arith.constant 25 : i32
      %scan3A_30 = arith.addi %scan3A_28, %scan3A_29 : i32
      %scan3A_31 = arith.constant 1 : i32
      scf.for %scan3A_48 = %scan3A_28 to %scan3A_30 step %scan3A_31  : i32 {
        %mul3A_49 = arith.constant 2 : i32
        %mul3A_50 = arith.muli %mul3A_49, %scan3A_48 : i32
        %add3A_51 = arith.constant 0 : i32
        %add3A_52 = arith.addi %mul3A_50, %add3A_51 : i32
        %sub3A = arith.constant 2 : i32
        %sub3A_53 = arith.subi %add3A_52, %sub3A : i32
        %mul3A_54 = arith.constant 125 : i32
        %mul3A_55 = arith.muli %sub3A_53, %mul3A_54 : i32
        %add3A_56 = arith.addi %mul3A_55, %add3A_20 : i32
        %mul3A_57 = arith.constant 8 : i32
        %mul3A_58 = arith.muli %mul3A_57, %add3A_56 : i32
        %gt3A = arith.constant 0 : i32
        %gt3A_59 = arith.cmpi sgt, %scan3A_48, %gt3A : i32
        %convert_element_type3A_60 = arith.extui %gt3A_59 : i1 to i32
        %cond3A_61 = arith.constant 0 : i32
        %cond3A_62 = arith.cmpi ne, %convert_element_type3A_60, %cond3A_61 : i32
        scf.if %cond3A_62 {
          %dma_wait3A_101 = arith.constant 0 : i32
          %dma_wait3A_102 = tpu.memref_slice %arg4[%mul3A_58, %dma_wait3A_101] : memref<50000x1024xf32, #tpu.memory_space<hbm>> -> memref<8x1024xf32, #tpu.memory_space<hbm>>
          %dma_wait3A_103 = arith.constant 0 : i32
          %dma_wait3A_104 = tpu.memref_slice %arg4[%mul3A_58, %dma_wait3A_103] : memref<50000x1024xf32, #tpu.memory_space<hbm>> -> memref<8x1024xf32, #tpu.memory_space<hbm>>
          tpu.wait_dma2 semaphore(%arg9 : memref<!tpu.dma_semaphore, #tpu.memory_space<semaphore_mem>>) src(%arg7 : memref<8x1024xf32, #tpu.memory_space<vmem>>) dst(%dma_wait3A_104 : memref<8x1024xf32, #tpu.memory_space<hbm>>)
        } else {
        }
        %parallel_loop3A = arith.constant 0 : i32
        %parallel_loop3A_63 = arith.constant 64 : i32
        %parallel_loop3A_64 = arith.constant 1 : i32
        scf.for %parallel_loop3A_101 = %parallel_loop3A to %parallel_loop3A_63 step %parallel_loop3A_64  : i32 {
          %parallel_loop3A_102 = arith.constant 16 : i32
          %parallel_loop3A_103 = arith.muli %parallel_loop3A_102, %parallel_loop3A_101 : i32
          %parallel_loop3A_104 = arith.index_cast %add3A_52 : i32 to index
          %parallel_loop3A_105 = arith.index_cast %parallel_loop3A_103 : i32 to index
          %parallel_loop3A_106 = tpu.vector_load %arg5[%parallel_loop3A_104, %parallel_loop3A_105] {strides = array<i32>} : memref<50x1024xi32, #tpu.memory_space<vmem>>, vector<16xi32>,
          %parallel_loop3A_107 = arith.constant 0 : i32
          %parallel_loop3A_108 = vector.broadcast %parallel_loop3A_107 : i32 to vector<16xi32>
          %parallel_loop3A_109 = tpu.vector_load_idx %arg6[%parallel_loop3A_108, %parallel_loop3A_106] : memref<8x1000xf32, #tpu.memory_space<vmem>>[vector<16xi32>, vector<16xi32>], vector<16xf32>,
          %parallel_loop3A_110 = arith.constant 16 : i32
          %parallel_loop3A_111 = arith.muli %parallel_loop3A_110, %parallel_loop3A_101 : i32
          %parallel_loop3A_112 = arith.constant 0 : i32
          %parallel_loop3A_113 = arith.index_cast %parallel_loop3A_112 : i32 to index
          %parallel_loop3A_114 = arith.index_cast %parallel_loop3A_111 : i32 to index
          %parallel_loop3A_115 = tpu.vector_load %arg7[%parallel_loop3A_113, %parallel_loop3A_114] {strides = array<i32>} : memref<8x1024xf32, #tpu.memory_space<vmem>>, vector<16xf32>,
          tpu.vector_store %arg7[%parallel_loop3A_113, %parallel_loop3A_114], %parallel_loop3A_109 {strides = array<i32>} : memref<8x1024xf32, #tpu.memory_space<vmem>>, vector<16xf32>,
          %parallel_loop3A_116 = arith.constant 1 : i32
          %parallel_loop3A_117 = vector.broadcast %parallel_loop3A_116 : i32 to vector<16xi32>
          %parallel_loop3A_118 = tpu.vector_load_idx %arg6[%parallel_loop3A_117, %parallel_loop3A_106] : memref<8x1000xf32, #tpu.memory_space<vmem>>[vector<16xi32>, vector<16xi32>], vector<16xf32>,
          %parallel_loop3A_119 = arith.constant 16 : i32
          %parallel_loop3A_120 = arith.muli %parallel_loop3A_119, %parallel_loop3A_101 : i32
          %parallel_loop3A_121 = arith.constant 1 : i32
          %parallel_loop3A_122 = arith.index_cast %parallel_loop3A_121 : i32 to index
          %parallel_loop3A_123 = arith.index_cast %parallel_loop3A_120 : i32 to index
          %parallel_loop3A_124 = tpu.vector_load %arg7[%parallel_loop3A_122, %parallel_loop3A_123] {strides = array<i32>} : memref<8x1024xf32, #tpu.memory_space<vmem>>, vector<16xf32>,
          tpu.vector_store %arg7[%parallel_loop3A_122, %parallel_loop3A_123], %parallel_loop3A_118 {strides = array<i32>} : memref<8x1024xf32, #tpu.memory_space<vmem>>, vector<16xf32>,
          %parallel_loop3A_125 = arith.constant 2 : i32
          %parallel_loop3A_126 = vector.broadcast %parallel_loop3A_125 : i32 to vector<16xi32>
          %parallel_loop3A_127 = tpu.vector_load_idx %arg6[%parallel_loop3A_126, %parallel_loop3A_106] : memref<8x1000xf32, #tpu.memory_space<vmem>>[vector<16xi32>, vector<16xi32>], vector<16xf32>,
          %parallel_loop3A_128 = arith.constant 16 : i32
          %parallel_loop3A_129 = arith.muli %parallel_loop3A_128, %parallel_loop3A_101 : i32
          %parallel_loop3A_130 = arith.constant 2 : i32
          %parallel_loop3A_131 = arith.index_cast %parallel_loop3A_130 : i32 to index
          %parallel_loop3A_132 = arith.index_cast %parallel_loop3A_129 : i32 to index
          %parallel_loop3A_133 = tpu.vector_load %arg7[%parallel_loop3A_131, %parallel_loop3A_132] {strides = array<i32>} : memref<8x1024xf32, #tpu.memory_space<vmem>>, vector<16xf32>,
          tpu.vector_store %arg7[%parallel_loop3A_131, %parallel_loop3A_132], %parallel_loop3A_127 {strides = array<i32>} : memref<8x1024xf32, #tpu.memory_space<vmem>>, vector<16xf32>,
          %parallel_loop3A_134 = arith.constant 3 : i32
          %parallel_loop3A_135 = vector.broadcast %parallel_loop3A_134 : i32 to vector<16xi32>
          %parallel_loop3A_136 = tpu.vector_load_idx %arg6[%parallel_loop3A_135, %parallel_loop3A_106] : memref<8x1000xf32, #tpu.memory_space<vmem>>[vector<16xi32>, vector<16xi32>], vector<16xf32>,
          %parallel_loop3A_137 = arith.constant 16 : i32
          %parallel_loop3A_138 = arith.muli %parallel_loop3A_137, %parallel_loop3A_101 : i32
          %parallel_loop3A_139 = arith.constant 3 : i32
          %parallel_loop3A_140 = arith.index_cast %parallel_loop3A_139 : i32 to index
          %parallel_loop3A_141 = arith.index_cast %parallel_loop3A_138 : i32 to index
          %parallel_loop3A_142 = tpu.vector_load %arg7[%parallel_loop3A_140, %parallel_loop3A_141] {strides = array<i32>} : memref<8x1024xf32, #tpu.memory_space<vmem>>, vector<16xf32>,
          tpu.vector_store %arg7[%parallel_loop3A_140, %parallel_loop3A_141], %parallel_loop3A_136 {strides = array<i32>} : memref<8x1024xf32, #tpu.memory_space<vmem>>, vector<16xf32>,
          %parallel_loop3A_143 = arith.constant 4 : i32
          %parallel_loop3A_144 = vector.broadcast %parallel_loop3A_143 : i32 to vector<16xi32>
          %parallel_loop3A_145 = tpu.vector_load_idx %arg6[%parallel_loop3A_144, %parallel_loop3A_106] : memref<8x1000xf32, #tpu.memory_space<vmem>>[vector<16xi32>, vector<16xi32>], vector<16xf32>,
          %parallel_loop3A_146 = arith.constant 16 : i32
          %parallel_loop3A_147 = arith.muli %parallel_loop3A_146, %parallel_loop3A_101 : i32
          %parallel_loop3A_148 = arith.constant 4 : i32
          %parallel_loop3A_149 = arith.index_cast %parallel_loop3A_148 : i32 to index
          %parallel_loop3A_150 = arith.index_cast %parallel_loop3A_147 : i32 to index
          %parallel_loop3A_151 = tpu.vector_load %arg7[%parallel_loop3A_149, %parallel_loop3A_150] {strides = array<i32>} : memref<8x1024xf32, #tpu.memory_space<vmem>>, vector<16xf32>,
          tpu.vector_store %arg7[%parallel_loop3A_149, %parallel_loop3A_150], %parallel_loop3A_145 {strides = array<i32>} : memref<8x1024xf32, #tpu.memory_space<vmem>>, vector<16xf32>,
          %parallel_loop3A_152 = arith.constant 5 : i32
          %parallel_loop3A_153 = vector.broadcast %parallel_loop3A_152 : i32 to vector<16xi32>
          %parallel_loop3A_154 = tpu.vector_load_idx %arg6[%parallel_loop3A_153, %parallel_loop3A_106] : memref<8x1000xf32, #tpu.memory_space<vmem>>[vector<16xi32>, vector<16xi32>], vector<16xf32>,
          %parallel_loop3A_155 = arith.constant 16 : i32
          %parallel_loop3A_156 = arith.muli %parallel_loop3A_155, %parallel_loop3A_101 : i32
          %parallel_loop3A_157 = arith.constant 5 : i32
          %parallel_loop3A_158 = arith.index_cast %parallel_loop3A_157 : i32 to index
          %parallel_loop3A_159 = arith.index_cast %parallel_loop3A_156 : i32 to index
          %parallel_loop3A_160 = tpu.vector_load %arg7[%parallel_loop3A_158, %parallel_loop3A_159] {strides = array<i32>} : memref<8x1024xf32, #tpu.memory_space<vmem>>, vector<16xf32>,
          tpu.vector_store %arg7[%parallel_loop3A_158, %parallel_loop3A_159], %parallel_loop3A_154 {strides = array<i32>} : memref<8x1024xf32, #tpu.memory_space<vmem>>, vector<16xf32>,
          %parallel_loop3A_161 = arith.constant 6 : i32
          %parallel_loop3A_162 = vector.broadcast %parallel_loop3A_161 : i32 to vector<16xi32>
          %parallel_loop3A_163 = tpu.vector_load_idx %arg6[%parallel_loop3A_162, %parallel_loop3A_106] : memref<8x1000xf32, #tpu.memory_space<vmem>>[vector<16xi32>, vector<16xi32>], vector<16xf32>,
          %parallel_loop3A_164 = arith.constant 16 : i32
          %parallel_loop3A_165 = arith.muli %parallel_loop3A_164, %parallel_loop3A_101 : i32
          %parallel_loop3A_166 = arith.constant 6 : i32
          %parallel_loop3A_167 = arith.index_cast %parallel_loop3A_166 : i32 to index
          %parallel_loop3A_168 = arith.index_cast %parallel_loop3A_165 : i32 to index
          %parallel_loop3A_169 = tpu.vector_load %arg7[%parallel_loop3A_167, %parallel_loop3A_168] {strides = array<i32>} : memref<8x1024xf32, #tpu.memory_space<vmem>>, vector<16xf32>,
          tpu.vector_store %arg7[%parallel_loop3A_167, %parallel_loop3A_168], %parallel_loop3A_163 {strides = array<i32>} : memref<8x1024xf32, #tpu.memory_space<vmem>>, vector<16xf32>,
          %parallel_loop3A_170 = arith.constant 7 : i32
          %parallel_loop3A_171 = vector.broadcast %parallel_loop3A_170 : i32 to vector<16xi32>
          %parallel_loop3A_172 = tpu.vector_load_idx %arg6[%parallel_loop3A_171, %parallel_loop3A_106] : memref<8x1000xf32, #tpu.memory_space<vmem>>[vector<16xi32>, vector<16xi32>], vector<16xf32>,
          %parallel_loop3A_173 = arith.constant 16 : i32
          %parallel_loop3A_174 = arith.muli %parallel_loop3A_173, %parallel_loop3A_101 : i32
          %parallel_loop3A_175 = arith.constant 7 : i32
          %parallel_loop3A_176 = arith.index_cast %parallel_loop3A_175 : i32 to index
          %parallel_loop3A_177 = arith.index_cast %parallel_loop3A_174 : i32 to index
          %parallel_loop3A_178 = tpu.vector_load %arg7[%parallel_loop3A_176, %parallel_loop3A_177] {strides = array<i32>} : memref<8x1024xf32, #tpu.memory_space<vmem>>, vector<16xf32>,
          tpu.vector_store %arg7[%parallel_loop3A_176, %parallel_loop3A_177], %parallel_loop3A_172 {strides = array<i32>} : memref<8x1024xf32, #tpu.memory_space<vmem>>, vector<16xf32>,
        } {sc.loop_unroll_factor = 8 : i64, sc.parallel_access}
        %mul3A_65 = arith.constant 125 : i32
        %mul3A_66 = arith.muli %add3A_52, %mul3A_65 : i32
        %add3A_67 = arith.addi %mul3A_66, %add3A_20 : i32
        %mul3A_68 = arith.constant 8 : i32
        %mul3A_69 = arith.muli %mul3A_68, %add3A_67 : i32
        %dma_start3A = arith.constant 0 : i32
        %dma_start3A_70 = tpu.memref_slice %arg4[%mul3A_69, %dma_start3A] : memref<50000x1024xf32, #tpu.memory_space<hbm>> -> memref<8x1024xf32, #tpu.memory_space<hbm>>
        %dma_start3A_71 = arith.constant 0 : i32
        %dma_start3A_72 = tpu.memref_slice %arg4[%mul3A_69, %dma_start3A_71] : memref<50000x1024xf32, #tpu.memory_space<hbm>> -> memref<8x1024xf32, #tpu.memory_space<hbm>>
        tpu.enqueue_dma source(%arg7 : memref<8x1024xf32, #tpu.memory_space<vmem>>) target(%dma_start3A_72 : memref<8x1024xf32, #tpu.memory_space<hbm>>) target_semaphore(%arg9 : memref<!tpu.dma_semaphore, #tpu.memory_space<semaphore_mem>>)
        %mul3A_73 = arith.constant 2 : i32
        %mul3A_74 = arith.muli %mul3A_73, %scan3A_48 : i32
        %add3A_75 = arith.constant 1 : i32
        %add3A_76 = arith.addi %mul3A_74, %add3A_75 : i32
        %sub3A_77 = arith.constant 2 : i32
        %sub3A_78 = arith.subi %add3A_76, %sub3A_77 : i32
        %mul3A_79 = arith.constant 125 : i32
        %mul3A_80 = arith.muli %sub3A_78, %mul3A_79 : i32
        %add3A_81 = arith.addi %mul3A_80, %add3A_20 : i32
        %mul3A_82 = arith.constant 8 : i32
        %mul3A_83 = arith.muli %mul3A_82, %add3A_81 : i32
        %gt3A_84 = arith.constant 0 : i32
        %gt3A_85 = arith.cmpi sgt, %scan3A_48, %gt3A_84 : i32
        %convert_element_type3A_86 = arith.extui %gt3A_85 : i1 to i32
        %cond3A_87 = arith.constant 0 : i32
        %cond3A_88 = arith.cmpi ne, %convert_element_type3A_86, %cond3A_87 : i32
        scf.if %cond3A_88 {
          %dma_wait3A_101 = arith.constant 0 : i32
          %dma_wait3A_102 = tpu.memref_slice %arg4[%mul3A_83, %dma_wait3A_101] : memref<50000x1024xf32, #tpu.memory_space<hbm>> -> memref<8x1024xf32, #tpu.memory_space<hbm>>
          %dma_wait3A_103 = arith.constant 0 : i32
          %dma_wait3A_104 = tpu.memref_slice %arg4[%mul3A_83, %dma_wait3A_103] : memref<50000x1024xf32, #tpu.memory_space<hbm>> -> memref<8x1024xf32, #tpu.memory_space<hbm>>
          tpu.wait_dma2 semaphore(%arg10 : memref<!tpu.dma_semaphore, #tpu.memory_space<semaphore_mem>>) src(%arg8 : memref<8x1024xf32, #tpu.memory_space<vmem>>) dst(%dma_wait3A_104 : memref<8x1024xf32, #tpu.memory_space<hbm>>)
        } else {
        }
        %parallel_loop3A_89 = arith.constant 0 : i32
        %parallel_loop3A_90 = arith.constant 64 : i32
        %parallel_loop3A_91 = arith.constant 1 : i32
        scf.for %parallel_loop3A_101 = %parallel_loop3A_89 to %parallel_loop3A_90 step %parallel_loop3A_91  : i32 {
          %parallel_loop3A_102 = arith.constant 16 : i32
          %parallel_loop3A_103 = arith.muli %parallel_loop3A_102, %parallel_loop3A_101 : i32
          %parallel_loop3A_104 = arith.index_cast %add3A_76 : i32 to index
          %parallel_loop3A_105 = arith.index_cast %parallel_loop3A_103 : i32 to index
          %parallel_loop3A_106 = tpu.vector_load %arg5[%parallel_loop3A_104, %parallel_loop3A_105] {strides = array<i32>} : memref<50x1024xi32, #tpu.memory_space<vmem>>, vector<16xi32>,
          %parallel_loop3A_107 = arith.constant 0 : i32
          %parallel_loop3A_108 = vector.broadcast %parallel_loop3A_107 : i32 to vector<16xi32>
          %parallel_loop3A_109 = tpu.vector_load_idx %arg6[%parallel_loop3A_108, %parallel_loop3A_106] : memref<8x1000xf32, #tpu.memory_space<vmem>>[vector<16xi32>, vector<16xi32>], vector<16xf32>,
          %parallel_loop3A_110 = arith.constant 16 : i32
          %parallel_loop3A_111 = arith.muli %parallel_loop3A_110, %parallel_loop3A_101 : i32
          %parallel_loop3A_112 = arith.constant 0 : i32
          %parallel_loop3A_113 = arith.index_cast %parallel_loop3A_112 : i32 to index
          %parallel_loop3A_114 = arith.index_cast %parallel_loop3A_111 : i32 to index
          %parallel_loop3A_115 = tpu.vector_load %arg8[%parallel_loop3A_113, %parallel_loop3A_114] {strides = array<i32>} : memref<8x1024xf32, #tpu.memory_space<vmem>>, vector<16xf32>,
          tpu.vector_store %arg8[%parallel_loop3A_113, %parallel_loop3A_114], %parallel_loop3A_109 {strides = array<i32>} : memref<8x1024xf32, #tpu.memory_space<vmem>>, vector<16xf32>,
          %parallel_loop3A_116 = arith.constant 1 : i32
          %parallel_loop3A_117 = vector.broadcast %parallel_loop3A_116 : i32 to vector<16xi32>
          %parallel_loop3A_118 = tpu.vector_load_idx %arg6[%parallel_loop3A_117, %parallel_loop3A_106] : memref<8x1000xf32, #tpu.memory_space<vmem>>[vector<16xi32>, vector<16xi32>], vector<16xf32>,
          %parallel_loop3A_119 = arith.constant 16 : i32
          %parallel_loop3A_120 = arith.muli %parallel_loop3A_119, %parallel_loop3A_101 : i32
          %parallel_loop3A_121 = arith.constant 1 : i32
          %parallel_loop3A_122 = arith.index_cast %parallel_loop3A_121 : i32 to index
          %parallel_loop3A_123 = arith.index_cast %parallel_loop3A_120 : i32 to index
          %parallel_loop3A_124 = tpu.vector_load %arg8[%parallel_loop3A_122, %parallel_loop3A_123] {strides = array<i32>} : memref<8x1024xf32, #tpu.memory_space<vmem>>, vector<16xf32>,
          tpu.vector_store %arg8[%parallel_loop3A_122, %parallel_loop3A_123], %parallel_loop3A_118 {strides = array<i32>} : memref<8x1024xf32, #tpu.memory_space<vmem>>, vector<16xf32>,
          %parallel_loop3A_125 = arith.constant 2 : i32
          %parallel_loop3A_126 = vector.broadcast %parallel_loop3A_125 : i32 to vector<16xi32>
          %parallel_loop3A_127 = tpu.vector_load_idx %arg6[%parallel_loop3A_126, %parallel_loop3A_106] : memref<8x1000xf32, #tpu.memory_space<vmem>>[vector<16xi32>, vector<16xi32>], vector<16xf32>,
          %parallel_loop3A_128 = arith.constant 16 : i32
          %parallel_loop3A_129 = arith.muli %parallel_loop3A_128, %parallel_loop3A_101 : i32
          %parallel_loop3A_130 = arith.constant 2 : i32
          %parallel_loop3A_131 = arith.index_cast %parallel_loop3A_130 : i32 to index
          %parallel_loop3A_132 = arith.index_cast %parallel_loop3A_129 : i32 to index
          %parallel_loop3A_133 = tpu.vector_load %arg8[%parallel_loop3A_131, %parallel_loop3A_132] {strides = array<i32>} : memref<8x1024xf32, #tpu.memory_space<vmem>>, vector<16xf32>,
          tpu.vector_store %arg8[%parallel_loop3A_131, %parallel_loop3A_132], %parallel_loop3A_127 {strides = array<i32>} : memref<8x1024xf32, #tpu.memory_space<vmem>>, vector<16xf32>,
          %parallel_loop3A_134 = arith.constant 3 : i32
          %parallel_loop3A_135 = vector.broadcast %parallel_loop3A_134 : i32 to vector<16xi32>
          %parallel_loop3A_136 = tpu.vector_load_idx %arg6[%parallel_loop3A_135, %parallel_loop3A_106] : memref<8x1000xf32, #tpu.memory_space<vmem>>[vector<16xi32>, vector<16xi32>], vector<16xf32>,
          %parallel_loop3A_137 = arith.constant 16 : i32
          %parallel_loop3A_138 = arith.muli %parallel_loop3A_137, %parallel_loop3A_101 : i32
          %parallel_loop3A_139 = arith.constant 3 : i32
          %parallel_loop3A_140 = arith.index_cast %parallel_loop3A_139 : i32 to index
          %parallel_loop3A_141 = arith.index_cast %parallel_loop3A_138 : i32 to index
          %parallel_loop3A_142 = tpu.vector_load %arg8[%parallel_loop3A_140, %parallel_loop3A_141] {strides = array<i32>} : memref<8x1024xf32, #tpu.memory_space<vmem>>, vector<16xf32>,
          tpu.vector_store %arg8[%parallel_loop3A_140, %parallel_loop3A_141], %parallel_loop3A_136 {strides = array<i32>} : memref<8x1024xf32, #tpu.memory_space<vmem>>, vector<16xf32>,
          %parallel_loop3A_143 = arith.constant 4 : i32
          %parallel_loop3A_144 = vector.broadcast %parallel_loop3A_143 : i32 to vector<16xi32>
          %parallel_loop3A_145 = tpu.vector_load_idx %arg6[%parallel_loop3A_144, %parallel_loop3A_106] : memref<8x1000xf32, #tpu.memory_space<vmem>>[vector<16xi32>, vector<16xi32>], vector<16xf32>,
          %parallel_loop3A_146 = arith.constant 16 : i32
          %parallel_loop3A_147 = arith.muli %parallel_loop3A_146, %parallel_loop3A_101 : i32
          %parallel_loop3A_148 = arith.constant 4 : i32
          %parallel_loop3A_149 = arith.index_cast %parallel_loop3A_148 : i32 to index
          %parallel_loop3A_150 = arith.index_cast %parallel_loop3A_147 : i32 to index
          %parallel_loop3A_151 = tpu.vector_load %arg8[%parallel_loop3A_149, %parallel_loop3A_150] {strides = array<i32>} : memref<8x1024xf32, #tpu.memory_space<vmem>>, vector<16xf32>,
          tpu.vector_store %arg8[%parallel_loop3A_149, %parallel_loop3A_150], %parallel_loop3A_145 {strides = array<i32>} : memref<8x1024xf32, #tpu.memory_space<vmem>>, vector<16xf32>,
          %parallel_loop3A_152 = arith.constant 5 : i32
          %parallel_loop3A_153 = vector.broadcast %parallel_loop3A_152 : i32 to vector<16xi32>
          %parallel_loop3A_154 = tpu.vector_load_idx %arg6[%parallel_loop3A_153, %parallel_loop3A_106] : memref<8x1000xf32, #tpu.memory_space<vmem>>[vector<16xi32>, vector<16xi32>], vector<16xf32>,
          %parallel_loop3A_155 = arith.constant 16 : i32
          %parallel_loop3A_156 = arith.muli %parallel_loop3A_155, %parallel_loop3A_101 : i32
          %parallel_loop3A_157 = arith.constant 5 : i32
          %parallel_loop3A_158 = arith.index_cast %parallel_loop3A_157 : i32 to index
          %parallel_loop3A_159 = arith.index_cast %parallel_loop3A_156 : i32 to index
          %parallel_loop3A_160 = tpu.vector_load %arg8[%parallel_loop3A_158, %parallel_loop3A_159] {strides = array<i32>} : memref<8x1024xf32, #tpu.memory_space<vmem>>, vector<16xf32>,
          tpu.vector_store %arg8[%parallel_loop3A_158, %parallel_loop3A_159], %parallel_loop3A_154 {strides = array<i32>} : memref<8x1024xf32, #tpu.memory_space<vmem>>, vector<16xf32>,
          %parallel_loop3A_161 = arith.constant 6 : i32
          %parallel_loop3A_162 = vector.broadcast %parallel_loop3A_161 : i32 to vector<16xi32>
          %parallel_loop3A_163 = tpu.vector_load_idx %arg6[%parallel_loop3A_162, %parallel_loop3A_106] : memref<8x1000xf32, #tpu.memory_space<vmem>>[vector<16xi32>, vector<16xi32>], vector<16xf32>,
          %parallel_loop3A_164 = arith.constant 16 : i32
          %parallel_loop3A_165 = arith.muli %parallel_loop3A_164, %parallel_loop3A_101 : i32
          %parallel_loop3A_166 = arith.constant 6 : i32
          %parallel_loop3A_167 = arith.index_cast %parallel_loop3A_166 : i32 to index
          %parallel_loop3A_168 = arith.index_cast %parallel_loop3A_165 : i32 to index
          %parallel_loop3A_169 = tpu.vector_load %arg8[%parallel_loop3A_167, %parallel_loop3A_168] {strides = array<i32>} : memref<8x1024xf32, #tpu.memory_space<vmem>>, vector<16xf32>,
          tpu.vector_store %arg8[%parallel_loop3A_167, %parallel_loop3A_168], %parallel_loop3A_163 {strides = array<i32>} : memref<8x1024xf32, #tpu.memory_space<vmem>>, vector<16xf32>,
          %parallel_loop3A_170 = arith.constant 7 : i32
          %parallel_loop3A_171 = vector.broadcast %parallel_loop3A_170 : i32 to vector<16xi32>
          %parallel_loop3A_172 = tpu.vector_load_idx %arg6[%parallel_loop3A_171, %parallel_loop3A_106] : memref<8x1000xf32, #tpu.memory_space<vmem>>[vector<16xi32>, vector<16xi32>], vector<16xf32>,
          %parallel_loop3A_173 = arith.constant 16 : i32
          %parallel_loop3A_174 = arith.muli %parallel_loop3A_173, %parallel_loop3A_101 : i32
          %parallel_loop3A_175 = arith.constant 7 : i32
          %parallel_loop3A_176 = arith.index_cast %parallel_loop3A_175 : i32 to index
          %parallel_loop3A_177 = arith.index_cast %parallel_loop3A_174 : i32 to index
          %parallel_loop3A_178 = tpu.vector_load %arg8[%parallel_loop3A_176, %parallel_loop3A_177] {strides = array<i32>} : memref<8x1024xf32, #tpu.memory_space<vmem>>, vector<16xf32>,
          tpu.vector_store %arg8[%parallel_loop3A_176, %parallel_loop3A_177], %parallel_loop3A_172 {strides = array<i32>} : memref<8x1024xf32, #tpu.memory_space<vmem>>, vector<16xf32>,
        } {sc.loop_unroll_factor = 8 : i64, sc.parallel_access}
        %mul3A_92 = arith.constant 125 : i32
        %mul3A_93 = arith.muli %add3A_76, %mul3A_92 : i32
        %add3A_94 = arith.addi %mul3A_93, %add3A_20 : i32
        %mul3A_95 = arith.constant 8 : i32
        %mul3A_96 = arith.muli %mul3A_95, %add3A_94 : i32
        %dma_start3A_97 = arith.constant 0 : i32
        %dma_start3A_98 = tpu.memref_slice %arg4[%mul3A_96, %dma_start3A_97] : memref<50000x1024xf32, #tpu.memory_space<hbm>> -> memref<8x1024xf32, #tpu.memory_space<hbm>>
        %dma_start3A_99 = arith.constant 0 : i32
        %dma_start3A_100 = tpu.memref_slice %arg4[%mul3A_96, %dma_start3A_99] : memref<50000x1024xf32, #tpu.memory_space<hbm>> -> memref<8x1024xf32, #tpu.memory_space<hbm>>
        tpu.enqueue_dma source(%arg8 : memref<8x1024xf32, #tpu.memory_space<vmem>>) target(%dma_start3A_100 : memref<8x1024xf32, #tpu.memory_space<hbm>>) target_semaphore(%arg10 : memref<!tpu.dma_semaphore, #tpu.memory_space<semaphore_mem>>)
      }
      %scan3A_32 = arith.constant 25 : i32
      %add3A_33 = arith.constant 6000 : i32
      %add3A_34 = arith.addi %add3A_33, %add3A_20 : i32
      %mul3A_35 = arith.constant 8 : i32
      %mul3A_36 = arith.muli %mul3A_35, %add3A_34 : i32
      %dma_wait3A = arith.constant 0 : i32
      %dma_wait3A_37 = tpu.memref_slice %arg4[%mul3A_36, %dma_wait3A] : memref<50000x1024xf32, #tpu.memory_space<hbm>> -> memref<8x1024xf32, #tpu.memory_space<hbm>>
      %dma_wait3A_38 = arith.constant 0 : i32
      %dma_wait3A_39 = tpu.memref_slice %arg4[%mul3A_36, %dma_wait3A_38] : memref<50000x1024xf32, #tpu.memory_space<hbm>> -> memref<8x1024xf32, #tpu.memory_space<hbm>>
      tpu.wait_dma2 semaphore(%arg9 : memref<!tpu.dma_semaphore, #tpu.memory_space<semaphore_mem>>) src(%arg7 : memref<8x1024xf32, #tpu.memory_space<vmem>>) dst(%dma_wait3A_39 : memref<8x1024xf32, #tpu.memory_space<hbm>>)
      %add3A_40 = arith.constant 6125 : i32
      %add3A_41 = arith.addi %add3A_40, %add3A_20 : i32
      %mul3A_42 = arith.constant 8 : i32
      %mul3A_43 = arith.muli %mul3A_42, %add3A_41 : i32
      %dma_wait3A_44 = arith.constant 0 : i32
      %dma_wait3A_45 = tpu.memref_slice %arg4[%mul3A_43, %dma_wait3A_44] : memref<50000x1024xf32, #tpu.memory_space<hbm>> -> memref<8x1024xf32, #tpu.memory_space<hbm>>
      %dma_wait3A_46 = arith.constant 0 : i32
      %dma_wait3A_47 = tpu.memref_slice %arg4[%mul3A_43, %dma_wait3A_46] : memref<50000x1024xf32, #tpu.memory_space<hbm>> -> memref<8x1024xf32, #tpu.memory_space<hbm>>
      tpu.wait_dma2 semaphore(%arg10 : memref<!tpu.dma_semaphore, #tpu.memory_space<semaphore_mem>>) src(%arg8 : memref<8x1024xf32, #tpu.memory_space<vmem>>) dst(%dma_wait3A_47 : memref<8x1024xf32, #tpu.memory_space<hbm>>)
    } else {
    }
    return
  }
}

</mosaic_0001>

<sc_bundles>
// kernel: kernel.3.cloned.1.call-start
scs
__scs_entry_jumppad:
0x0: {  	(pc) =	sbr.rel $0x88, $3  }
0x1: {  	(tag) =	ssettag $0x0;
	lr =	simm.s32 $0x1  }
0x2: {  	[smem:$0x3F9F] =	sst lr;
	_ =	strace $0xD0000000  }
0x3: {  	_ = 	snop  }
0x4: {  	_ = 	snop  }
0x5: {  	_ = 	snop  }
0x6: {  	_ = 	snop  }
0x7: {  	_ = 	snop  }
__scs_overlays_trampoline_lowered:
0x8: {  	[smem:$0x3FAE] =	sst s0  }
0x9: {  	[smem:$0x3FAF] =	sst s1  }
0xa: {  	[smem:$0x3FB0] =	sst s2  }
0xb: {  	[smem:$0x3FB1] =	sst s3  }
0xc: {  	[smem:$0x3FB2] =	sst s4  }
0xd: {  	[smem:$0x3FB3] =	sst s5  }
0xe: {  	[smem:$0x3FB4] =	sst s6  }
0xf: {  	[smem:$0x3FB5] =	sst s7  }
0x10: {  	[smem:$0x3FB6] =	sst s8  }
0x11: {  	[smem:$0x3FB7] =	sst s9;
	s0 =	simm.s32 @!p0 $0x0  }
0x12: {  	s1 =	sld [smem:$0x3F9D];
	s0 =	simm.s32 @p0 $0x1  }
0x13: {  	[smem:$0x3FB8] =	sst s0;
	s0 =	simm.s32 @!p1 $0x0  }
0x14: {  	s2 =	sld [smem:$0x3F9C];
	s0 =	simm.s32 @p1 $0x1  }
0x15: {  	[smem:$0x3FB9] =	sst s0;
	s0 =	simm.s32 @!p2 $0x0  }
0x16: {  	s3 =	sld [smem:$0x3FDB];
	s0 =	simm.s32 @p2 $0x1  }
0x17: {  	s4 =	simm.s32 $0x1BF5;
	[smem:$0x3FBB] =	sst s0  }
0x18: {  	s0 =	sld [smem:$0x3F9E];
	_ =	swait.ge [sflag:s4], $0x0  }
0x19: {  	s7 =	sld [smem:$0x3F9F]  }
0x1a: {  	s8 =	sadd.s32 $0xFFFFE003, lr  }
0x1b: {  	s9 =	sadd.s32 $0xFFFFFEF7, lr;
	s5 =	simm.s32 $0xFFFFFFFF;
	p2 =	slt.u32 s8, $0xFFFFF086  }
0x1c: {  	p1 =	slt.u32 s9, $0xF7A;
	s5 =	simm.s32 @!p2 $0x0  }
0x1d: {  	s5 =	simm.s32 @p1 $0x1;
	p0 =	seq.s32 s7, s2  }
0x1e: {  	s7 =	smul.u32 @!p0 $0xF7A, s2;
	p2 =	seq.s32 @!p0 s5, $0x0  }
0x1f: {  	s9 =	smul.u32 $0xF7A, s1;
	s8 =	simm.s32 @!p0 $0x1BF5;
	p2 =	por !p2, p0  }
0x20: {  	[sflag:s8] =	ssyncset.s32 @!p0 $0xFFFFF086;
	s6 =	sadd.s32 @!p0 s3, s7;
	s7 =	simm.s32 @!p0 $0x108  }
0x21: {  	s3 =	sadd.s32 s3, s9;
	s6 =	sadd.s32 @!p0 $0x88, s6;
	s7 =	simm.s32 @p2 $0x1082  }
0x22: {  	[simem:s7], [sflag:s8] =	dma.local @!p0 [hbm:s6], $0xF7A  }
0x23: {  	s9 =	sor.u32 $0xD0000000, s2;
	s6 =	simm.s32 $0x108;
	_ =	swait.ge @!p0 [sflag:s8], $0x0  }
0x24: {  	s3 =	sadd.s32 $0x88, s3;
	s6 =	simm.s32 @!p1 $0x1082;
	[sflag:s4] =	ssyncset.s32 $0xFFFFF086  }
0x25: {  	[simem:s6], [sflag:s4] =	dma.local [hbm:s3], $0xF7A  }
0x26: {  	[smem:$0x3F9F] =	sst s1;
	(tag) =	ssettag s2;
	_ =	strace s9  }
0x27: {  	s1 =	sld [smem:$0x3FAF]  }
0x28: {  	s2 =	sld [smem:$0x3FB0]  }
0x29: {  	s4 =	sld [smem:$0x3FB2]  }
0x2a: {  	p0 =	seq.s32 s5, $0x0;
	s5 =	sld [smem:$0x3FB3]  }
0x2b: {  	s6 =	sld [smem:$0x3FB4]  }
0x2c: {  	s7 =	sld [smem:$0x3FB5]  }
0x2d: {  	s3 =	simm.s32 $0x108;
	s8 =	sld [smem:$0x3FB6]  }
0x2e: {  	s3 =	simm.s32 @!p0 $0x1082;
	s9 =	sld [smem:$0x3FB7]  }
0x2f: {  	lr =	sadd.s32 s0, s3;
	s0 =	sld [smem:$0x3FAE]  }
0x30: {  	s3 =	sld [smem:$0x3FB1]  }
0x31: {  	[smem:$0x3FBA] =	sst s10  }
0x32: {  	s10 =	sld [smem:$0x3FB8];
	_ =	sdelay $0x3  }
0x33: {  	p0 =	seq.s32 s10, $0x1;
	s10 =	sld [smem:$0x3FBA];
	_ =	sdelay $0x3  }
0x34: {  	[smem:$0x3FBA] =	sst s10  }
0x35: {  	s10 =	sld [smem:$0x3FB9];
	_ =	sdelay $0x3  }
0x36: {  	p1 =	seq.s32 s10, $0x1;
	s10 =	sld [smem:$0x3FBA];
	_ =	sdelay $0x3  }
0x37: {  	[smem:$0x3FBA] =	sst s10  }
0x38: {  	s10 =	sld [smem:$0x3FBB]  }
0x39: {  	_ = 	snop;
	(pc) =	sbr.ind lr, $3  }
0x3a: {  	_ = 	snop  }
0x3b: {  	_ = 	snop  }
0x3c: {  	p2 =	seq.s32 s10, $0x1;
	s10 =	sld [smem:$0x3FBA]  }
0x3d: {  	_ =	shalt  }
0x3e: {  	_ =	shalt  }
0x3f: {  	_ =	shalt  }
0x40: {  	_ =	shalt  }
0x41: {  	_ =	shalt  }
0x42: {  	_ =	shalt  }
0x43: {  	_ =	shalt  }
0x44: {  	_ =	shalt  }
0x45: {  	_ =	shalt  }
0x46: {  	_ =	shalt  }
0x47: {  	_ =	shalt  }
0x48: {  	_ =	shalt  }
0x49: {  	_ =	shalt  }
0x4a: {  	_ =	shalt  }
0x4b: {  	_ =	shalt  }
0x4c: {  	_ =	shalt  }
0x4d: {  	_ =	shalt  }
0x4e: {  	_ =	shalt  }
0x4f: {  	_ =	shalt  }
0x50: {  	_ =	shalt  }
0x51: {  	_ =	shalt  }
0x52: {  	_ =	shalt  }
0x53: {  	_ =	shalt  }
0x54: {  	_ =	shalt  }
0x55: {  	_ =	shalt  }
0x56: {  	_ =	shalt  }
0x57: {  	_ =	shalt  }
0x58: {  	_ =	shalt  }
0x59: {  	_ =	shalt  }
0x5a: {  	_ =	shalt  }
0x5b: {  	_ =	shalt  }
0x5c: {  	_ =	shalt  }
0x5d: {  	_ =	shalt  }
0x5e: {  	_ =	shalt  }
0x5f: {  	_ =	shalt  }
0x60: {  	_ =	shalt  }
0x61: {  	_ =	shalt  }
0x62: {  	_ =	shalt  }
0x63: {  	_ =	shalt  }
0x64: {  	_ =	shalt  }
0x65: {  	_ =	shalt  }
0x66: {  	_ =	shalt  }
0x67: {  	_ =	shalt  }
0x68: {  	_ =	shalt  }
0x69: {  	_ =	shalt  }
0x6a: {  	_ =	shalt  }
0x6b: {  	_ =	shalt  }
0x6c: {  	_ =	shalt  }
0x6d: {  	_ =	shalt  }
0x6e: {  	_ =	shalt  }
0x6f: {  	_ =	shalt  }
0x70: {  	_ =	shalt  }
0x71: {  	_ =	shalt  }
0x72: {  	_ =	shalt  }
0x73: {  	_ =	shalt  }
0x74: {  	_ =	shalt  }
0x75: {  	_ =	shalt  }
0x76: {  	_ =	shalt  }
0x77: {  	_ =	shalt  }
0x78: {  	_ =	shalt  }
0x79: {  	_ =	shalt  }
0x7a: {  	_ =	shalt  }
0x7b: {  	_ =	shalt  }
0x7c: {  	_ =	shalt  }
0x7d: {  	_ =	shalt  }
0x7e: {  	_ =	shalt  }
0x7f: {  	_ =	shalt  }
0x80: {  	_ =	shalt  }
0x81: {  	_ =	shalt  }
0x82: {  	_ =	shalt  }
0x83: {  	_ =	shalt  }
0x84: {  	_ =	shalt  }
0x85: {  	_ =	shalt  }
0x86: {  	_ =	shalt  }
0x87: {  	_ =	shalt  }
.Lfunc_end0:
.L_simem_size_0:
called_computation_lowered:
.L_overlay_start_0:
0x88: {  	s2 =	sld [smem:$0x3FD9]  }
0x89: {  	s3 =	sld [smem:$0x3FFE];
	_ =	sdelay $0x1  }
0x8a: {  	s1 =	srdreg.scid  }
0x8b: {  	s0 =	sand.u32 $0x1, s1  }
0x8c: {  	s17 =	sshll.u32 s0, $0xA;
	s2 =	sadd.s32 s3, s2  }
0x8d: {  	s2 =	sadd.s32 s2, s17  }
0x8e: {  	[smem:$0x3FC6] =	sst s2  }
0x8f: {  	_ = 	snop  }
0x90: {  	s2 =	sld [smem:$0x3FC9]  }
0x91: {  	s18 =	sld [smem:$0x3FD0];
	(tm) =	ssettm $0x1  }
0x92: {  	s4 =	sld [smem:$0x3FFB];
	_ =	sdelay $0x3  }
0x93: {  	_ =	strace s4  }
0x94: {  	s4 =	sld [smem:$0x3FFC];
	_ =	sdelay $0x3  }
0x95: {  	_ =	strace s4  }
0x96: {  	s4 =	sld [smem:$0x3FFD];
	_ =	sdelay $0x3  }
0x97: {  	_ =	strace s4  }
0x98: {  	_ =	strace $0x8FFFFFFF  }
0x99: {  	s19 =	sld [smem:$0x3FDB];
	_ =	sdelay $0x1  }
0x9a: {  	s5 =	simm.s32 $_scs_section_size  }
0x9b: {  	s6 =	simm.s32 $_size__tile_overlayer_lowered;
	s7 =	simm.s32 $_tile_overlayer_lowered  }
0x9c: {  	s22 =	simm.s32 $0x1BFF;
	s21 =	sshll.u32 s7, $0x1;
	s4 =	sadd.s32 s5, s19  }
0x9d: {  	s8 =	simm.s32 $0x0;
	s20 =	sshll.u32 s6, $0x1;
	s6 =	sadd.s32 s21, s4  }
0x9e: {  	[timem:s8], [sflag:s22] =	dma.local [hbm:s6], s20  }
0x9f: {  	_ =	swait.ge [sflag:s22], s20  }
0xa0: {  	s5 =	ssub.s32 $0x0, s20;
	[sflag:s22] =	ssyncset.done $0x0  }
0xa1: {  	[sflag:s22] =	ssyncadd.s32 s5;
	_ =	sdelay $0x1  }
0xa2: {  	s23 =	simm.s32 $0x1B8B  }
0xa3: {  	_ =	swait.ge [sflag:s23], $0x1  }
0xa4: {  	[sflag:s23] =	ssyncset.done $0x0  }
0xa5: {  	s25 =	simm.s32 $0x1B8E;
	s24 =	sld [smem:$0x3FFE];
	[sflag:s23] =	ssyncadd.s32 $0xFFFFFFFF  }
0xa6: {  	s26 =	simm.s32 $execute0_lowered;
	[smem:$0x3FD2] =	sst s25  }
0xa7: {  	s6 =	sshll.u32 s26, $0x1;
	_ =	strace $0x80000046;
	[dreg:$0x1] =	wrdreg $0xFFFFFFFF  }
0xa8: {  	s28 =	simm.s32 $_size_execute0_lowered;
	s4 =	sadd.s32 s4, s6;
	[dreg:$0x0] =	wrdreg $0x0  }
0xa9: {  	s6 =	sshll.u32 s28, $0x1;
	[dreg:$0x2] =	wrdreg s4  }
0xaa: {  	[dreg:$0x3] =	wrdreg s6  }
0xab: {  	[dreg:$0x4] =	wrdreg $0xC0  }
0xac: {  	_ =	task [dreg:s8], $0x5FFFF  }
0xad: {  	[dreg:$0x1] =	wrdreg $0xFFFFFFFF  }
0xae: {  	[dreg:$0x0] =	wrdreg $0x60  }
0xaf: {  	[dreg:$0x2] =	wrdreg s2  }
0xb0: {  	[dreg:$0x3] =	wrdreg s24  }
0xb1: {  	[dreg:$0x4] =	wrdreg s18  }
0xb2: {  	[dreg:$0x5] =	wrdreg $0x9  }
0xb3: {  	_ =	task.clear_ibuf [dreg:s8], $0x6FFFF;
	_ =	strace $0x90000046  }
0xb4: {  	s29 =	simm.s32 $0x9;
	_ =	strace $0x80000048  }
0xb5: {  	_ =	swait.ge [sflag:s29], $0x1  }
0xb6: {  	[sflag:s29] =	ssyncadd.s32 $0xFFFFFFFF  }
0xb7: {  	_ =	strace $0x90000048  }
0xb8: {  	_ =	sfence  }
0xb9: {  	s30 =	sld [smem:$0x0];
	_ =	sdelay $0x2  }
0xba: {  	s31 =	sshll.u32 s1, $0xD;
	s1 =	sshrl.u32 s1, $0x2  }
0xbb: {  	s3 =	sand.u32 $0x4000, s31;
	s1 =	sadd.s32 s1, s30  }
0xbc: {  	s0 =	sor.u32 s3, s0;
	s1 =	sshll.u32 s1, $0x11  }
0xbd: {  	s0 =	sor.u32 s1, s0  }
0xbe: {  	s0 =	sadd.s32 $0x8F2B, s0  }
0xbf: {  	[sflag:s0] =	ssyncadd.remote.s32 $0x1  }
0xc0: {  	_ =	sfence.sel $0xFFFF  }
0xc1: {  	[dreg:$0x0] =	wrdreg $0xFFFFFFFF;
	(pc) =	sbr.abs _section_cstart, $3  }
0xc2: {  	[dreg:$0x1] =	wrdreg $0xFFFFFFFF  }
0xc3: {  	_ =	task.clear_ibuf [dreg:s8], $0x2FFFF;
	_ =	strace $0x9FFFFFFF  }
0xc4: {  	(tm) =	ssettm $0x7FFFFFFF  }
0xc5: {  	_ =	shalt  }
tec
execute0_lowered:
.L_overlay_start_1:
0x0: {  	(tag) =	ssettag $0x1  }
0x1: {  	s1 =	rddreg [dreg:$0x0]  }
0x2: {  	s6 =	rddreg [dreg:$0x1]  }
0x3: {  	s3 =	rddreg [dreg:$0x2]  }
0x4: {  	s0 =	rddreg [dreg:$0x3]  }
0x5: {  	s5 =	srdreg.scid;
	s2 =	stileid.u32;
	s4 =	simm.s32 $0x0  }
0x6: {  	s15 =	simm.s32 $0xE000;
	s16 =	simm.s32 $0x10000;
	s17 =	simm.s32 $0x12000  }
0x7: {  	s18 =	simm.s32 $0x1;
	s19 =	simm.s32 $0x2;
	s20 =	simm.s32 $0x0  }
0x8: {  	s5 =	sand.u32 $0x1, s5;
	s7 =	sshll.u32 s2, $0x1;
	[smem:$0x7FF] =	sst s4  }
0x9: {  	s12 =	sadd.s32 $0x400, s6;
	s8 =	ssub.s32 $0x2, s5;
	s5 =	sor.u32 s5, s7  }
0xa: {  	_ =	strace $0x80000047;
	s31 =	sshrl.u32 s8, $0x1;
	s7 =	sshll.u32 s5, $0xA  }
.Ltmp0:
0xb: {  	s9 =	sor.u32 $0x60, s5;
	p0 =	sgt.u32 s5, $0x1C;
	(pc) =	sbr.rel .LBB2_1-.Ltmp0, $4  }
0xc: {  	s13 =	ssub.s32 s8, s31;
	s6 =	sadd.s32 s12, s7;
	s7 =	sor.u32 $0x20, s5  }
0xd: {  	s8 =	sor.u32 $0x40, s5;
	s14 =	sshll.u32 s9, $0xA;
	s10 =	sshll.u32 s7, $0xA  }
0xe: {  	s11 =	sshll.u32 s8, $0xA;
	s13 =	smax.u32 s13, $0x1;
	s10 =	sadd.s32 s12, s10  }
0xf: {  	s11 =	sadd.s32 s12, s11;
	s12 =	sadd.s32 s12, s14;
	s14 =	simm.s32 $0x3  }
.LBB2_27:
0x10: {  	s20 =	sadd.s32 $0x1, s20  }
0x11: {  	p1 =	sne.s32 s20, s13  }
.Ltmp1:
0x12: {  	_ = 	snop;
	(pc) =	sbr.rel @!p1 .LBB2_28-.Ltmp1, $1  }
0x13: {  	_ =	sdelay $0x3  }
.LBB2_1:
0x14: {  	[tilespmem:s4], [sflag:$0x3] =	stream.linear.gather [hbm4b:s1+s4], $0xE000, $0x38;
	[tilespmem:$0x14000] =	vst v63  }
0x15: {  	_ =	swait.ge [sflag:s14], $0xE000  }
0x16: {  	[sflag:s14] =	ssyncset.done $0x0  }
0x17: {  	[sflag:s14] =	ssyncadd.s32 $0xFFFF2000  }
0x18: {  	[tilespmem:s15], [sflag:$0x3] =	stream.linear.gather [hbm4b:s6+s4], $0x2000, $0x38;
	[tilespmem:$0x14000] =	vst v63  }
0x19: {  	_ =	swait.ge [sflag:s14], $0x2000  }
0x1a: {  	s21 =	simm.s32 $0x0;
	s22 =	simm.s32 $0x0;
	[sflag:s14] =	ssyncset.done $0x0  }
0x1b: {  	s23 =	simm.s32 $0x0;
	s24 =	simm.s32 $0x0;
	[sflag:s14] =	ssyncadd.s32 $0xFFFFE000  }
.LBB2_2:
0x1c: {  	s25 =	sshll.u32 s23, $0x2;
	s26 =	sand.u32 $0x3, s22;
	p1 =	seq.s32 s24, $0x0  }
0x1d: {  	s25 =	sand.u32 $0xFFFF8000, s25;
	s26 =	sshll.u32 s26, $0xA;
	s28 =	simm.s32 @!p1 $0x1  }
0x1e: {  	s26 =	sor.u32 s26, s25;
	_ =	swait.ge @!p1 [sflag:s28], $0x2000  }
0x1f: {  	s26 =	sshrl.u32 s26, $0x2;
	[sflag:s28] =	ssyncset.done @!p1 $0x0  }
0x20: {  	s29 =	sor.u32 $0x40, s26;
	[sflag:s28] =	ssyncadd.s32 @!p1 $0xFFFFE000  }
0x21: {  	v0 =	vld [tilespmem:s29+$0x30]  }
0x22: {  	v1 =	vld [tilespmem:s29+$0xFFFFFFD0]  }
0x23: {  	v6 =	vld [tilespmem:s29+$0xFFFFFFF0]  }
0x24: {  	v3 =	vld [tilespmem:s29+$0xFFFFFFE0]  }
0x25: {  	v5 =	vld [tilespmem:s29+$0xFFFFFFC0]  }
0x26: {  	v2 =	vshll.u32 v0, $0x3  }
0x27: {  	v0 =	vand.u32 $0x7F, v0;
	v2 =	vand.u32 $0xFFFFFC00, v2  }
0x28: {  	v13 =	vshll.u32 v6, $0x3;
	v4 =	vor.u32 v0, v2;
	v0 =	vshll.u32 v1, $0x3  }
0x29: {  	v6 =	vand.u32 $0x7F, v6;
	v2 =	vand.u32 $0xFFFFFC00, v0;
	v0 =	vshll.u32 v3, $0x3  }
0x2a: {  	v8 =	vld [tilespmem:s29+$0x10];
	v1 =	vand.u32 $0x7F, v1;
	v9 =	vand.u32 $0xFFFFFC00, v0;
	v0 =	vshll.u32 v5, $0x3  }
0x2b: {  	v7 =	vld [tilespmem:s29+$0x0];
	v5 =	vand.u32 $0x7F, v5;
	v2 =	vor.u32 v1, v2;
	v0 =	vand.u32 $0xFFFFFC00, v0  }
0x2c: {  	v3 =	vand.u32 $0x7F, v3;
	v0 =	vor.u32 v5, v0;
	v5 =	vand.u32 $0xFFFFFC00, v13  }
0x2d: {  	v1 =	vor.u32 v3, v9;
	v10 =	vld.idx.msk [tilespmem:v4+s15+$0x0], $0xffff;
	v3 =	vor.u32 v6, v5  }
0x2e: {  	v12 =	vld [tilespmem:s29+$0x20];
	v11 =	vor.u32 $0x80, v4  }
0x2f: {  	v9 =	vshll.u32 v8, $0x3  }
0x30: {  	v13 =	vshll.u32 v7, $0x3;
	v5 =	vand.u32 $0xFFFFFC00, v9;
	v9 =	vld.idx.msk [tilespmem:v2+s15+$0x0], $0xffff  }
0x31: {  	s28 =	simm.s32 $0x10200;
	v15 =	vor.u32 $0x80, v2;
	v7 =	vand.u32 $0x7F, v7;
	v13 =	vand.u32 $0xFFFFFC00, v13  }
0x32: {  	v6 =	vand.u32 $0x7F, v8;
	[tilespmem:s28+$0xFFFFFE70] =	vst v10;
	v10 =	vor.u32 v7, v13;
	v14 =	vld.idx.msk [tilespmem:v3+s15+$0x0], $0xffff  }
0x33: {  	v8 =	vshll.u32 v12, $0x3;
	v7 =	vld.idx.msk [tilespmem:v11+s15+$0x0], $0xffff;
	v11 =	vor.u32 v6, v5  }
0x34: {  	v13 =	vor.u32 $0x100, v4;
	v5 =	vld.idx.msk [tilespmem:v0+s15+$0x0], $0xffff;
	v6 =	vand.u32 $0xFFFFFC00, v8;
	v8 =	vand.u32 $0x7F, v12  }
0x35: {  	v12 =	vor.u32 v8, v6;
	v6 =	vld.idx.msk [tilespmem:v1+s15+$0x0], $0xffff;
	v8 =	vor.u32 $0x80, v0;
	[tilespmem:s28+$0xFFFFFE10] =	vst v9  }
0x36: {  	v15 =	vld.idx.msk [tilespmem:v15+s15+$0x0], $0xffff  }
0x37: {  	v17 =	vor.u32 $0x80, v1;
	v16 =	vld.idx.msk [tilespmem:v10+s15+$0x0], $0xffff  }
0x38: {  	v18 =	vld.idx.msk [tilespmem:v11+s15+$0x0], $0xffff;
	[tilespmem:s28+$0xFFFFFEF0] =	vst v7;
	v7 =	vor.u32 $0x80, v3  }
0x39: {  	[tilespmem:s28+$0xFFFFFE00] =	vst v5;
	v5 =	vld.idx.msk [tilespmem:v13+s15+$0x0], $0xffff;
	v13 =	vor.u32 $0x80, v10  }
0x3a: {  	v19 =	vor.u32 $0x80, v11;
	[tilespmem:s28+$0xFFFFFE30] =	vst v14;
	v8 =	vld.idx.msk [tilespmem:v8+s15+$0x0], $0xffff  }
0x3b: {  	v9 =	vld.idx.msk [tilespmem:v12+s15+$0x0], $0xffff;
	[tilespmem:s28+$0xFFFFFE20] =	vst v6;
	v6 =	vor.u32 $0x180, v4  }
0x3c: {  	v14 =	vor.u32 $0x80, v12;
	v17 =	vld.idx.msk [tilespmem:v17+s15+$0x0], $0xffff;
	[tilespmem:s28+$0xFFFFFE40] =	vst v16  }
0x3d: {  	v16 =	vor.u32 $0x100, v0;
	v7 =	vld.idx.msk [tilespmem:v7+s15+$0x0], $0xffff;
	[tilespmem:s28+$0xFFFFFE50] =	vst v18  }
0x3e: {  	v18 =	vor.u32 $0x100, v2;
	v13 =	vld.idx.msk [tilespmem:v13+s15+$0x0], $0xffff;
	[tilespmem:s28+$0xFFFFFF70] =	vst v5  }
0x3f: {  	v5 =	vor.u32 $0x100, v1;
	[tilespmem:s28+$0xFFFFFE80] =	vst v8;
	v8 =	vld.idx.msk [tilespmem:v19+s15+$0x0], $0xffff  }
0x40: {  	[tilespmem:s28+$0xFFFFFE60] =	vst v9;
	v9 =	vor.u32 $0x100, v3;
	v6 =	vld.idx.msk [tilespmem:v6+s15+$0x0], $0xffff  }
0x41: {  	[tilespmem:s28+$0xFFFFFE90] =	vst v15;
	v19 =	vor.u32 $0x100, v10;
	v14 =	vld.idx.msk [tilespmem:v14+s15+$0x0], $0xffff  }
0x42: {  	[tilespmem:s28+$0xFFFFFEA0] =	vst v17;
	v17 =	vor.u32 $0x100, v11;
	v16 =	vld.idx.msk [tilespmem:v16+s15+$0x0], $0xffff  }
0x43: {  	v15 =	vor.u32 $0x200, v4;
	v18 =	vld.idx.msk [tilespmem:v18+s15+$0x0], $0xffff;
	[tilespmem:s28+$0xFFFFFEB0] =	vst v7  }
0x44: {  	v7 =	vor.u32 $0x100, v12;
	v5 =	vld.idx.msk [tilespmem:v5+s15+$0x0], $0xffff;
	[tilespmem:s28+$0xFFFFFEC0] =	vst v13  }
0x45: {  	v13 =	vor.u32 $0x180, v0;
	v9 =	vld.idx.msk [tilespmem:v9+s15+$0x0], $0xffff;
	[tilespmem:s28+$0xFFFFFED0] =	vst v8  }
0x46: {  	[tilespmem:s28+$0xFFFFFFF0] =	vst v6;
	v6 =	vor.u32 $0x180, v2;
	v19 =	vld.idx.msk [tilespmem:v19+s15+$0x0], $0xffff  }
0x47: {  	[tilespmem:s28+$0xFFFFFEE0] =	vst v14;
	v14 =	vld.idx.msk [tilespmem:v17+s15+$0x0], $0xffff;
	v17 =	vor.u32 $0x180, v3  }
0x48: {  	v8 =	vld.idx.msk [tilespmem:v15+s15+$0x0], $0xffff;
	v15 =	vor.u32 $0x180, v1;
	[tilespmem:s28+$0xFFFFFF00] =	vst v16  }
0x49: {  	v16 =	vor.u32 $0x280, v4;
	[tilespmem:s28+$0xFFFFFF10] =	vst v18;
	v7 =	vld.idx.msk [tilespmem:v7+s15+$0x0], $0xffff  }
0x4a: {  	v18 =	vor.u32 $0x180, v10;
	v13 =	vld.idx.msk [tilespmem:v13+s15+$0x0], $0xffff;
	[tilespmem:s28+$0xFFFFFF20] =	vst v5  }
0x4b: {  	v5 =	vor.u32 $0x180, v11;
	[tilespmem:s28+$0xFFFFFF30] =	vst v9;
	v6 =	vld.idx.msk [tilespmem:v6+s15+$0x0], $0xffff  }
0x4c: {  	v9 =	vor.u32 $0x180, v12;
	[tilespmem:s28+$0xFFFFFF40] =	vst v19;
	v17 =	vld.idx.msk [tilespmem:v17+s15+$0x0], $0xffff  }
0x4d: {  	v15 =	vld.idx.msk [tilespmem:v15+s15+$0x0], $0xffff;
	[tilespmem:s28+$0x70] =	vst v8;
	v8 =	vor.u32 $0x200, v0  }
0x4e: {  	v19 =	vor.u32 $0x200, v2;
	[tilespmem:s28+$0xFFFFFF50] =	vst v14;
	v16 =	vld.idx.msk [tilespmem:v16+s15+$0x0], $0xffff  }
0x4f: {  	v14 =	vld.idx.msk [tilespmem:v18+s15+$0x0], $0xffff;
	[tilespmem:s28+$0xFFFFFF60] =	vst v7;
	v7 =	vor.u32 $0x300, v4  }
0x50: {  	v18 =	vor.u32 $0x200, v1;
	[tilespmem:s28+$0xFFFFFF80] =	vst v13;
	v5 =	vld.idx.msk [tilespmem:v5+s15+$0x0], $0xffff  }
0x51: {  	v13 =	vor.u32 $0x200, v3;
	[tilespmem:s28+$0xFFFFFF90] =	vst v6;
	v6 =	vld.idx.msk [tilespmem:v9+s15+$0x0], $0xffff  }
0x52: {  	v9 =	vor.u32 $0x200, v10;
	v8 =	vld.idx.msk [tilespmem:v8+s15+$0x0], $0xffff;
	[tilespmem:s28+$0xFFFFFFA0] =	vst v15  }
0x53: {  	v15 =	vor.u32 $0x200, v11;
	v19 =	vld.idx.msk [tilespmem:v19+s15+$0x0], $0xffff;
	[tilespmem:s28+$0xF0] =	vst v16  }
0x54: {  	[tilespmem:s28+$0xFFFFFFB0] =	vst v17;
	v16 =	vor.u32 $0x200, v12;
	v7 =	vld.idx.msk [tilespmem:v7+s15+$0x0], $0xffff  }
0x55: {  	v17 =	vor.u32 $0x280, v0;
	v18 =	vld.idx.msk [tilespmem:v18+s15+$0x0], $0xffff;
	[tilespmem:s28+$0xFFFFFFC0] =	vst v14  }
0x56: {  	v4 =	vor.u32 $0x380, v4;
	v13 =	vld.idx.msk [tilespmem:v13+s15+$0x0], $0xffff;
	[tilespmem:s28+$0xFFFFFFD0] =	vst v5  }
0x57: {  	v5 =	vor.u32 $0x280, v2;
	v9 =	vld.idx.msk [tilespmem:v9+s15+$0x0], $0xffff;
	[tilespmem:s28+$0xFFFFFFE0] =	vst v6  }
0x58: {  	v6 =	vor.u32 $0x280, v1;
	[tilespmem:s28+$0x0] =	vst v8;
	v8 =	vld.idx.msk [tilespmem:v15+s15+$0x0], $0xffff  }
0x59: {  	v14 =	vor.u32 $0x280, v3;
	[tilespmem:s28+$0x10] =	vst v19;
	v15 =	vld.idx.msk [tilespmem:v16+s15+$0x0], $0xffff  }
0x5a: {  	v16 =	vor.u32 $0x280, v10;
	v17 =	vld.idx.msk [tilespmem:v17+s15+$0x0], $0xffff;
	[tilespmem:s28+$0x170] =	vst v7  }
0x5b: {  	v7 =	vor.u32 $0x280, v11;
	[tilespmem:s28+$0x20] =	vst v18;
	v4 =	vld.idx.msk [tilespmem:v4+s15+$0x0], $0xffff  }
0x5c: {  	v18 =	vor.u32 $0x280, v12;
	v5 =	vld.idx.msk [tilespmem:v5+s15+$0x0], $0xffff;
	[tilespmem:s28+$0x30] =	vst v13  }
0x5d: {  	v13 =	vor.u32 $0x300, v0;
	v6 =	vld.idx.msk [tilespmem:v6+s15+$0x0], $0xffff;
	[tilespmem:s28+$0x40] =	vst v9  }
0x5e: {  	v9 =	vor.u32 $0x300, v2;
	v19 =	vld.idx.msk [tilespmem:v14+s15+$0x0], $0xffff;
	[tilespmem:s28+$0x50] =	vst v8  }
0x5f: {  	v20 =	vor.u32 $0x300, v1;
	v21 =	vld.idx.msk [tilespmem:v16+s15+$0x0], $0xffff;
	[tilespmem:s28+$0x60] =	vst v15  }
0x60: {  	v22 =	vor.u32 $0x300, v3;
	[tilespmem:s28+$0x80] =	vst v17;
	v17 =	vld.idx.msk [tilespmem:v7+s15+$0x0], $0xffff  }
0x61: {  	v23 =	vor.u32 $0x300, v10;
	v15 =	vld.idx.msk [tilespmem:v18+s15+$0x0], $0xffff;
	[tilespmem:s28+$0x1F0] =	vst v4  }
0x62: {  	s26 =	sand.u32 $0x7, s21;
	v14 =	vld.idx.msk [tilespmem:v13+s15+$0x0], $0xffff;
	[tilespmem:s28+$0x90] =	vst v5  }
0x63: {  	s26 =	sshll.u32 s26, $0x9;
	v13 =	vld.idx.msk [tilespmem:v9+s15+$0x0], $0xffff;
	[tilespmem:s28+$0xA0] =	vst v6  }
0x64: {  	s25 =	sor.u32 s26, s25;
	v8 =	vor.u32 $0x300, v11;
	v7 =	vor.u32 $0x380, v0;
	v0 =	vor.u32 $0x380, v12;
	[tilespmem:s28+$0xB0] =	vst v19;
	v16 =	vld.idx.msk [tilespmem:v20+s15+$0x0], $0xffff  }
0x65: {  	s30 =	simm.s32 $0x0;
	s31 =	sadd.s32 $0x400, s29;
	s25 =	sshrl.u32 s25, $0x2;
	v5 =	vor.u32 $0x380, v1;
	v4 =	vor.u32 $0x380, v3;
	v1 =	vor.u32 $0x380, v11;
	v3 =	vld.idx.msk [tilespmem:v22+s15+$0x0], $0xffff;
	[tilespmem:s28+$0xC0] =	vst v21  }
0x66: {  	s29 =	simm.s32 $0x10200;
	s26 =	sshll.u32 s24, $0x1;
	s25 =	sadd.s32 $0xF0, s25;
	v6 =	vor.u32 $0x380, v2;
	v9 =	vor.u32 $0x300, v12;
	v2 =	vor.u32 $0x380, v10;
	v10 =	vld.idx.msk [tilespmem:v23+s15+$0x0], $0xffff;
	[tilespmem:s28+$0xD0] =	vst v17  }
.LBB2_3:
0x67: {  	v11 =	vld [tilespmem:s31+$0x30];
	s30 =	sadd.s32 $0x8, s30;
	[tilespmem:s28+$0xE0] =	vst v15  }
0x68: {  	v12 =	vld [tilespmem:s31+$0xFFFFFFD0];
	p2 =	slt.u32 s30, $0x38;
	[tilespmem:s28+$0x100] =	vst v14  }
0x69: {  	v14 =	vld [tilespmem:s31+$0xFFFFFFE0];
	[tilespmem:s28+$0x110] =	vst v13  }
0x6a: {  	v13 =	vld [tilespmem:s31+$0xFFFFFFF0];
	[tilespmem:s28+$0x120] =	vst v16  }
0x6b: {  	v15 =	vld [tilespmem:s31+$0x0];
	[tilespmem:s28+$0x130] =	vst v3  }
0x6c: {  	v16 =	vld [tilespmem:s31+$0x10];
	v3 =	vshll.u32 v11, $0x3;
	[tilespmem:s28+$0x140] =	vst v10  }
0x6d: {  	v11 =	vand.u32 $0x7F, v11;
	v10 =	vshll.u32 v12, $0x3;
	v17 =	vld [tilespmem:s31+$0x20];
	v3 =	vand.u32 $0xFFFFFC00, v3  }
0x6e: {  	v18 =	vld [tilespmem:s31+$0xFFFFFFC0];
	v10 =	vand.u32 $0xFFFFFC00, v10;
	v19 =	vshll.u32 v14, $0x3;
	v3 =	vor.u32 v11, v3  }
0x6f: {  	v11 =	vand.u32 $0x7F, v12;
	v12 =	vand.u32 $0xFFFFFC00, v19;
	v19 =	vshll.u32 v13, $0x3;
	v8 =	vld.idx.msk [tilespmem:v8+s15+$0x0], $0xffff  }
0x70: {  	v14 =	vand.u32 $0x7F, v14;
	v19 =	vand.u32 $0xFFFFFC00, v19;
	v20 =	vshll.u32 v15, $0x3;
	v9 =	vld.idx.msk [tilespmem:v9+s15+$0x0], $0xffff  }
0x71: {  	v13 =	vand.u32 $0x7F, v13;
	v20 =	vand.u32 $0xFFFFFC00, v20;
	v21 =	vshll.u32 v16, $0x3;
	v7 =	vld.idx.msk [tilespmem:v7+s15+$0x0], $0xffff  }
0x72: {  	v15 =	vand.u32 $0x7F, v15;
	v21 =	vand.u32 $0xFFFFFC00, v21;
	v22 =	vshll.u32 v17, $0x3;
	v6 =	vld.idx.msk [tilespmem:v6+s15+$0x0], $0xffff  }
0x73: {  	v23 =	vand.u32 $0x7F, v18;
	v18 =	vshll.u32 v18, $0x3;
	v22 =	vand.u32 $0xFFFFFC00, v22;
	v24 =	vld.idx.msk [tilespmem:v3+s15+$0x0], $0xffff  }
0x74: {  	v16 =	vand.u32 $0x7F, v16;
	v17 =	vand.u32 $0x7F, v17;
	v18 =	vand.u32 $0xFFFFFC00, v18;
	v5 =	vld.idx.msk [tilespmem:v5+s15+$0x0], $0xffff  }
0x75: {  	v25 =	vor.u32 v11, v10;
	v10 =	vor.u32 $0x80, v3;
	v23 =	vor.u32 v23, v18;
	v4 =	vld.idx.msk [tilespmem:v4+s15+$0x0], $0xffff;
	[tilespmem:s28+$0x150] =	vst v8  }
0x76: {  	v26 =	vor.u32 v14, v12;
	v27 =	vor.u32 v13, v19;
	v28 =	vor.u32 v15, v20;
	[tilespmem:s28+$0x160] =	vst v9  }
0x77: {  	v21 =	vor.u32 v16, v21;
	v22 =	vor.u32 v17, v22;
	v8 =	vor.u32 $0x80, v23;
	[tilespmem:s28+$0x180] =	vst v7;
	v2 =	vld.idx.msk [tilespmem:v2+s15+$0x0], $0xffff  }
0x78: {  	v29 =	vor.u32 $0x80, v27;
	v9 =	vor.u32 $0x80, v26;
	v7 =	vor.u32 $0x80, v25;
	s28 =	sadd.s32 $0x400, s28;
	[tilespmem:s29+$0x190] =	vst v6;
	v1 =	vld.idx.msk [tilespmem:v1+s15+$0x0], $0xffff  }
0x79: {  	v30 =	vor.u32 $0x80, v28;
	v31 =	vor.u32 $0x80, v21;
	v32 =	vor.u32 $0x80, v22;
	[tilespmem:s28+$0xFFFFFE70] =	vst v24;
	v0 =	vld.idx.msk [tilespmem:v0+s15+$0x0], $0xffff  }
0x7a: {  	v33 =	vor.u32 $0x100, v25;
	v34 =	vor.u32 $0x100, v26;
	v24 =	vor.u32 $0x100, v23;
	v6 =	vld.idx.msk [tilespmem:v10+s15+$0x0], $0xffff;
	[tilespmem:s29+$0x1A0] =	vst v5  }
0x7b: {  	v35 =	vor.u32 $0x100, v27;
	v36 =	vor.u32 $0x100, v28;
	v37 =	vor.u32 $0x100, v21;
	v5 =	vld.idx.msk [tilespmem:v23+s15+$0x0], $0xffff;
	[tilespmem:s29+$0x1B0] =	vst v4  }
0x7c: {  	v39 =	vor.u32 $0x100, v22;
	v38 =	vor.u32 $0x180, v23;
	v10 =	vor.u32 $0x100, v3;
	v4 =	vld.idx.msk [tilespmem:v25+s15+$0x0], $0xffff  }
0x7d: {  	v40 =	vor.u32 $0x180, v25;
	v41 =	vor.u32 $0x180, v26;
	v42 =	vor.u32 $0x180, v27;
	v11 =	vld.idx.msk [tilespmem:v26+s15+$0x0], $0xffff;
	[tilespmem:s29+$0x1C0] =	vst v2  }
0x7e: {  	v43 =	vor.u32 $0x180, v28;
	v44 =	vor.u32 $0x180, v21;
	v45 =	vor.u32 $0x180, v22;
	v2 =	vld.idx.msk [tilespmem:v27+s15+$0x0], $0xffff;
	[tilespmem:s29+$0x1D0] =	vst v1  }
0x7f: {  	v47 =	vor.u32 $0x200, v25;
	v48 =	vor.u32 $0x200, v26;
	v46 =	vor.u32 $0x200, v23;
	v1 =	vld.idx.msk [tilespmem:v28+s15+$0x0], $0xffff;
	[tilespmem:s29+$0x1E0] =	vst v0;
	s29 =	smov.u32 s28  }
0x80: {  	v49 =	vor.u32 $0x200, v27;
	v50 =	vor.u32 $0x200, v28;
	v51 =	vor.u32 $0x200, v21;
	v0 =	vld.idx.msk [tilespmem:v21+s15+$0x0], $0xffff;
	[tilespmem:s28+$0xFFFFFEF0] =	vst v6  }
0x81: {  	v18 =	vor.u32 $0x280, v25;
	v53 =	vor.u32 $0x200, v22;
	v52 =	vor.u32 $0x280, v23;
	[tilespmem:s28+$0xFFFFFE00] =	vst v5;
	v54 =	vld.idx.msk [tilespmem:v10+s15+$0x0], $0xffff  }
0x82: {  	v20 =	vor.u32 $0x280, v26;
	v19 =	vor.u32 $0x280, v27;
	v15 =	vor.u32 $0x280, v28;
	[tilespmem:s28+$0xFFFFFE10] =	vst v4;
	v55 =	vld.idx.msk [tilespmem:v22+s15+$0x0], $0xffff  }
0x83: {  	v57 =	vor.u32 $0x180, v3;
	v17 =	vor.u32 $0x280, v21;
	v16 =	vor.u32 $0x280, v22;
	v56 =	vld.idx.msk [tilespmem:v8+s15+$0x0], $0xffff;
	[tilespmem:s28+$0xFFFFFE20] =	vst v11  }
0x84: {  	v13 =	vor.u32 $0x300, v25;
	v14 =	vor.u32 $0x300, v23;
	v10 =	vor.u32 $0x300, v26;
	v58 =	vld.idx.msk [tilespmem:v7+s15+$0x0], $0xffff;
	[tilespmem:s28+$0xFFFFFE30] =	vst v2  }
0x85: {  	v12 =	vor.u32 $0x300, v27;
	v11 =	vor.u32 $0x300, v28;
	v8 =	vor.u32 $0x300, v21;
	v59 =	vld.idx.msk [tilespmem:v9+s15+$0x0], $0xffff;
	[tilespmem:s28+$0xFFFFFE40] =	vst v1  }
0x86: {  	v6 =	vor.u32 $0x380, v25;
	v7 =	vor.u32 $0x380, v23;
	v9 =	vor.u32 $0x300, v22;
	v23 =	vld.idx.msk [tilespmem:v29+s15+$0x0], $0xffff;
	[tilespmem:s28+$0xFFFFFE50] =	vst v0  }
0x87: {  	v5 =	vor.u32 $0x380, v26;
	v4 =	vor.u32 $0x380, v27;
	v2 =	vor.u32 $0x380, v28;
	v25 =	vld.idx.msk [tilespmem:v30+s15+$0x0], $0xffff;
	[tilespmem:s28+$0xFFFFFF70] =	vst v54  }
0x88: {  	v1 =	vor.u32 $0x380, v21;
	v0 =	vor.u32 $0x380, v22;
	[tilespmem:s28+$0xFFFFFE60] =	vst v55;
	v21 =	vld.idx.msk [tilespmem:v57+s15+$0x0], $0xffff  }
0x89: {  	[tilespmem:s28+$0xFFFFFE80] =	vst v56;
	v22 =	vld.idx.msk [tilespmem:v31+s15+$0x0], $0xffff  }
0x8a: {  	v27 =	vor.u32 $0x200, v3;
	[tilespmem:s28+$0xFFFFFE90] =	vst v58;
	v26 =	vld.idx.msk [tilespmem:v32+s15+$0x0], $0xffff  }
0x8b: {  	v24 =	vld.idx.msk [tilespmem:v24+s15+$0x0], $0xffff;
	[tilespmem:s28+$0xFFFFFEA0] =	vst v59  }
0x8c: {  	v28 =	vld.idx.msk [tilespmem:v33+s15+$0x0], $0xffff;
	[tilespmem:s28+$0xFFFFFEB0] =	vst v23  }
0x8d: {  	v23 =	vld.idx.msk [tilespmem:v34+s15+$0x0], $0xffff;
	[tilespmem:s28+$0xFFFFFEC0] =	vst v25  }
0x8e: {  	v25 =	vld.idx.msk [tilespmem:v35+s15+$0x0], $0xffff;
	[tilespmem:s28+$0xFFFFFFF0] =	vst v21  }
0x8f: {  	[tilespmem:s28+$0xFFFFFED0] =	vst v22;
	v21 =	vld.idx.msk [tilespmem:v27+s15+$0x0], $0xffff  }
0x90: {  	v22 =	vld.idx.msk [tilespmem:v36+s15+$0x0], $0xffff;
	[tilespmem:s28+$0xFFFFFEE0] =	vst v26  }
0x91: {  	v26 =	vor.u32 $0x280, v3;
	[tilespmem:s28+$0xFFFFFF00] =	vst v24;
	v24 =	vld.idx.msk [tilespmem:v37+s15+$0x0], $0xffff  }
0x92: {  	[tilespmem:s28+$0xFFFFFF10] =	vst v28;
	v27 =	vld.idx.msk [tilespmem:v39+s15+$0x0], $0xffff  }
0x93: {  	v28 =	vld.idx.msk [tilespmem:v38+s15+$0x0], $0xffff;
	[tilespmem:s28+$0xFFFFFF20] =	vst v23  }
0x94: {  	v23 =	vld.idx.msk [tilespmem:v40+s15+$0x0], $0xffff;
	[tilespmem:s28+$0xFFFFFF30] =	vst v25  }
0x95: {  	v25 =	vld.idx.msk [tilespmem:v41+s15+$0x0], $0xffff;
	[tilespmem:s28+$0x70] =	vst v21  }
0x96: {  	[tilespmem:s28+$0xFFFFFF40] =	vst v22;
	v21 =	vld.idx.msk [tilespmem:v26+s15+$0x0], $0xffff  }
0x97: {  	v22 =	vld.idx.msk [tilespmem:v42+s15+$0x0], $0xffff;
	[tilespmem:s28+$0xFFFFFF50] =	vst v24  }
0x98: {  	v26 =	vor.u32 $0x300, v3;
	v24 =	vld.idx.msk [tilespmem:v43+s15+$0x0], $0xffff;
	[tilespmem:s28+$0xFFFFFF60] =	vst v27  }
0x99: {  	[tilespmem:s28+$0xFFFFFF80] =	vst v28;
	v27 =	vld.idx.msk [tilespmem:v44+s15+$0x0], $0xffff  }
0x9a: {  	[tilespmem:s28+$0xFFFFFF90] =	vst v23;
	v23 =	vld.idx.msk [tilespmem:v45+s15+$0x0], $0xffff  }
0x9b: {  	v28 =	vld.idx.msk [tilespmem:v46+s15+$0x0], $0xffff;
	[tilespmem:s28+$0xFFFFFFA0] =	vst v25  }
0x9c: {  	v25 =	vld.idx.msk [tilespmem:v47+s15+$0x0], $0xffff;
	[tilespmem:s28+$0xF0] =	vst v21  }
0x9d: {  	[tilespmem:s28+$0xFFFFFFB0] =	vst v22;
	v21 =	vld.idx.msk [tilespmem:v26+s15+$0x0], $0xffff  }
0x9e: {  	v22 =	vld.idx.msk [tilespmem:v48+s15+$0x0], $0xffff;
	[tilespmem:s28+$0xFFFFFFC0] =	vst v24  }
0x9f: {  	v3 =	vor.u32 $0x380, v3;
	v24 =	vld.idx.msk [tilespmem:v49+s15+$0x0], $0xffff;
	[tilespmem:s28+$0xFFFFFFD0] =	vst v27  }
0xa0: {  	v26 =	vld.idx.msk [tilespmem:v50+s15+$0x0], $0xffff;
	[tilespmem:s28+$0xFFFFFFE0] =	vst v23  }
0xa1: {  	[tilespmem:s28+$0x0] =	vst v28;
	v23 =	vld.idx.msk [tilespmem:v51+s15+$0x0], $0xffff  }
0xa2: {  	[tilespmem:s28+$0x10] =	vst v25;
	v25 =	vld.idx.msk [tilespmem:v53+s15+$0x0], $0xffff  }
0xa3: {  	v27 =	vld.idx.msk [tilespmem:v52+s15+$0x0], $0xffff;
	[tilespmem:s28+$0x170] =	vst v21  }
0xa4: {  	[tilespmem:s28+$0x20] =	vst v22;
	v3 =	vld.idx.msk [tilespmem:v3+s15+$0x0], $0xffff  }
0xa5: {  	v18 =	vld.idx.msk [tilespmem:v18+s15+$0x0], $0xffff;
	[tilespmem:s28+$0x30] =	vst v24  }
0xa6: {  	v20 =	vld.idx.msk [tilespmem:v20+s15+$0x0], $0xffff;
	[tilespmem:s28+$0x40] =	vst v26  }
0xa7: {  	v19 =	vld.idx.msk [tilespmem:v19+s15+$0x0], $0xffff;
	[tilespmem:s28+$0x50] =	vst v23  }
0xa8: {  	v21 =	vld.idx.msk [tilespmem:v15+s15+$0x0], $0xffff;
	[tilespmem:s28+$0x60] =	vst v25  }
0xa9: {  	[tilespmem:s28+$0x80] =	vst v27;
	v17 =	vld.idx.msk [tilespmem:v17+s15+$0x0], $0xffff  }
0xaa: {  	v15 =	vld.idx.msk [tilespmem:v16+s15+$0x0], $0xffff;
	[tilespmem:s28+$0x1F0] =	vst v3  }
.Ltmp2:
0xab: {  	v14 =	vld.idx.msk [tilespmem:v14+s15+$0x0], $0xffff;
	[tilespmem:s28+$0x90] =	vst v18;
	(pc) =	sbr.rel @p2 .LBB2_3-.Ltmp2, $4  }
0xac: {  	v13 =	vld.idx.msk [tilespmem:v13+s15+$0x0], $0xffff;
	[tilespmem:s28+$0xA0] =	vst v20  }
0xad: {  	v16 =	vld.idx.msk [tilespmem:v10+s15+$0x0], $0xffff;
	[tilespmem:s28+$0xB0] =	vst v19  }
0xae: {  	v3 =	vld.idx.msk [tilespmem:v12+s15+$0x0], $0xffff;
	[tilespmem:s28+$0xC0] =	vst v21  }
0xaf: {  	s31 =	sadd.s32 $0x400, s31;
	v10 =	vld.idx.msk [tilespmem:v11+s15+$0x0], $0xffff;
	[tilespmem:s28+$0xD0] =	vst v17  }
0xb0: {  	_ =	sdelay $0x2  }
0xb1: {  	[tilespmem:s28+$0xE0] =	vst v15  }
0xb2: {  	[tilespmem:s28+$0x100] =	vst v14;
	v8 =	vld.idx.msk [tilespmem:v8+s15+$0x0], $0xffff  }
0xb3: {  	[tilespmem:s28+$0x110] =	vst v13;
	v9 =	vld.idx.msk [tilespmem:v9+s15+$0x0], $0xffff  }
0xb4: {  	v7 =	vld.idx.msk [tilespmem:v7+s15+$0x0], $0xffff;
	[tilespmem:s28+$0x120] =	vst v16  }
0xb5: {  	[tilespmem:s28+$0x130] =	vst v3;
	v3 =	vld.idx.msk [tilespmem:v6+s15+$0x0], $0xffff  }
0xb6: {  	v5 =	vld.idx.msk [tilespmem:v5+s15+$0x0], $0xffff;
	[tilespmem:s28+$0x140] =	vst v10  }
0xb7: {  	v4 =	vld.idx.msk [tilespmem:v4+s15+$0x0], $0xffff;
	[tilespmem:s28+$0x150] =	vst v8  }
0xb8: {  	v2 =	vld.idx.msk [tilespmem:v2+s15+$0x0], $0xffff;
	[tilespmem:s28+$0x160] =	vst v9  }
0xb9: {  	[tilespmem:s28+$0x180] =	vst v7;
	v1 =	vld.idx.msk [tilespmem:v1+s15+$0x0], $0xffff  }
0xba: {  	v0 =	vld.idx.msk [tilespmem:v0+s15+$0x0], $0xffff;
	[tilespmem:s29+$0x190] =	vst v3  }
0xbb: {  	s28 =	smul.u32 $0xFA, s24;
	[tilespmem:s29+$0x1A0] =	vst v5  }
0xbc: {  	[tilespmem:s29+$0x1B0] =	vst v4  }
0xbd: {  	s28 =	sadd.s32 s5, s28;
	[tilespmem:s29+$0x1C0] =	vst v2  }
0xbe: {  	s28 =	sshll.u32 s28, $0xA;
	[tilespmem:s29+$0x1D0] =	vst v1  }
0xbf: {  	s28 =	sadd.s32 s3, s28;
	[tilespmem:s29+$0x1E0] =	vst v0  }
0xc0: {  	[hbm4b:s28+s4] =	stream.linear.scatter [tilespmem:s16], [sflag:$0x1], $0x2000, $0x38;
	[tilespmem:$0x14000] =	vst v63  }
0xc1: {  	s28 =	simm.s32 @!p1 $0x2  }
0xc2: {  	_ =	swait.ge @!p1 [sflag:s28], $0x2000  }
0xc3: {  	[sflag:s28] =	ssyncset.done @!p1 $0x0  }
0xc4: {  	[sflag:s28] =	ssyncadd.s32 @!p1 $0xFFFFE000  }
0xc5: {  	v0 =	vld [tilespmem:s25+$0x0]  }
0xc6: {  	v1 =	vld [tilespmem:s25+$0xFFFFFFA0]  }
0xc7: {  	v6 =	vld [tilespmem:s25+$0xFFFFFFC0]  }
0xc8: {  	v3 =	vld [tilespmem:s25+$0xFFFFFFB0]  }
0xc9: {  	v5 =	vld [tilespmem:s25+$0xFFFFFF90]  }
0xca: {  	v2 =	vshll.u32 v0, $0x3  }
0xcb: {  	v0 =	vand.u32 $0x7F, v0;
	v2 =	vand.u32 $0xFFFFFC00, v2  }
0xcc: {  	v13 =	vshll.u32 v6, $0x3;
	v4 =	vor.u32 v0, v2;
	v0 =	vshll.u32 v1, $0x3  }
0xcd: {  	v6 =	vand.u32 $0x7F, v6;
	v2 =	vand.u32 $0xFFFFFC00, v0;
	v0 =	vshll.u32 v3, $0x3  }
0xce: {  	v8 =	vld [tilespmem:s25+$0xFFFFFFE0];
	v1 =	vand.u32 $0x7F, v1;
	v9 =	vand.u32 $0xFFFFFC00, v0;
	v0 =	vshll.u32 v5, $0x3  }
0xcf: {  	v7 =	vld [tilespmem:s25+$0xFFFFFFD0];
	v5 =	vand.u32 $0x7F, v5;
	v2 =	vor.u32 v1, v2;
	v0 =	vand.u32 $0xFFFFFC00, v0  }
0xd0: {  	v3 =	vand.u32 $0x7F, v3;
	v0 =	vor.u32 v5, v0;
	v5 =	vand.u32 $0xFFFFFC00, v13  }
0xd1: {  	v1 =	vor.u32 v3, v9;
	v10 =	vld.idx.msk [tilespmem:v4+s15+$0x0], $0xffff;
	v3 =	vor.u32 v6, v5  }
0xd2: {  	v12 =	vld [tilespmem:s25+$0xFFFFFFF0];
	v11 =	vor.u32 $0x80, v4  }
0xd3: {  	v9 =	vshll.u32 v8, $0x3  }
0xd4: {  	v13 =	vshll.u32 v7, $0x3;
	v5 =	vand.u32 $0xFFFFFC00, v9;
	v9 =	vld.idx.msk [tilespmem:v2+s15+$0x0], $0xffff  }
0xd5: {  	s28 =	simm.s32 $0x12200;
	v15 =	vor.u32 $0x80, v2;
	v7 =	vand.u32 $0x7F, v7;
	v13 =	vand.u32 $0xFFFFFC00, v13  }
0xd6: {  	v6 =	vand.u32 $0x7F, v8;
	[tilespmem:s28+$0xFFFFFE70] =	vst v10;
	v10 =	vor.u32 v7, v13;
	v14 =	vld.idx.msk [tilespmem:v3+s15+$0x0], $0xffff  }
0xd7: {  	v8 =	vshll.u32 v12, $0x3;
	v7 =	vld.idx.msk [tilespmem:v11+s15+$0x0], $0xffff;
	v11 =	vor.u32 v6, v5  }
0xd8: {  	v13 =	vor.u32 $0x100, v4;
	v5 =	vld.idx.msk [tilespmem:v0+s15+$0x0], $0xffff;
	v6 =	vand.u32 $0xFFFFFC00, v8;
	v8 =	vand.u32 $0x7F, v12  }
0xd9: {  	v12 =	vor.u32 v8, v6;
	v6 =	vld.idx.msk [tilespmem:v1+s15+$0x0], $0xffff;
	v8 =	vor.u32 $0x80, v0;
	[tilespmem:s28+$0xFFFFFE10] =	vst v9  }
0xda: {  	v15 =	vld.idx.msk [tilespmem:v15+s15+$0x0], $0xffff  }
0xdb: {  	v17 =	vor.u32 $0x80, v1;
	v16 =	vld.idx.msk [tilespmem:v10+s15+$0x0], $0xffff  }
0xdc: {  	v18 =	vld.idx.msk [tilespmem:v11+s15+$0x0], $0xffff;
	[tilespmem:s28+$0xFFFFFEF0] =	vst v7;
	v7 =	vor.u32 $0x80, v3  }
0xdd: {  	[tilespmem:s28+$0xFFFFFE00] =	vst v5;
	v5 =	vld.idx.msk [tilespmem:v13+s15+$0x0], $0xffff;
	v13 =	vor.u32 $0x80, v10  }
0xde: {  	v19 =	vor.u32 $0x80, v11;
	[tilespmem:s28+$0xFFFFFE30] =	vst v14;
	v8 =	vld.idx.msk [tilespmem:v8+s15+$0x0], $0xffff  }
0xdf: {  	v9 =	vld.idx.msk [tilespmem:v12+s15+$0x0], $0xffff;
	[tilespmem:s28+$0xFFFFFE20] =	vst v6;
	v6 =	vor.u32 $0x180, v4  }
0xe0: {  	v14 =	vor.u32 $0x80, v12;
	v17 =	vld.idx.msk [tilespmem:v17+s15+$0x0], $0xffff;
	[tilespmem:s28+$0xFFFFFE40] =	vst v16  }
0xe1: {  	v16 =	vor.u32 $0x100, v0;
	v7 =	vld.idx.msk [tilespmem:v7+s15+$0x0], $0xffff;
	[tilespmem:s28+$0xFFFFFE50] =	vst v18  }
0xe2: {  	v18 =	vor.u32 $0x100, v2;
	v13 =	vld.idx.msk [tilespmem:v13+s15+$0x0], $0xffff;
	[tilespmem:s28+$0xFFFFFF70] =	vst v5  }
0xe3: {  	v5 =	vor.u32 $0x100, v1;
	[tilespmem:s28+$0xFFFFFE80] =	vst v8;
	v8 =	vld.idx.msk [tilespmem:v19+s15+$0x0], $0xffff  }
0xe4: {  	[tilespmem:s28+$0xFFFFFE60] =	vst v9;
	v9 =	vor.u32 $0x100, v3;
	v6 =	vld.idx.msk [tilespmem:v6+s15+$0x0], $0xffff  }
0xe5: {  	[tilespmem:s28+$0xFFFFFE90] =	vst v15;
	v19 =	vor.u32 $0x100, v10;
	v14 =	vld.idx.msk [tilespmem:v14+s15+$0x0], $0xffff  }
0xe6: {  	[tilespmem:s28+$0xFFFFFEA0] =	vst v17;
	v17 =	vor.u32 $0x100, v11;
	v16 =	vld.idx.msk [tilespmem:v16+s15+$0x0], $0xffff  }
0xe7: {  	v15 =	vor.u32 $0x200, v4;
	v18 =	vld.idx.msk [tilespmem:v18+s15+$0x0], $0xffff;
	[tilespmem:s28+$0xFFFFFEB0] =	vst v7  }
0xe8: {  	v7 =	vor.u32 $0x100, v12;
	v5 =	vld.idx.msk [tilespmem:v5+s15+$0x0], $0xffff;
	[tilespmem:s28+$0xFFFFFEC0] =	vst v13  }
0xe9: {  	v13 =	vor.u32 $0x180, v0;
	v9 =	vld.idx.msk [tilespmem:v9+s15+$0x0], $0xffff;
	[tilespmem:s28+$0xFFFFFED0] =	vst v8  }
0xea: {  	[tilespmem:s28+$0xFFFFFFF0] =	vst v6;
	v6 =	vor.u32 $0x180, v2;
	v19 =	vld.idx.msk [tilespmem:v19+s15+$0x0], $0xffff  }
0xeb: {  	[tilespmem:s28+$0xFFFFFEE0] =	vst v14;
	v14 =	vld.idx.msk [tilespmem:v17+s15+$0x0], $0xffff;
	v17 =	vor.u32 $0x180, v3  }
0xec: {  	v8 =	vld.idx.msk [tilespmem:v15+s15+$0x0], $0xffff;
	v15 =	vor.u32 $0x180, v1;
	[tilespmem:s28+$0xFFFFFF00] =	vst v16  }
0xed: {  	v16 =	vor.u32 $0x280, v4;
	[tilespmem:s28+$0xFFFFFF10] =	vst v18;
	v7 =	vld.idx.msk [tilespmem:v7+s15+$0x0], $0xffff  }
0xee: {  	v18 =	vor.u32 $0x180, v10;
	v13 =	vld.idx.msk [tilespmem:v13+s15+$0x0], $0xffff;
	[tilespmem:s28+$0xFFFFFF20] =	vst v5  }
0xef: {  	v5 =	vor.u32 $0x180, v11;
	[tilespmem:s28+$0xFFFFFF30] =	vst v9;
	v6 =	vld.idx.msk [tilespmem:v6+s15+$0x0], $0xffff  }
0xf0: {  	v9 =	vor.u32 $0x180, v12;
	[tilespmem:s28+$0xFFFFFF40] =	vst v19;
	v17 =	vld.idx.msk [tilespmem:v17+s15+$0x0], $0xffff  }
0xf1: {  	v15 =	vld.idx.msk [tilespmem:v15+s15+$0x0], $0xffff;
	[tilespmem:s28+$0x70] =	vst v8;
	v8 =	vor.u32 $0x200, v0  }
0xf2: {  	v19 =	vor.u32 $0x200, v2;
	[tilespmem:s28+$0xFFFFFF50] =	vst v14;
	v16 =	vld.idx.msk [tilespmem:v16+s15+$0x0], $0xffff  }
0xf3: {  	v14 =	vld.idx.msk [tilespmem:v18+s15+$0x0], $0xffff;
	[tilespmem:s28+$0xFFFFFF60] =	vst v7;
	v7 =	vor.u32 $0x300, v4  }
0xf4: {  	v18 =	vor.u32 $0x200, v1;
	[tilespmem:s28+$0xFFFFFF80] =	vst v13;
	v5 =	vld.idx.msk [tilespmem:v5+s15+$0x0], $0xffff  }
0xf5: {  	v13 =	vor.u32 $0x200, v3;
	[tilespmem:s28+$0xFFFFFF90] =	vst v6;
	v6 =	vld.idx.msk [tilespmem:v9+s15+$0x0], $0xffff  }
0xf6: {  	v9 =	vor.u32 $0x200, v10;
	v8 =	vld.idx.msk [tilespmem:v8+s15+$0x0], $0xffff;
	[tilespmem:s28+$0xFFFFFFA0] =	vst v15  }
0xf7: {  	v15 =	vor.u32 $0x200, v11;
	v19 =	vld.idx.msk [tilespmem:v19+s15+$0x0], $0xffff;
	[tilespmem:s28+$0xF0] =	vst v16  }
0xf8: {  	[tilespmem:s28+$0xFFFFFFB0] =	vst v17;
	v16 =	vor.u32 $0x200, v12;
	v7 =	vld.idx.msk [tilespmem:v7+s15+$0x0], $0xffff  }
0xf9: {  	v17 =	vor.u32 $0x280, v0;
	v18 =	vld.idx.msk [tilespmem:v18+s15+$0x0], $0xffff;
	[tilespmem:s28+$0xFFFFFFC0] =	vst v14  }
0xfa: {  	v4 =	vor.u32 $0x380, v4;
	v13 =	vld.idx.msk [tilespmem:v13+s15+$0x0], $0xffff;
	[tilespmem:s28+$0xFFFFFFD0] =	vst v5  }
0xfb: {  	v5 =	vor.u32 $0x280, v2;
	v9 =	vld.idx.msk [tilespmem:v9+s15+$0x0], $0xffff;
	[tilespmem:s28+$0xFFFFFFE0] =	vst v6  }
0xfc: {  	v6 =	vor.u32 $0x280, v1;
	[tilespmem:s28+$0x0] =	vst v8;
	v8 =	vld.idx.msk [tilespmem:v15+s15+$0x0], $0xffff  }
0xfd: {  	v14 =	vor.u32 $0x280, v3;
	[tilespmem:s28+$0x10] =	vst v19;
	v15 =	vld.idx.msk [tilespmem:v16+s15+$0x0], $0xffff  }
0xfe: {  	v16 =	vor.u32 $0x280, v10;
	v17 =	vld.idx.msk [tilespmem:v17+s15+$0x0], $0xffff;
	[tilespmem:s28+$0x170] =	vst v7  }
0xff: {  	v7 =	vor.u32 $0x280, v11;
	[tilespmem:s28+$0x20] =	vst v18;
	v4 =	vld.idx.msk [tilespmem:v4+s15+$0x0], $0xffff  }
0x100: {  	v18 =	vor.u32 $0x280, v12;
	v5 =	vld.idx.msk [tilespmem:v5+s15+$0x0], $0xffff;
	[tilespmem:s28+$0x30] =	vst v13  }
0x101: {  	v13 =	vor.u32 $0x300, v0;
	v6 =	vld.idx.msk [tilespmem:v6+s15+$0x0], $0xffff;
	[tilespmem:s28+$0x40] =	vst v9  }
0x102: {  	v9 =	vor.u32 $0x300, v2;
	v19 =	vld.idx.msk [tilespmem:v14+s15+$0x0], $0xffff;
	[tilespmem:s28+$0x50] =	vst v8  }
0x103: {  	v20 =	vor.u32 $0x300, v1;
	v21 =	vld.idx.msk [tilespmem:v16+s15+$0x0], $0xffff;
	[tilespmem:s28+$0x60] =	vst v15  }
0x104: {  	v22 =	vor.u32 $0x300, v3;
	[tilespmem:s28+$0x80] =	vst v17;
	v17 =	vld.idx.msk [tilespmem:v7+s15+$0x0], $0xffff  }
0x105: {  	v23 =	vor.u32 $0x300, v10;
	v15 =	vld.idx.msk [tilespmem:v18+s15+$0x0], $0xffff;
	[tilespmem:s28+$0x1F0] =	vst v4  }
0x106: {  	v14 =	vld.idx.msk [tilespmem:v13+s15+$0x0], $0xffff;
	[tilespmem:s28+$0x90] =	vst v5  }
0x107: {  	v13 =	vld.idx.msk [tilespmem:v9+s15+$0x0], $0xffff;
	[tilespmem:s28+$0xA0] =	vst v6  }
0x108: {  	v8 =	vor.u32 $0x300, v11;
	v7 =	vor.u32 $0x380, v0;
	v0 =	vor.u32 $0x380, v12;
	[tilespmem:s28+$0xB0] =	vst v19;
	v16 =	vld.idx.msk [tilespmem:v20+s15+$0x0], $0xffff  }
0x109: {  	s26 =	sor.u32 $0x1, s26;
	v5 =	vor.u32 $0x380, v1;
	v4 =	vor.u32 $0x380, v3;
	v1 =	vor.u32 $0x380, v11;
	v3 =	vld.idx.msk [tilespmem:v22+s15+$0x0], $0xffff;
	[tilespmem:s28+$0xC0] =	vst v21  }
0x10a: {  	s30 =	sadd.s32 $0x400, s25;
	s29 =	simm.s32 $0x0;
	s25 =	simm.s32 $0x12200;
	v6 =	vor.u32 $0x380, v2;
	v9 =	vor.u32 $0x300, v12;
	v2 =	vor.u32 $0x380, v10;
	v10 =	vld.idx.msk [tilespmem:v23+s15+$0x0], $0xffff;
	[tilespmem:s28+$0xD0] =	vst v17  }
.LBB2_5:
0x10b: {  	v11 =	vld [tilespmem:s30+$0x0];
	s29 =	sadd.s32 $0x8, s29;
	[tilespmem:s28+$0xE0] =	vst v15  }
0x10c: {  	v12 =	vld [tilespmem:s30+$0xFFFFFFA0];
	p1 =	slt.u32 s29, $0x38;
	[tilespmem:s28+$0x100] =	vst v14  }
0x10d: {  	v14 =	vld [tilespmem:s30+$0xFFFFFFB0];
	[tilespmem:s28+$0x110] =	vst v13  }
0x10e: {  	v13 =	vld [tilespmem:s30+$0xFFFFFFC0];
	[tilespmem:s28+$0x120] =	vst v16  }
0x10f: {  	v15 =	vld [tilespmem:s30+$0xFFFFFFD0];
	[tilespmem:s28+$0x130] =	vst v3  }
0x110: {  	v16 =	vld [tilespmem:s30+$0xFFFFFFE0];
	v3 =	vshll.u32 v11, $0x3;
	[tilespmem:s28+$0x140] =	vst v10  }
0x111: {  	v11 =	vand.u32 $0x7F, v11;
	v10 =	vshll.u32 v12, $0x3;
	v17 =	vld [tilespmem:s30+$0xFFFFFFF0];
	v3 =	vand.u32 $0xFFFFFC00, v3  }
0x112: {  	v18 =	vld [tilespmem:s30+$0xFFFFFF90];
	v10 =	vand.u32 $0xFFFFFC00, v10;
	v19 =	vshll.u32 v14, $0x3;
	v3 =	vor.u32 v11, v3  }
0x113: {  	v11 =	vand.u32 $0x7F, v12;
	v12 =	vand.u32 $0xFFFFFC00, v19;
	v19 =	vshll.u32 v13, $0x3;
	v8 =	vld.idx.msk [tilespmem:v8+s15+$0x0], $0xffff  }
0x114: {  	v14 =	vand.u32 $0x7F, v14;
	v19 =	vand.u32 $0xFFFFFC00, v19;
	v20 =	vshll.u32 v15, $0x3;
	v9 =	vld.idx.msk [tilespmem:v9+s15+$0x0], $0xffff  }
0x115: {  	v13 =	vand.u32 $0x7F, v13;
	v20 =	vand.u32 $0xFFFFFC00, v20;
	v21 =	vshll.u32 v16, $0x3;
	v7 =	vld.idx.msk [tilespmem:v7+s15+$0x0], $0xffff  }
0x116: {  	v15 =	vand.u32 $0x7F, v15;
	v21 =	vand.u32 $0xFFFFFC00, v21;
	v22 =	vshll.u32 v17, $0x3;
	v6 =	vld.idx.msk [tilespmem:v6+s15+$0x0], $0xffff  }
0x117: {  	v23 =	vand.u32 $0x7F, v18;
	v18 =	vshll.u32 v18, $0x3;
	v22 =	vand.u32 $0xFFFFFC00, v22;
	v24 =	vld.idx.msk [tilespmem:v3+s15+$0x0], $0xffff  }
0x118: {  	v16 =	vand.u32 $0x7F, v16;
	v17 =	vand.u32 $0x7F, v17;
	v18 =	vand.u32 $0xFFFFFC00, v18;
	v5 =	vld.idx.msk [tilespmem:v5+s15+$0x0], $0xffff  }
0x119: {  	v25 =	vor.u32 v11, v10;
	v10 =	vor.u32 $0x80, v3;
	v23 =	vor.u32 v23, v18;
	v4 =	vld.idx.msk [tilespmem:v4+s15+$0x0], $0xffff;
	[tilespmem:s28+$0x150] =	vst v8  }
0x11a: {  	v26 =	vor.u32 v14, v12;
	v27 =	vor.u32 v13, v19;
	v28 =	vor.u32 v15, v20;
	[tilespmem:s28+$0x160] =	vst v9  }
0x11b: {  	v21 =	vor.u32 v16, v21;
	v22 =	vor.u32 v17, v22;
	v8 =	vor.u32 $0x80, v23;
	[tilespmem:s28+$0x180] =	vst v7;
	v2 =	vld.idx.msk [tilespmem:v2+s15+$0x0], $0xffff  }
0x11c: {  	v29 =	vor.u32 $0x80, v27;
	v9 =	vor.u32 $0x80, v26;
	v7 =	vor.u32 $0x80, v25;
	s28 =	sadd.s32 $0x400, s28;
	[tilespmem:s25+$0x190] =	vst v6;
	v1 =	vld.idx.msk [tilespmem:v1+s15+$0x0], $0xffff  }
0x11d: {  	v30 =	vor.u32 $0x80, v28;
	v31 =	vor.u32 $0x80, v21;
	v32 =	vor.u32 $0x80, v22;
	[tilespmem:s28+$0xFFFFFE70] =	vst v24;
	v0 =	vld.idx.msk [tilespmem:v0+s15+$0x0], $0xffff  }
0x11e: {  	v33 =	vor.u32 $0x100, v25;
	v34 =	vor.u32 $0x100, v26;
	v24 =	vor.u32 $0x100, v23;
	v6 =	vld.idx.msk [tilespmem:v10+s15+$0x0], $0xffff;
	[tilespmem:s25+$0x1A0] =	vst v5  }
0x11f: {  	v35 =	vor.u32 $0x100, v27;
	v36 =	vor.u32 $0x100, v28;
	v37 =	vor.u32 $0x100, v21;
	v5 =	vld.idx.msk [tilespmem:v23+s15+$0x0], $0xffff;
	[tilespmem:s25+$0x1B0] =	vst v4  }
0x120: {  	v39 =	vor.u32 $0x100, v22;
	v38 =	vor.u32 $0x180, v23;
	v10 =	vor.u32 $0x100, v3;
	v4 =	vld.idx.msk [tilespmem:v25+s15+$0x0], $0xffff  }
0x121: {  	v40 =	vor.u32 $0x180, v25;
	v41 =	vor.u32 $0x180, v26;
	v42 =	vor.u32 $0x180, v27;
	v11 =	vld.idx.msk [tilespmem:v26+s15+$0x0], $0xffff;
	[tilespmem:s25+$0x1C0] =	vst v2  }
0x122: {  	v43 =	vor.u32 $0x180, v28;
	v44 =	vor.u32 $0x180, v21;
	v45 =	vor.u32 $0x180, v22;
	v2 =	vld.idx.msk [tilespmem:v27+s15+$0x0], $0xffff;
	[tilespmem:s25+$0x1D0] =	vst v1  }
0x123: {  	v47 =	vor.u32 $0x200, v25;
	v48 =	vor.u32 $0x200, v26;
	v46 =	vor.u32 $0x200, v23;
	v1 =	vld.idx.msk [tilespmem:v28+s15+$0x0], $0xffff;
	[tilespmem:s25+$0x1E0] =	vst v0;
	s25 =	smov.u32 s28  }
0x124: {  	v49 =	vor.u32 $0x200, v27;
	v50 =	vor.u32 $0x200, v28;
	v51 =	vor.u32 $0x200, v21;
	v0 =	vld.idx.msk [tilespmem:v21+s15+$0x0], $0xffff;
	[tilespmem:s28+$0xFFFFFEF0] =	vst v6  }
0x125: {  	v18 =	vor.u32 $0x280, v25;
	v53 =	vor.u32 $0x200, v22;
	v52 =	vor.u32 $0x280, v23;
	[tilespmem:s28+$0xFFFFFE00] =	vst v5;
	v54 =	vld.idx.msk [tilespmem:v10+s15+$0x0], $0xffff  }
0x126: {  	v20 =	vor.u32 $0x280, v26;
	v19 =	vor.u32 $0x280, v27;
	v15 =	vor.u32 $0x280, v28;
	[tilespmem:s28+$0xFFFFFE10] =	vst v4;
	v55 =	vld.idx.msk [tilespmem:v22+s15+$0x0], $0xffff  }
0x127: {  	v57 =	vor.u32 $0x180, v3;
	v17 =	vor.u32 $0x280, v21;
	v16 =	vor.u32 $0x280, v22;
	v56 =	vld.idx.msk [tilespmem:v8+s15+$0x0], $0xffff;
	[tilespmem:s28+$0xFFFFFE20] =	vst v11  }
0x128: {  	v13 =	vor.u32 $0x300, v25;
	v14 =	vor.u32 $0x300, v23;
	v10 =	vor.u32 $0x300, v26;
	v58 =	vld.idx.msk [tilespmem:v7+s15+$0x0], $0xffff;
	[tilespmem:s28+$0xFFFFFE30] =	vst v2  }
0x129: {  	v12 =	vor.u32 $0x300, v27;
	v11 =	vor.u32 $0x300, v28;
	v8 =	vor.u32 $0x300, v21;
	v59 =	vld.idx.msk [tilespmem:v9+s15+$0x0], $0xffff;
	[tilespmem:s28+$0xFFFFFE40] =	vst v1  }
0x12a: {  	v6 =	vor.u32 $0x380, v25;
	v7 =	vor.u32 $0x380, v23;
	v9 =	vor.u32 $0x300, v22;
	v23 =	vld.idx.msk [tilespmem:v29+s15+$0x0], $0xffff;
	[tilespmem:s28+$0xFFFFFE50] =	vst v0  }
0x12b: {  	v5 =	vor.u32 $0x380, v26;
	v4 =	vor.u32 $0x380, v27;
	v2 =	vor.u32 $0x380, v28;
	v25 =	vld.idx.msk [tilespmem:v30+s15+$0x0], $0xffff;
	[tilespmem:s28+$0xFFFFFF70] =	vst v54  }
0x12c: {  	v1 =	vor.u32 $0x380, v21;
	v0 =	vor.u32 $0x380, v22;
	[tilespmem:s28+$0xFFFFFE60] =	vst v55;
	v21 =	vld.idx.msk [tilespmem:v57+s15+$0x0], $0xffff  }
0x12d: {  	[tilespmem:s28+$0xFFFFFE80] =	vst v56;
	v22 =	vld.idx.msk [tilespmem:v31+s15+$0x0], $0xffff  }
0x12e: {  	v27 =	vor.u32 $0x200, v3;
	[tilespmem:s28+$0xFFFFFE90] =	vst v58;
	v26 =	vld.idx.msk [tilespmem:v32+s15+$0x0], $0xffff  }
0x12f: {  	v24 =	vld.idx.msk [tilespmem:v24+s15+$0x0], $0xffff;
	[tilespmem:s28+$0xFFFFFEA0] =	vst v59  }
0x130: {  	v28 =	vld.idx.msk [tilespmem:v33+s15+$0x0], $0xffff;
	[tilespmem:s28+$0xFFFFFEB0] =	vst v23  }
0x131: {  	v23 =	vld.idx.msk [tilespmem:v34+s15+$0x0], $0xffff;
	[tilespmem:s28+$0xFFFFFEC0] =	vst v25  }
0x132: {  	v25 =	vld.idx.msk [tilespmem:v35+s15+$0x0], $0xffff;
	[tilespmem:s28+$0xFFFFFFF0] =	vst v21  }
0x133: {  	[tilespmem:s28+$0xFFFFFED0] =	vst v22;
	v21 =	vld.idx.msk [tilespmem:v27+s15+$0x0], $0xffff  }
0x134: {  	v22 =	vld.idx.msk [tilespmem:v36+s15+$0x0], $0xffff;
	[tilespmem:s28+$0xFFFFFEE0] =	vst v26  }
0x135: {  	v26 =	vor.u32 $0x280, v3;
	[tilespmem:s28+$0xFFFFFF00] =	vst v24;
	v24 =	vld.idx.msk [tilespmem:v37+s15+$0x0], $0xffff  }
0x136: {  	[tilespmem:s28+$0xFFFFFF10] =	vst v28;
	v27 =	vld.idx.msk [tilespmem:v39+s15+$0x0], $0xffff  }
0x137: {  	v28 =	vld.idx.msk [tilespmem:v38+s15+$0x0], $0xffff;
	[tilespmem:s28+$0xFFFFFF20] =	vst v23  }
0x138: {  	v23 =	vld.idx.msk [tilespmem:v40+s15+$0x0], $0xffff;
	[tilespmem:s28+$0xFFFFFF30] =	vst v25  }
0x139: {  	v25 =	vld.idx.msk [tilespmem:v41+s15+$0x0], $0xffff;
	[tilespmem:s28+$0x70] =	vst v21  }
0x13a: {  	[tilespmem:s28+$0xFFFFFF40] =	vst v22;
	v21 =	vld.idx.msk [tilespmem:v26+s15+$0x0], $0xffff  }
0x13b: {  	v22 =	vld.idx.msk [tilespmem:v42+s15+$0x0], $0xffff;
	[tilespmem:s28+$0xFFFFFF50] =	vst v24  }
0x13c: {  	v26 =	vor.u32 $0x300, v3;
	v24 =	vld.idx.msk [tilespmem:v43+s15+$0x0], $0xffff;
	[tilespmem:s28+$0xFFFFFF60] =	vst v27  }
0x13d: {  	[tilespmem:s28+$0xFFFFFF80] =	vst v28;
	v27 =	vld.idx.msk [tilespmem:v44+s15+$0x0], $0xffff  }
0x13e: {  	[tilespmem:s28+$0xFFFFFF90] =	vst v23;
	v23 =	vld.idx.msk [tilespmem:v45+s15+$0x0], $0xffff  }
0x13f: {  	v28 =	vld.idx.msk [tilespmem:v46+s15+$0x0], $0xffff;
	[tilespmem:s28+$0xFFFFFFA0] =	vst v25  }
0x140: {  	v25 =	vld.idx.msk [tilespmem:v47+s15+$0x0], $0xffff;
	[tilespmem:s28+$0xF0] =	vst v21  }
0x141: {  	[tilespmem:s28+$0xFFFFFFB0] =	vst v22;
	v21 =	vld.idx.msk [tilespmem:v26+s15+$0x0], $0xffff  }
0x142: {  	v22 =	vld.idx.msk [tilespmem:v48+s15+$0x0], $0xffff;
	[tilespmem:s28+$0xFFFFFFC0] =	vst v24  }
0x143: {  	v3 =	vor.u32 $0x380, v3;
	v24 =	vld.idx.msk [tilespmem:v49+s15+$0x0], $0xffff;
	[tilespmem:s28+$0xFFFFFFD0] =	vst v27  }
0x144: {  	v26 =	vld.idx.msk [tilespmem:v50+s15+$0x0], $0xffff;
	[tilespmem:s28+$0xFFFFFFE0] =	vst v23  }
0x145: {  	[tilespmem:s28+$0x0] =	vst v28;
	v23 =	vld.idx.msk [tilespmem:v51+s15+$0x0], $0xffff  }
0x146: {  	[tilespmem:s28+$0x10] =	vst v25;
	v25 =	vld.idx.msk [tilespmem:v53+s15+$0x0], $0xffff  }
0x147: {  	v27 =	vld.idx.msk [tilespmem:v52+s15+$0x0], $0xffff;
	[tilespmem:s28+$0x170] =	vst v21  }
0x148: {  	[tilespmem:s28+$0x20] =	vst v22;
	v3 =	vld.idx.msk [tilespmem:v3+s15+$0x0], $0xffff  }
0x149: {  	v18 =	vld.idx.msk [tilespmem:v18+s15+$0x0], $0xffff;
	[tilespmem:s28+$0x30] =	vst v24  }
0x14a: {  	v20 =	vld.idx.msk [tilespmem:v20+s15+$0x0], $0xffff;
	[tilespmem:s28+$0x40] =	vst v26  }
0x14b: {  	v19 =	vld.idx.msk [tilespmem:v19+s15+$0x0], $0xffff;
	[tilespmem:s28+$0x50] =	vst v23  }
0x14c: {  	v21 =	vld.idx.msk [tilespmem:v15+s15+$0x0], $0xffff;
	[tilespmem:s28+$0x60] =	vst v25  }
0x14d: {  	[tilespmem:s28+$0x80] =	vst v27;
	v17 =	vld.idx.msk [tilespmem:v17+s15+$0x0], $0xffff  }
0x14e: {  	v15 =	vld.idx.msk [tilespmem:v16+s15+$0x0], $0xffff;
	[tilespmem:s28+$0x1F0] =	vst v3  }
.Ltmp3:
0x14f: {  	v14 =	vld.idx.msk [tilespmem:v14+s15+$0x0], $0xffff;
	[tilespmem:s28+$0x90] =	vst v18;
	(pc) =	sbr.rel @p1 .LBB2_5-.Ltmp3, $4  }
0x150: {  	v13 =	vld.idx.msk [tilespmem:v13+s15+$0x0], $0xffff;
	[tilespmem:s28+$0xA0] =	vst v20  }
0x151: {  	v16 =	vld.idx.msk [tilespmem:v10+s15+$0x0], $0xffff;
	[tilespmem:s28+$0xB0] =	vst v19  }
0x152: {  	v3 =	vld.idx.msk [tilespmem:v12+s15+$0x0], $0xffff;
	[tilespmem:s28+$0xC0] =	vst v21  }
0x153: {  	s30 =	sadd.s32 $0x400, s30;
	v10 =	vld.idx.msk [tilespmem:v11+s15+$0x0], $0xffff;
	[tilespmem:s28+$0xD0] =	vst v17  }
0x154: {  	_ =	sdelay $0x2  }
0x155: {  	[tilespmem:s28+$0xE0] =	vst v15  }
0x156: {  	[tilespmem:s28+$0x100] =	vst v14;
	v8 =	vld.idx.msk [tilespmem:v8+s15+$0x0], $0xffff  }
0x157: {  	[tilespmem:s28+$0x110] =	vst v13;
	v9 =	vld.idx.msk [tilespmem:v9+s15+$0x0], $0xffff  }
0x158: {  	v7 =	vld.idx.msk [tilespmem:v7+s15+$0x0], $0xffff;
	[tilespmem:s28+$0x120] =	vst v16  }
0x159: {  	v63 =	vld.idx.msk [tilespmem:v6+s15+$0x0], $0xffff;
	[tilespmem:s28+$0x130] =	vst v3  }
0x15a: {  	v5 =	vld.idx.msk [tilespmem:v5+s15+$0x0], $0xffff;
	[tilespmem:s28+$0x140] =	vst v10  }
0x15b: {  	v4 =	vld.idx.msk [tilespmem:v4+s15+$0x0], $0xffff;
	[tilespmem:s28+$0x150] =	vst v8  }
0x15c: {  	v2 =	vld.idx.msk [tilespmem:v2+s15+$0x0], $0xffff;
	[tilespmem:s28+$0x160] =	vst v9  }
0x15d: {  	[tilespmem:s28+$0x180] =	vst v7;
	v1 =	vld.idx.msk [tilespmem:v1+s15+$0x0], $0xffff  }
0x15e: {  	s26 =	smul.u32 $0x7D, s26;
	s24 =	sadd.s32 $0x1, s24;
	[tilespmem:s25+$0x190] =	vst v63;
	v0 =	vld.idx.msk [tilespmem:v0+s15+$0x0], $0xffff  }
0x15f: {  	p1 =	sne.s32 s24, $0x19;
	[tilespmem:s25+$0x1A0] =	vst v5  }
.Ltmp4:
0x160: {  	s26 =	sadd.s32 s5, s26;
	[tilespmem:s25+$0x1B0] =	vst v4;
	(pc) =	sbr.rel @p1 .LBB2_2-.Ltmp4, $4  }
0x161: {  	s26 =	sshll.u32 s26, $0xA;
	[tilespmem:s25+$0x1C0] =	vst v2  }
0x162: {  	s23 =	sadd.s32 $0x800, s23;
	s26 =	sand.u32 $0x1FFFFC00, s26;
	[tilespmem:s25+$0x1D0] =	vst v1  }
0x163: {  	s22 =	sadd.s32 $0x1, s22;
	s21 =	sadd.s32 $0x2, s21;
	s31 =	sadd.s32 s3, s26;
	[tilespmem:s25+$0x1E0] =	vst v0  }
0x164: {  	[hbm4b:s31+s4] =	stream.linear.scatter [tilespmem:s17], [sflag:$0x2], $0x2000, $0x38;
	[tilespmem:$0x14000] =	vst v63  }
0x165: {  	_ =	swait.ge [sflag:s18], $0x2000  }
0x166: {  	[sflag:s18] =	ssyncset.done $0x0  }
0x167: {  	[sflag:s18] =	ssyncadd.s32 $0xFFFFE000  }
0x168: {  	_ =	swait.ge [sflag:s19], $0x2000  }
0x169: {  	[sflag:s19] =	ssyncset.done $0x0  }
0x16a: {  	s21 =	simm.s32 $0x0;
	[sflag:s19] =	ssyncadd.s32 $0xFFFFE000  }
0x16b: {  	[tilespmem:s15], [sflag:$0x3] =	stream.linear.gather [hbm4b:s10+s21], $0x2000, $0x38;
	[tilespmem:$0x14000] =	vst v63  }
0x16c: {  	_ =	swait.ge [sflag:s14], $0x2000  }
0x16d: {  	s22 =	simm.s32 $0x0;
	[sflag:s14] =	ssyncset.done $0x0  }
0x16e: {  	s23 =	simm.s32 $0x0;
	s24 =	simm.s32 $0x0;
	[sflag:s14] =	ssyncadd.s32 $0xFFFFE000  }
.LBB2_8:
0x16f: {  	s25 =	sshll.u32 s23, $0x2;
	s26 =	sand.u32 $0x3, s22;
	p1 =	seq.s32 s24, $0x0  }
0x170: {  	s25 =	sand.u32 $0xFFFF8000, s25;
	s26 =	sshll.u32 s26, $0xA;
	s28 =	simm.s32 @!p1 $0x1  }
0x171: {  	s26 =	sor.u32 s26, s25;
	_ =	swait.ge @!p1 [sflag:s28], $0x2000  }
0x172: {  	s26 =	sshrl.u32 s26, $0x2;
	[sflag:s28] =	ssyncset.done @!p1 $0x0  }
0x173: {  	s29 =	sor.u32 $0x40, s26;
	[sflag:s28] =	ssyncadd.s32 @!p1 $0xFFFFE000  }
0x174: {  	v0 =	vld [tilespmem:s29+$0x30]  }
0x175: {  	v1 =	vld [tilespmem:s29+$0xFFFFFFD0]  }
0x176: {  	v6 =	vld [tilespmem:s29+$0xFFFFFFF0]  }
0x177: {  	v3 =	vld [tilespmem:s29+$0xFFFFFFE0]  }
0x178: {  	v5 =	vld [tilespmem:s29+$0xFFFFFFC0]  }
0x179: {  	v2 =	vshll.u32 v0, $0x3  }
0x17a: {  	v0 =	vand.u32 $0x7F, v0;
	v2 =	vand.u32 $0xFFFFFC00, v2  }
0x17b: {  	v13 =	vshll.u32 v6, $0x3;
	v4 =	vor.u32 v0, v2;
	v0 =	vshll.u32 v1, $0x3  }
0x17c: {  	v6 =	vand.u32 $0x7F, v6;
	v2 =	vand.u32 $0xFFFFFC00, v0;
	v0 =	vshll.u32 v3, $0x3  }
0x17d: {  	v8 =	vld [tilespmem:s29+$0x10];
	v1 =	vand.u32 $0x7F, v1;
	v9 =	vand.u32 $0xFFFFFC00, v0;
	v0 =	vshll.u32 v5, $0x3  }
0x17e: {  	v7 =	vld [tilespmem:s29+$0x0];
	v5 =	vand.u32 $0x7F, v5;
	v2 =	vor.u32 v1, v2;
	v0 =	vand.u32 $0xFFFFFC00, v0  }
0x17f: {  	v3 =	vand.u32 $0x7F, v3;
	v0 =	vor.u32 v5, v0;
	v5 =	vand.u32 $0xFFFFFC00, v13  }
0x180: {  	v1 =	vor.u32 v3, v9;
	v10 =	vld.idx.msk [tilespmem:v4+s15+$0x0], $0xffff;
	v3 =	vor.u32 v6, v5  }
0x181: {  	v12 =	vld [tilespmem:s29+$0x20];
	v11 =	vor.u32 $0x80, v4  }
0x182: {  	v9 =	vshll.u32 v8, $0x3  }
0x183: {  	v13 =	vshll.u32 v7, $0x3;
	v5 =	vand.u32 $0xFFFFFC00, v9;
	v9 =	vld.idx.msk [tilespmem:v2+s15+$0x0], $0xffff  }
0x184: {  	s28 =	simm.s32 $0x10200;
	v15 =	vor.u32 $0x80, v2;
	v7 =	vand.u32 $0x7F, v7;
	v13 =	vand.u32 $0xFFFFFC00, v13  }
0x185: {  	v6 =	vand.u32 $0x7F, v8;
	[tilespmem:s28+$0xFFFFFE70] =	vst v10;
	v10 =	vor.u32 v7, v13;
	v14 =	vld.idx.msk [tilespmem:v3+s15+$0x0], $0xffff  }
0x186: {  	v8 =	vshll.u32 v12, $0x3;
	v7 =	vld.idx.msk [tilespmem:v11+s15+$0x0], $0xffff;
	v11 =	vor.u32 v6, v5  }
0x187: {  	v13 =	vor.u32 $0x100, v4;
	v5 =	vld.idx.msk [tilespmem:v0+s15+$0x0], $0xffff;
	v6 =	vand.u32 $0xFFFFFC00, v8;
	v8 =	vand.u32 $0x7F, v12  }
0x188: {  	v12 =	vor.u32 v8, v6;
	v6 =	vld.idx.msk [tilespmem:v1+s15+$0x0], $0xffff;
	v8 =	vor.u32 $0x80, v0;
	[tilespmem:s28+$0xFFFFFE10] =	vst v9  }
0x189: {  	v15 =	vld.idx.msk [tilespmem:v15+s15+$0x0], $0xffff  }
0x18a: {  	v17 =	vor.u32 $0x80, v1;
	v16 =	vld.idx.msk [tilespmem:v10+s15+$0x0], $0xffff  }
0x18b: {  	v18 =	vld.idx.msk [tilespmem:v11+s15+$0x0], $0xffff;
	[tilespmem:s28+$0xFFFFFEF0] =	vst v7;
	v7 =	vor.u32 $0x80, v3  }
0x18c: {  	[tilespmem:s28+$0xFFFFFE00] =	vst v5;
	v5 =	vld.idx.msk [tilespmem:v13+s15+$0x0], $0xffff;
	v13 =	vor.u32 $0x80, v10  }
0x18d: {  	v19 =	vor.u32 $0x80, v11;
	[tilespmem:s28+$0xFFFFFE30] =	vst v14;
	v8 =	vld.idx.msk [tilespmem:v8+s15+$0x0], $0xffff  }
0x18e: {  	v9 =	vld.idx.msk [tilespmem:v12+s15+$0x0], $0xffff;
	[tilespmem:s28+$0xFFFFFE20] =	vst v6;
	v6 =	vor.u32 $0x180, v4  }
0x18f: {  	v14 =	vor.u32 $0x80, v12;
	v17 =	vld.idx.msk [tilespmem:v17+s15+$0x0], $0xffff;
	[tilespmem:s28+$0xFFFFFE40] =	vst v16  }
0x190: {  	v16 =	vor.u32 $0x100, v0;
	v7 =	vld.idx.msk [tilespmem:v7+s15+$0x0], $0xffff;
	[tilespmem:s28+$0xFFFFFE50] =	vst v18  }
0x191: {  	v18 =	vor.u32 $0x100, v2;
	v13 =	vld.idx.msk [tilespmem:v13+s15+$0x0], $0xffff;
	[tilespmem:s28+$0xFFFFFF70] =	vst v5  }
0x192: {  	v5 =	vor.u32 $0x100, v1;
	[tilespmem:s28+$0xFFFFFE80] =	vst v8;
	v8 =	vld.idx.msk [tilespmem:v19+s15+$0x0], $0xffff  }
0x193: {  	[tilespmem:s28+$0xFFFFFE60] =	vst v9;
	v9 =	vor.u32 $0x100, v3;
	v6 =	vld.idx.msk [tilespmem:v6+s15+$0x0], $0xffff  }
0x194: {  	[tilespmem:s28+$0xFFFFFE90] =	vst v15;
	v19 =	vor.u32 $0x100, v10;
	v14 =	vld.idx.msk [tilespmem:v14+s15+$0x0], $0xffff  }
0x195: {  	[tilespmem:s28+$0xFFFFFEA0] =	vst v17;
	v17 =	vor.u32 $0x100, v11;
	v16 =	vld.idx.msk [tilespmem:v16+s15+$0x0], $0xffff  }
0x196: {  	v15 =	vor.u32 $0x200, v4;
	v18 =	vld.idx.msk [tilespmem:v18+s15+$0x0], $0xffff;
	[tilespmem:s28+$0xFFFFFEB0] =	vst v7  }
0x197: {  	v7 =	vor.u32 $0x100, v12;
	v5 =	vld.idx.msk [tilespmem:v5+s15+$0x0], $0xffff;
	[tilespmem:s28+$0xFFFFFEC0] =	vst v13  }
0x198: {  	v13 =	vor.u32 $0x180, v0;
	v9 =	vld.idx.msk [tilespmem:v9+s15+$0x0], $0xffff;
	[tilespmem:s28+$0xFFFFFED0] =	vst v8  }
0x199: {  	[tilespmem:s28+$0xFFFFFFF0] =	vst v6;
	v6 =	vor.u32 $0x180, v2;
	v19 =	vld.idx.msk [tilespmem:v19+s15+$0x0], $0xffff  }
0x19a: {  	[tilespmem:s28+$0xFFFFFEE0] =	vst v14;
	v14 =	vld.idx.msk [tilespmem:v17+s15+$0x0], $0xffff;
	v17 =	vor.u32 $0x180, v3  }
0x19b: {  	v8 =	vld.idx.msk [tilespmem:v15+s15+$0x0], $0xffff;
	v15 =	vor.u32 $0x180, v1;
	[tilespmem:s28+$0xFFFFFF00] =	vst v16  }
0x19c: {  	v16 =	vor.u32 $0x280, v4;
	[tilespmem:s28+$0xFFFFFF10] =	vst v18;
	v7 =	vld.idx.msk [tilespmem:v7+s15+$0x0], $0xffff  }
0x19d: {  	v18 =	vor.u32 $0x180, v10;
	v13 =	vld.idx.msk [tilespmem:v13+s15+$0x0], $0xffff;
	[tilespmem:s28+$0xFFFFFF20] =	vst v5  }
0x19e: {  	v5 =	vor.u32 $0x180, v11;
	[tilespmem:s28+$0xFFFFFF30] =	vst v9;
	v6 =	vld.idx.msk [tilespmem:v6+s15+$0x0], $0xffff  }
0x19f: {  	v9 =	vor.u32 $0x180, v12;
	[tilespmem:s28+$0xFFFFFF40] =	vst v19;
	v17 =	vld.idx.msk [tilespmem:v17+s15+$0x0], $0xffff  }
0x1a0: {  	v15 =	vld.idx.msk [tilespmem:v15+s15+$0x0], $0xffff;
	[tilespmem:s28+$0x70] =	vst v8;
	v8 =	vor.u32 $0x200, v0  }
0x1a1: {  	v19 =	vor.u32 $0x200, v2;
	[tilespmem:s28+$0xFFFFFF50] =	vst v14;
	v16 =	vld.idx.msk [tilespmem:v16+s15+$0x0], $0xffff  }
0x1a2: {  	v14 =	vld.idx.msk [tilespmem:v18+s15+$0x0], $0xffff;
	[tilespmem:s28+$0xFFFFFF60] =	vst v7;
	v7 =	vor.u32 $0x300, v4  }
0x1a3: {  	v18 =	vor.u32 $0x200, v1;
	[tilespmem:s28+$0xFFFFFF80] =	vst v13;
	v5 =	vld.idx.msk [tilespmem:v5+s15+$0x0], $0xffff  }
0x1a4: {  	v13 =	vor.u32 $0x200, v3;
	[tilespmem:s28+$0xFFFFFF90] =	vst v6;
	v6 =	vld.idx.msk [tilespmem:v9+s15+$0x0], $0xffff  }
0x1a5: {  	v9 =	vor.u32 $0x200, v10;
	v8 =	vld.idx.msk [tilespmem:v8+s15+$0x0], $0xffff;
	[tilespmem:s28+$0xFFFFFFA0] =	vst v15  }
0x1a6: {  	v15 =	vor.u32 $0x200, v11;
	v19 =	vld.idx.msk [tilespmem:v19+s15+$0x0], $0xffff;
	[tilespmem:s28+$0xF0] =	vst v16  }
0x1a7: {  	[tilespmem:s28+$0xFFFFFFB0] =	vst v17;
	v16 =	vor.u32 $0x200, v12;
	v7 =	vld.idx.msk [tilespmem:v7+s15+$0x0], $0xffff  }
0x1a8: {  	v17 =	vor.u32 $0x280, v0;
	v18 =	vld.idx.msk [tilespmem:v18+s15+$0x0], $0xffff;
	[tilespmem:s28+$0xFFFFFFC0] =	vst v14  }
0x1a9: {  	v4 =	vor.u32 $0x380, v4;
	v13 =	vld.idx.msk [tilespmem:v13+s15+$0x0], $0xffff;
	[tilespmem:s28+$0xFFFFFFD0] =	vst v5  }
0x1aa: {  	v5 =	vor.u32 $0x280, v2;
	v9 =	vld.idx.msk [tilespmem:v9+s15+$0x0], $0xffff;
	[tilespmem:s28+$0xFFFFFFE0] =	vst v6  }
0x1ab: {  	v6 =	vor.u32 $0x280, v1;
	[tilespmem:s28+$0x0] =	vst v8;
	v8 =	vld.idx.msk [tilespmem:v15+s15+$0x0], $0xffff  }
0x1ac: {  	v14 =	vor.u32 $0x280, v3;
	[tilespmem:s28+$0x10] =	vst v19;
	v15 =	vld.idx.msk [tilespmem:v16+s15+$0x0], $0xffff  }
0x1ad: {  	v16 =	vor.u32 $0x280, v10;
	v17 =	vld.idx.msk [tilespmem:v17+s15+$0x0], $0xffff;
	[tilespmem:s28+$0x170] =	vst v7  }
0x1ae: {  	v7 =	vor.u32 $0x280, v11;
	[tilespmem:s28+$0x20] =	vst v18;
	v4 =	vld.idx.msk [tilespmem:v4+s15+$0x0], $0xffff  }
0x1af: {  	v18 =	vor.u32 $0x280, v12;
	v5 =	vld.idx.msk [tilespmem:v5+s15+$0x0], $0xffff;
	[tilespmem:s28+$0x30] =	vst v13  }
0x1b0: {  	v13 =	vor.u32 $0x300, v0;
	v6 =	vld.idx.msk [tilespmem:v6+s15+$0x0], $0xffff;
	[tilespmem:s28+$0x40] =	vst v9  }
0x1b1: {  	v9 =	vor.u32 $0x300, v2;
	v19 =	vld.idx.msk [tilespmem:v14+s15+$0x0], $0xffff;
	[tilespmem:s28+$0x50] =	vst v8  }
0x1b2: {  	v20 =	vor.u32 $0x300, v1;
	v21 =	vld.idx.msk [tilespmem:v16+s15+$0x0], $0xffff;
	[tilespmem:s28+$0x60] =	vst v15  }
0x1b3: {  	v22 =	vor.u32 $0x300, v3;
	[tilespmem:s28+$0x80] =	vst v17;
	v17 =	vld.idx.msk [tilespmem:v7+s15+$0x0], $0xffff  }
0x1b4: {  	v23 =	vor.u32 $0x300, v10;
	v15 =	vld.idx.msk [tilespmem:v18+s15+$0x0], $0xffff;
	[tilespmem:s28+$0x1F0] =	vst v4  }
0x1b5: {  	s26 =	sand.u32 $0x7, s21;
	v14 =	vld.idx.msk [tilespmem:v13+s15+$0x0], $0xffff;
	[tilespmem:s28+$0x90] =	vst v5  }
0x1b6: {  	s26 =	sshll.u32 s26, $0x9;
	v13 =	vld.idx.msk [tilespmem:v9+s15+$0x0], $0xffff;
	[tilespmem:s28+$0xA0] =	vst v6  }
0x1b7: {  	s25 =	sor.u32 s26, s25;
	v8 =	vor.u32 $0x300, v11;
	v7 =	vor.u32 $0x380, v0;
	v0 =	vor.u32 $0x380, v12;
	[tilespmem:s28+$0xB0] =	vst v19;
	v16 =	vld.idx.msk [tilespmem:v20+s15+$0x0], $0xffff  }
0x1b8: {  	s30 =	simm.s32 $0x0;
	s31 =	sadd.s32 $0x400, s29;
	s25 =	sshrl.u32 s25, $0x2;
	v5 =	vor.u32 $0x380, v1;
	v4 =	vor.u32 $0x380, v3;
	v1 =	vor.u32 $0x380, v11;
	v3 =	vld.idx.msk [tilespmem:v22+s15+$0x0], $0xffff;
	[tilespmem:s28+$0xC0] =	vst v21  }
0x1b9: {  	s29 =	simm.s32 $0x10200;
	s26 =	sshll.u32 s24, $0x1;
	s25 =	sadd.s32 $0xF0, s25;
	v6 =	vor.u32 $0x380, v2;
	v9 =	vor.u32 $0x300, v12;
	v2 =	vor.u32 $0x380, v10;
	v10 =	vld.idx.msk [tilespmem:v23+s15+$0x0], $0xffff;
	[tilespmem:s28+$0xD0] =	vst v17  }
.LBB2_9:
0x1ba: {  	v11 =	vld [tilespmem:s31+$0x30];
	s30 =	sadd.s32 $0x8, s30;
	[tilespmem:s28+$0xE0] =	vst v15  }
0x1bb: {  	v12 =	vld [tilespmem:s31+$0xFFFFFFD0];
	p2 =	slt.u32 s30, $0x38;
	[tilespmem:s28+$0x100] =	vst v14  }
0x1bc: {  	v14 =	vld [tilespmem:s31+$0xFFFFFFE0];
	[tilespmem:s28+$0x110] =	vst v13  }
0x1bd: {  	v13 =	vld [tilespmem:s31+$0xFFFFFFF0];
	[tilespmem:s28+$0x120] =	vst v16  }
0x1be: {  	v15 =	vld [tilespmem:s31+$0x0];
	[tilespmem:s28+$0x130] =	vst v3  }
0x1bf: {  	v16 =	vld [tilespmem:s31+$0x10];
	v3 =	vshll.u32 v11, $0x3;
	[tilespmem:s28+$0x140] =	vst v10  }
0x1c0: {  	v11 =	vand.u32 $0x7F, v11;
	v10 =	vshll.u32 v12, $0x3;
	v17 =	vld [tilespmem:s31+$0x20];
	v3 =	vand.u32 $0xFFFFFC00, v3  }
0x1c1: {  	v18 =	vld [tilespmem:s31+$0xFFFFFFC0];
	v10 =	vand.u32 $0xFFFFFC00, v10;
	v19 =	vshll.u32 v14, $0x3;
	v3 =	vor.u32 v11, v3  }
0x1c2: {  	v11 =	vand.u32 $0x7F, v12;
	v12 =	vand.u32 $0xFFFFFC00, v19;
	v19 =	vshll.u32 v13, $0x3;
	v8 =	vld.idx.msk [tilespmem:v8+s15+$0x0], $0xffff  }
0x1c3: {  	v14 =	vand.u32 $0x7F, v14;
	v19 =	vand.u32 $0xFFFFFC00, v19;
	v20 =	vshll.u32 v15, $0x3;
	v9 =	vld.idx.msk [tilespmem:v9+s15+$0x0], $0xffff  }
0x1c4: {  	v13 =	vand.u32 $0x7F, v13;
	v20 =	vand.u32 $0xFFFFFC00, v20;
	v21 =	vshll.u32 v16, $0x3;
	v7 =	vld.idx.msk [tilespmem:v7+s15+$0x0], $0xffff  }
0x1c5: {  	v15 =	vand.u32 $0x7F, v15;
	v21 =	vand.u32 $0xFFFFFC00, v21;
	v22 =	vshll.u32 v17, $0x3;
	v6 =	vld.idx.msk [tilespmem:v6+s15+$0x0], $0xffff  }
0x1c6: {  	v23 =	vand.u32 $0x7F, v18;
	v18 =	vshll.u32 v18, $0x3;
	v22 =	vand.u32 $0xFFFFFC00, v22;
	v24 =	vld.idx.msk [tilespmem:v3+s15+$0x0], $0xffff  }
0x1c7: {  	v16 =	vand.u32 $0x7F, v16;
	v17 =	vand.u32 $0x7F, v17;
	v18 =	vand.u32 $0xFFFFFC00, v18;
	v5 =	vld.idx.msk [tilespmem:v5+s15+$0x0], $0xffff  }
0x1c8: {  	v25 =	vor.u32 v11, v10;
	v10 =	vor.u32 $0x80, v3;
	v23 =	vor.u32 v23, v18;
	v4 =	vld.idx.msk [tilespmem:v4+s15+$0x0], $0xffff;
	[tilespmem:s28+$0x150] =	vst v8  }
0x1c9: {  	v26 =	vor.u32 v14, v12;
	v27 =	vor.u32 v13, v19;
	v28 =	vor.u32 v15, v20;
	[tilespmem:s28+$0x160] =	vst v9  }
0x1ca: {  	v21 =	vor.u32 v16, v21;
	v22 =	vor.u32 v17, v22;
	v8 =	vor.u32 $0x80, v23;
	[tilespmem:s28+$0x180] =	vst v7;
	v2 =	vld.idx.msk [tilespmem:v2+s15+$0x0], $0xffff  }
0x1cb: {  	v29 =	vor.u32 $0x80, v27;
	v9 =	vor.u32 $0x80, v26;
	v7 =	vor.u32 $0x80, v25;
	s28 =	sadd.s32 $0x400, s28;
	[tilespmem:s29+$0x190] =	vst v6;
	v1 =	vld.idx.msk [tilespmem:v1+s15+$0x0], $0xffff  }
0x1cc: {  	v30 =	vor.u32 $0x80, v28;
	v31 =	vor.u32 $0x80, v21;
	v32 =	vor.u32 $0x80, v22;
	[tilespmem:s28+$0xFFFFFE70] =	vst v24;
	v0 =	vld.idx.msk [tilespmem:v0+s15+$0x0], $0xffff  }
0x1cd: {  	v33 =	vor.u32 $0x100, v25;
	v34 =	vor.u32 $0x100, v26;
	v24 =	vor.u32 $0x100, v23;
	v6 =	vld.idx.msk [tilespmem:v10+s15+$0x0], $0xffff;
	[tilespmem:s29+$0x1A0] =	vst v5  }
0x1ce: {  	v35 =	vor.u32 $0x100, v27;
	v36 =	vor.u32 $0x100, v28;
	v37 =	vor.u32 $0x100, v21;
	v5 =	vld.idx.msk [tilespmem:v23+s15+$0x0], $0xffff;
	[tilespmem:s29+$0x1B0] =	vst v4  }
0x1cf: {  	v39 =	vor.u32 $0x100, v22;
	v38 =	vor.u32 $0x180, v23;
	v10 =	vor.u32 $0x100, v3;
	v4 =	vld.idx.msk [tilespmem:v25+s15+$0x0], $0xffff  }
0x1d0: {  	v40 =	vor.u32 $0x180, v25;
	v41 =	vor.u32 $0x180, v26;
	v42 =	vor.u32 $0x180, v27;
	v11 =	vld.idx.msk [tilespmem:v26+s15+$0x0], $0xffff;
	[tilespmem:s29+$0x1C0] =	vst v2  }
0x1d1: {  	v43 =	vor.u32 $0x180, v28;
	v44 =	vor.u32 $0x180, v21;
	v45 =	vor.u32 $0x180, v22;
	v2 =	vld.idx.msk [tilespmem:v27+s15+$0x0], $0xffff;
	[tilespmem:s29+$0x1D0] =	vst v1  }
0x1d2: {  	v47 =	vor.u32 $0x200, v25;
	v48 =	vor.u32 $0x200, v26;
	v46 =	vor.u32 $0x200, v23;
	v1 =	vld.idx.msk [tilespmem:v28+s15+$0x0], $0xffff;
	[tilespmem:s29+$0x1E0] =	vst v0;
	s29 =	smov.u32 s28  }
0x1d3: {  	v49 =	vor.u32 $0x200, v27;
	v50 =	vor.u32 $0x200, v28;
	v51 =	vor.u32 $0x200, v21;
	v0 =	vld.idx.msk [tilespmem:v21+s15+$0x0], $0xffff;
	[tilespmem:s28+$0xFFFFFEF0] =	vst v6  }
0x1d4: {  	v18 =	vor.u32 $0x280, v25;
	v53 =	vor.u32 $0x200, v22;
	v52 =	vor.u32 $0x280, v23;
	[tilespmem:s28+$0xFFFFFE00] =	vst v5;
	v54 =	vld.idx.msk [tilespmem:v10+s15+$0x0], $0xffff  }
0x1d5: {  	v20 =	vor.u32 $0x280, v26;
	v19 =	vor.u32 $0x280, v27;
	v15 =	vor.u32 $0x280, v28;
	[tilespmem:s28+$0xFFFFFE10] =	vst v4;
	v55 =	vld.idx.msk [tilespmem:v22+s15+$0x0], $0xffff  }
0x1d6: {  	v57 =	vor.u32 $0x180, v3;
	v17 =	vor.u32 $0x280, v21;
	v16 =	vor.u32 $0x280, v22;
	v56 =	vld.idx.msk [tilespmem:v8+s15+$0x0], $0xffff;
	[tilespmem:s28+$0xFFFFFE20] =	vst v11  }
0x1d7: {  	v13 =	vor.u32 $0x300, v25;
	v14 =	vor.u32 $0x300, v23;
	v10 =	vor.u32 $0x300, v26;
	v58 =	vld.idx.msk [tilespmem:v7+s15+$0x0], $0xffff;
	[tilespmem:s28+$0xFFFFFE30] =	vst v2  }
0x1d8: {  	v12 =	vor.u32 $0x300, v27;
	v11 =	vor.u32 $0x300, v28;
	v8 =	vor.u32 $0x300, v21;
	v59 =	vld.idx.msk [tilespmem:v9+s15+$0x0], $0xffff;
	[tilespmem:s28+$0xFFFFFE40] =	vst v1  }
0x1d9: {  	v6 =	vor.u32 $0x380, v25;
	v7 =	vor.u32 $0x380, v23;
	v9 =	vor.u32 $0x300, v22;
	v23 =	vld.idx.msk [tilespmem:v29+s15+$0x0], $0xffff;
	[tilespmem:s28+$0xFFFFFE50] =	vst v0  }
0x1da: {  	v5 =	vor.u32 $0x380, v26;
	v4 =	vor.u32 $0x380, v27;
	v2 =	vor.u32 $0x380, v28;
	v25 =	vld.idx.msk [tilespmem:v30+s15+$0x0], $0xffff;
	[tilespmem:s28+$0xFFFFFF70] =	vst v54  }
0x1db: {  	v1 =	vor.u32 $0x380, v21;
	v0 =	vor.u32 $0x380, v22;
	[tilespmem:s28+$0xFFFFFE60] =	vst v55;
	v21 =	vld.idx.msk [tilespmem:v57+s15+$0x0], $0xffff  }
0x1dc: {  	[tilespmem:s28+$0xFFFFFE80] =	vst v56;
	v22 =	vld.idx.msk [tilespmem:v31+s15+$0x0], $0xffff  }
0x1dd: {  	v27 =	vor.u32 $0x200, v3;
	[tilespmem:s28+$0xFFFFFE90] =	vst v58;
	v26 =	vld.idx.msk [tilespmem:v32+s15+$0x0], $0xffff  }
0x1de: {  	v24 =	vld.idx.msk [tilespmem:v24+s15+$0x0], $0xffff;
	[tilespmem:s28+$0xFFFFFEA0] =	vst v59  }
0x1df: {  	v28 =	vld.idx.msk [tilespmem:v33+s15+$0x0], $0xffff;
	[tilespmem:s28+$0xFFFFFEB0] =	vst v23  }
0x1e0: {  	v23 =	vld.idx.msk [tilespmem:v34+s15+$0x0], $0xffff;
	[tilespmem:s28+$0xFFFFFEC0] =	vst v25  }
0x1e1: {  	v25 =	vld.idx.msk [tilespmem:v35+s15+$0x0], $0xffff;
	[tilespmem:s28+$0xFFFFFFF0] =	vst v21  }
0x1e2: {  	[tilespmem:s28+$0xFFFFFED0] =	vst v22;
	v21 =	vld.idx.msk [tilespmem:v27+s15+$0x0], $0xffff  }
0x1e3: {  	v22 =	vld.idx.msk [tilespmem:v36+s15+$0x0], $0xffff;
	[tilespmem:s28+$0xFFFFFEE0] =	vst v26  }
0x1e4: {  	v26 =	vor.u32 $0x280, v3;
	[tilespmem:s28+$0xFFFFFF00] =	vst v24;
	v24 =	vld.idx.msk [tilespmem:v37+s15+$0x0], $0xffff  }
0x1e5: {  	[tilespmem:s28+$0xFFFFFF10] =	vst v28;
	v27 =	vld.idx.msk [tilespmem:v39+s15+$0x0], $0xffff  }
0x1e6: {  	v28 =	vld.idx.msk [tilespmem:v38+s15+$0x0], $0xffff;
	[tilespmem:s28+$0xFFFFFF20] =	vst v23  }
0x1e7: {  	v23 =	vld.idx.msk [tilespmem:v40+s15+$0x0], $0xffff;
	[tilespmem:s28+$0xFFFFFF30] =	vst v25  }
0x1e8: {  	v25 =	vld.idx.msk [tilespmem:v41+s15+$0x0], $0xffff;
	[tilespmem:s28+$0x70] =	vst v21  }
0x1e9: {  	[tilespmem:s28+$0xFFFFFF40] =	vst v22;
	v21 =	vld.idx.msk [tilespmem:v26+s15+$0x0], $0xffff  }
0x1ea: {  	v22 =	vld.idx.msk [tilespmem:v42+s15+$0x0], $0xffff;
	[tilespmem:s28+$0xFFFFFF50] =	vst v24  }
0x1eb: {  	v26 =	vor.u32 $0x300, v3;
	v24 =	vld.idx.msk [tilespmem:v43+s15+$0x0], $0xffff;
	[tilespmem:s28+$0xFFFFFF60] =	vst v27  }
0x1ec: {  	[tilespmem:s28+$0xFFFFFF80] =	vst v28;
	v27 =	vld.idx.msk [tilespmem:v44+s15+$0x0], $0xffff  }
0x1ed: {  	[tilespmem:s28+$0xFFFFFF90] =	vst v23;
	v23 =	vld.idx.msk [tilespmem:v45+s15+$0x0], $0xffff  }
0x1ee: {  	v28 =	vld.idx.msk [tilespmem:v46+s15+$0x0], $0xffff;
	[tilespmem:s28+$0xFFFFFFA0] =	vst v25  }
0x1ef: {  	v25 =	vld.idx.msk [tilespmem:v47+s15+$0x0], $0xffff;
	[tilespmem:s28+$0xF0] =	vst v21  }
0x1f0: {  	[tilespmem:s28+$0xFFFFFFB0] =	vst v22;
	v21 =	vld.idx.msk [tilespmem:v26+s15+$0x0], $0xffff  }
0x1f1: {  	v22 =	vld.idx.msk [tilespmem:v48+s15+$0x0], $0xffff;
	[tilespmem:s28+$0xFFFFFFC0] =	vst v24  }
0x1f2: {  	v3 =	vor.u32 $0x380, v3;
	v24 =	vld.idx.msk [tilespmem:v49+s15+$0x0], $0xffff;
	[tilespmem:s28+$0xFFFFFFD0] =	vst v27  }
0x1f3: {  	v26 =	vld.idx.msk [tilespmem:v50+s15+$0x0], $0xffff;
	[tilespmem:s28+$0xFFFFFFE0] =	vst v23  }
0x1f4: {  	[tilespmem:s28+$0x0] =	vst v28;
	v23 =	vld.idx.msk [tilespmem:v51+s15+$0x0], $0xffff  }
0x1f5: {  	[tilespmem:s28+$0x10] =	vst v25;
	v25 =	vld.idx.msk [tilespmem:v53+s15+$0x0], $0xffff  }
0x1f6: {  	v27 =	vld.idx.msk [tilespmem:v52+s15+$0x0], $0xffff;
	[tilespmem:s28+$0x170] =	vst v21  }
0x1f7: {  	[tilespmem:s28+$0x20] =	vst v22;
	v3 =	vld.idx.msk [tilespmem:v3+s15+$0x0], $0xffff  }
0x1f8: {  	v18 =	vld.idx.msk [tilespmem:v18+s15+$0x0], $0xffff;
	[tilespmem:s28+$0x30] =	vst v24  }
0x1f9: {  	v20 =	vld.idx.msk [tilespmem:v20+s15+$0x0], $0xffff;
	[tilespmem:s28+$0x40] =	vst v26  }
0x1fa: {  	v19 =	vld.idx.msk [tilespmem:v19+s15+$0x0], $0xffff;
	[tilespmem:s28+$0x50] =	vst v23  }
0x1fb: {  	v21 =	vld.idx.msk [tilespmem:v15+s15+$0x0], $0xffff;
	[tilespmem:s28+$0x60] =	vst v25  }
0x1fc: {  	[tilespmem:s28+$0x80] =	vst v27;
	v17 =	vld.idx.msk [tilespmem:v17+s15+$0x0], $0xffff  }
0x1fd: {  	v15 =	vld.idx.msk [tilespmem:v16+s15+$0x0], $0xffff;
	[tilespmem:s28+$0x1F0] =	vst v3  }
.Ltmp5:
0x1fe: {  	v14 =	vld.idx.msk [tilespmem:v14+s15+$0x0], $0xffff;
	[tilespmem:s28+$0x90] =	vst v18;
	(pc) =	sbr.rel @p2 .LBB2_9-.Ltmp5, $4  }
0x1ff: {  	v13 =	vld.idx.msk [tilespmem:v13+s15+$0x0], $0xffff;
	[tilespmem:s28+$0xA0] =	vst v20  }
0x200: {  	v16 =	vld.idx.msk [tilespmem:v10+s15+$0x0], $0xffff;
	[tilespmem:s28+$0xB0] =	vst v19  }
0x201: {  	v3 =	vld.idx.msk [tilespmem:v12+s15+$0x0], $0xffff;
	[tilespmem:s28+$0xC0] =	vst v21  }
0x202: {  	s31 =	sadd.s32 $0x400, s31;
	v10 =	vld.idx.msk [tilespmem:v11+s15+$0x0], $0xffff;
	[tilespmem:s28+$0xD0] =	vst v17  }
0x203: {  	_ =	sdelay $0x2  }
0x204: {  	[tilespmem:s28+$0xE0] =	vst v15  }
0x205: {  	[tilespmem:s28+$0x100] =	vst v14;
	v8 =	vld.idx.msk [tilespmem:v8+s15+$0x0], $0xffff  }
0x206: {  	[tilespmem:s28+$0x110] =	vst v13;
	v9 =	vld.idx.msk [tilespmem:v9+s15+$0x0], $0xffff  }
0x207: {  	v7 =	vld.idx.msk [tilespmem:v7+s15+$0x0], $0xffff;
	[tilespmem:s28+$0x120] =	vst v16  }
0x208: {  	[tilespmem:s28+$0x130] =	vst v3;
	v3 =	vld.idx.msk [tilespmem:v6+s15+$0x0], $0xffff  }
0x209: {  	v5 =	vld.idx.msk [tilespmem:v5+s15+$0x0], $0xffff;
	[tilespmem:s28+$0x140] =	vst v10  }
0x20a: {  	v4 =	vld.idx.msk [tilespmem:v4+s15+$0x0], $0xffff;
	[tilespmem:s28+$0x150] =	vst v8  }
0x20b: {  	v2 =	vld.idx.msk [tilespmem:v2+s15+$0x0], $0xffff;
	[tilespmem:s28+$0x160] =	vst v9  }
0x20c: {  	[tilespmem:s28+$0x180] =	vst v7;
	v1 =	vld.idx.msk [tilespmem:v1+s15+$0x0], $0xffff  }
0x20d: {  	s28 =	smul.u32 $0xFA, s24;
	v0 =	vld.idx.msk [tilespmem:v0+s15+$0x0], $0xffff;
	[tilespmem:s29+$0x190] =	vst v3  }
0x20e: {  	[tilespmem:s29+$0x1A0] =	vst v5  }
0x20f: {  	s28 =	sadd.s32 s7, s28;
	[tilespmem:s29+$0x1B0] =	vst v4  }
0x210: {  	s28 =	sshll.u32 s28, $0xA;
	[tilespmem:s29+$0x1C0] =	vst v2  }
0x211: {  	s28 =	sand.u32 $0x1FFFFC00, s28;
	[tilespmem:s29+$0x1D0] =	vst v1  }
0x212: {  	s28 =	sadd.s32 s3, s28;
	[tilespmem:s29+$0x1E0] =	vst v0  }
0x213: {  	[hbm4b:s28+s4] =	stream.linear.scatter [tilespmem:s16], [sflag:$0x1], $0x2000, $0x38;
	[tilespmem:$0x14000] =	vst v63  }
0x214: {  	s28 =	simm.s32 @!p1 $0x2  }
0x215: {  	_ =	swait.ge @!p1 [sflag:s28], $0x2000  }
0x216: {  	[sflag:s28] =	ssyncset.done @!p1 $0x0  }
0x217: {  	[sflag:s28] =	ssyncadd.s32 @!p1 $0xFFFFE000  }
0x218: {  	v0 =	vld [tilespmem:s25+$0x0]  }
0x219: {  	v1 =	vld [tilespmem:s25+$0xFFFFFFA0]  }
0x21a: {  	v6 =	vld [tilespmem:s25+$0xFFFFFFC0]  }
0x21b: {  	v3 =	vld [tilespmem:s25+$0xFFFFFFB0]  }
0x21c: {  	v5 =	vld [tilespmem:s25+$0xFFFFFF90]  }
0x21d: {  	v2 =	vshll.u32 v0, $0x3  }
0x21e: {  	v0 =	vand.u32 $0x7F, v0;
	v2 =	vand.u32 $0xFFFFFC00, v2  }
0x21f: {  	v13 =	vshll.u32 v6, $0x3;
	v4 =	vor.u32 v0, v2;
	v0 =	vshll.u32 v1, $0x3  }
0x220: {  	v6 =	vand.u32 $0x7F, v6;
	v2 =	vand.u32 $0xFFFFFC00, v0;
	v0 =	vshll.u32 v3, $0x3  }
0x221: {  	v8 =	vld [tilespmem:s25+$0xFFFFFFE0];
	v1 =	vand.u32 $0x7F, v1;
	v9 =	vand.u32 $0xFFFFFC00, v0;
	v0 =	vshll.u32 v5, $0x3  }
0x222: {  	v7 =	vld [tilespmem:s25+$0xFFFFFFD0];
	v5 =	vand.u32 $0x7F, v5;
	v2 =	vor.u32 v1, v2;
	v0 =	vand.u32 $0xFFFFFC00, v0  }
0x223: {  	v3 =	vand.u32 $0x7F, v3;
	v0 =	vor.u32 v5, v0;
	v5 =	vand.u32 $0xFFFFFC00, v13  }
0x224: {  	v1 =	vor.u32 v3, v9;
	v10 =	vld.idx.msk [tilespmem:v4+s15+$0x0], $0xffff;
	v3 =	vor.u32 v6, v5  }
0x225: {  	v12 =	vld [tilespmem:s25+$0xFFFFFFF0];
	v11 =	vor.u32 $0x80, v4  }
0x226: {  	v9 =	vshll.u32 v8, $0x3  }
0x227: {  	v13 =	vshll.u32 v7, $0x3;
	v5 =	vand.u32 $0xFFFFFC00, v9;
	v9 =	vld.idx.msk [tilespmem:v2+s15+$0x0], $0xffff  }
0x228: {  	s28 =	simm.s32 $0x12200;
	v15 =	vor.u32 $0x80, v2;
	v7 =	vand.u32 $0x7F, v7;
	v13 =	vand.u32 $0xFFFFFC00, v13  }
0x229: {  	v6 =	vand.u32 $0x7F, v8;
	[tilespmem:s28+$0xFFFFFE70] =	vst v10;
	v10 =	vor.u32 v7, v13;
	v14 =	vld.idx.msk [tilespmem:v3+s15+$0x0], $0xffff  }
0x22a: {  	v8 =	vshll.u32 v12, $0x3;
	v7 =	vld.idx.msk [tilespmem:v11+s15+$0x0], $0xffff;
	v11 =	vor.u32 v6, v5  }
0x22b: {  	v13 =	vor.u32 $0x100, v4;
	v5 =	vld.idx.msk [tilespmem:v0+s15+$0x0], $0xffff;
	v6 =	vand.u32 $0xFFFFFC00, v8;
	v8 =	vand.u32 $0x7F, v12  }
0x22c: {  	v12 =	vor.u32 v8, v6;
	v6 =	vld.idx.msk [tilespmem:v1+s15+$0x0], $0xffff;
	v8 =	vor.u32 $0x80, v0;
	[tilespmem:s28+$0xFFFFFE10] =	vst v9  }
0x22d: {  	v15 =	vld.idx.msk [tilespmem:v15+s15+$0x0], $0xffff  }
0x22e: {  	v17 =	vor.u32 $0x80, v1;
	v16 =	vld.idx.msk [tilespmem:v10+s15+$0x0], $0xffff  }
0x22f: {  	v18 =	vld.idx.msk [tilespmem:v11+s15+$0x0], $0xffff;
	[tilespmem:s28+$0xFFFFFEF0] =	vst v7;
	v7 =	vor.u32 $0x80, v3  }
0x230: {  	[tilespmem:s28+$0xFFFFFE00] =	vst v5;
	v5 =	vld.idx.msk [tilespmem:v13+s15+$0x0], $0xffff;
	v13 =	vor.u32 $0x80, v10  }
0x231: {  	v19 =	vor.u32 $0x80, v11;
	[tilespmem:s28+$0xFFFFFE30] =	vst v14;
	v8 =	vld.idx.msk [tilespmem:v8+s15+$0x0], $0xffff  }
0x232: {  	v9 =	vld.idx.msk [tilespmem:v12+s15+$0x0], $0xffff;
	[tilespmem:s28+$0xFFFFFE20] =	vst v6;
	v6 =	vor.u32 $0x180, v4  }
0x233: {  	v14 =	vor.u32 $0x80, v12;
	v17 =	vld.idx.msk [tilespmem:v17+s15+$0x0], $0xffff;
	[tilespmem:s28+$0xFFFFFE40] =	vst v16  }
0x234: {  	v16 =	vor.u32 $0x100, v0;
	v7 =	vld.idx.msk [tilespmem:v7+s15+$0x0], $0xffff;
	[tilespmem:s28+$0xFFFFFE50] =	vst v18  }
0x235: {  	v18 =	vor.u32 $0x100, v2;
	v13 =	vld.idx.msk [tilespmem:v13+s15+$0x0], $0xffff;
	[tilespmem:s28+$0xFFFFFF70] =	vst v5  }
0x236: {  	v5 =	vor.u32 $0x100, v1;
	[tilespmem:s28+$0xFFFFFE80] =	vst v8;
	v8 =	vld.idx.msk [tilespmem:v19+s15+$0x0], $0xffff  }
0x237: {  	[tilespmem:s28+$0xFFFFFE60] =	vst v9;
	v9 =	vor.u32 $0x100, v3;
	v6 =	vld.idx.msk [tilespmem:v6+s15+$0x0], $0xffff  }
0x238: {  	[tilespmem:s28+$0xFFFFFE90] =	vst v15;
	v19 =	vor.u32 $0x100, v10;
	v14 =	vld.idx.msk [tilespmem:v14+s15+$0x0], $0xffff  }
0x239: {  	[tilespmem:s28+$0xFFFFFEA0] =	vst v17;
	v17 =	vor.u32 $0x100, v11;
	v16 =	vld.idx.msk [tilespmem:v16+s15+$0x0], $0xffff  }
0x23a: {  	v15 =	vor.u32 $0x200, v4;
	v18 =	vld.idx.msk [tilespmem:v18+s15+$0x0], $0xffff;
	[tilespmem:s28+$0xFFFFFEB0] =	vst v7  }
0x23b: {  	v7 =	vor.u32 $0x100, v12;
	v5 =	vld.idx.msk [tilespmem:v5+s15+$0x0], $0xffff;
	[tilespmem:s28+$0xFFFFFEC0] =	vst v13  }
0x23c: {  	v13 =	vor.u32 $0x180, v0;
	v9 =	vld.idx.msk [tilespmem:v9+s15+$0x0], $0xffff;
	[tilespmem:s28+$0xFFFFFED0] =	vst v8  }
0x23d: {  	[tilespmem:s28+$0xFFFFFFF0] =	vst v6;
	v6 =	vor.u32 $0x180, v2;
	v19 =	vld.idx.msk [tilespmem:v19+s15+$0x0], $0xffff  }
0x23e: {  	[tilespmem:s28+$0xFFFFFEE0] =	vst v14;
	v14 =	vld.idx.msk [tilespmem:v17+s15+$0x0], $0xffff;
	v17 =	vor.u32 $0x180, v3  }
0x23f: {  	v8 =	vld.idx.msk [tilespmem:v15+s15+$0x0], $0xffff;
	v15 =	vor.u32 $0x180, v1;
	[tilespmem:s28+$0xFFFFFF00] =	vst v16  }
0x240: {  	v16 =	vor.u32 $0x280, v4;
	[tilespmem:s28+$0xFFFFFF10] =	vst v18;
	v7 =	vld.idx.msk [tilespmem:v7+s15+$0x0], $0xffff  }
0x241: {  	v18 =	vor.u32 $0x180, v10;
	v13 =	vld.idx.msk [tilespmem:v13+s15+$0x0], $0xffff;
	[tilespmem:s28+$0xFFFFFF20] =	vst v5  }
0x242: {  	v5 =	vor.u32 $0x180, v11;
	[tilespmem:s28+$0xFFFFFF30] =	vst v9;
	v6 =	vld.idx.msk [tilespmem:v6+s15+$0x0], $0xffff  }
0x243: {  	v9 =	vor.u32 $0x180, v12;
	[tilespmem:s28+$0xFFFFFF40] =	vst v19;
	v17 =	vld.idx.msk [tilespmem:v17+s15+$0x0], $0xffff  }
0x244: {  	v15 =	vld.idx.msk [tilespmem:v15+s15+$0x0], $0xffff;
	[tilespmem:s28+$0x70] =	vst v8;
	v8 =	vor.u32 $0x200, v0  }
0x245: {  	v19 =	vor.u32 $0x200, v2;
	[tilespmem:s28+$0xFFFFFF50] =	vst v14;
	v16 =	vld.idx.msk [tilespmem:v16+s15+$0x0], $0xffff  }
0x246: {  	v14 =	vld.idx.msk [tilespmem:v18+s15+$0x0], $0xffff;
	[tilespmem:s28+$0xFFFFFF60] =	vst v7;
	v7 =	vor.u32 $0x300, v4  }
0x247: {  	v18 =	vor.u32 $0x200, v1;
	[tilespmem:s28+$0xFFFFFF80] =	vst v13;
	v5 =	vld.idx.msk [tilespmem:v5+s15+$0x0], $0xffff  }
0x248: {  	v13 =	vor.u32 $0x200, v3;
	[tilespmem:s28+$0xFFFFFF90] =	vst v6;
	v6 =	vld.idx.msk [tilespmem:v9+s15+$0x0], $0xffff  }
0x249: {  	v9 =	vor.u32 $0x200, v10;
	v8 =	vld.idx.msk [tilespmem:v8+s15+$0x0], $0xffff;
	[tilespmem:s28+$0xFFFFFFA0] =	vst v15  }
0x24a: {  	v15 =	vor.u32 $0x200, v11;
	v19 =	vld.idx.msk [tilespmem:v19+s15+$0x0], $0xffff;
	[tilespmem:s28+$0xF0] =	vst v16  }
0x24b: {  	[tilespmem:s28+$0xFFFFFFB0] =	vst v17;
	v16 =	vor.u32 $0x200, v12;
	v7 =	vld.idx.msk [tilespmem:v7+s15+$0x0], $0xffff  }
0x24c: {  	v17 =	vor.u32 $0x280, v0;
	v18 =	vld.idx.msk [tilespmem:v18+s15+$0x0], $0xffff;
	[tilespmem:s28+$0xFFFFFFC0] =	vst v14  }
0x24d: {  	v4 =	vor.u32 $0x380, v4;
	v13 =	vld.idx.msk [tilespmem:v13+s15+$0x0], $0xffff;
	[tilespmem:s28+$0xFFFFFFD0] =	vst v5  }
0x24e: {  	v5 =	vor.u32 $0x280, v2;
	v9 =	vld.idx.msk [tilespmem:v9+s15+$0x0], $0xffff;
	[tilespmem:s28+$0xFFFFFFE0] =	vst v6  }
0x24f: {  	v6 =	vor.u32 $0x280, v1;
	[tilespmem:s28+$0x0] =	vst v8;
	v8 =	vld.idx.msk [tilespmem:v15+s15+$0x0], $0xffff  }
0x250: {  	v14 =	vor.u32 $0x280, v3;
	[tilespmem:s28+$0x10] =	vst v19;
	v15 =	vld.idx.msk [tilespmem:v16+s15+$0x0], $0xffff  }
0x251: {  	v16 =	vor.u32 $0x280, v10;
	v17 =	vld.idx.msk [tilespmem:v17+s15+$0x0], $0xffff;
	[tilespmem:s28+$0x170] =	vst v7  }
0x252: {  	v7 =	vor.u32 $0x280, v11;
	[tilespmem:s28+$0x20] =	vst v18;
	v4 =	vld.idx.msk [tilespmem:v4+s15+$0x0], $0xffff  }
0x253: {  	v18 =	vor.u32 $0x280, v12;
	v5 =	vld.idx.msk [tilespmem:v5+s15+$0x0], $0xffff;
	[tilespmem:s28+$0x30] =	vst v13  }
0x254: {  	v13 =	vor.u32 $0x300, v0;
	v6 =	vld.idx.msk [tilespmem:v6+s15+$0x0], $0xffff;
	[tilespmem:s28+$0x40] =	vst v9  }
0x255: {  	v9 =	vor.u32 $0x300, v2;
	v19 =	vld.idx.msk [tilespmem:v14+s15+$0x0], $0xffff;
	[tilespmem:s28+$0x50] =	vst v8  }
0x256: {  	v20 =	vor.u32 $0x300, v1;
	v21 =	vld.idx.msk [tilespmem:v16+s15+$0x0], $0xffff;
	[tilespmem:s28+$0x60] =	vst v15  }
0x257: {  	v22 =	vor.u32 $0x300, v3;
	[tilespmem:s28+$0x80] =	vst v17;
	v17 =	vld.idx.msk [tilespmem:v7+s15+$0x0], $0xffff  }
0x258: {  	v23 =	vor.u32 $0x300, v10;
	v15 =	vld.idx.msk [tilespmem:v18+s15+$0x0], $0xffff;
	[tilespmem:s28+$0x1F0] =	vst v4  }
0x259: {  	v14 =	vld.idx.msk [tilespmem:v13+s15+$0x0], $0xffff;
	[tilespmem:s28+$0x90] =	vst v5  }
0x25a: {  	v13 =	vld.idx.msk [tilespmem:v9+s15+$0x0], $0xffff;
	[tilespmem:s28+$0xA0] =	vst v6  }
0x25b: {  	v8 =	vor.u32 $0x300, v11;
	v7 =	vor.u32 $0x380, v0;
	v0 =	vor.u32 $0x380, v12;
	[tilespmem:s28+$0xB0] =	vst v19;
	v16 =	vld.idx.msk [tilespmem:v20+s15+$0x0], $0xffff  }
0x25c: {  	s26 =	sor.u32 $0x1, s26;
	v5 =	vor.u32 $0x380, v1;
	v4 =	vor.u32 $0x380, v3;
	v1 =	vor.u32 $0x380, v11;
	v3 =	vld.idx.msk [tilespmem:v22+s15+$0x0], $0xffff;
	[tilespmem:s28+$0xC0] =	vst v21  }
0x25d: {  	s30 =	sadd.s32 $0x400, s25;
	s29 =	simm.s32 $0x0;
	s25 =	simm.s32 $0x12200;
	v6 =	vor.u32 $0x380, v2;
	v9 =	vor.u32 $0x300, v12;
	v2 =	vor.u32 $0x380, v10;
	v10 =	vld.idx.msk [tilespmem:v23+s15+$0x0], $0xffff;
	[tilespmem:s28+$0xD0] =	vst v17  }
.LBB2_11:
0x25e: {  	v11 =	vld [tilespmem:s30+$0x0];
	s29 =	sadd.s32 $0x8, s29;
	[tilespmem:s28+$0xE0] =	vst v15  }
0x25f: {  	v12 =	vld [tilespmem:s30+$0xFFFFFFA0];
	p1 =	slt.u32 s29, $0x38;
	[tilespmem:s28+$0x100] =	vst v14  }
0x260: {  	v14 =	vld [tilespmem:s30+$0xFFFFFFB0];
	[tilespmem:s28+$0x110] =	vst v13  }
0x261: {  	v13 =	vld [tilespmem:s30+$0xFFFFFFC0];
	[tilespmem:s28+$0x120] =	vst v16  }
0x262: {  	v15 =	vld [tilespmem:s30+$0xFFFFFFD0];
	[tilespmem:s28+$0x130] =	vst v3  }
0x263: {  	v16 =	vld [tilespmem:s30+$0xFFFFFFE0];
	v3 =	vshll.u32 v11, $0x3;
	[tilespmem:s28+$0x140] =	vst v10  }
0x264: {  	v11 =	vand.u32 $0x7F, v11;
	v10 =	vshll.u32 v12, $0x3;
	v17 =	vld [tilespmem:s30+$0xFFFFFFF0];
	v3 =	vand.u32 $0xFFFFFC00, v3  }
0x265: {  	v18 =	vld [tilespmem:s30+$0xFFFFFF90];
	v10 =	vand.u32 $0xFFFFFC00, v10;
	v19 =	vshll.u32 v14, $0x3;
	v3 =	vor.u32 v11, v3  }
0x266: {  	v11 =	vand.u32 $0x7F, v12;
	v12 =	vand.u32 $0xFFFFFC00, v19;
	v19 =	vshll.u32 v13, $0x3;
	v8 =	vld.idx.msk [tilespmem:v8+s15+$0x0], $0xffff  }
0x267: {  	v14 =	vand.u32 $0x7F, v14;
	v19 =	vand.u32 $0xFFFFFC00, v19;
	v20 =	vshll.u32 v15, $0x3;
	v9 =	vld.idx.msk [tilespmem:v9+s15+$0x0], $0xffff  }
0x268: {  	v13 =	vand.u32 $0x7F, v13;
	v20 =	vand.u32 $0xFFFFFC00, v20;
	v21 =	vshll.u32 v16, $0x3;
	v7 =	vld.idx.msk [tilespmem:v7+s15+$0x0], $0xffff  }
0x269: {  	v15 =	vand.u32 $0x7F, v15;
	v21 =	vand.u32 $0xFFFFFC00, v21;
	v22 =	vshll.u32 v17, $0x3;
	v6 =	vld.idx.msk [tilespmem:v6+s15+$0x0], $0xffff  }
0x26a: {  	v23 =	vand.u32 $0x7F, v18;
	v18 =	vshll.u32 v18, $0x3;
	v22 =	vand.u32 $0xFFFFFC00, v22;
	v24 =	vld.idx.msk [tilespmem:v3+s15+$0x0], $0xffff  }
0x26b: {  	v16 =	vand.u32 $0x7F, v16;
	v17 =	vand.u32 $0x7F, v17;
	v18 =	vand.u32 $0xFFFFFC00, v18;
	v5 =	vld.idx.msk [tilespmem:v5+s15+$0x0], $0xffff  }
0x26c: {  	v25 =	vor.u32 v11, v10;
	v10 =	vor.u32 $0x80, v3;
	v23 =	vor.u32 v23, v18;
	v4 =	vld.idx.msk [tilespmem:v4+s15+$0x0], $0xffff;
	[tilespmem:s28+$0x150] =	vst v8  }
0x26d: {  	v26 =	vor.u32 v14, v12;
	v27 =	vor.u32 v13, v19;
	v28 =	vor.u32 v15, v20;
	[tilespmem:s28+$0x160] =	vst v9  }
0x26e: {  	v21 =	vor.u32 v16, v21;
	v22 =	vor.u32 v17, v22;
	v8 =	vor.u32 $0x80, v23;
	[tilespmem:s28+$0x180] =	vst v7;
	v2 =	vld.idx.msk [tilespmem:v2+s15+$0x0], $0xffff  }
0x26f: {  	v29 =	vor.u32 $0x80, v27;
	v9 =	vor.u32 $0x80, v26;
	v7 =	vor.u32 $0x80, v25;
	s28 =	sadd.s32 $0x400, s28;
	[tilespmem:s25+$0x190] =	vst v6;
	v1 =	vld.idx.msk [tilespmem:v1+s15+$0x0], $0xffff  }
0x270: {  	v30 =	vor.u32 $0x80, v28;
	v31 =	vor.u32 $0x80, v21;
	v32 =	vor.u32 $0x80, v22;
	[tilespmem:s28+$0xFFFFFE70] =	vst v24;
	v0 =	vld.idx.msk [tilespmem:v0+s15+$0x0], $0xffff  }
0x271: {  	v33 =	vor.u32 $0x100, v25;
	v34 =	vor.u32 $0x100, v26;
	v24 =	vor.u32 $0x100, v23;
	v6 =	vld.idx.msk [tilespmem:v10+s15+$0x0], $0xffff;
	[tilespmem:s25+$0x1A0] =	vst v5  }
0x272: {  	v35 =	vor.u32 $0x100, v27;
	v36 =	vor.u32 $0x100, v28;
	v37 =	vor.u32 $0x100, v21;
	v5 =	vld.idx.msk [tilespmem:v23+s15+$0x0], $0xffff;
	[tilespmem:s25+$0x1B0] =	vst v4  }
0x273: {  	v39 =	vor.u32 $0x100, v22;
	v38 =	vor.u32 $0x180, v23;
	v10 =	vor.u32 $0x100, v3;
	v4 =	vld.idx.msk [tilespmem:v25+s15+$0x0], $0xffff  }
0x274: {  	v40 =	vor.u32 $0x180, v25;
	v41 =	vor.u32 $0x180, v26;
	v42 =	vor.u32 $0x180, v27;
	v11 =	vld.idx.msk [tilespmem:v26+s15+$0x0], $0xffff;
	[tilespmem:s25+$0x1C0] =	vst v2  }
0x275: {  	v43 =	vor.u32 $0x180, v28;
	v44 =	vor.u32 $0x180, v21;
	v45 =	vor.u32 $0x180, v22;
	v2 =	vld.idx.msk [tilespmem:v27+s15+$0x0], $0xffff;
	[tilespmem:s25+$0x1D0] =	vst v1  }
0x276: {  	v47 =	vor.u32 $0x200, v25;
	v48 =	vor.u32 $0x200, v26;
	v46 =	vor.u32 $0x200, v23;
	v1 =	vld.idx.msk [tilespmem:v28+s15+$0x0], $0xffff;
	[tilespmem:s25+$0x1E0] =	vst v0;
	s25 =	smov.u32 s28  }
0x277: {  	v49 =	vor.u32 $0x200, v27;
	v50 =	vor.u32 $0x200, v28;
	v51 =	vor.u32 $0x200, v21;
	v0 =	vld.idx.msk [tilespmem:v21+s15+$0x0], $0xffff;
	[tilespmem:s28+$0xFFFFFEF0] =	vst v6  }
0x278: {  	v18 =	vor.u32 $0x280, v25;
	v53 =	vor.u32 $0x200, v22;
	v52 =	vor.u32 $0x280, v23;
	[tilespmem:s28+$0xFFFFFE00] =	vst v5;
	v54 =	vld.idx.msk [tilespmem:v10+s15+$0x0], $0xffff  }
0x279: {  	v20 =	vor.u32 $0x280, v26;
	v19 =	vor.u32 $0x280, v27;
	v15 =	vor.u32 $0x280, v28;
	[tilespmem:s28+$0xFFFFFE10] =	vst v4;
	v55 =	vld.idx.msk [tilespmem:v22+s15+$0x0], $0xffff  }
0x27a: {  	v57 =	vor.u32 $0x180, v3;
	v17 =	vor.u32 $0x280, v21;
	v16 =	vor.u32 $0x280, v22;
	v56 =	vld.idx.msk [tilespmem:v8+s15+$0x0], $0xffff;
	[tilespmem:s28+$0xFFFFFE20] =	vst v11  }
0x27b: {  	v13 =	vor.u32 $0x300, v25;
	v14 =	vor.u32 $0x300, v23;
	v10 =	vor.u32 $0x300, v26;
	v58 =	vld.idx.msk [tilespmem:v7+s15+$0x0], $0xffff;
	[tilespmem:s28+$0xFFFFFE30] =	vst v2  }
0x27c: {  	v12 =	vor.u32 $0x300, v27;
	v11 =	vor.u32 $0x300, v28;
	v8 =	vor.u32 $0x300, v21;
	v59 =	vld.idx.msk [tilespmem:v9+s15+$0x0], $0xffff;
	[tilespmem:s28+$0xFFFFFE40] =	vst v1  }
0x27d: {  	v6 =	vor.u32 $0x380, v25;
	v7 =	vor.u32 $0x380, v23;
	v9 =	vor.u32 $0x300, v22;
	v23 =	vld.idx.msk [tilespmem:v29+s15+$0x0], $0xffff;
	[tilespmem:s28+$0xFFFFFE50] =	vst v0  }
0x27e: {  	v5 =	vor.u32 $0x380, v26;
	v4 =	vor.u32 $0x380, v27;
	v2 =	vor.u32 $0x380, v28;
	v25 =	vld.idx.msk [tilespmem:v30+s15+$0x0], $0xffff;
	[tilespmem:s28+$0xFFFFFF70] =	vst v54  }
0x27f: {  	v1 =	vor.u32 $0x380, v21;
	v0 =	vor.u32 $0x380, v22;
	[tilespmem:s28+$0xFFFFFE60] =	vst v55;
	v21 =	vld.idx.msk [tilespmem:v57+s15+$0x0], $0xffff  }
0x280: {  	[tilespmem:s28+$0xFFFFFE80] =	vst v56;
	v22 =	vld.idx.msk [tilespmem:v31+s15+$0x0], $0xffff  }
0x281: {  	v27 =	vor.u32 $0x200, v3;
	[tilespmem:s28+$0xFFFFFE90] =	vst v58;
	v26 =	vld.idx.msk [tilespmem:v32+s15+$0x0], $0xffff  }
0x282: {  	v24 =	vld.idx.msk [tilespmem:v24+s15+$0x0], $0xffff;
	[tilespmem:s28+$0xFFFFFEA0] =	vst v59  }
0x283: {  	v28 =	vld.idx.msk [tilespmem:v33+s15+$0x0], $0xffff;
	[tilespmem:s28+$0xFFFFFEB0] =	vst v23  }
0x284: {  	v23 =	vld.idx.msk [tilespmem:v34+s15+$0x0], $0xffff;
	[tilespmem:s28+$0xFFFFFEC0] =	vst v25  }
0x285: {  	v25 =	vld.idx.msk [tilespmem:v35+s15+$0x0], $0xffff;
	[tilespmem:s28+$0xFFFFFFF0] =	vst v21  }
0x286: {  	[tilespmem:s28+$0xFFFFFED0] =	vst v22;
	v21 =	vld.idx.msk [tilespmem:v27+s15+$0x0], $0xffff  }
0x287: {  	v22 =	vld.idx.msk [tilespmem:v36+s15+$0x0], $0xffff;
	[tilespmem:s28+$0xFFFFFEE0] =	vst v26  }
0x288: {  	v26 =	vor.u32 $0x280, v3;
	[tilespmem:s28+$0xFFFFFF00] =	vst v24;
	v24 =	vld.idx.msk [tilespmem:v37+s15+$0x0], $0xffff  }
0x289: {  	[tilespmem:s28+$0xFFFFFF10] =	vst v28;
	v27 =	vld.idx.msk [tilespmem:v39+s15+$0x0], $0xffff  }
0x28a: {  	v28 =	vld.idx.msk [tilespmem:v38+s15+$0x0], $0xffff;
	[tilespmem:s28+$0xFFFFFF20] =	vst v23  }
0x28b: {  	v23 =	vld.idx.msk [tilespmem:v40+s15+$0x0], $0xffff;
	[tilespmem:s28+$0xFFFFFF30] =	vst v25  }
0x28c: {  	v25 =	vld.idx.msk [tilespmem:v41+s15+$0x0], $0xffff;
	[tilespmem:s28+$0x70] =	vst v21  }
0x28d: {  	[tilespmem:s28+$0xFFFFFF40] =	vst v22;
	v21 =	vld.idx.msk [tilespmem:v26+s15+$0x0], $0xffff  }
0x28e: {  	v22 =	vld.idx.msk [tilespmem:v42+s15+$0x0], $0xffff;
	[tilespmem:s28+$0xFFFFFF50] =	vst v24  }
0x28f: {  	v26 =	vor.u32 $0x300, v3;
	v24 =	vld.idx.msk [tilespmem:v43+s15+$0x0], $0xffff;
	[tilespmem:s28+$0xFFFFFF60] =	vst v27  }
0x290: {  	[tilespmem:s28+$0xFFFFFF80] =	vst v28;
	v27 =	vld.idx.msk [tilespmem:v44+s15+$0x0], $0xffff  }
0x291: {  	[tilespmem:s28+$0xFFFFFF90] =	vst v23;
	v23 =	vld.idx.msk [tilespmem:v45+s15+$0x0], $0xffff  }
0x292: {  	v28 =	vld.idx.msk [tilespmem:v46+s15+$0x0], $0xffff;
	[tilespmem:s28+$0xFFFFFFA0] =	vst v25  }
0x293: {  	v25 =	vld.idx.msk [tilespmem:v47+s15+$0x0], $0xffff;
	[tilespmem:s28+$0xF0] =	vst v21  }
0x294: {  	[tilespmem:s28+$0xFFFFFFB0] =	vst v22;
	v21 =	vld.idx.msk [tilespmem:v26+s15+$0x0], $0xffff  }
0x295: {  	v22 =	vld.idx.msk [tilespmem:v48+s15+$0x0], $0xffff;
	[tilespmem:s28+$0xFFFFFFC0] =	vst v24  }
0x296: {  	v3 =	vor.u32 $0x380, v3;
	v24 =	vld.idx.msk [tilespmem:v49+s15+$0x0], $0xffff;
	[tilespmem:s28+$0xFFFFFFD0] =	vst v27  }
0x297: {  	v26 =	vld.idx.msk [tilespmem:v50+s15+$0x0], $0xffff;
	[tilespmem:s28+$0xFFFFFFE0] =	vst v23  }
0x298: {  	[tilespmem:s28+$0x0] =	vst v28;
	v23 =	vld.idx.msk [tilespmem:v51+s15+$0x0], $0xffff  }
0x299: {  	[tilespmem:s28+$0x10] =	vst v25;
	v25 =	vld.idx.msk [tilespmem:v53+s15+$0x0], $0xffff  }
0x29a: {  	v27 =	vld.idx.msk [tilespmem:v52+s15+$0x0], $0xffff;
	[tilespmem:s28+$0x170] =	vst v21  }
0x29b: {  	[tilespmem:s28+$0x20] =	vst v22;
	v3 =	vld.idx.msk [tilespmem:v3+s15+$0x0], $0xffff  }
0x29c: {  	v18 =	vld.idx.msk [tilespmem:v18+s15+$0x0], $0xffff;
	[tilespmem:s28+$0x30] =	vst v24  }
0x29d: {  	v20 =	vld.idx.msk [tilespmem:v20+s15+$0x0], $0xffff;
	[tilespmem:s28+$0x40] =	vst v26  }
0x29e: {  	v19 =	vld.idx.msk [tilespmem:v19+s15+$0x0], $0xffff;
	[tilespmem:s28+$0x50] =	vst v23  }
0x29f: {  	v21 =	vld.idx.msk [tilespmem:v15+s15+$0x0], $0xffff;
	[tilespmem:s28+$0x60] =	vst v25  }
0x2a0: {  	[tilespmem:s28+$0x80] =	vst v27;
	v17 =	vld.idx.msk [tilespmem:v17+s15+$0x0], $0xffff  }
0x2a1: {  	v15 =	vld.idx.msk [tilespmem:v16+s15+$0x0], $0xffff;
	[tilespmem:s28+$0x1F0] =	vst v3  }
.Ltmp6:
0x2a2: {  	v14 =	vld.idx.msk [tilespmem:v14+s15+$0x0], $0xffff;
	[tilespmem:s28+$0x90] =	vst v18;
	(pc) =	sbr.rel @p1 .LBB2_11-.Ltmp6, $4  }
0x2a3: {  	v13 =	vld.idx.msk [tilespmem:v13+s15+$0x0], $0xffff;
	[tilespmem:s28+$0xA0] =	vst v20  }
0x2a4: {  	v16 =	vld.idx.msk [tilespmem:v10+s15+$0x0], $0xffff;
	[tilespmem:s28+$0xB0] =	vst v19  }
0x2a5: {  	v3 =	vld.idx.msk [tilespmem:v12+s15+$0x0], $0xffff;
	[tilespmem:s28+$0xC0] =	vst v21  }
0x2a6: {  	s30 =	sadd.s32 $0x400, s30;
	v10 =	vld.idx.msk [tilespmem:v11+s15+$0x0], $0xffff;
	[tilespmem:s28+$0xD0] =	vst v17  }
0x2a7: {  	_ =	sdelay $0x2  }
0x2a8: {  	[tilespmem:s28+$0xE0] =	vst v15  }
0x2a9: {  	[tilespmem:s28+$0x100] =	vst v14;
	v8 =	vld.idx.msk [tilespmem:v8+s15+$0x0], $0xffff  }
0x2aa: {  	[tilespmem:s28+$0x110] =	vst v13;
	v9 =	vld.idx.msk [tilespmem:v9+s15+$0x0], $0xffff  }
0x2ab: {  	v7 =	vld.idx.msk [tilespmem:v7+s15+$0x0], $0xffff;
	[tilespmem:s28+$0x120] =	vst v16  }
0x2ac: {  	v63 =	vld.idx.msk [tilespmem:v6+s15+$0x0], $0xffff;
	[tilespmem:s28+$0x130] =	vst v3  }
0x2ad: {  	v5 =	vld.idx.msk [tilespmem:v5+s15+$0x0], $0xffff;
	[tilespmem:s28+$0x140] =	vst v10  }
0x2ae: {  	v4 =	vld.idx.msk [tilespmem:v4+s15+$0x0], $0xffff;
	[tilespmem:s28+$0x150] =	vst v8  }
0x2af: {  	v2 =	vld.idx.msk [tilespmem:v2+s15+$0x0], $0xffff;
	[tilespmem:s28+$0x160] =	vst v9  }
0x2b0: {  	[tilespmem:s28+$0x180] =	vst v7;
	v1 =	vld.idx.msk [tilespmem:v1+s15+$0x0], $0xffff  }
0x2b1: {  	s26 =	smul.u32 $0x7D, s26;
	s24 =	sadd.s32 $0x1, s24;
	[tilespmem:s25+$0x190] =	vst v63;
	v0 =	vld.idx.msk [tilespmem:v0+s15+$0x0], $0xffff  }
0x2b2: {  	p1 =	sne.s32 s24, $0x19;
	[tilespmem:s25+$0x1A0] =	vst v5  }
.Ltmp7:
0x2b3: {  	s26 =	sadd.s32 s7, s26;
	[tilespmem:s25+$0x1B0] =	vst v4;
	(pc) =	sbr.rel @p1 .LBB2_8-.Ltmp7, $4  }
0x2b4: {  	s26 =	sshll.u32 s26, $0xA;
	[tilespmem:s25+$0x1C0] =	vst v2  }
0x2b5: {  	s23 =	sadd.s32 $0x800, s23;
	s26 =	sand.u32 $0x1FFFFC00, s26;
	[tilespmem:s25+$0x1D0] =	vst v1  }
0x2b6: {  	s22 =	sadd.s32 $0x1, s22;
	s21 =	sadd.s32 $0x2, s21;
	s31 =	sadd.s32 s3, s26;
	[tilespmem:s25+$0x1E0] =	vst v0  }
0x2b7: {  	[hbm4b:s31+s4] =	stream.linear.scatter [tilespmem:s17], [sflag:$0x2], $0x2000, $0x38;
	[tilespmem:$0x14000] =	vst v63  }
0x2b8: {  	_ =	swait.ge [sflag:s18], $0x2000  }
0x2b9: {  	[sflag:s18] =	ssyncset.done $0x0  }
0x2ba: {  	[sflag:s18] =	ssyncadd.s32 $0xFFFFE000  }
0x2bb: {  	_ =	swait.ge [sflag:s19], $0x2000  }
0x2bc: {  	[sflag:s19] =	ssyncset.done $0x0  }
0x2bd: {  	s21 =	simm.s32 $0x0;
	[sflag:s19] =	ssyncadd.s32 $0xFFFFE000  }
0x2be: {  	[tilespmem:s15], [sflag:$0x3] =	stream.linear.gather [hbm4b:s11+s21], $0x2000, $0x38;
	[tilespmem:$0x14000] =	vst v63  }
0x2bf: {  	_ =	swait.ge [sflag:s14], $0x2000  }
0x2c0: {  	s22 =	simm.s32 $0x0;
	[sflag:s14] =	ssyncset.done $0x0  }
0x2c1: {  	s23 =	simm.s32 $0x0;
	s24 =	simm.s32 $0x0;
	[sflag:s14] =	ssyncadd.s32 $0xFFFFE000  }
.LBB2_14:
0x2c2: {  	s25 =	sshll.u32 s23, $0x2;
	s26 =	sand.u32 $0x3, s22;
	p1 =	seq.s32 s24, $0x0  }
0x2c3: {  	s25 =	sand.u32 $0xFFFF8000, s25;
	s26 =	sshll.u32 s26, $0xA;
	s28 =	simm.s32 @!p1 $0x1  }
0x2c4: {  	s26 =	sor.u32 s26, s25;
	_ =	swait.ge @!p1 [sflag:s28], $0x2000  }
0x2c5: {  	s26 =	sshrl.u32 s26, $0x2;
	[sflag:s28] =	ssyncset.done @!p1 $0x0  }
0x2c6: {  	s29 =	sor.u32 $0x40, s26;
	[sflag:s28] =	ssyncadd.s32 @!p1 $0xFFFFE000  }
0x2c7: {  	v0 =	vld [tilespmem:s29+$0x30]  }
0x2c8: {  	v1 =	vld [tilespmem:s29+$0xFFFFFFD0]  }
0x2c9: {  	v6 =	vld [tilespmem:s29+$0xFFFFFFF0]  }
0x2ca: {  	v3 =	vld [tilespmem:s29+$0xFFFFFFE0]  }
0x2cb: {  	v5 =	vld [tilespmem:s29+$0xFFFFFFC0]  }
0x2cc: {  	v2 =	vshll.u32 v0, $0x3  }
0x2cd: {  	v0 =	vand.u32 $0x7F, v0;
	v2 =	vand.u32 $0xFFFFFC00, v2  }
0x2ce: {  	v13 =	vshll.u32 v6, $0x3;
	v4 =	vor.u32 v0, v2;
	v0 =	vshll.u32 v1, $0x3  }
0x2cf: {  	v6 =	vand.u32 $0x7F, v6;
	v2 =	vand.u32 $0xFFFFFC00, v0;
	v0 =	vshll.u32 v3, $0x3  }
0x2d0: {  	v8 =	vld [tilespmem:s29+$0x10];
	v1 =	vand.u32 $0x7F, v1;
	v9 =	vand.u32 $0xFFFFFC00, v0;
	v0 =	vshll.u32 v5, $0x3  }
0x2d1: {  	v7 =	vld [tilespmem:s29+$0x0];
	v5 =	vand.u32 $0x7F, v5;
	v2 =	vor.u32 v1, v2;
	v0 =	vand.u32 $0xFFFFFC00, v0  }
0x2d2: {  	v3 =	vand.u32 $0x7F, v3;
	v0 =	vor.u32 v5, v0;
	v5 =	vand.u32 $0xFFFFFC00, v13  }
0x2d3: {  	v1 =	vor.u32 v3, v9;
	v10 =	vld.idx.msk [tilespmem:v4+s15+$0x0], $0xffff;
	v3 =	vor.u32 v6, v5  }
0x2d4: {  	v12 =	vld [tilespmem:s29+$0x20];
	v11 =	vor.u32 $0x80, v4  }
0x2d5: {  	v9 =	vshll.u32 v8, $0x3  }
0x2d6: {  	v13 =	vshll.u32 v7, $0x3;
	v5 =	vand.u32 $0xFFFFFC00, v9;
	v9 =	vld.idx.msk [tilespmem:v2+s15+$0x0], $0xffff  }
0x2d7: {  	s28 =	simm.s32 $0x10200;
	v15 =	vor.u32 $0x80, v2;
	v7 =	vand.u32 $0x7F, v7;
	v13 =	vand.u32 $0xFFFFFC00, v13  }
0x2d8: {  	v6 =	vand.u32 $0x7F, v8;
	[tilespmem:s28+$0xFFFFFE70] =	vst v10;
	v10 =	vor.u32 v7, v13;
	v14 =	vld.idx.msk [tilespmem:v3+s15+$0x0], $0xffff  }
0x2d9: {  	v8 =	vshll.u32 v12, $0x3;
	v7 =	vld.idx.msk [tilespmem:v11+s15+$0x0], $0xffff;
	v11 =	vor.u32 v6, v5  }
0x2da: {  	v13 =	vor.u32 $0x100, v4;
	v5 =	vld.idx.msk [tilespmem:v0+s15+$0x0], $0xffff;
	v6 =	vand.u32 $0xFFFFFC00, v8;
	v8 =	vand.u32 $0x7F, v12  }
0x2db: {  	v12 =	vor.u32 v8, v6;
	v6 =	vld.idx.msk [tilespmem:v1+s15+$0x0], $0xffff;
	v8 =	vor.u32 $0x80, v0;
	[tilespmem:s28+$0xFFFFFE10] =	vst v9  }
0x2dc: {  	v15 =	vld.idx.msk [tilespmem:v15+s15+$0x0], $0xffff  }
0x2dd: {  	v17 =	vor.u32 $0x80, v1;
	v16 =	vld.idx.msk [tilespmem:v10+s15+$0x0], $0xffff  }
0x2de: {  	v18 =	vld.idx.msk [tilespmem:v11+s15+$0x0], $0xffff;
	[tilespmem:s28+$0xFFFFFEF0] =	vst v7;
	v7 =	vor.u32 $0x80, v3  }
0x2df: {  	[tilespmem:s28+$0xFFFFFE00] =	vst v5;
	v5 =	vld.idx.msk [tilespmem:v13+s15+$0x0], $0xffff;
	v13 =	vor.u32 $0x80, v10  }
0x2e0: {  	v19 =	vor.u32 $0x80, v11;
	[tilespmem:s28+$0xFFFFFE30] =	vst v14;
	v8 =	vld.idx.msk [tilespmem:v8+s15+$0x0], $0xffff  }
0x2e1: {  	v9 =	vld.idx.msk [tilespmem:v12+s15+$0x0], $0xffff;
	[tilespmem:s28+$0xFFFFFE20] =	vst v6;
	v6 =	vor.u32 $0x180, v4  }
0x2e2: {  	v14 =	vor.u32 $0x80, v12;
	v17 =	vld.idx.msk [tilespmem:v17+s15+$0x0], $0xffff;
	[tilespmem:s28+$0xFFFFFE40] =	vst v16  }
0x2e3: {  	v16 =	vor.u32 $0x100, v0;
	v7 =	vld.idx.msk [tilespmem:v7+s15+$0x0], $0xffff;
	[tilespmem:s28+$0xFFFFFE50] =	vst v18  }
0x2e4: {  	v18 =	vor.u32 $0x100, v2;
	v13 =	vld.idx.msk [tilespmem:v13+s15+$0x0], $0xffff;
	[tilespmem:s28+$0xFFFFFF70] =	vst v5  }
0x2e5: {  	v5 =	vor.u32 $0x100, v1;
	[tilespmem:s28+$0xFFFFFE80] =	vst v8;
	v8 =	vld.idx.msk [tilespmem:v19+s15+$0x0], $0xffff  }
0x2e6: {  	[tilespmem:s28+$0xFFFFFE60] =	vst v9;
	v9 =	vor.u32 $0x100, v3;
	v6 =	vld.idx.msk [tilespmem:v6+s15+$0x0], $0xffff  }
0x2e7: {  	[tilespmem:s28+$0xFFFFFE90] =	vst v15;
	v19 =	vor.u32 $0x100, v10;
	v14 =	vld.idx.msk [tilespmem:v14+s15+$0x0], $0xffff  }
0x2e8: {  	[tilespmem:s28+$0xFFFFFEA0] =	vst v17;
	v17 =	vor.u32 $0x100, v11;
	v16 =	vld.idx.msk [tilespmem:v16+s15+$0x0], $0xffff  }
0x2e9: {  	v15 =	vor.u32 $0x200, v4;
	v18 =	vld.idx.msk [tilespmem:v18+s15+$0x0], $0xffff;
	[tilespmem:s28+$0xFFFFFEB0] =	vst v7  }
0x2ea: {  	v7 =	vor.u32 $0x100, v12;
	v5 =	vld.idx.msk [tilespmem:v5+s15+$0x0], $0xffff;
	[tilespmem:s28+$0xFFFFFEC0] =	vst v13  }
0x2eb: {  	v13 =	vor.u32 $0x180, v0;
	v9 =	vld.idx.msk [tilespmem:v9+s15+$0x0], $0xffff;
	[tilespmem:s28+$0xFFFFFED0] =	vst v8  }
0x2ec: {  	[tilespmem:s28+$0xFFFFFFF0] =	vst v6;
	v6 =	vor.u32 $0x180, v2;
	v19 =	vld.idx.msk [tilespmem:v19+s15+$0x0], $0xffff  }
0x2ed: {  	[tilespmem:s28+$0xFFFFFEE0] =	vst v14;
	v14 =	vld.idx.msk [tilespmem:v17+s15+$0x0], $0xffff;
	v17 =	vor.u32 $0x180, v3  }
0x2ee: {  	v8 =	vld.idx.msk [tilespmem:v15+s15+$0x0], $0xffff;
	v15 =	vor.u32 $0x180, v1;
	[tilespmem:s28+$0xFFFFFF00] =	vst v16  }
0x2ef: {  	v16 =	vor.u32 $0x280, v4;
	[tilespmem:s28+$0xFFFFFF10] =	vst v18;
	v7 =	vld.idx.msk [tilespmem:v7+s15+$0x0], $0xffff  }
0x2f0: {  	v18 =	vor.u32 $0x180, v10;
	v13 =	vld.idx.msk [tilespmem:v13+s15+$0x0], $0xffff;
	[tilespmem:s28+$0xFFFFFF20] =	vst v5  }
0x2f1: {  	v5 =	vor.u32 $0x180, v11;
	[tilespmem:s28+$0xFFFFFF30] =	vst v9;
	v6 =	vld.idx.msk [tilespmem:v6+s15+$0x0], $0xffff  }
0x2f2: {  	v9 =	vor.u32 $0x180, v12;
	[tilespmem:s28+$0xFFFFFF40] =	vst v19;
	v17 =	vld.idx.msk [tilespmem:v17+s15+$0x0], $0xffff  }
0x2f3: {  	v15 =	vld.idx.msk [tilespmem:v15+s15+$0x0], $0xffff;
	[tilespmem:s28+$0x70] =	vst v8;
	v8 =	vor.u32 $0x200, v0  }
0x2f4: {  	v19 =	vor.u32 $0x200, v2;
	[tilespmem:s28+$0xFFFFFF50] =	vst v14;
	v16 =	vld.idx.msk [tilespmem:v16+s15+$0x0], $0xffff  }
0x2f5: {  	v14 =	vld.idx.msk [tilespmem:v18+s15+$0x0], $0xffff;
	[tilespmem:s28+$0xFFFFFF60] =	vst v7;
	v7 =	vor.u32 $0x300, v4  }
0x2f6: {  	v18 =	vor.u32 $0x200, v1;
	[tilespmem:s28+$0xFFFFFF80] =	vst v13;
	v5 =	vld.idx.msk [tilespmem:v5+s15+$0x0], $0xffff  }
0x2f7: {  	v13 =	vor.u32 $0x200, v3;
	[tilespmem:s28+$0xFFFFFF90] =	vst v6;
	v6 =	vld.idx.msk [tilespmem:v9+s15+$0x0], $0xffff  }
0x2f8: {  	v9 =	vor.u32 $0x200, v10;
	v8 =	vld.idx.msk [tilespmem:v8+s15+$0x0], $0xffff;
	[tilespmem:s28+$0xFFFFFFA0] =	vst v15  }
0x2f9: {  	v15 =	vor.u32 $0x200, v11;
	v19 =	vld.idx.msk [tilespmem:v19+s15+$0x0], $0xffff;
	[tilespmem:s28+$0xF0] =	vst v16  }
0x2fa: {  	[tilespmem:s28+$0xFFFFFFB0] =	vst v17;
	v16 =	vor.u32 $0x200, v12;
	v7 =	vld.idx.msk [tilespmem:v7+s15+$0x0], $0xffff  }
0x2fb: {  	v17 =	vor.u32 $0x280, v0;
	v18 =	vld.idx.msk [tilespmem:v18+s15+$0x0], $0xffff;
	[tilespmem:s28+$0xFFFFFFC0] =	vst v14  }
0x2fc: {  	v4 =	vor.u32 $0x380, v4;
	v13 =	vld.idx.msk [tilespmem:v13+s15+$0x0], $0xffff;
	[tilespmem:s28+$0xFFFFFFD0] =	vst v5  }
0x2fd: {  	v5 =	vor.u32 $0x280, v2;
	v9 =	vld.idx.msk [tilespmem:v9+s15+$0x0], $0xffff;
	[tilespmem:s28+$0xFFFFFFE0] =	vst v6  }
0x2fe: {  	v6 =	vor.u32 $0x280, v1;
	[tilespmem:s28+$0x0] =	vst v8;
	v8 =	vld.idx.msk [tilespmem:v15+s15+$0x0], $0xffff  }
0x2ff: {  	v14 =	vor.u32 $0x280, v3;
	[tilespmem:s28+$0x10] =	vst v19;
	v15 =	vld.idx.msk [tilespmem:v16+s15+$0x0], $0xffff  }
0x300: {  	v16 =	vor.u32 $0x280, v10;
	v17 =	vld.idx.msk [tilespmem:v17+s15+$0x0], $0xffff;
	[tilespmem:s28+$0x170] =	vst v7  }
0x301: {  	v7 =	vor.u32 $0x280, v11;
	[tilespmem:s28+$0x20] =	vst v18;
	v4 =	vld.idx.msk [tilespmem:v4+s15+$0x0], $0xffff  }
0x302: {  	v18 =	vor.u32 $0x280, v12;
	v5 =	vld.idx.msk [tilespmem:v5+s15+$0x0], $0xffff;
	[tilespmem:s28+$0x30] =	vst v13  }
0x303: {  	v13 =	vor.u32 $0x300, v0;
	v6 =	vld.idx.msk [tilespmem:v6+s15+$0x0], $0xffff;
	[tilespmem:s28+$0x40] =	vst v9  }
0x304: {  	v9 =	vor.u32 $0x300, v2;
	v19 =	vld.idx.msk [tilespmem:v14+s15+$0x0], $0xffff;
	[tilespmem:s28+$0x50] =	vst v8  }
0x305: {  	v20 =	vor.u32 $0x300, v1;
	v21 =	vld.idx.msk [tilespmem:v16+s15+$0x0], $0xffff;
	[tilespmem:s28+$0x60] =	vst v15  }
0x306: {  	v22 =	vor.u32 $0x300, v3;
	[tilespmem:s28+$0x80] =	vst v17;
	v17 =	vld.idx.msk [tilespmem:v7+s15+$0x0], $0xffff  }
0x307: {  	v23 =	vor.u32 $0x300, v10;
	v15 =	vld.idx.msk [tilespmem:v18+s15+$0x0], $0xffff;
	[tilespmem:s28+$0x1F0] =	vst v4  }
0x308: {  	s26 =	sand.u32 $0x7, s21;
	v14 =	vld.idx.msk [tilespmem:v13+s15+$0x0], $0xffff;
	[tilespmem:s28+$0x90] =	vst v5  }
0x309: {  	s26 =	sshll.u32 s26, $0x9;
	v13 =	vld.idx.msk [tilespmem:v9+s15+$0x0], $0xffff;
	[tilespmem:s28+$0xA0] =	vst v6  }
0x30a: {  	s25 =	sor.u32 s26, s25;
	v8 =	vor.u32 $0x300, v11;
	v7 =	vor.u32 $0x380, v0;
	v0 =	vor.u32 $0x380, v12;
	[tilespmem:s28+$0xB0] =	vst v19;
	v16 =	vld.idx.msk [tilespmem:v20+s15+$0x0], $0xffff  }
0x30b: {  	s30 =	simm.s32 $0x0;
	s31 =	sadd.s32 $0x400, s29;
	s25 =	sshrl.u32 s25, $0x2;
	v5 =	vor.u32 $0x380, v1;
	v4 =	vor.u32 $0x380, v3;
	v1 =	vor.u32 $0x380, v11;
	v3 =	vld.idx.msk [tilespmem:v22+s15+$0x0], $0xffff;
	[tilespmem:s28+$0xC0] =	vst v21  }
0x30c: {  	s29 =	simm.s32 $0x10200;
	s26 =	sshll.u32 s24, $0x1;
	s25 =	sadd.s32 $0xF0, s25;
	v6 =	vor.u32 $0x380, v2;
	v9 =	vor.u32 $0x300, v12;
	v2 =	vor.u32 $0x380, v10;
	v10 =	vld.idx.msk [tilespmem:v23+s15+$0x0], $0xffff;
	[tilespmem:s28+$0xD0] =	vst v17  }
.LBB2_15:
0x30d: {  	v11 =	vld [tilespmem:s31+$0x30];
	s30 =	sadd.s32 $0x8, s30;
	[tilespmem:s28+$0xE0] =	vst v15  }
0x30e: {  	v12 =	vld [tilespmem:s31+$0xFFFFFFD0];
	p2 =	slt.u32 s30, $0x38;
	[tilespmem:s28+$0x100] =	vst v14  }
0x30f: {  	v14 =	vld [tilespmem:s31+$0xFFFFFFE0];
	[tilespmem:s28+$0x110] =	vst v13  }
0x310: {  	v13 =	vld [tilespmem:s31+$0xFFFFFFF0];
	[tilespmem:s28+$0x120] =	vst v16  }
0x311: {  	v15 =	vld [tilespmem:s31+$0x0];
	[tilespmem:s28+$0x130] =	vst v3  }
0x312: {  	v16 =	vld [tilespmem:s31+$0x10];
	v3 =	vshll.u32 v11, $0x3;
	[tilespmem:s28+$0x140] =	vst v10  }
0x313: {  	v11 =	vand.u32 $0x7F, v11;
	v10 =	vshll.u32 v12, $0x3;
	v17 =	vld [tilespmem:s31+$0x20];
	v3 =	vand.u32 $0xFFFFFC00, v3  }
0x314: {  	v18 =	vld [tilespmem:s31+$0xFFFFFFC0];
	v10 =	vand.u32 $0xFFFFFC00, v10;
	v19 =	vshll.u32 v14, $0x3;
	v3 =	vor.u32 v11, v3  }
0x315: {  	v11 =	vand.u32 $0x7F, v12;
	v12 =	vand.u32 $0xFFFFFC00, v19;
	v19 =	vshll.u32 v13, $0x3;
	v8 =	vld.idx.msk [tilespmem:v8+s15+$0x0], $0xffff  }
0x316: {  	v14 =	vand.u32 $0x7F, v14;
	v19 =	vand.u32 $0xFFFFFC00, v19;
	v20 =	vshll.u32 v15, $0x3;
	v9 =	vld.idx.msk [tilespmem:v9+s15+$0x0], $0xffff  }
0x317: {  	v13 =	vand.u32 $0x7F, v13;
	v20 =	vand.u32 $0xFFFFFC00, v20;
	v21 =	vshll.u32 v16, $0x3;
	v7 =	vld.idx.msk [tilespmem:v7+s15+$0x0], $0xffff  }
0x318: {  	v15 =	vand.u32 $0x7F, v15;
	v21 =	vand.u32 $0xFFFFFC00, v21;
	v22 =	vshll.u32 v17, $0x3;
	v6 =	vld.idx.msk [tilespmem:v6+s15+$0x0], $0xffff  }
0x319: {  	v23 =	vand.u32 $0x7F, v18;
	v18 =	vshll.u32 v18, $0x3;
	v22 =	vand.u32 $0xFFFFFC00, v22;
	v24 =	vld.idx.msk [tilespmem:v3+s15+$0x0], $0xffff  }
0x31a: {  	v16 =	vand.u32 $0x7F, v16;
	v17 =	vand.u32 $0x7F, v17;
	v18 =	vand.u32 $0xFFFFFC00, v18;
	v5 =	vld.idx.msk [tilespmem:v5+s15+$0x0], $0xffff  }
0x31b: {  	v25 =	vor.u32 v11, v10;
	v10 =	vor.u32 $0x80, v3;
	v23 =	vor.u32 v23, v18;
	v4 =	vld.idx.msk [tilespmem:v4+s15+$0x0], $0xffff;
	[tilespmem:s28+$0x150] =	vst v8  }
0x31c: {  	v26 =	vor.u32 v14, v12;
	v27 =	vor.u32 v13, v19;
	v28 =	vor.u32 v15, v20;
	[tilespmem:s28+$0x160] =	vst v9  }
0x31d: {  	v21 =	vor.u32 v16, v21;
	v22 =	vor.u32 v17, v22;
	v8 =	vor.u32 $0x80, v23;
	[tilespmem:s28+$0x180] =	vst v7;
	v2 =	vld.idx.msk [tilespmem:v2+s15+$0x0], $0xffff  }
0x31e: {  	v29 =	vor.u32 $0x80, v27;
	v9 =	vor.u32 $0x80, v26;
	v7 =	vor.u32 $0x80, v25;
	s28 =	sadd.s32 $0x400, s28;
	[tilespmem:s29+$0x190] =	vst v6;
	v1 =	vld.idx.msk [tilespmem:v1+s15+$0x0], $0xffff  }
0x31f: {  	v30 =	vor.u32 $0x80, v28;
	v31 =	vor.u32 $0x80, v21;
	v32 =	vor.u32 $0x80, v22;
	[tilespmem:s28+$0xFFFFFE70] =	vst v24;
	v0 =	vld.idx.msk [tilespmem:v0+s15+$0x0], $0xffff  }
0x320: {  	v33 =	vor.u32 $0x100, v25;
	v34 =	vor.u32 $0x100, v26;
	v24 =	vor.u32 $0x100, v23;
	v6 =	vld.idx.msk [tilespmem:v10+s15+$0x0], $0xffff;
	[tilespmem:s29+$0x1A0] =	vst v5  }
0x321: {  	v35 =	vor.u32 $0x100, v27;
	v36 =	vor.u32 $0x100, v28;
	v37 =	vor.u32 $0x100, v21;
	v5 =	vld.idx.msk [tilespmem:v23+s15+$0x0], $0xffff;
	[tilespmem:s29+$0x1B0] =	vst v4  }
0x322: {  	v39 =	vor.u32 $0x100, v22;
	v38 =	vor.u32 $0x180, v23;
	v10 =	vor.u32 $0x100, v3;
	v4 =	vld.idx.msk [tilespmem:v25+s15+$0x0], $0xffff  }
0x323: {  	v40 =	vor.u32 $0x180, v25;
	v41 =	vor.u32 $0x180, v26;
	v42 =	vor.u32 $0x180, v27;
	v11 =	vld.idx.msk [tilespmem:v26+s15+$0x0], $0xffff;
	[tilespmem:s29+$0x1C0] =	vst v2  }
0x324: {  	v43 =	vor.u32 $0x180, v28;
	v44 =	vor.u32 $0x180, v21;
	v45 =	vor.u32 $0x180, v22;
	v2 =	vld.idx.msk [tilespmem:v27+s15+$0x0], $0xffff;
	[tilespmem:s29+$0x1D0] =	vst v1  }
0x325: {  	v47 =	vor.u32 $0x200, v25;
	v48 =	vor.u32 $0x200, v26;
	v46 =	vor.u32 $0x200, v23;
	v1 =	vld.idx.msk [tilespmem:v28+s15+$0x0], $0xffff;
	[tilespmem:s29+$0x1E0] =	vst v0;
	s29 =	smov.u32 s28  }
0x326: {  	v49 =	vor.u32 $0x200, v27;
	v50 =	vor.u32 $0x200, v28;
	v51 =	vor.u32 $0x200, v21;
	v0 =	vld.idx.msk [tilespmem:v21+s15+$0x0], $0xffff;
	[tilespmem:s28+$0xFFFFFEF0] =	vst v6  }
0x327: {  	v18 =	vor.u32 $0x280, v25;
	v53 =	vor.u32 $0x200, v22;
	v52 =	vor.u32 $0x280, v23;
	[tilespmem:s28+$0xFFFFFE00] =	vst v5;
	v54 =	vld.idx.msk [tilespmem:v10+s15+$0x0], $0xffff  }
0x328: {  	v20 =	vor.u32 $0x280, v26;
	v19 =	vor.u32 $0x280, v27;
	v15 =	vor.u32 $0x280, v28;
	[tilespmem:s28+$0xFFFFFE10] =	vst v4;
	v55 =	vld.idx.msk [tilespmem:v22+s15+$0x0], $0xffff  }
0x329: {  	v57 =	vor.u32 $0x180, v3;
	v17 =	vor.u32 $0x280, v21;
	v16 =	vor.u32 $0x280, v22;
	v56 =	vld.idx.msk [tilespmem:v8+s15+$0x0], $0xffff;
	[tilespmem:s28+$0xFFFFFE20] =	vst v11  }
0x32a: {  	v13 =	vor.u32 $0x300, v25;
	v14 =	vor.u32 $0x300, v23;
	v10 =	vor.u32 $0x300, v26;
	v58 =	vld.idx.msk [tilespmem:v7+s15+$0x0], $0xffff;
	[tilespmem:s28+$0xFFFFFE30] =	vst v2  }
0x32b: {  	v12 =	vor.u32 $0x300, v27;
	v11 =	vor.u32 $0x300, v28;
	v8 =	vor.u32 $0x300, v21;
	v59 =	vld.idx.msk [tilespmem:v9+s15+$0x0], $0xffff;
	[tilespmem:s28+$0xFFFFFE40] =	vst v1  }
0x32c: {  	v6 =	vor.u32 $0x380, v25;
	v7 =	vor.u32 $0x380, v23;
	v9 =	vor.u32 $0x300, v22;
	v23 =	vld.idx.msk [tilespmem:v29+s15+$0x0], $0xffff;
	[tilespmem:s28+$0xFFFFFE50] =	vst v0  }
0x32d: {  	v5 =	vor.u32 $0x380, v26;
	v4 =	vor.u32 $0x380, v27;
	v2 =	vor.u32 $0x380, v28;
	v25 =	vld.idx.msk [tilespmem:v30+s15+$0x0], $0xffff;
	[tilespmem:s28+$0xFFFFFF70] =	vst v54  }
0x32e: {  	v1 =	vor.u32 $0x380, v21;
	v0 =	vor.u32 $0x380, v22;
	[tilespmem:s28+$0xFFFFFE60] =	vst v55;
	v21 =	vld.idx.msk [tilespmem:v57+s15+$0x0], $0xffff  }
0x32f: {  	[tilespmem:s28+$0xFFFFFE80] =	vst v56;
	v22 =	vld.idx.msk [tilespmem:v31+s15+$0x0], $0xffff  }
0x330: {  	v27 =	vor.u32 $0x200, v3;
	[tilespmem:s28+$0xFFFFFE90] =	vst v58;
	v26 =	vld.idx.msk [tilespmem:v32+s15+$0x0], $0xffff  }
0x331: {  	v24 =	vld.idx.msk [tilespmem:v24+s15+$0x0], $0xffff;
	[tilespmem:s28+$0xFFFFFEA0] =	vst v59  }
0x332: {  	v28 =	vld.idx.msk [tilespmem:v33+s15+$0x0], $0xffff;
	[tilespmem:s28+$0xFFFFFEB0] =	vst v23  }
0x333: {  	v23 =	vld.idx.msk [tilespmem:v34+s15+$0x0], $0xffff;
	[tilespmem:s28+$0xFFFFFEC0] =	vst v25  }
0x334: {  	v25 =	vld.idx.msk [tilespmem:v35+s15+$0x0], $0xffff;
	[tilespmem:s28+$0xFFFFFFF0] =	vst v21  }
0x335: {  	[tilespmem:s28+$0xFFFFFED0] =	vst v22;
	v21 =	vld.idx.msk [tilespmem:v27+s15+$0x0], $0xffff  }
0x336: {  	v22 =	vld.idx.msk [tilespmem:v36+s15+$0x0], $0xffff;
	[tilespmem:s28+$0xFFFFFEE0] =	vst v26  }
0x337: {  	v26 =	vor.u32 $0x280, v3;
	[tilespmem:s28+$0xFFFFFF00] =	vst v24;
	v24 =	vld.idx.msk [tilespmem:v37+s15+$0x0], $0xffff  }
0x338: {  	[tilespmem:s28+$0xFFFFFF10] =	vst v28;
	v27 =	vld.idx.msk [tilespmem:v39+s15+$0x0], $0xffff  }
0x339: {  	v28 =	vld.idx.msk [tilespmem:v38+s15+$0x0], $0xffff;
	[tilespmem:s28+$0xFFFFFF20] =	vst v23  }
0x33a: {  	v23 =	vld.idx.msk [tilespmem:v40+s15+$0x0], $0xffff;
	[tilespmem:s28+$0xFFFFFF30] =	vst v25  }
0x33b: {  	v25 =	vld.idx.msk [tilespmem:v41+s15+$0x0], $0xffff;
	[tilespmem:s28+$0x70] =	vst v21  }
0x33c: {  	[tilespmem:s28+$0xFFFFFF40] =	vst v22;
	v21 =	vld.idx.msk [tilespmem:v26+s15+$0x0], $0xffff  }
0x33d: {  	v22 =	vld.idx.msk [tilespmem:v42+s15+$0x0], $0xffff;
	[tilespmem:s28+$0xFFFFFF50] =	vst v24  }
0x33e: {  	v26 =	vor.u32 $0x300, v3;
	v24 =	vld.idx.msk [tilespmem:v43+s15+$0x0], $0xffff;
	[tilespmem:s28+$0xFFFFFF60] =	vst v27  }
0x33f: {  	[tilespmem:s28+$0xFFFFFF80] =	vst v28;
	v27 =	vld.idx.msk [tilespmem:v44+s15+$0x0], $0xffff  }
0x340: {  	[tilespmem:s28+$0xFFFFFF90] =	vst v23;
	v23 =	vld.idx.msk [tilespmem:v45+s15+$0x0], $0xffff  }
0x341: {  	v28 =	vld.idx.msk [tilespmem:v46+s15+$0x0], $0xffff;
	[tilespmem:s28+$0xFFFFFFA0] =	vst v25  }
0x342: {  	v25 =	vld.idx.msk [tilespmem:v47+s15+$0x0], $0xffff;
	[tilespmem:s28+$0xF0] =	vst v21  }
0x343: {  	[tilespmem:s28+$0xFFFFFFB0] =	vst v22;
	v21 =	vld.idx.msk [tilespmem:v26+s15+$0x0], $0xffff  }
0x344: {  	v22 =	vld.idx.msk [tilespmem:v48+s15+$0x0], $0xffff;
	[tilespmem:s28+$0xFFFFFFC0] =	vst v24  }
0x345: {  	v3 =	vor.u32 $0x380, v3;
	v24 =	vld.idx.msk [tilespmem:v49+s15+$0x0], $0xffff;
	[tilespmem:s28+$0xFFFFFFD0] =	vst v27  }
0x346: {  	v26 =	vld.idx.msk [tilespmem:v50+s15+$0x0], $0xffff;
	[tilespmem:s28+$0xFFFFFFE0] =	vst v23  }
0x347: {  	[tilespmem:s28+$0x0] =	vst v28;
	v23 =	vld.idx.msk [tilespmem:v51+s15+$0x0], $0xffff  }
0x348: {  	[tilespmem:s28+$0x10] =	vst v25;
	v25 =	vld.idx.msk [tilespmem:v53+s15+$0x0], $0xffff  }
0x349: {  	v27 =	vld.idx.msk [tilespmem:v52+s15+$0x0], $0xffff;
	[tilespmem:s28+$0x170] =	vst v21  }
0x34a: {  	[tilespmem:s28+$0x20] =	vst v22;
	v3 =	vld.idx.msk [tilespmem:v3+s15+$0x0], $0xffff  }
0x34b: {  	v18 =	vld.idx.msk [tilespmem:v18+s15+$0x0], $0xffff;
	[tilespmem:s28+$0x30] =	vst v24  }
0x34c: {  	v20 =	vld.idx.msk [tilespmem:v20+s15+$0x0], $0xffff;
	[tilespmem:s28+$0x40] =	vst v26  }
0x34d: {  	v19 =	vld.idx.msk [tilespmem:v19+s15+$0x0], $0xffff;
	[tilespmem:s28+$0x50] =	vst v23  }
0x34e: {  	v21 =	vld.idx.msk [tilespmem:v15+s15+$0x0], $0xffff;
	[tilespmem:s28+$0x60] =	vst v25  }
0x34f: {  	[tilespmem:s28+$0x80] =	vst v27;
	v17 =	vld.idx.msk [tilespmem:v17+s15+$0x0], $0xffff  }
0x350: {  	v15 =	vld.idx.msk [tilespmem:v16+s15+$0x0], $0xffff;
	[tilespmem:s28+$0x1F0] =	vst v3  }
.Ltmp8:
0x351: {  	v14 =	vld.idx.msk [tilespmem:v14+s15+$0x0], $0xffff;
	[tilespmem:s28+$0x90] =	vst v18;
	(pc) =	sbr.rel @p2 .LBB2_15-.Ltmp8, $4  }
0x352: {  	v13 =	vld.idx.msk [tilespmem:v13+s15+$0x0], $0xffff;
	[tilespmem:s28+$0xA0] =	vst v20  }
0x353: {  	v16 =	vld.idx.msk [tilespmem:v10+s15+$0x0], $0xffff;
	[tilespmem:s28+$0xB0] =	vst v19  }
0x354: {  	v3 =	vld.idx.msk [tilespmem:v12+s15+$0x0], $0xffff;
	[tilespmem:s28+$0xC0] =	vst v21  }
0x355: {  	s31 =	sadd.s32 $0x400, s31;
	v10 =	vld.idx.msk [tilespmem:v11+s15+$0x0], $0xffff;
	[tilespmem:s28+$0xD0] =	vst v17  }
0x356: {  	_ =	sdelay $0x2  }
0x357: {  	[tilespmem:s28+$0xE0] =	vst v15  }
0x358: {  	[tilespmem:s28+$0x100] =	vst v14;
	v8 =	vld.idx.msk [tilespmem:v8+s15+$0x0], $0xffff  }
0x359: {  	[tilespmem:s28+$0x110] =	vst v13;
	v9 =	vld.idx.msk [tilespmem:v9+s15+$0x0], $0xffff  }
0x35a: {  	v7 =	vld.idx.msk [tilespmem:v7+s15+$0x0], $0xffff;
	[tilespmem:s28+$0x120] =	vst v16  }
0x35b: {  	[tilespmem:s28+$0x130] =	vst v3;
	v3 =	vld.idx.msk [tilespmem:v6+s15+$0x0], $0xffff  }
0x35c: {  	v5 =	vld.idx.msk [tilespmem:v5+s15+$0x0], $0xffff;
	[tilespmem:s28+$0x140] =	vst v10  }
0x35d: {  	v4 =	vld.idx.msk [tilespmem:v4+s15+$0x0], $0xffff;
	[tilespmem:s28+$0x150] =	vst v8  }
0x35e: {  	v2 =	vld.idx.msk [tilespmem:v2+s15+$0x0], $0xffff;
	[tilespmem:s28+$0x160] =	vst v9  }
0x35f: {  	[tilespmem:s28+$0x180] =	vst v7;
	v1 =	vld.idx.msk [tilespmem:v1+s15+$0x0], $0xffff  }
0x360: {  	s28 =	smul.u32 $0xFA, s24;
	v0 =	vld.idx.msk [tilespmem:v0+s15+$0x0], $0xffff;
	[tilespmem:s29+$0x190] =	vst v3  }
0x361: {  	[tilespmem:s29+$0x1A0] =	vst v5  }
0x362: {  	s28 =	sadd.s32 s8, s28;
	[tilespmem:s29+$0x1B0] =	vst v4  }
0x363: {  	s28 =	sshll.u32 s28, $0xA;
	[tilespmem:s29+$0x1C0] =	vst v2  }
0x364: {  	s28 =	sand.u32 $0x1FFFFC00, s28;
	[tilespmem:s29+$0x1D0] =	vst v1  }
0x365: {  	s28 =	sadd.s32 s3, s28;
	[tilespmem:s29+$0x1E0] =	vst v0  }
0x366: {  	[hbm4b:s28+s4] =	stream.linear.scatter [tilespmem:s16], [sflag:$0x1], $0x2000, $0x38;
	[tilespmem:$0x14000] =	vst v63  }
0x367: {  	s28 =	simm.s32 @!p1 $0x2  }
0x368: {  	_ =	swait.ge @!p1 [sflag:s28], $0x2000  }
0x369: {  	[sflag:s28] =	ssyncset.done @!p1 $0x0  }
0x36a: {  	[sflag:s28] =	ssyncadd.s32 @!p1 $0xFFFFE000  }
0x36b: {  	v0 =	vld [tilespmem:s25+$0x0]  }
0x36c: {  	v1 =	vld [tilespmem:s25+$0xFFFFFFA0]  }
0x36d: {  	v6 =	vld [tilespmem:s25+$0xFFFFFFC0]  }
0x36e: {  	v3 =	vld [tilespmem:s25+$0xFFFFFFB0]  }
0x36f: {  	v5 =	vld [tilespmem:s25+$0xFFFFFF90]  }
0x370: {  	v2 =	vshll.u32 v0, $0x3  }
0x371: {  	v0 =	vand.u32 $0x7F, v0;
	v2 =	vand.u32 $0xFFFFFC00, v2  }
0x372: {  	v13 =	vshll.u32 v6, $0x3;
	v4 =	vor.u32 v0, v2;
	v0 =	vshll.u32 v1, $0x3  }
0x373: {  	v6 =	vand.u32 $0x7F, v6;
	v2 =	vand.u32 $0xFFFFFC00, v0;
	v0 =	vshll.u32 v3, $0x3  }
0x374: {  	v8 =	vld [tilespmem:s25+$0xFFFFFFE0];
	v1 =	vand.u32 $0x7F, v1;
	v9 =	vand.u32 $0xFFFFFC00, v0;
	v0 =	vshll.u32 v5, $0x3  }
0x375: {  	v7 =	vld [tilespmem:s25+$0xFFFFFFD0];
	v5 =	vand.u32 $0x7F, v5;
	v2 =	vor.u32 v1, v2;
	v0 =	vand.u32 $0xFFFFFC00, v0  }
0x376: {  	v3 =	vand.u32 $0x7F, v3;
	v0 =	vor.u32 v5, v0;
	v5 =	vand.u32 $0xFFFFFC00, v13  }
0x377: {  	v1 =	vor.u32 v3, v9;
	v10 =	vld.idx.msk [tilespmem:v4+s15+$0x0], $0xffff;
	v3 =	vor.u32 v6, v5  }
0x378: {  	v12 =	vld [tilespmem:s25+$0xFFFFFFF0];
	v11 =	vor.u32 $0x80, v4  }
0x379: {  	v9 =	vshll.u32 v8, $0x3  }
0x37a: {  	v13 =	vshll.u32 v7, $0x3;
	v5 =	vand.u32 $0xFFFFFC00, v9;
	v9 =	vld.idx.msk [tilespmem:v2+s15+$0x0], $0xffff  }
0x37b: {  	s28 =	simm.s32 $0x12200;
	v15 =	vor.u32 $0x80, v2;
	v7 =	vand.u32 $0x7F, v7;
	v13 =	vand.u32 $0xFFFFFC00, v13  }
0x37c: {  	v6 =	vand.u32 $0x7F, v8;
	[tilespmem:s28+$0xFFFFFE70] =	vst v10;
	v10 =	vor.u32 v7, v13;
	v14 =	vld.idx.msk [tilespmem:v3+s15+$0x0], $0xffff  }
0x37d: {  	v8 =	vshll.u32 v12, $0x3;
	v7 =	vld.idx.msk [tilespmem:v11+s15+$0x0], $0xffff;
	v11 =	vor.u32 v6, v5  }
0x37e: {  	v13 =	vor.u32 $0x100, v4;
	v5 =	vld.idx.msk [tilespmem:v0+s15+$0x0], $0xffff;
	v6 =	vand.u32 $0xFFFFFC00, v8;
	v8 =	vand.u32 $0x7F, v12  }
0x37f: {  	v12 =	vor.u32 v8, v6;
	v6 =	vld.idx.msk [tilespmem:v1+s15+$0x0], $0xffff;
	v8 =	vor.u32 $0x80, v0;
	[tilespmem:s28+$0xFFFFFE10] =	vst v9  }
0x380: {  	v15 =	vld.idx.msk [tilespmem:v15+s15+$0x0], $0xffff  }
0x381: {  	v17 =	vor.u32 $0x80, v1;
	v16 =	vld.idx.msk [tilespmem:v10+s15+$0x0], $0xffff  }
0x382: {  	v18 =	vld.idx.msk [tilespmem:v11+s15+$0x0], $0xffff;
	[tilespmem:s28+$0xFFFFFEF0] =	vst v7;
	v7 =	vor.u32 $0x80, v3  }
0x383: {  	[tilespmem:s28+$0xFFFFFE00] =	vst v5;
	v5 =	vld.idx.msk [tilespmem:v13+s15+$0x0], $0xffff;
	v13 =	vor.u32 $0x80, v10  }
0x384: {  	v19 =	vor.u32 $0x80, v11;
	[tilespmem:s28+$0xFFFFFE30] =	vst v14;
	v8 =	vld.idx.msk [tilespmem:v8+s15+$0x0], $0xffff  }
0x385: {  	v9 =	vld.idx.msk [tilespmem:v12+s15+$0x0], $0xffff;
	[tilespmem:s28+$0xFFFFFE20] =	vst v6;
	v6 =	vor.u32 $0x180, v4  }
0x386: {  	v14 =	vor.u32 $0x80, v12;
	v17 =	vld.idx.msk [tilespmem:v17+s15+$0x0], $0xffff;
	[tilespmem:s28+$0xFFFFFE40] =	vst v16  }
0x387: {  	v16 =	vor.u32 $0x100, v0;
	v7 =	vld.idx.msk [tilespmem:v7+s15+$0x0], $0xffff;
	[tilespmem:s28+$0xFFFFFE50] =	vst v18  }
0x388: {  	v18 =	vor.u32 $0x100, v2;
	v13 =	vld.idx.msk [tilespmem:v13+s15+$0x0], $0xffff;
	[tilespmem:s28+$0xFFFFFF70] =	vst v5  }
0x389: {  	v5 =	vor.u32 $0x100, v1;
	[tilespmem:s28+$0xFFFFFE80] =	vst v8;
	v8 =	vld.idx.msk [tilespmem:v19+s15+$0x0], $0xffff  }
0x38a: {  	[tilespmem:s28+$0xFFFFFE60] =	vst v9;
	v9 =	vor.u32 $0x100, v3;
	v6 =	vld.idx.msk [tilespmem:v6+s15+$0x0], $0xffff  }
0x38b: {  	[tilespmem:s28+$0xFFFFFE90] =	vst v15;
	v19 =	vor.u32 $0x100, v10;
	v14 =	vld.idx.msk [tilespmem:v14+s15+$0x0], $0xffff  }
0x38c: {  	[tilespmem:s28+$0xFFFFFEA0] =	vst v17;
	v17 =	vor.u32 $0x100, v11;
	v16 =	vld.idx.msk [tilespmem:v16+s15+$0x0], $0xffff  }
0x38d: {  	v15 =	vor.u32 $0x200, v4;
	v18 =	vld.idx.msk [tilespmem:v18+s15+$0x0], $0xffff;
	[tilespmem:s28+$0xFFFFFEB0] =	vst v7  }
0x38e: {  	v7 =	vor.u32 $0x100, v12;
	v5 =	vld.idx.msk [tilespmem:v5+s15+$0x0], $0xffff;
	[tilespmem:s28+$0xFFFFFEC0] =	vst v13  }
0x38f: {  	v13 =	vor.u32 $0x180, v0;
	v9 =	vld.idx.msk [tilespmem:v9+s15+$0x0], $0xffff;
	[tilespmem:s28+$0xFFFFFED0] =	vst v8  }
0x390: {  	[tilespmem:s28+$0xFFFFFFF0] =	vst v6;
	v6 =	vor.u32 $0x180, v2;
	v19 =	vld.idx.msk [tilespmem:v19+s15+$0x0], $0xffff  }
0x391: {  	[tilespmem:s28+$0xFFFFFEE0] =	vst v14;
	v14 =	vld.idx.msk [tilespmem:v17+s15+$0x0], $0xffff;
	v17 =	vor.u32 $0x180, v3  }
0x392: {  	v8 =	vld.idx.msk [tilespmem:v15+s15+$0x0], $0xffff;
	v15 =	vor.u32 $0x180, v1;
	[tilespmem:s28+$0xFFFFFF00] =	vst v16  }
0x393: {  	v16 =	vor.u32 $0x280, v4;
	[tilespmem:s28+$0xFFFFFF10] =	vst v18;
	v7 =	vld.idx.msk [tilespmem:v7+s15+$0x0], $0xffff  }
0x394: {  	v18 =	vor.u32 $0x180, v10;
	v13 =	vld.idx.msk [tilespmem:v13+s15+$0x0], $0xffff;
	[tilespmem:s28+$0xFFFFFF20] =	vst v5  }
0x395: {  	v5 =	vor.u32 $0x180, v11;
	[tilespmem:s28+$0xFFFFFF30] =	vst v9;
	v6 =	vld.idx.msk [tilespmem:v6+s15+$0x0], $0xffff  }
0x396: {  	v9 =	vor.u32 $0x180, v12;
	[tilespmem:s28+$0xFFFFFF40] =	vst v19;
	v17 =	vld.idx.msk [tilespmem:v17+s15+$0x0], $0xffff  }
0x397: {  	v15 =	vld.idx.msk [tilespmem:v15+s15+$0x0], $0xffff;
	[tilespmem:s28+$0x70] =	vst v8;
	v8 =	vor.u32 $0x200, v0  }
0x398: {  	v19 =	vor.u32 $0x200, v2;
	[tilespmem:s28+$0xFFFFFF50] =	vst v14;
	v16 =	vld.idx.msk [tilespmem:v16+s15+$0x0], $0xffff  }
0x399: {  	v14 =	vld.idx.msk [tilespmem:v18+s15+$0x0], $0xffff;
	[tilespmem:s28+$0xFFFFFF60] =	vst v7;
	v7 =	vor.u32 $0x300, v4  }
0x39a: {  	v18 =	vor.u32 $0x200, v1;
	[tilespmem:s28+$0xFFFFFF80] =	vst v13;
	v5 =	vld.idx.msk [tilespmem:v5+s15+$0x0], $0xffff  }
0x39b: {  	v13 =	vor.u32 $0x200, v3;
	[tilespmem:s28+$0xFFFFFF90] =	vst v6;
	v6 =	vld.idx.msk [tilespmem:v9+s15+$0x0], $0xffff  }
0x39c: {  	v9 =	vor.u32 $0x200, v10;
	v8 =	vld.idx.msk [tilespmem:v8+s15+$0x0], $0xffff;
	[tilespmem:s28+$0xFFFFFFA0] =	vst v15  }
0x39d: {  	v15 =	vor.u32 $0x200, v11;
	v19 =	vld.idx.msk [tilespmem:v19+s15+$0x0], $0xffff;
	[tilespmem:s28+$0xF0] =	vst v16  }
0x39e: {  	[tilespmem:s28+$0xFFFFFFB0] =	vst v17;
	v16 =	vor.u32 $0x200, v12;
	v7 =	vld.idx.msk [tilespmem:v7+s15+$0x0], $0xffff  }
0x39f: {  	v17 =	vor.u32 $0x280, v0;
	v18 =	vld.idx.msk [tilespmem:v18+s15+$0x0], $0xffff;
	[tilespmem:s28+$0xFFFFFFC0] =	vst v14  }
0x3a0: {  	v4 =	vor.u32 $0x380, v4;
	v13 =	vld.idx.msk [tilespmem:v13+s15+$0x0], $0xffff;
	[tilespmem:s28+$0xFFFFFFD0] =	vst v5  }
0x3a1: {  	v5 =	vor.u32 $0x280, v2;
	v9 =	vld.idx.msk [tilespmem:v9+s15+$0x0], $0xffff;
	[tilespmem:s28+$0xFFFFFFE0] =	vst v6  }
0x3a2: {  	v6 =	vor.u32 $0x280, v1;
	[tilespmem:s28+$0x0] =	vst v8;
	v8 =	vld.idx.msk [tilespmem:v15+s15+$0x0], $0xffff  }
0x3a3: {  	v14 =	vor.u32 $0x280, v3;
	[tilespmem:s28+$0x10] =	vst v19;
	v15 =	vld.idx.msk [tilespmem:v16+s15+$0x0], $0xffff  }
0x3a4: {  	v16 =	vor.u32 $0x280, v10;
	v17 =	vld.idx.msk [tilespmem:v17+s15+$0x0], $0xffff;
	[tilespmem:s28+$0x170] =	vst v7  }
0x3a5: {  	v7 =	vor.u32 $0x280, v11;
	[tilespmem:s28+$0x20] =	vst v18;
	v4 =	vld.idx.msk [tilespmem:v4+s15+$0x0], $0xffff  }
0x3a6: {  	v18 =	vor.u32 $0x280, v12;
	v5 =	vld.idx.msk [tilespmem:v5+s15+$0x0], $0xffff;
	[tilespmem:s28+$0x30] =	vst v13  }
0x3a7: {  	v13 =	vor.u32 $0x300, v0;
	v6 =	vld.idx.msk [tilespmem:v6+s15+$0x0], $0xffff;
	[tilespmem:s28+$0x40] =	vst v9  }
0x3a8: {  	v9 =	vor.u32 $0x300, v2;
	v19 =	vld.idx.msk [tilespmem:v14+s15+$0x0], $0xffff;
	[tilespmem:s28+$0x50] =	vst v8  }
0x3a9: {  	v20 =	vor.u32 $0x300, v1;
	v21 =	vld.idx.msk [tilespmem:v16+s15+$0x0], $0xffff;
	[tilespmem:s28+$0x60] =	vst v15  }
0x3aa: {  	v22 =	vor.u32 $0x300, v3;
	[tilespmem:s28+$0x80] =	vst v17;
	v17 =	vld.idx.msk [tilespmem:v7+s15+$0x0], $0xffff  }
0x3ab: {  	v23 =	vor.u32 $0x300, v10;
	v15 =	vld.idx.msk [tilespmem:v18+s15+$0x0], $0xffff;
	[tilespmem:s28+$0x1F0] =	vst v4  }
0x3ac: {  	v14 =	vld.idx.msk [tilespmem:v13+s15+$0x0], $0xffff;
	[tilespmem:s28+$0x90] =	vst v5  }
0x3ad: {  	v13 =	vld.idx.msk [tilespmem:v9+s15+$0x0], $0xffff;
	[tilespmem:s28+$0xA0] =	vst v6  }
0x3ae: {  	v8 =	vor.u32 $0x300, v11;
	v7 =	vor.u32 $0x380, v0;
	v0 =	vor.u32 $0x380, v12;
	[tilespmem:s28+$0xB0] =	vst v19;
	v16 =	vld.idx.msk [tilespmem:v20+s15+$0x0], $0xffff  }
0x3af: {  	s26 =	sor.u32 $0x1, s26;
	v5 =	vor.u32 $0x380, v1;
	v4 =	vor.u32 $0x380, v3;
	v1 =	vor.u32 $0x380, v11;
	v3 =	vld.idx.msk [tilespmem:v22+s15+$0x0], $0xffff;
	[tilespmem:s28+$0xC0] =	vst v21  }
0x3b0: {  	s30 =	sadd.s32 $0x400, s25;
	s29 =	simm.s32 $0x0;
	s25 =	simm.s32 $0x12200;
	v6 =	vor.u32 $0x380, v2;
	v9 =	vor.u32 $0x300, v12;
	v2 =	vor.u32 $0x380, v10;
	v10 =	vld.idx.msk [tilespmem:v23+s15+$0x0], $0xffff;
	[tilespmem:s28+$0xD0] =	vst v17  }
.LBB2_17:
0x3b1: {  	v11 =	vld [tilespmem:s30+$0x0];
	s29 =	sadd.s32 $0x8, s29;
	[tilespmem:s28+$0xE0] =	vst v15  }
0x3b2: {  	v12 =	vld [tilespmem:s30+$0xFFFFFFA0];
	p1 =	slt.u32 s29, $0x38;
	[tilespmem:s28+$0x100] =	vst v14  }
0x3b3: {  	v14 =	vld [tilespmem:s30+$0xFFFFFFB0];
	[tilespmem:s28+$0x110] =	vst v13  }
0x3b4: {  	v13 =	vld [tilespmem:s30+$0xFFFFFFC0];
	[tilespmem:s28+$0x120] =	vst v16  }
0x3b5: {  	v15 =	vld [tilespmem:s30+$0xFFFFFFD0];
	[tilespmem:s28+$0x130] =	vst v3  }
0x3b6: {  	v16 =	vld [tilespmem:s30+$0xFFFFFFE0];
	v3 =	vshll.u32 v11, $0x3;
	[tilespmem:s28+$0x140] =	vst v10  }
0x3b7: {  	v11 =	vand.u32 $0x7F, v11;
	v10 =	vshll.u32 v12, $0x3;
	v17 =	vld [tilespmem:s30+$0xFFFFFFF0];
	v3 =	vand.u32 $0xFFFFFC00, v3  }
0x3b8: {  	v18 =	vld [tilespmem:s30+$0xFFFFFF90];
	v10 =	vand.u32 $0xFFFFFC00, v10;
	v19 =	vshll.u32 v14, $0x3;
	v3 =	vor.u32 v11, v3  }
0x3b9: {  	v11 =	vand.u32 $0x7F, v12;
	v12 =	vand.u32 $0xFFFFFC00, v19;
	v19 =	vshll.u32 v13, $0x3;
	v8 =	vld.idx.msk [tilespmem:v8+s15+$0x0], $0xffff  }
0x3ba: {  	v14 =	vand.u32 $0x7F, v14;
	v19 =	vand.u32 $0xFFFFFC00, v19;
	v20 =	vshll.u32 v15, $0x3;
	v9 =	vld.idx.msk [tilespmem:v9+s15+$0x0], $0xffff  }
0x3bb: {  	v13 =	vand.u32 $0x7F, v13;
	v20 =	vand.u32 $0xFFFFFC00, v20;
	v21 =	vshll.u32 v16, $0x3;
	v7 =	vld.idx.msk [tilespmem:v7+s15+$0x0], $0xffff  }
0x3bc: {  	v15 =	vand.u32 $0x7F, v15;
	v21 =	vand.u32 $0xFFFFFC00, v21;
	v22 =	vshll.u32 v17, $0x3;
	v6 =	vld.idx.msk [tilespmem:v6+s15+$0x0], $0xffff  }
0x3bd: {  	v23 =	vand.u32 $0x7F, v18;
	v18 =	vshll.u32 v18, $0x3;
	v22 =	vand.u32 $0xFFFFFC00, v22;
	v24 =	vld.idx.msk [tilespmem:v3+s15+$0x0], $0xffff  }
0x3be: {  	v16 =	vand.u32 $0x7F, v16;
	v17 =	vand.u32 $0x7F, v17;
	v18 =	vand.u32 $0xFFFFFC00, v18;
	v5 =	vld.idx.msk [tilespmem:v5+s15+$0x0], $0xffff  }
0x3bf: {  	v25 =	vor.u32 v11, v10;
	v10 =	vor.u32 $0x80, v3;
	v23 =	vor.u32 v23, v18;
	v4 =	vld.idx.msk [tilespmem:v4+s15+$0x0], $0xffff;
	[tilespmem:s28+$0x150] =	vst v8  }
0x3c0: {  	v26 =	vor.u32 v14, v12;
	v27 =	vor.u32 v13, v19;
	v28 =	vor.u32 v15, v20;
	[tilespmem:s28+$0x160] =	vst v9  }
0x3c1: {  	v21 =	vor.u32 v16, v21;
	v22 =	vor.u32 v17, v22;
	v8 =	vor.u32 $0x80, v23;
	[tilespmem:s28+$0x180] =	vst v7;
	v2 =	vld.idx.msk [tilespmem:v2+s15+$0x0], $0xffff  }
0x3c2: {  	v29 =	vor.u32 $0x80, v27;
	v9 =	vor.u32 $0x80, v26;
	v7 =	vor.u32 $0x80, v25;
	s28 =	sadd.s32 $0x400, s28;
	[tilespmem:s25+$0x190] =	vst v6;
	v1 =	vld.idx.msk [tilespmem:v1+s15+$0x0], $0xffff  }
0x3c3: {  	v30 =	vor.u32 $0x80, v28;
	v31 =	vor.u32 $0x80, v21;
	v32 =	vor.u32 $0x80, v22;
	[tilespmem:s28+$0xFFFFFE70] =	vst v24;
	v0 =	vld.idx.msk [tilespmem:v0+s15+$0x0], $0xffff  }
0x3c4: {  	v33 =	vor.u32 $0x100, v25;
	v34 =	vor.u32 $0x100, v26;
	v24 =	vor.u32 $0x100, v23;
	v6 =	vld.idx.msk [tilespmem:v10+s15+$0x0], $0xffff;
	[tilespmem:s25+$0x1A0] =	vst v5  }
0x3c5: {  	v35 =	vor.u32 $0x100, v27;
	v36 =	vor.u32 $0x100, v28;
	v37 =	vor.u32 $0x100, v21;
	v5 =	vld.idx.msk [tilespmem:v23+s15+$0x0], $0xffff;
	[tilespmem:s25+$0x1B0] =	vst v4  }
0x3c6: {  	v39 =	vor.u32 $0x100, v22;
	v38 =	vor.u32 $0x180, v23;
	v10 =	vor.u32 $0x100, v3;
	v4 =	vld.idx.msk [tilespmem:v25+s15+$0x0], $0xffff  }
0x3c7: {  	v40 =	vor.u32 $0x180, v25;
	v41 =	vor.u32 $0x180, v26;
	v42 =	vor.u32 $0x180, v27;
	v11 =	vld.idx.msk [tilespmem:v26+s15+$0x0], $0xffff;
	[tilespmem:s25+$0x1C0] =	vst v2  }
0x3c8: {  	v43 =	vor.u32 $0x180, v28;
	v44 =	vor.u32 $0x180, v21;
	v45 =	vor.u32 $0x180, v22;
	v2 =	vld.idx.msk [tilespmem:v27+s15+$0x0], $0xffff;
	[tilespmem:s25+$0x1D0] =	vst v1  }
0x3c9: {  	v47 =	vor.u32 $0x200, v25;
	v48 =	vor.u32 $0x200, v26;
	v46 =	vor.u32 $0x200, v23;
	v1 =	vld.idx.msk [tilespmem:v28+s15+$0x0], $0xffff;
	[tilespmem:s25+$0x1E0] =	vst v0;
	s25 =	smov.u32 s28  }
0x3ca: {  	v49 =	vor.u32 $0x200, v27;
	v50 =	vor.u32 $0x200, v28;
	v51 =	vor.u32 $0x200, v21;
	v0 =	vld.idx.msk [tilespmem:v21+s15+$0x0], $0xffff;
	[tilespmem:s28+$0xFFFFFEF0] =	vst v6  }
0x3cb: {  	v18 =	vor.u32 $0x280, v25;
	v53 =	vor.u32 $0x200, v22;
	v52 =	vor.u32 $0x280, v23;
	[tilespmem:s28+$0xFFFFFE00] =	vst v5;
	v54 =	vld.idx.msk [tilespmem:v10+s15+$0x0], $0xffff  }
0x3cc: {  	v20 =	vor.u32 $0x280, v26;
	v19 =	vor.u32 $0x280, v27;
	v15 =	vor.u32 $0x280, v28;
	[tilespmem:s28+$0xFFFFFE10] =	vst v4;
	v55 =	vld.idx.msk [tilespmem:v22+s15+$0x0], $0xffff  }
0x3cd: {  	v57 =	vor.u32 $0x180, v3;
	v17 =	vor.u32 $0x280, v21;
	v16 =	vor.u32 $0x280, v22;
	v56 =	vld.idx.msk [tilespmem:v8+s15+$0x0], $0xffff;
	[tilespmem:s28+$0xFFFFFE20] =	vst v11  }
0x3ce: {  	v13 =	vor.u32 $0x300, v25;
	v14 =	vor.u32 $0x300, v23;
	v10 =	vor.u32 $0x300, v26;
	v58 =	vld.idx.msk [tilespmem:v7+s15+$0x0], $0xffff;
	[tilespmem:s28+$0xFFFFFE30] =	vst v2  }
0x3cf: {  	v12 =	vor.u32 $0x300, v27;
	v11 =	vor.u32 $0x300, v28;
	v8 =	vor.u32 $0x300, v21;
	v59 =	vld.idx.msk [tilespmem:v9+s15+$0x0], $0xffff;
	[tilespmem:s28+$0xFFFFFE40] =	vst v1  }
0x3d0: {  	v6 =	vor.u32 $0x380, v25;
	v7 =	vor.u32 $0x380, v23;
	v9 =	vor.u32 $0x300, v22;
	v23 =	vld.idx.msk [tilespmem:v29+s15+$0x0], $0xffff;
	[tilespmem:s28+$0xFFFFFE50] =	vst v0  }
0x3d1: {  	v5 =	vor.u32 $0x380, v26;
	v4 =	vor.u32 $0x380, v27;
	v2 =	vor.u32 $0x380, v28;
	v25 =	vld.idx.msk [tilespmem:v30+s15+$0x0], $0xffff;
	[tilespmem:s28+$0xFFFFFF70] =	vst v54  }
0x3d2: {  	v1 =	vor.u32 $0x380, v21;
	v0 =	vor.u32 $0x380, v22;
	[tilespmem:s28+$0xFFFFFE60] =	vst v55;
	v21 =	vld.idx.msk [tilespmem:v57+s15+$0x0], $0xffff  }
0x3d3: {  	[tilespmem:s28+$0xFFFFFE80] =	vst v56;
	v22 =	vld.idx.msk [tilespmem:v31+s15+$0x0], $0xffff  }
0x3d4: {  	v27 =	vor.u32 $0x200, v3;
	[tilespmem:s28+$0xFFFFFE90] =	vst v58;
	v26 =	vld.idx.msk [tilespmem:v32+s15+$0x0], $0xffff  }
0x3d5: {  	v24 =	vld.idx.msk [tilespmem:v24+s15+$0x0], $0xffff;
	[tilespmem:s28+$0xFFFFFEA0] =	vst v59  }
0x3d6: {  	v28 =	vld.idx.msk [tilespmem:v33+s15+$0x0], $0xffff;
	[tilespmem:s28+$0xFFFFFEB0] =	vst v23  }
0x3d7: {  	v23 =	vld.idx.msk [tilespmem:v34+s15+$0x0], $0xffff;
	[tilespmem:s28+$0xFFFFFEC0] =	vst v25  }
0x3d8: {  	v25 =	vld.idx.msk [tilespmem:v35+s15+$0x0], $0xffff;
	[tilespmem:s28+$0xFFFFFFF0] =	vst v21  }
0x3d9: {  	[tilespmem:s28+$0xFFFFFED0] =	vst v22;
	v21 =	vld.idx.msk [tilespmem:v27+s15+$0x0], $0xffff  }
0x3da: {  	v22 =	vld.idx.msk [tilespmem:v36+s15+$0x0], $0xffff;
	[tilespmem:s28+$0xFFFFFEE0] =	vst v26  }
0x3db: {  	v26 =	vor.u32 $0x280, v3;
	[tilespmem:s28+$0xFFFFFF00] =	vst v24;
	v24 =	vld.idx.msk [tilespmem:v37+s15+$0x0], $0xffff  }
0x3dc: {  	[tilespmem:s28+$0xFFFFFF10] =	vst v28;
	v27 =	vld.idx.msk [tilespmem:v39+s15+$0x0], $0xffff  }
0x3dd: {  	v28 =	vld.idx.msk [tilespmem:v38+s15+$0x0], $0xffff;
	[tilespmem:s28+$0xFFFFFF20] =	vst v23  }
0x3de: {  	v23 =	vld.idx.msk [tilespmem:v40+s15+$0x0], $0xffff;
	[tilespmem:s28+$0xFFFFFF30] =	vst v25  }
0x3df: {  	v25 =	vld.idx.msk [tilespmem:v41+s15+$0x0], $0xffff;
	[tilespmem:s28+$0x70] =	vst v21  }
0x3e0: {  	[tilespmem:s28+$0xFFFFFF40] =	vst v22;
	v21 =	vld.idx.msk [tilespmem:v26+s15+$0x0], $0xffff  }
0x3e1: {  	v22 =	vld.idx.msk [tilespmem:v42+s15+$0x0], $0xffff;
	[tilespmem:s28+$0xFFFFFF50] =	vst v24  }
0x3e2: {  	v26 =	vor.u32 $0x300, v3;
	v24 =	vld.idx.msk [tilespmem:v43+s15+$0x0], $0xffff;
	[tilespmem:s28+$0xFFFFFF60] =	vst v27  }
0x3e3: {  	[tilespmem:s28+$0xFFFFFF80] =	vst v28;
	v27 =	vld.idx.msk [tilespmem:v44+s15+$0x0], $0xffff  }
0x3e4: {  	[tilespmem:s28+$0xFFFFFF90] =	vst v23;
	v23 =	vld.idx.msk [tilespmem:v45+s15+$0x0], $0xffff  }
0x3e5: {  	v28 =	vld.idx.msk [tilespmem:v46+s15+$0x0], $0xffff;
	[tilespmem:s28+$0xFFFFFFA0] =	vst v25  }
0x3e6: {  	v25 =	vld.idx.msk [tilespmem:v47+s15+$0x0], $0xffff;
	[tilespmem:s28+$0xF0] =	vst v21  }
0x3e7: {  	[tilespmem:s28+$0xFFFFFFB0] =	vst v22;
	v21 =	vld.idx.msk [tilespmem:v26+s15+$0x0], $0xffff  }
0x3e8: {  	v22 =	vld.idx.msk [tilespmem:v48+s15+$0x0], $0xffff;
	[tilespmem:s28+$0xFFFFFFC0] =	vst v24  }
0x3e9: {  	v3 =	vor.u32 $0x380, v3;
	v24 =	vld.idx.msk [tilespmem:v49+s15+$0x0], $0xffff;
	[tilespmem:s28+$0xFFFFFFD0] =	vst v27  }
0x3ea: {  	v26 =	vld.idx.msk [tilespmem:v50+s15+$0x0], $0xffff;
	[tilespmem:s28+$0xFFFFFFE0] =	vst v23  }
0x3eb: {  	[tilespmem:s28+$0x0] =	vst v28;
	v23 =	vld.idx.msk [tilespmem:v51+s15+$0x0], $0xffff  }
0x3ec: {  	[tilespmem:s28+$0x10] =	vst v25;
	v25 =	vld.idx.msk [tilespmem:v53+s15+$0x0], $0xffff  }
0x3ed: {  	v27 =	vld.idx.msk [tilespmem:v52+s15+$0x0], $0xffff;
	[tilespmem:s28+$0x170] =	vst v21  }
0x3ee: {  	[tilespmem:s28+$0x20] =	vst v22;
	v3 =	vld.idx.msk [tilespmem:v3+s15+$0x0], $0xffff  }
0x3ef: {  	v18 =	vld.idx.msk [tilespmem:v18+s15+$0x0], $0xffff;
	[tilespmem:s28+$0x30] =	vst v24  }
0x3f0: {  	v20 =	vld.idx.msk [tilespmem:v20+s15+$0x0], $0xffff;
	[tilespmem:s28+$0x40] =	vst v26  }
0x3f1: {  	v19 =	vld.idx.msk [tilespmem:v19+s15+$0x0], $0xffff;
	[tilespmem:s28+$0x50] =	vst v23  }
0x3f2: {  	v21 =	vld.idx.msk [tilespmem:v15+s15+$0x0], $0xffff;
	[tilespmem:s28+$0x60] =	vst v25  }
0x3f3: {  	[tilespmem:s28+$0x80] =	vst v27;
	v17 =	vld.idx.msk [tilespmem:v17+s15+$0x0], $0xffff  }
0x3f4: {  	v15 =	vld.idx.msk [tilespmem:v16+s15+$0x0], $0xffff;
	[tilespmem:s28+$0x1F0] =	vst v3  }
.Ltmp9:
0x3f5: {  	v14 =	vld.idx.msk [tilespmem:v14+s15+$0x0], $0xffff;
	[tilespmem:s28+$0x90] =	vst v18;
	(pc) =	sbr.rel @p1 .LBB2_17-.Ltmp9, $4  }
0x3f6: {  	v13 =	vld.idx.msk [tilespmem:v13+s15+$0x0], $0xffff;
	[tilespmem:s28+$0xA0] =	vst v20  }
0x3f7: {  	v16 =	vld.idx.msk [tilespmem:v10+s15+$0x0], $0xffff;
	[tilespmem:s28+$0xB0] =	vst v19  }
0x3f8: {  	v3 =	vld.idx.msk [tilespmem:v12+s15+$0x0], $0xffff;
	[tilespmem:s28+$0xC0] =	vst v21  }
0x3f9: {  	s30 =	sadd.s32 $0x400, s30;
	v10 =	vld.idx.msk [tilespmem:v11+s15+$0x0], $0xffff;
	[tilespmem:s28+$0xD0] =	vst v17  }
0x3fa: {  	_ =	sdelay $0x2  }
0x3fb: {  	[tilespmem:s28+$0xE0] =	vst v15  }
0x3fc: {  	[tilespmem:s28+$0x100] =	vst v14;
	v8 =	vld.idx.msk [tilespmem:v8+s15+$0x0], $0xffff  }
0x3fd: {  	[tilespmem:s28+$0x110] =	vst v13;
	v9 =	vld.idx.msk [tilespmem:v9+s15+$0x0], $0xffff  }
0x3fe: {  	v7 =	vld.idx.msk [tilespmem:v7+s15+$0x0], $0xffff;
	[tilespmem:s28+$0x120] =	vst v16  }
0x3ff: {  	v63 =	vld.idx.msk [tilespmem:v6+s15+$0x0], $0xffff;
	[tilespmem:s28+$0x130] =	vst v3  }
0x400: {  	v5 =	vld.idx.msk [tilespmem:v5+s15+$0x0], $0xffff;
	[tilespmem:s28+$0x140] =	vst v10  }
0x401: {  	v4 =	vld.idx.msk [tilespmem:v4+s15+$0x0], $0xffff;
	[tilespmem:s28+$0x150] =	vst v8  }
0x402: {  	v2 =	vld.idx.msk [tilespmem:v2+s15+$0x0], $0xffff;
	[tilespmem:s28+$0x160] =	vst v9  }
0x403: {  	[tilespmem:s28+$0x180] =	vst v7;
	v1 =	vld.idx.msk [tilespmem:v1+s15+$0x0], $0xffff  }
0x404: {  	s26 =	smul.u32 $0x7D, s26;
	s24 =	sadd.s32 $0x1, s24;
	[tilespmem:s25+$0x190] =	vst v63;
	v0 =	vld.idx.msk [tilespmem:v0+s15+$0x0], $0xffff  }
0x405: {  	p1 =	sne.s32 s24, $0x19;
	[tilespmem:s25+$0x1A0] =	vst v5  }
.Ltmp10:
0x406: {  	s26 =	sadd.s32 s8, s26;
	[tilespmem:s25+$0x1B0] =	vst v4;
	(pc) =	sbr.rel @p1 .LBB2_14-.Ltmp10, $4  }
0x407: {  	s26 =	sshll.u32 s26, $0xA;
	[tilespmem:s25+$0x1C0] =	vst v2  }
0x408: {  	s23 =	sadd.s32 $0x800, s23;
	s26 =	sand.u32 $0x1FFFFC00, s26;
	[tilespmem:s25+$0x1D0] =	vst v1  }
0x409: {  	s22 =	sadd.s32 $0x1, s22;
	s21 =	sadd.s32 $0x2, s21;
	s31 =	sadd.s32 s3, s26;
	[tilespmem:s25+$0x1E0] =	vst v0  }
0x40a: {  	[hbm4b:s31+s4] =	stream.linear.scatter [tilespmem:s17], [sflag:$0x2], $0x2000, $0x38;
	[tilespmem:$0x14000] =	vst v63  }
0x40b: {  	_ =	swait.ge [sflag:s18], $0x2000  }
.Ltmp11:
0x40c: {  	[sflag:s18] =	ssyncset.done $0x0;
	(pc) =	sbr.rel @p0 .LBB2_27-.Ltmp11, $4  }
0x40d: {  	[sflag:s18] =	ssyncadd.s32 $0xFFFFE000  }
0x40e: {  	_ =	swait.ge [sflag:s19], $0x2000  }
0x40f: {  	[sflag:s19] =	ssyncset.done $0x0  }
0x410: {  	[sflag:s19] =	ssyncadd.s32 $0xFFFFE000  }
0x411: {  	s21 =	simm.s32 $0x0  }
0x412: {  	[tilespmem:s15], [sflag:$0x3] =	stream.linear.gather [hbm4b:s12+s21], $0x2000, $0x38;
	[tilespmem:$0x14000] =	vst v63  }
0x413: {  	_ =	swait.ge [sflag:s14], $0x2000  }
0x414: {  	s22 =	simm.s32 $0x0;
	[sflag:s14] =	ssyncset.done $0x0  }
0x415: {  	s23 =	simm.s32 $0x0;
	s24 =	simm.s32 $0x0;
	[sflag:s14] =	ssyncadd.s32 $0xFFFFE000  }
.LBB2_21:
0x416: {  	s25 =	sshll.u32 s23, $0x2;
	s26 =	sand.u32 $0x3, s22;
	p1 =	seq.s32 s24, $0x0  }
0x417: {  	s25 =	sand.u32 $0xFFFF8000, s25;
	s26 =	sshll.u32 s26, $0xA;
	s28 =	simm.s32 @!p1 $0x1  }
0x418: {  	s26 =	sor.u32 s26, s25;
	_ =	swait.ge @!p1 [sflag:s28], $0x2000  }
0x419: {  	s26 =	sshrl.u32 s26, $0x2;
	[sflag:s28] =	ssyncset.done @!p1 $0x0  }
0x41a: {  	s29 =	sor.u32 $0x40, s26;
	[sflag:s28] =	ssyncadd.s32 @!p1 $0xFFFFE000  }
0x41b: {  	v0 =	vld [tilespmem:s29+$0x30]  }
0x41c: {  	v1 =	vld [tilespmem:s29+$0xFFFFFFD0]  }
0x41d: {  	v6 =	vld [tilespmem:s29+$0xFFFFFFF0]  }
0x41e: {  	v3 =	vld [tilespmem:s29+$0xFFFFFFE0]  }
0x41f: {  	v5 =	vld [tilespmem:s29+$0xFFFFFFC0]  }
0x420: {  	v2 =	vshll.u32 v0, $0x3  }
0x421: {  	v0 =	vand.u32 $0x7F, v0;
	v2 =	vand.u32 $0xFFFFFC00, v2  }
0x422: {  	v13 =	vshll.u32 v6, $0x3;
	v4 =	vor.u32 v0, v2;
	v0 =	vshll.u32 v1, $0x3  }
0x423: {  	v6 =	vand.u32 $0x7F, v6;
	v2 =	vand.u32 $0xFFFFFC00, v0;
	v0 =	vshll.u32 v3, $0x3  }
0x424: {  	v8 =	vld [tilespmem:s29+$0x10];
	v1 =	vand.u32 $0x7F, v1;
	v9 =	vand.u32 $0xFFFFFC00, v0;
	v0 =	vshll.u32 v5, $0x3  }
0x425: {  	v7 =	vld [tilespmem:s29+$0x0];
	v5 =	vand.u32 $0x7F, v5;
	v2 =	vor.u32 v1, v2;
	v0 =	vand.u32 $0xFFFFFC00, v0  }
0x426: {  	v3 =	vand.u32 $0x7F, v3;
	v0 =	vor.u32 v5, v0;
	v5 =	vand.u32 $0xFFFFFC00, v13  }
0x427: {  	v1 =	vor.u32 v3, v9;
	v10 =	vld.idx.msk [tilespmem:v4+s15+$0x0], $0xffff;
	v3 =	vor.u32 v6, v5  }
0x428: {  	v12 =	vld [tilespmem:s29+$0x20];
	v11 =	vor.u32 $0x80, v4  }
0x429: {  	v9 =	vshll.u32 v8, $0x3  }
0x42a: {  	v13 =	vshll.u32 v7, $0x3;
	v5 =	vand.u32 $0xFFFFFC00, v9;
	v9 =	vld.idx.msk [tilespmem:v2+s15+$0x0], $0xffff  }
0x42b: {  	s28 =	simm.s32 $0x10200;
	v15 =	vor.u32 $0x80, v2;
	v7 =	vand.u32 $0x7F, v7;
	v13 =	vand.u32 $0xFFFFFC00, v13  }
0x42c: {  	v6 =	vand.u32 $0x7F, v8;
	[tilespmem:s28+$0xFFFFFE70] =	vst v10;
	v10 =	vor.u32 v7, v13;
	v14 =	vld.idx.msk [tilespmem:v3+s15+$0x0], $0xffff  }
0x42d: {  	v8 =	vshll.u32 v12, $0x3;
	v7 =	vld.idx.msk [tilespmem:v11+s15+$0x0], $0xffff;
	v11 =	vor.u32 v6, v5  }
0x42e: {  	v13 =	vor.u32 $0x100, v4;
	v5 =	vld.idx.msk [tilespmem:v0+s15+$0x0], $0xffff;
	v6 =	vand.u32 $0xFFFFFC00, v8;
	v8 =	vand.u32 $0x7F, v12  }
0x42f: {  	v12 =	vor.u32 v8, v6;
	v6 =	vld.idx.msk [tilespmem:v1+s15+$0x0], $0xffff;
	v8 =	vor.u32 $0x80, v0;
	[tilespmem:s28+$0xFFFFFE10] =	vst v9  }
0x430: {  	v15 =	vld.idx.msk [tilespmem:v15+s15+$0x0], $0xffff  }
0x431: {  	v17 =	vor.u32 $0x80, v1;
	v16 =	vld.idx.msk [tilespmem:v10+s15+$0x0], $0xffff  }
0x432: {  	v18 =	vld.idx.msk [tilespmem:v11+s15+$0x0], $0xffff;
	[tilespmem:s28+$0xFFFFFEF0] =	vst v7;
	v7 =	vor.u32 $0x80, v3  }
0x433: {  	[tilespmem:s28+$0xFFFFFE00] =	vst v5;
	v5 =	vld.idx.msk [tilespmem:v13+s15+$0x0], $0xffff;
	v13 =	vor.u32 $0x80, v10  }
0x434: {  	v19 =	vor.u32 $0x80, v11;
	[tilespmem:s28+$0xFFFFFE30] =	vst v14;
	v8 =	vld.idx.msk [tilespmem:v8+s15+$0x0], $0xffff  }
0x435: {  	v9 =	vld.idx.msk [tilespmem:v12+s15+$0x0], $0xffff;
	[tilespmem:s28+$0xFFFFFE20] =	vst v6;
	v6 =	vor.u32 $0x180, v4  }
0x436: {  	v14 =	vor.u32 $0x80, v12;
	v17 =	vld.idx.msk [tilespmem:v17+s15+$0x0], $0xffff;
	[tilespmem:s28+$0xFFFFFE40] =	vst v16  }
0x437: {  	v16 =	vor.u32 $0x100, v0;
	v7 =	vld.idx.msk [tilespmem:v7+s15+$0x0], $0xffff;
	[tilespmem:s28+$0xFFFFFE50] =	vst v18  }
0x438: {  	v18 =	vor.u32 $0x100, v2;
	v13 =	vld.idx.msk [tilespmem:v13+s15+$0x0], $0xffff;
	[tilespmem:s28+$0xFFFFFF70] =	vst v5  }
0x439: {  	v5 =	vor.u32 $0x100, v1;
	[tilespmem:s28+$0xFFFFFE80] =	vst v8;
	v8 =	vld.idx.msk [tilespmem:v19+s15+$0x0], $0xffff  }
0x43a: {  	[tilespmem:s28+$0xFFFFFE60] =	vst v9;
	v9 =	vor.u32 $0x100, v3;
	v6 =	vld.idx.msk [tilespmem:v6+s15+$0x0], $0xffff  }
0x43b: {  	[tilespmem:s28+$0xFFFFFE90] =	vst v15;
	v19 =	vor.u32 $0x100, v10;
	v14 =	vld.idx.msk [tilespmem:v14+s15+$0x0], $0xffff  }
0x43c: {  	[tilespmem:s28+$0xFFFFFEA0] =	vst v17;
	v17 =	vor.u32 $0x100, v11;
	v16 =	vld.idx.msk [tilespmem:v16+s15+$0x0], $0xffff  }
0x43d: {  	v15 =	vor.u32 $0x200, v4;
	v18 =	vld.idx.msk [tilespmem:v18+s15+$0x0], $0xffff;
	[tilespmem:s28+$0xFFFFFEB0] =	vst v7  }
0x43e: {  	v7 =	vor.u32 $0x100, v12;
	v5 =	vld.idx.msk [tilespmem:v5+s15+$0x0], $0xffff;
	[tilespmem:s28+$0xFFFFFEC0] =	vst v13  }
0x43f: {  	v13 =	vor.u32 $0x180, v0;
	v9 =	vld.idx.msk [tilespmem:v9+s15+$0x0], $0xffff;
	[tilespmem:s28+$0xFFFFFED0] =	vst v8  }
0x440: {  	[tilespmem:s28+$0xFFFFFFF0] =	vst v6;
	v6 =	vor.u32 $0x180, v2;
	v19 =	vld.idx.msk [tilespmem:v19+s15+$0x0], $0xffff  }
0x441: {  	[tilespmem:s28+$0xFFFFFEE0] =	vst v14;
	v14 =	vld.idx.msk [tilespmem:v17+s15+$0x0], $0xffff;
	v17 =	vor.u32 $0x180, v3  }
0x442: {  	v8 =	vld.idx.msk [tilespmem:v15+s15+$0x0], $0xffff;
	v15 =	vor.u32 $0x180, v1;
	[tilespmem:s28+$0xFFFFFF00] =	vst v16  }
0x443: {  	v16 =	vor.u32 $0x280, v4;
	[tilespmem:s28+$0xFFFFFF10] =	vst v18;
	v7 =	vld.idx.msk [tilespmem:v7+s15+$0x0], $0xffff  }
0x444: {  	v18 =	vor.u32 $0x180, v10;
	v13 =	vld.idx.msk [tilespmem:v13+s15+$0x0], $0xffff;
	[tilespmem:s28+$0xFFFFFF20] =	vst v5  }
0x445: {  	v5 =	vor.u32 $0x180, v11;
	[tilespmem:s28+$0xFFFFFF30] =	vst v9;
	v6 =	vld.idx.msk [tilespmem:v6+s15+$0x0], $0xffff  }
0x446: {  	v9 =	vor.u32 $0x180, v12;
	[tilespmem:s28+$0xFFFFFF40] =	vst v19;
	v17 =	vld.idx.msk [tilespmem:v17+s15+$0x0], $0xffff  }
0x447: {  	v15 =	vld.idx.msk [tilespmem:v15+s15+$0x0], $0xffff;
	[tilespmem:s28+$0x70] =	vst v8;
	v8 =	vor.u32 $0x200, v0  }
0x448: {  	v19 =	vor.u32 $0x200, v2;
	[tilespmem:s28+$0xFFFFFF50] =	vst v14;
	v16 =	vld.idx.msk [tilespmem:v16+s15+$0x0], $0xffff  }
0x449: {  	v14 =	vld.idx.msk [tilespmem:v18+s15+$0x0], $0xffff;
	[tilespmem:s28+$0xFFFFFF60] =	vst v7;
	v7 =	vor.u32 $0x300, v4  }
0x44a: {  	v18 =	vor.u32 $0x200, v1;
	[tilespmem:s28+$0xFFFFFF80] =	vst v13;
	v5 =	vld.idx.msk [tilespmem:v5+s15+$0x0], $0xffff  }
0x44b: {  	v13 =	vor.u32 $0x200, v3;
	[tilespmem:s28+$0xFFFFFF90] =	vst v6;
	v6 =	vld.idx.msk [tilespmem:v9+s15+$0x0], $0xffff  }
0x44c: {  	v9 =	vor.u32 $0x200, v10;
	v8 =	vld.idx.msk [tilespmem:v8+s15+$0x0], $0xffff;
	[tilespmem:s28+$0xFFFFFFA0] =	vst v15  }
0x44d: {  	v15 =	vor.u32 $0x200, v11;
	v19 =	vld.idx.msk [tilespmem:v19+s15+$0x0], $0xffff;
	[tilespmem:s28+$0xF0] =	vst v16  }
0x44e: {  	[tilespmem:s28+$0xFFFFFFB0] =	vst v17;
	v16 =	vor.u32 $0x200, v12;
	v7 =	vld.idx.msk [tilespmem:v7+s15+$0x0], $0xffff  }
0x44f: {  	v17 =	vor.u32 $0x280, v0;
	v18 =	vld.idx.msk [tilespmem:v18+s15+$0x0], $0xffff;
	[tilespmem:s28+$0xFFFFFFC0] =	vst v14  }
0x450: {  	v4 =	vor.u32 $0x380, v4;
	v13 =	vld.idx.msk [tilespmem:v13+s15+$0x0], $0xffff;
	[tilespmem:s28+$0xFFFFFFD0] =	vst v5  }
0x451: {  	v5 =	vor.u32 $0x280, v2;
	v9 =	vld.idx.msk [tilespmem:v9+s15+$0x0], $0xffff;
	[tilespmem:s28+$0xFFFFFFE0] =	vst v6  }
0x452: {  	v6 =	vor.u32 $0x280, v1;
	[tilespmem:s28+$0x0] =	vst v8;
	v8 =	vld.idx.msk [tilespmem:v15+s15+$0x0], $0xffff  }
0x453: {  	v14 =	vor.u32 $0x280, v3;
	[tilespmem:s28+$0x10] =	vst v19;
	v15 =	vld.idx.msk [tilespmem:v16+s15+$0x0], $0xffff  }
0x454: {  	v16 =	vor.u32 $0x280, v10;
	v17 =	vld.idx.msk [tilespmem:v17+s15+$0x0], $0xffff;
	[tilespmem:s28+$0x170] =	vst v7  }
0x455: {  	v7 =	vor.u32 $0x280, v11;
	[tilespmem:s28+$0x20] =	vst v18;
	v4 =	vld.idx.msk [tilespmem:v4+s15+$0x0], $0xffff  }
0x456: {  	v18 =	vor.u32 $0x280, v12;
	v5 =	vld.idx.msk [tilespmem:v5+s15+$0x0], $0xffff;
	[tilespmem:s28+$0x30] =	vst v13  }
0x457: {  	v13 =	vor.u32 $0x300, v0;
	v6 =	vld.idx.msk [tilespmem:v6+s15+$0x0], $0xffff;
	[tilespmem:s28+$0x40] =	vst v9  }
0x458: {  	v9 =	vor.u32 $0x300, v2;
	v19 =	vld.idx.msk [tilespmem:v14+s15+$0x0], $0xffff;
	[tilespmem:s28+$0x50] =	vst v8  }
0x459: {  	v20 =	vor.u32 $0x300, v1;
	v21 =	vld.idx.msk [tilespmem:v16+s15+$0x0], $0xffff;
	[tilespmem:s28+$0x60] =	vst v15  }
0x45a: {  	v22 =	vor.u32 $0x300, v3;
	[tilespmem:s28+$0x80] =	vst v17;
	v17 =	vld.idx.msk [tilespmem:v7+s15+$0x0], $0xffff  }
0x45b: {  	v23 =	vor.u32 $0x300, v10;
	v15 =	vld.idx.msk [tilespmem:v18+s15+$0x0], $0xffff;
	[tilespmem:s28+$0x1F0] =	vst v4  }
0x45c: {  	s26 =	sand.u32 $0x7, s21;
	v14 =	vld.idx.msk [tilespmem:v13+s15+$0x0], $0xffff;
	[tilespmem:s28+$0x90] =	vst v5  }
0x45d: {  	s26 =	sshll.u32 s26, $0x9;
	v13 =	vld.idx.msk [tilespmem:v9+s15+$0x0], $0xffff;
	[tilespmem:s28+$0xA0] =	vst v6  }
0x45e: {  	s25 =	sor.u32 s26, s25;
	v8 =	vor.u32 $0x300, v11;
	v7 =	vor.u32 $0x380, v0;
	v0 =	vor.u32 $0x380, v12;
	[tilespmem:s28+$0xB0] =	vst v19;
	v16 =	vld.idx.msk [tilespmem:v20+s15+$0x0], $0xffff  }
0x45f: {  	s30 =	simm.s32 $0x0;
	s31 =	sadd.s32 $0x400, s29;
	s25 =	sshrl.u32 s25, $0x2;
	v5 =	vor.u32 $0x380, v1;
	v4 =	vor.u32 $0x380, v3;
	v1 =	vor.u32 $0x380, v11;
	v3 =	vld.idx.msk [tilespmem:v22+s15+$0x0], $0xffff;
	[tilespmem:s28+$0xC0] =	vst v21  }
0x460: {  	s29 =	simm.s32 $0x10200;
	s26 =	sshll.u32 s24, $0x1;
	s25 =	sadd.s32 $0xF0, s25;
	v6 =	vor.u32 $0x380, v2;
	v9 =	vor.u32 $0x300, v12;
	v2 =	vor.u32 $0x380, v10;
	v10 =	vld.idx.msk [tilespmem:v23+s15+$0x0], $0xffff;
	[tilespmem:s28+$0xD0] =	vst v17  }
.LBB2_22:
0x461: {  	v11 =	vld [tilespmem:s31+$0x30];
	s30 =	sadd.s32 $0x8, s30;
	[tilespmem:s28+$0xE0] =	vst v15  }
0x462: {  	v12 =	vld [tilespmem:s31+$0xFFFFFFD0];
	p2 =	slt.u32 s30, $0x38;
	[tilespmem:s28+$0x100] =	vst v14  }
0x463: {  	v14 =	vld [tilespmem:s31+$0xFFFFFFE0];
	[tilespmem:s28+$0x110] =	vst v13  }
0x464: {  	v13 =	vld [tilespmem:s31+$0xFFFFFFF0];
	[tilespmem:s28+$0x120] =	vst v16  }
0x465: {  	v15 =	vld [tilespmem:s31+$0x0];
	[tilespmem:s28+$0x130] =	vst v3  }
0x466: {  	v16 =	vld [tilespmem:s31+$0x10];
	v3 =	vshll.u32 v11, $0x3;
	[tilespmem:s28+$0x140] =	vst v10  }
0x467: {  	v11 =	vand.u32 $0x7F, v11;
	v10 =	vshll.u32 v12, $0x3;
	v17 =	vld [tilespmem:s31+$0x20];
	v3 =	vand.u32 $0xFFFFFC00, v3  }
0x468: {  	v18 =	vld [tilespmem:s31+$0xFFFFFFC0];
	v10 =	vand.u32 $0xFFFFFC00, v10;
	v19 =	vshll.u32 v14, $0x3;
	v3 =	vor.u32 v11, v3  }
0x469: {  	v11 =	vand.u32 $0x7F, v12;
	v12 =	vand.u32 $0xFFFFFC00, v19;
	v19 =	vshll.u32 v13, $0x3;
	v8 =	vld.idx.msk [tilespmem:v8+s15+$0x0], $0xffff  }
0x46a: {  	v14 =	vand.u32 $0x7F, v14;
	v19 =	vand.u32 $0xFFFFFC00, v19;
	v20 =	vshll.u32 v15, $0x3;
	v9 =	vld.idx.msk [tilespmem:v9+s15+$0x0], $0xffff  }
0x46b: {  	v13 =	vand.u32 $0x7F, v13;
	v20 =	vand.u32 $0xFFFFFC00, v20;
	v21 =	vshll.u32 v16, $0x3;
	v7 =	vld.idx.msk [tilespmem:v7+s15+$0x0], $0xffff  }
0x46c: {  	v15 =	vand.u32 $0x7F, v15;
	v21 =	vand.u32 $0xFFFFFC00, v21;
	v22 =	vshll.u32 v17, $0x3;
	v6 =	vld.idx.msk [tilespmem:v6+s15+$0x0], $0xffff  }
0x46d: {  	v23 =	vand.u32 $0x7F, v18;
	v18 =	vshll.u32 v18, $0x3;
	v22 =	vand.u32 $0xFFFFFC00, v22;
	v24 =	vld.idx.msk [tilespmem:v3+s15+$0x0], $0xffff  }
0x46e: {  	v16 =	vand.u32 $0x7F, v16;
	v17 =	vand.u32 $0x7F, v17;
	v18 =	vand.u32 $0xFFFFFC00, v18;
	v5 =	vld.idx.msk [tilespmem:v5+s15+$0x0], $0xffff  }
0x46f: {  	v25 =	vor.u32 v11, v10;
	v10 =	vor.u32 $0x80, v3;
	v23 =	vor.u32 v23, v18;
	v4 =	vld.idx.msk [tilespmem:v4+s15+$0x0], $0xffff;
	[tilespmem:s28+$0x150] =	vst v8  }
0x470: {  	v26 =	vor.u32 v14, v12;
	v27 =	vor.u32 v13, v19;
	v28 =	vor.u32 v15, v20;
	[tilespmem:s28+$0x160] =	vst v9  }
0x471: {  	v21 =	vor.u32 v16, v21;
	v22 =	vor.u32 v17, v22;
	v8 =	vor.u32 $0x80, v23;
	[tilespmem:s28+$0x180] =	vst v7;
	v2 =	vld.idx.msk [tilespmem:v2+s15+$0x0], $0xffff  }
0x472: {  	v29 =	vor.u32 $0x80, v27;
	v9 =	vor.u32 $0x80, v26;
	v7 =	vor.u32 $0x80, v25;
	s28 =	sadd.s32 $0x400, s28;
	[tilespmem:s29+$0x190] =	vst v6;
	v1 =	vld.idx.msk [tilespmem:v1+s15+$0x0], $0xffff  }
0x473: {  	v30 =	vor.u32 $0x80, v28;
	v31 =	vor.u32 $0x80, v21;
	v32 =	vor.u32 $0x80, v22;
	[tilespmem:s28+$0xFFFFFE70] =	vst v24;
	v0 =	vld.idx.msk [tilespmem:v0+s15+$0x0], $0xffff  }
0x474: {  	v33 =	vor.u32 $0x100, v25;
	v34 =	vor.u32 $0x100, v26;
	v24 =	vor.u32 $0x100, v23;
	v6 =	vld.idx.msk [tilespmem:v10+s15+$0x0], $0xffff;
	[tilespmem:s29+$0x1A0] =	vst v5  }
0x475: {  	v35 =	vor.u32 $0x100, v27;
	v36 =	vor.u32 $0x100, v28;
	v37 =	vor.u32 $0x100, v21;
	v5 =	vld.idx.msk [tilespmem:v23+s15+$0x0], $0xffff;
	[tilespmem:s29+$0x1B0] =	vst v4  }
0x476: {  	v39 =	vor.u32 $0x100, v22;
	v38 =	vor.u32 $0x180, v23;
	v10 =	vor.u32 $0x100, v3;
	v4 =	vld.idx.msk [tilespmem:v25+s15+$0x0], $0xffff  }
0x477: {  	v40 =	vor.u32 $0x180, v25;
	v41 =	vor.u32 $0x180, v26;
	v42 =	vor.u32 $0x180, v27;
	v11 =	vld.idx.msk [tilespmem:v26+s15+$0x0], $0xffff;
	[tilespmem:s29+$0x1C0] =	vst v2  }
0x478: {  	v43 =	vor.u32 $0x180, v28;
	v44 =	vor.u32 $0x180, v21;
	v45 =	vor.u32 $0x180, v22;
	v2 =	vld.idx.msk [tilespmem:v27+s15+$0x0], $0xffff;
	[tilespmem:s29+$0x1D0] =	vst v1  }
0x479: {  	v47 =	vor.u32 $0x200, v25;
	v48 =	vor.u32 $0x200, v26;
	v46 =	vor.u32 $0x200, v23;
	v1 =	vld.idx.msk [tilespmem:v28+s15+$0x0], $0xffff;
	[tilespmem:s29+$0x1E0] =	vst v0;
	s29 =	smov.u32 s28  }
0x47a: {  	v49 =	vor.u32 $0x200, v27;
	v50 =	vor.u32 $0x200, v28;
	v51 =	vor.u32 $0x200, v21;
	v0 =	vld.idx.msk [tilespmem:v21+s15+$0x0], $0xffff;
	[tilespmem:s28+$0xFFFFFEF0] =	vst v6  }
0x47b: {  	v18 =	vor.u32 $0x280, v25;
	v53 =	vor.u32 $0x200, v22;
	v52 =	vor.u32 $0x280, v23;
	[tilespmem:s28+$0xFFFFFE00] =	vst v5;
	v54 =	vld.idx.msk [tilespmem:v10+s15+$0x0], $0xffff  }
0x47c: {  	v20 =	vor.u32 $0x280, v26;
	v19 =	vor.u32 $0x280, v27;
	v15 =	vor.u32 $0x280, v28;
	[tilespmem:s28+$0xFFFFFE10] =	vst v4;
	v55 =	vld.idx.msk [tilespmem:v22+s15+$0x0], $0xffff  }
0x47d: {  	v57 =	vor.u32 $0x180, v3;
	v17 =	vor.u32 $0x280, v21;
	v16 =	vor.u32 $0x280, v22;
	v56 =	vld.idx.msk [tilespmem:v8+s15+$0x0], $0xffff;
	[tilespmem:s28+$0xFFFFFE20] =	vst v11  }
0x47e: {  	v13 =	vor.u32 $0x300, v25;
	v14 =	vor.u32 $0x300, v23;
	v10 =	vor.u32 $0x300, v26;
	v58 =	vld.idx.msk [tilespmem:v7+s15+$0x0], $0xffff;
	[tilespmem:s28+$0xFFFFFE30] =	vst v2  }
0x47f: {  	v12 =	vor.u32 $0x300, v27;
	v11 =	vor.u32 $0x300, v28;
	v8 =	vor.u32 $0x300, v21;
	v59 =	vld.idx.msk [tilespmem:v9+s15+$0x0], $0xffff;
	[tilespmem:s28+$0xFFFFFE40] =	vst v1  }
0x480: {  	v6 =	vor.u32 $0x380, v25;
	v7 =	vor.u32 $0x380, v23;
	v9 =	vor.u32 $0x300, v22;
	v23 =	vld.idx.msk [tilespmem:v29+s15+$0x0], $0xffff;
	[tilespmem:s28+$0xFFFFFE50] =	vst v0  }
0x481: {  	v5 =	vor.u32 $0x380, v26;
	v4 =	vor.u32 $0x380, v27;
	v2 =	vor.u32 $0x380, v28;
	v25 =	vld.idx.msk [tilespmem:v30+s15+$0x0], $0xffff;
	[tilespmem:s28+$0xFFFFFF70] =	vst v54  }
0x482: {  	v1 =	vor.u32 $0x380, v21;
	v0 =	vor.u32 $0x380, v22;
	[tilespmem:s28+$0xFFFFFE60] =	vst v55;
	v21 =	vld.idx.msk [tilespmem:v57+s15+$0x0], $0xffff  }
0x483: {  	[tilespmem:s28+$0xFFFFFE80] =	vst v56;
	v22 =	vld.idx.msk [tilespmem:v31+s15+$0x0], $0xffff  }
0x484: {  	v27 =	vor.u32 $0x200, v3;
	[tilespmem:s28+$0xFFFFFE90] =	vst v58;
	v26 =	vld.idx.msk [tilespmem:v32+s15+$0x0], $0xffff  }
0x485: {  	v24 =	vld.idx.msk [tilespmem:v24+s15+$0x0], $0xffff;
	[tilespmem:s28+$0xFFFFFEA0] =	vst v59  }
0x486: {  	v28 =	vld.idx.msk [tilespmem:v33+s15+$0x0], $0xffff;
	[tilespmem:s28+$0xFFFFFEB0] =	vst v23  }
0x487: {  	v23 =	vld.idx.msk [tilespmem:v34+s15+$0x0], $0xffff;
	[tilespmem:s28+$0xFFFFFEC0] =	vst v25  }
0x488: {  	v25 =	vld.idx.msk [tilespmem:v35+s15+$0x0], $0xffff;
	[tilespmem:s28+$0xFFFFFFF0] =	vst v21  }
0x489: {  	[tilespmem:s28+$0xFFFFFED0] =	vst v22;
	v21 =	vld.idx.msk [tilespmem:v27+s15+$0x0], $0xffff  }
0x48a: {  	v22 =	vld.idx.msk [tilespmem:v36+s15+$0x0], $0xffff;
	[tilespmem:s28+$0xFFFFFEE0] =	vst v26  }
0x48b: {  	v26 =	vor.u32 $0x280, v3;
	[tilespmem:s28+$0xFFFFFF00] =	vst v24;
	v24 =	vld.idx.msk [tilespmem:v37+s15+$0x0], $0xffff  }
0x48c: {  	[tilespmem:s28+$0xFFFFFF10] =	vst v28;
	v27 =	vld.idx.msk [tilespmem:v39+s15+$0x0], $0xffff  }
0x48d: {  	v28 =	vld.idx.msk [tilespmem:v38+s15+$0x0], $0xffff;
	[tilespmem:s28+$0xFFFFFF20] =	vst v23  }
0x48e: {  	v23 =	vld.idx.msk [tilespmem:v40+s15+$0x0], $0xffff;
	[tilespmem:s28+$0xFFFFFF30] =	vst v25  }
0x48f: {  	v25 =	vld.idx.msk [tilespmem:v41+s15+$0x0], $0xffff;
	[tilespmem:s28+$0x70] =	vst v21  }
0x490: {  	[tilespmem:s28+$0xFFFFFF40] =	vst v22;
	v21 =	vld.idx.msk [tilespmem:v26+s15+$0x0], $0xffff  }
0x491: {  	v22 =	vld.idx.msk [tilespmem:v42+s15+$0x0], $0xffff;
	[tilespmem:s28+$0xFFFFFF50] =	vst v24  }
0x492: {  	v26 =	vor.u32 $0x300, v3;
	v24 =	vld.idx.msk [tilespmem:v43+s15+$0x0], $0xffff;
	[tilespmem:s28+$0xFFFFFF60] =	vst v27  }
0x493: {  	[tilespmem:s28+$0xFFFFFF80] =	vst v28;
	v27 =	vld.idx.msk [tilespmem:v44+s15+$0x0], $0xffff  }
0x494: {  	[tilespmem:s28+$0xFFFFFF90] =	vst v23;
	v23 =	vld.idx.msk [tilespmem:v45+s15+$0x0], $0xffff  }
0x495: {  	v28 =	vld.idx.msk [tilespmem:v46+s15+$0x0], $0xffff;
	[tilespmem:s28+$0xFFFFFFA0] =	vst v25  }
0x496: {  	v25 =	vld.idx.msk [tilespmem:v47+s15+$0x0], $0xffff;
	[tilespmem:s28+$0xF0] =	vst v21  }
0x497: {  	[tilespmem:s28+$0xFFFFFFB0] =	vst v22;
	v21 =	vld.idx.msk [tilespmem:v26+s15+$0x0], $0xffff  }
0x498: {  	v22 =	vld.idx.msk [tilespmem:v48+s15+$0x0], $0xffff;
	[tilespmem:s28+$0xFFFFFFC0] =	vst v24  }
0x499: {  	v3 =	vor.u32 $0x380, v3;
	v24 =	vld.idx.msk [tilespmem:v49+s15+$0x0], $0xffff;
	[tilespmem:s28+$0xFFFFFFD0] =	vst v27  }
0x49a: {  	v26 =	vld.idx.msk [tilespmem:v50+s15+$0x0], $0xffff;
	[tilespmem:s28+$0xFFFFFFE0] =	vst v23  }
0x49b: {  	[tilespmem:s28+$0x0] =	vst v28;
	v23 =	vld.idx.msk [tilespmem:v51+s15+$0x0], $0xffff  }
0x49c: {  	[tilespmem:s28+$0x10] =	vst v25;
	v25 =	vld.idx.msk [tilespmem:v53+s15+$0x0], $0xffff  }
0x49d: {  	v27 =	vld.idx.msk [tilespmem:v52+s15+$0x0], $0xffff;
	[tilespmem:s28+$0x170] =	vst v21  }
0x49e: {  	[tilespmem:s28+$0x20] =	vst v22;
	v3 =	vld.idx.msk [tilespmem:v3+s15+$0x0], $0xffff  }
0x49f: {  	v18 =	vld.idx.msk [tilespmem:v18+s15+$0x0], $0xffff;
	[tilespmem:s28+$0x30] =	vst v24  }
0x4a0: {  	v20 =	vld.idx.msk [tilespmem:v20+s15+$0x0], $0xffff;
	[tilespmem:s28+$0x40] =	vst v26  }
0x4a1: {  	v19 =	vld.idx.msk [tilespmem:v19+s15+$0x0], $0xffff;
	[tilespmem:s28+$0x50] =	vst v23  }
0x4a2: {  	v21 =	vld.idx.msk [tilespmem:v15+s15+$0x0], $0xffff;
	[tilespmem:s28+$0x60] =	vst v25  }
0x4a3: {  	[tilespmem:s28+$0x80] =	vst v27;
	v17 =	vld.idx.msk [tilespmem:v17+s15+$0x0], $0xffff  }
0x4a4: {  	v15 =	vld.idx.msk [tilespmem:v16+s15+$0x0], $0xffff;
	[tilespmem:s28+$0x1F0] =	vst v3  }
.Ltmp12:
0x4a5: {  	v14 =	vld.idx.msk [tilespmem:v14+s15+$0x0], $0xffff;
	[tilespmem:s28+$0x90] =	vst v18;
	(pc) =	sbr.rel @p2 .LBB2_22-.Ltmp12, $4  }
0x4a6: {  	v13 =	vld.idx.msk [tilespmem:v13+s15+$0x0], $0xffff;
	[tilespmem:s28+$0xA0] =	vst v20  }
0x4a7: {  	v16 =	vld.idx.msk [tilespmem:v10+s15+$0x0], $0xffff;
	[tilespmem:s28+$0xB0] =	vst v19  }
0x4a8: {  	v3 =	vld.idx.msk [tilespmem:v12+s15+$0x0], $0xffff;
	[tilespmem:s28+$0xC0] =	vst v21  }
0x4a9: {  	s31 =	sadd.s32 $0x400, s31;
	v10 =	vld.idx.msk [tilespmem:v11+s15+$0x0], $0xffff;
	[tilespmem:s28+$0xD0] =	vst v17  }
0x4aa: {  	_ =	sdelay $0x2  }
0x4ab: {  	[tilespmem:s28+$0xE0] =	vst v15  }
0x4ac: {  	[tilespmem:s28+$0x100] =	vst v14;
	v8 =	vld.idx.msk [tilespmem:v8+s15+$0x0], $0xffff  }
0x4ad: {  	[tilespmem:s28+$0x110] =	vst v13;
	v9 =	vld.idx.msk [tilespmem:v9+s15+$0x0], $0xffff  }
0x4ae: {  	v7 =	vld.idx.msk [tilespmem:v7+s15+$0x0], $0xffff;
	[tilespmem:s28+$0x120] =	vst v16  }
0x4af: {  	[tilespmem:s28+$0x130] =	vst v3;
	v3 =	vld.idx.msk [tilespmem:v6+s15+$0x0], $0xffff  }
0x4b0: {  	v5 =	vld.idx.msk [tilespmem:v5+s15+$0x0], $0xffff;
	[tilespmem:s28+$0x140] =	vst v10  }
0x4b1: {  	v4 =	vld.idx.msk [tilespmem:v4+s15+$0x0], $0xffff;
	[tilespmem:s28+$0x150] =	vst v8  }
0x4b2: {  	v2 =	vld.idx.msk [tilespmem:v2+s15+$0x0], $0xffff;
	[tilespmem:s28+$0x160] =	vst v9  }
0x4b3: {  	[tilespmem:s28+$0x180] =	vst v7;
	v1 =	vld.idx.msk [tilespmem:v1+s15+$0x0], $0xffff  }
0x4b4: {  	v0 =	vld.idx.msk [tilespmem:v0+s15+$0x0], $0xffff;
	[tilespmem:s29+$0x190] =	vst v3  }
0x4b5: {  	s28 =	smul.u32 $0xFA, s24;
	[tilespmem:s29+$0x1A0] =	vst v5  }
0x4b6: {  	[tilespmem:s29+$0x1B0] =	vst v4  }
0x4b7: {  	s28 =	sadd.s32 s9, s28;
	[tilespmem:s29+$0x1C0] =	vst v2  }
0x4b8: {  	s28 =	sshll.u32 s28, $0xA;
	[tilespmem:s29+$0x1D0] =	vst v1  }
0x4b9: {  	s28 =	sadd.s32 s3, s28;
	[tilespmem:s29+$0x1E0] =	vst v0  }
0x4ba: {  	[hbm4b:s28+s4] =	stream.linear.scatter [tilespmem:s16], [sflag:$0x1], $0x2000, $0x38;
	[tilespmem:$0x14000] =	vst v63  }
0x4bb: {  	s28 =	simm.s32 @!p1 $0x2  }
0x4bc: {  	_ =	swait.ge @!p1 [sflag:s28], $0x2000  }
0x4bd: {  	[sflag:s28] =	ssyncset.done @!p1 $0x0  }
0x4be: {  	[sflag:s28] =	ssyncadd.s32 @!p1 $0xFFFFE000  }
0x4bf: {  	v0 =	vld [tilespmem:s25+$0x0]  }
0x4c0: {  	v1 =	vld [tilespmem:s25+$0xFFFFFFA0]  }
0x4c1: {  	v6 =	vld [tilespmem:s25+$0xFFFFFFC0]  }
0x4c2: {  	v3 =	vld [tilespmem:s25+$0xFFFFFFB0]  }
0x4c3: {  	v5 =	vld [tilespmem:s25+$0xFFFFFF90]  }
0x4c4: {  	v2 =	vshll.u32 v0, $0x3  }
0x4c5: {  	v0 =	vand.u32 $0x7F, v0;
	v2 =	vand.u32 $0xFFFFFC00, v2  }
0x4c6: {  	v13 =	vshll.u32 v6, $0x3;
	v4 =	vor.u32 v0, v2;
	v0 =	vshll.u32 v1, $0x3  }
0x4c7: {  	v6 =	vand.u32 $0x7F, v6;
	v2 =	vand.u32 $0xFFFFFC00, v0;
	v0 =	vshll.u32 v3, $0x3  }
0x4c8: {  	v8 =	vld [tilespmem:s25+$0xFFFFFFE0];
	v1 =	vand.u32 $0x7F, v1;
	v9 =	vand.u32 $0xFFFFFC00, v0;
	v0 =	vshll.u32 v5, $0x3  }
0x4c9: {  	v7 =	vld [tilespmem:s25+$0xFFFFFFD0];
	v5 =	vand.u32 $0x7F, v5;
	v2 =	vor.u32 v1, v2;
	v0 =	vand.u32 $0xFFFFFC00, v0  }
0x4ca: {  	v3 =	vand.u32 $0x7F, v3;
	v0 =	vor.u32 v5, v0;
	v5 =	vand.u32 $0xFFFFFC00, v13  }
0x4cb: {  	v1 =	vor.u32 v3, v9;
	v10 =	vld.idx.msk [tilespmem:v4+s15+$0x0], $0xffff;
	v3 =	vor.u32 v6, v5  }
0x4cc: {  	v12 =	vld [tilespmem:s25+$0xFFFFFFF0];
	v11 =	vor.u32 $0x80, v4  }
0x4cd: {  	v9 =	vshll.u32 v8, $0x3  }
0x4ce: {  	v13 =	vshll.u32 v7, $0x3;
	v5 =	vand.u32 $0xFFFFFC00, v9;
	v9 =	vld.idx.msk [tilespmem:v2+s15+$0x0], $0xffff  }
0x4cf: {  	s28 =	simm.s32 $0x12200;
	v15 =	vor.u32 $0x80, v2;
	v7 =	vand.u32 $0x7F, v7;
	v13 =	vand.u32 $0xFFFFFC00, v13  }
0x4d0: {  	v6 =	vand.u32 $0x7F, v8;
	[tilespmem:s28+$0xFFFFFE70] =	vst v10;
	v10 =	vor.u32 v7, v13;
	v14 =	vld.idx.msk [tilespmem:v3+s15+$0x0], $0xffff  }
0x4d1: {  	v8 =	vshll.u32 v12, $0x3;
	v7 =	vld.idx.msk [tilespmem:v11+s15+$0x0], $0xffff;
	v11 =	vor.u32 v6, v5  }
0x4d2: {  	v13 =	vor.u32 $0x100, v4;
	v5 =	vld.idx.msk [tilespmem:v0+s15+$0x0], $0xffff;
	v6 =	vand.u32 $0xFFFFFC00, v8;
	v8 =	vand.u32 $0x7F, v12  }
0x4d3: {  	v12 =	vor.u32 v8, v6;
	v6 =	vld.idx.msk [tilespmem:v1+s15+$0x0], $0xffff;
	v8 =	vor.u32 $0x80, v0;
	[tilespmem:s28+$0xFFFFFE10] =	vst v9  }
0x4d4: {  	v15 =	vld.idx.msk [tilespmem:v15+s15+$0x0], $0xffff  }
0x4d5: {  	v17 =	vor.u32 $0x80, v1;
	v16 =	vld.idx.msk [tilespmem:v10+s15+$0x0], $0xffff  }
0x4d6: {  	v18 =	vld.idx.msk [tilespmem:v11+s15+$0x0], $0xffff;
	[tilespmem:s28+$0xFFFFFEF0] =	vst v7;
	v7 =	vor.u32 $0x80, v3  }
0x4d7: {  	[tilespmem:s28+$0xFFFFFE00] =	vst v5;
	v5 =	vld.idx.msk [tilespmem:v13+s15+$0x0], $0xffff;
	v13 =	vor.u32 $0x80, v10  }
0x4d8: {  	v19 =	vor.u32 $0x80, v11;
	[tilespmem:s28+$0xFFFFFE30] =	vst v14;
	v8 =	vld.idx.msk [tilespmem:v8+s15+$0x0], $0xffff  }
0x4d9: {  	v9 =	vld.idx.msk [tilespmem:v12+s15+$0x0], $0xffff;
	[tilespmem:s28+$0xFFFFFE20] =	vst v6;
	v6 =	vor.u32 $0x180, v4  }
0x4da: {  	v14 =	vor.u32 $0x80, v12;
	v17 =	vld.idx.msk [tilespmem:v17+s15+$0x0], $0xffff;
	[tilespmem:s28+$0xFFFFFE40] =	vst v16  }
0x4db: {  	v16 =	vor.u32 $0x100, v0;
	v7 =	vld.idx.msk [tilespmem:v7+s15+$0x0], $0xffff;
	[tilespmem:s28+$0xFFFFFE50] =	vst v18  }
0x4dc: {  	v18 =	vor.u32 $0x100, v2;
	v13 =	vld.idx.msk [tilespmem:v13+s15+$0x0], $0xffff;
	[tilespmem:s28+$0xFFFFFF70] =	vst v5  }
0x4dd: {  	v5 =	vor.u32 $0x100, v1;
	[tilespmem:s28+$0xFFFFFE80] =	vst v8;
	v8 =	vld.idx.msk [tilespmem:v19+s15+$0x0], $0xffff  }
0x4de: {  	[tilespmem:s28+$0xFFFFFE60] =	vst v9;
	v9 =	vor.u32 $0x100, v3;
	v6 =	vld.idx.msk [tilespmem:v6+s15+$0x0], $0xffff  }
0x4df: {  	[tilespmem:s28+$0xFFFFFE90] =	vst v15;
	v19 =	vor.u32 $0x100, v10;
	v14 =	vld.idx.msk [tilespmem:v14+s15+$0x0], $0xffff  }
0x4e0: {  	[tilespmem:s28+$0xFFFFFEA0] =	vst v17;
	v17 =	vor.u32 $0x100, v11;
	v16 =	vld.idx.msk [tilespmem:v16+s15+$0x0], $0xffff  }
0x4e1: {  	v15 =	vor.u32 $0x200, v4;
	v18 =	vld.idx.msk [tilespmem:v18+s15+$0x0], $0xffff;
	[tilespmem:s28+$0xFFFFFEB0] =	vst v7  }
0x4e2: {  	v7 =	vor.u32 $0x100, v12;
	v5 =	vld.idx.msk [tilespmem:v5+s15+$0x0], $0xffff;
	[tilespmem:s28+$0xFFFFFEC0] =	vst v13  }
0x4e3: {  	v13 =	vor.u32 $0x180, v0;
	v9 =	vld.idx.msk [tilespmem:v9+s15+$0x0], $0xffff;
	[tilespmem:s28+$0xFFFFFED0] =	vst v8  }
0x4e4: {  	[tilespmem:s28+$0xFFFFFFF0] =	vst v6;
	v6 =	vor.u32 $0x180, v2;
	v19 =	vld.idx.msk [tilespmem:v19+s15+$0x0], $0xffff  }
0x4e5: {  	[tilespmem:s28+$0xFFFFFEE0] =	vst v14;
	v14 =	vld.idx.msk [tilespmem:v17+s15+$0x0], $0xffff;
	v17 =	vor.u32 $0x180, v3  }
0x4e6: {  	v8 =	vld.idx.msk [tilespmem:v15+s15+$0x0], $0xffff;
	v15 =	vor.u32 $0x180, v1;
	[tilespmem:s28+$0xFFFFFF00] =	vst v16  }
0x4e7: {  	v16 =	vor.u32 $0x280, v4;
	[tilespmem:s28+$0xFFFFFF10] =	vst v18;
	v7 =	vld.idx.msk [tilespmem:v7+s15+$0x0], $0xffff  }
0x4e8: {  	v18 =	vor.u32 $0x180, v10;
	v13 =	vld.idx.msk [tilespmem:v13+s15+$0x0], $0xffff;
	[tilespmem:s28+$0xFFFFFF20] =	vst v5  }
0x4e9: {  	v5 =	vor.u32 $0x180, v11;
	[tilespmem:s28+$0xFFFFFF30] =	vst v9;
	v6 =	vld.idx.msk [tilespmem:v6+s15+$0x0], $0xffff  }
0x4ea: {  	v9 =	vor.u32 $0x180, v12;
	[tilespmem:s28+$0xFFFFFF40] =	vst v19;
	v17 =	vld.idx.msk [tilespmem:v17+s15+$0x0], $0xffff  }
0x4eb: {  	v15 =	vld.idx.msk [tilespmem:v15+s15+$0x0], $0xffff;
	[tilespmem:s28+$0x70] =	vst v8;
	v8 =	vor.u32 $0x200, v0  }
0x4ec: {  	v19 =	vor.u32 $0x200, v2;
	[tilespmem:s28+$0xFFFFFF50] =	vst v14;
	v16 =	vld.idx.msk [tilespmem:v16+s15+$0x0], $0xffff  }
0x4ed: {  	v14 =	vld.idx.msk [tilespmem:v18+s15+$0x0], $0xffff;
	[tilespmem:s28+$0xFFFFFF60] =	vst v7;
	v7 =	vor.u32 $0x300, v4  }
0x4ee: {  	v18 =	vor.u32 $0x200, v1;
	[tilespmem:s28+$0xFFFFFF80] =	vst v13;
	v5 =	vld.idx.msk [tilespmem:v5+s15+$0x0], $0xffff  }
0x4ef: {  	v13 =	vor.u32 $0x200, v3;
	[tilespmem:s28+$0xFFFFFF90] =	vst v6;
	v6 =	vld.idx.msk [tilespmem:v9+s15+$0x0], $0xffff  }
0x4f0: {  	v9 =	vor.u32 $0x200, v10;
	v8 =	vld.idx.msk [tilespmem:v8+s15+$0x0], $0xffff;
	[tilespmem:s28+$0xFFFFFFA0] =	vst v15  }
0x4f1: {  	v15 =	vor.u32 $0x200, v11;
	v19 =	vld.idx.msk [tilespmem:v19+s15+$0x0], $0xffff;
	[tilespmem:s28+$0xF0] =	vst v16  }
0x4f2: {  	[tilespmem:s28+$0xFFFFFFB0] =	vst v17;
	v16 =	vor.u32 $0x200, v12;
	v7 =	vld.idx.msk [tilespmem:v7+s15+$0x0], $0xffff  }
0x4f3: {  	v17 =	vor.u32 $0x280, v0;
	v18 =	vld.idx.msk [tilespmem:v18+s15+$0x0], $0xffff;
	[tilespmem:s28+$0xFFFFFFC0] =	vst v14  }
0x4f4: {  	v4 =	vor.u32 $0x380, v4;
	v13 =	vld.idx.msk [tilespmem:v13+s15+$0x0], $0xffff;
	[tilespmem:s28+$0xFFFFFFD0] =	vst v5  }
0x4f5: {  	v5 =	vor.u32 $0x280, v2;
	v9 =	vld.idx.msk [tilespmem:v9+s15+$0x0], $0xffff;
	[tilespmem:s28+$0xFFFFFFE0] =	vst v6  }
0x4f6: {  	v6 =	vor.u32 $0x280, v1;
	[tilespmem:s28+$0x0] =	vst v8;
	v8 =	vld.idx.msk [tilespmem:v15+s15+$0x0], $0xffff  }
0x4f7: {  	v14 =	vor.u32 $0x280, v3;
	[tilespmem:s28+$0x10] =	vst v19;
	v15 =	vld.idx.msk [tilespmem:v16+s15+$0x0], $0xffff  }
0x4f8: {  	v16 =	vor.u32 $0x280, v10;
	v17 =	vld.idx.msk [tilespmem:v17+s15+$0x0], $0xffff;
	[tilespmem:s28+$0x170] =	vst v7  }
0x4f9: {  	v7 =	vor.u32 $0x280, v11;
	[tilespmem:s28+$0x20] =	vst v18;
	v4 =	vld.idx.msk [tilespmem:v4+s15+$0x0], $0xffff  }
0x4fa: {  	v18 =	vor.u32 $0x280, v12;
	v5 =	vld.idx.msk [tilespmem:v5+s15+$0x0], $0xffff;
	[tilespmem:s28+$0x30] =	vst v13  }
0x4fb: {  	v13 =	vor.u32 $0x300, v0;
	v6 =	vld.idx.msk [tilespmem:v6+s15+$0x0], $0xffff;
	[tilespmem:s28+$0x40] =	vst v9  }
0x4fc: {  	v9 =	vor.u32 $0x300, v2;
	v19 =	vld.idx.msk [tilespmem:v14+s15+$0x0], $0xffff;
	[tilespmem:s28+$0x50] =	vst v8  }
0x4fd: {  	v20 =	vor.u32 $0x300, v1;
	v21 =	vld.idx.msk [tilespmem:v16+s15+$0x0], $0xffff;
	[tilespmem:s28+$0x60] =	vst v15  }
0x4fe: {  	v22 =	vor.u32 $0x300, v3;
	[tilespmem:s28+$0x80] =	vst v17;
	v17 =	vld.idx.msk [tilespmem:v7+s15+$0x0], $0xffff  }
0x4ff: {  	v23 =	vor.u32 $0x300, v10;
	v15 =	vld.idx.msk [tilespmem:v18+s15+$0x0], $0xffff;
	[tilespmem:s28+$0x1F0] =	vst v4  }
0x500: {  	v14 =	vld.idx.msk [tilespmem:v13+s15+$0x0], $0xffff;
	[tilespmem:s28+$0x90] =	vst v5  }
0x501: {  	v13 =	vld.idx.msk [tilespmem:v9+s15+$0x0], $0xffff;
	[tilespmem:s28+$0xA0] =	vst v6  }
0x502: {  	v8 =	vor.u32 $0x300, v11;
	v7 =	vor.u32 $0x380, v0;
	v0 =	vor.u32 $0x380, v12;
	[tilespmem:s28+$0xB0] =	vst v19;
	v16 =	vld.idx.msk [tilespmem:v20+s15+$0x0], $0xffff  }
0x503: {  	s26 =	sor.u32 $0x1, s26;
	v5 =	vor.u32 $0x380, v1;
	v4 =	vor.u32 $0x380, v3;
	v1 =	vor.u32 $0x380, v11;
	v3 =	vld.idx.msk [tilespmem:v22+s15+$0x0], $0xffff;
	[tilespmem:s28+$0xC0] =	vst v21  }
0x504: {  	s30 =	sadd.s32 $0x400, s25;
	s29 =	simm.s32 $0x0;
	s25 =	simm.s32 $0x12200;
	v6 =	vor.u32 $0x380, v2;
	v9 =	vor.u32 $0x300, v12;
	v2 =	vor.u32 $0x380, v10;
	v10 =	vld.idx.msk [tilespmem:v23+s15+$0x0], $0xffff;
	[tilespmem:s28+$0xD0] =	vst v17  }
.LBB2_24:
0x505: {  	v11 =	vld [tilespmem:s30+$0x0];
	s29 =	sadd.s32 $0x8, s29;
	[tilespmem:s28+$0xE0] =	vst v15  }
0x506: {  	v12 =	vld [tilespmem:s30+$0xFFFFFFA0];
	p1 =	slt.u32 s29, $0x38;
	[tilespmem:s28+$0x100] =	vst v14  }
0x507: {  	v14 =	vld [tilespmem:s30+$0xFFFFFFB0];
	[tilespmem:s28+$0x110] =	vst v13  }
0x508: {  	v13 =	vld [tilespmem:s30+$0xFFFFFFC0];
	[tilespmem:s28+$0x120] =	vst v16  }
0x509: {  	v15 =	vld [tilespmem:s30+$0xFFFFFFD0];
	[tilespmem:s28+$0x130] =	vst v3  }
0x50a: {  	v16 =	vld [tilespmem:s30+$0xFFFFFFE0];
	v3 =	vshll.u32 v11, $0x3;
	[tilespmem:s28+$0x140] =	vst v10  }
0x50b: {  	v11 =	vand.u32 $0x7F, v11;
	v10 =	vshll.u32 v12, $0x3;
	v17 =	vld [tilespmem:s30+$0xFFFFFFF0];
	v3 =	vand.u32 $0xFFFFFC00, v3  }
0x50c: {  	v18 =	vld [tilespmem:s30+$0xFFFFFF90];
	v10 =	vand.u32 $0xFFFFFC00, v10;
	v19 =	vshll.u32 v14, $0x3;
	v3 =	vor.u32 v11, v3  }
0x50d: {  	v11 =	vand.u32 $0x7F, v12;
	v12 =	vand.u32 $0xFFFFFC00, v19;
	v19 =	vshll.u32 v13, $0x3;
	v8 =	vld.idx.msk [tilespmem:v8+s15+$0x0], $0xffff  }
0x50e: {  	v14 =	vand.u32 $0x7F, v14;
	v19 =	vand.u32 $0xFFFFFC00, v19;
	v20 =	vshll.u32 v15, $0x3;
	v9 =	vld.idx.msk [tilespmem:v9+s15+$0x0], $0xffff  }
0x50f: {  	v13 =	vand.u32 $0x7F, v13;
	v20 =	vand.u32 $0xFFFFFC00, v20;
	v21 =	vshll.u32 v16, $0x3;
	v7 =	vld.idx.msk [tilespmem:v7+s15+$0x0], $0xffff  }
0x510: {  	v15 =	vand.u32 $0x7F, v15;
	v21 =	vand.u32 $0xFFFFFC00, v21;
	v22 =	vshll.u32 v17, $0x3;
	v6 =	vld.idx.msk [tilespmem:v6+s15+$0x0], $0xffff  }
0x511: {  	v23 =	vand.u32 $0x7F, v18;
	v18 =	vshll.u32 v18, $0x3;
	v22 =	vand.u32 $0xFFFFFC00, v22;
	v24 =	vld.idx.msk [tilespmem:v3+s15+$0x0], $0xffff  }
0x512: {  	v16 =	vand.u32 $0x7F, v16;
	v17 =	vand.u32 $0x7F, v17;
	v18 =	vand.u32 $0xFFFFFC00, v18;
	v5 =	vld.idx.msk [tilespmem:v5+s15+$0x0], $0xffff  }
0x513: {  	v25 =	vor.u32 v11, v10;
	v10 =	vor.u32 $0x80, v3;
	v23 =	vor.u32 v23, v18;
	v4 =	vld.idx.msk [tilespmem:v4+s15+$0x0], $0xffff;
	[tilespmem:s28+$0x150] =	vst v8  }
0x514: {  	v26 =	vor.u32 v14, v12;
	v27 =	vor.u32 v13, v19;
	v28 =	vor.u32 v15, v20;
	[tilespmem:s28+$0x160] =	vst v9  }
0x515: {  	v21 =	vor.u32 v16, v21;
	v22 =	vor.u32 v17, v22;
	v8 =	vor.u32 $0x80, v23;
	[tilespmem:s28+$0x180] =	vst v7;
	v2 =	vld.idx.msk [tilespmem:v2+s15+$0x0], $0xffff  }
0x516: {  	v29 =	vor.u32 $0x80, v27;
	v9 =	vor.u32 $0x80, v26;
	v7 =	vor.u32 $0x80, v25;
	s28 =	sadd.s32 $0x400, s28;
	[tilespmem:s25+$0x190] =	vst v6;
	v1 =	vld.idx.msk [tilespmem:v1+s15+$0x0], $0xffff  }
0x517: {  	v30 =	vor.u32 $0x80, v28;
	v31 =	vor.u32 $0x80, v21;
	v32 =	vor.u32 $0x80, v22;
	[tilespmem:s28+$0xFFFFFE70] =	vst v24;
	v0 =	vld.idx.msk [tilespmem:v0+s15+$0x0], $0xffff  }
0x518: {  	v33 =	vor.u32 $0x100, v25;
	v34 =	vor.u32 $0x100, v26;
	v24 =	vor.u32 $0x100, v23;
	v6 =	vld.idx.msk [tilespmem:v10+s15+$0x0], $0xffff;
	[tilespmem:s25+$0x1A0] =	vst v5  }
0x519: {  	v35 =	vor.u32 $0x100, v27;
	v36 =	vor.u32 $0x100, v28;
	v37 =	vor.u32 $0x100, v21;
	v5 =	vld.idx.msk [tilespmem:v23+s15+$0x0], $0xffff;
	[tilespmem:s25+$0x1B0] =	vst v4  }
0x51a: {  	v39 =	vor.u32 $0x100, v22;
	v38 =	vor.u32 $0x180, v23;
	v10 =	vor.u32 $0x100, v3;
	v4 =	vld.idx.msk [tilespmem:v25+s15+$0x0], $0xffff  }
0x51b: {  	v40 =	vor.u32 $0x180, v25;
	v41 =	vor.u32 $0x180, v26;
	v42 =	vor.u32 $0x180, v27;
	v11 =	vld.idx.msk [tilespmem:v26+s15+$0x0], $0xffff;
	[tilespmem:s25+$0x1C0] =	vst v2  }
0x51c: {  	v43 =	vor.u32 $0x180, v28;
	v44 =	vor.u32 $0x180, v21;
	v45 =	vor.u32 $0x180, v22;
	v2 =	vld.idx.msk [tilespmem:v27+s15+$0x0], $0xffff;
	[tilespmem:s25+$0x1D0] =	vst v1  }
0x51d: {  	v47 =	vor.u32 $0x200, v25;
	v48 =	vor.u32 $0x200, v26;
	v46 =	vor.u32 $0x200, v23;
	v1 =	vld.idx.msk [tilespmem:v28+s15+$0x0], $0xffff;
	[tilespmem:s25+$0x1E0] =	vst v0;
	s25 =	smov.u32 s28  }
0x51e: {  	v49 =	vor.u32 $0x200, v27;
	v50 =	vor.u32 $0x200, v28;
	v51 =	vor.u32 $0x200, v21;
	v0 =	vld.idx.msk [tilespmem:v21+s15+$0x0], $0xffff;
	[tilespmem:s28+$0xFFFFFEF0] =	vst v6  }
0x51f: {  	v18 =	vor.u32 $0x280, v25;
	v53 =	vor.u32 $0x200, v22;
	v52 =	vor.u32 $0x280, v23;
	[tilespmem:s28+$0xFFFFFE00] =	vst v5;
	v54 =	vld.idx.msk [tilespmem:v10+s15+$0x0], $0xffff  }
0x520: {  	v20 =	vor.u32 $0x280, v26;
	v19 =	vor.u32 $0x280, v27;
	v15 =	vor.u32 $0x280, v28;
	[tilespmem:s28+$0xFFFFFE10] =	vst v4;
	v55 =	vld.idx.msk [tilespmem:v22+s15+$0x0], $0xffff  }
0x521: {  	v57 =	vor.u32 $0x180, v3;
	v17 =	vor.u32 $0x280, v21;
	v16 =	vor.u32 $0x280, v22;
	v56 =	vld.idx.msk [tilespmem:v8+s15+$0x0], $0xffff;
	[tilespmem:s28+$0xFFFFFE20] =	vst v11  }
0x522: {  	v13 =	vor.u32 $0x300, v25;
	v14 =	vor.u32 $0x300, v23;
	v10 =	vor.u32 $0x300, v26;
	v58 =	vld.idx.msk [tilespmem:v7+s15+$0x0], $0xffff;
	[tilespmem:s28+$0xFFFFFE30] =	vst v2  }
0x523: {  	v12 =	vor.u32 $0x300, v27;
	v11 =	vor.u32 $0x300, v28;
	v8 =	vor.u32 $0x300, v21;
	v59 =	vld.idx.msk [tilespmem:v9+s15+$0x0], $0xffff;
	[tilespmem:s28+$0xFFFFFE40] =	vst v1  }
0x524: {  	v6 =	vor.u32 $0x380, v25;
	v7 =	vor.u32 $0x380, v23;
	v9 =	vor.u32 $0x300, v22;
	v23 =	vld.idx.msk [tilespmem:v29+s15+$0x0], $0xffff;
	[tilespmem:s28+$0xFFFFFE50] =	vst v0  }
0x525: {  	v5 =	vor.u32 $0x380, v26;
	v4 =	vor.u32 $0x380, v27;
	v2 =	vor.u32 $0x380, v28;
	v25 =	vld.idx.msk [tilespmem:v30+s15+$0x0], $0xffff;
	[tilespmem:s28+$0xFFFFFF70] =	vst v54  }
0x526: {  	v1 =	vor.u32 $0x380, v21;
	v0 =	vor.u32 $0x380, v22;
	[tilespmem:s28+$0xFFFFFE60] =	vst v55;
	v21 =	vld.idx.msk [tilespmem:v57+s15+$0x0], $0xffff  }
0x527: {  	[tilespmem:s28+$0xFFFFFE80] =	vst v56;
	v22 =	vld.idx.msk [tilespmem:v31+s15+$0x0], $0xffff  }
0x528: {  	v27 =	vor.u32 $0x200, v3;
	[tilespmem:s28+$0xFFFFFE90] =	vst v58;
	v26 =	vld.idx.msk [tilespmem:v32+s15+$0x0], $0xffff  }
0x529: {  	v24 =	vld.idx.msk [tilespmem:v24+s15+$0x0], $0xffff;
	[tilespmem:s28+$0xFFFFFEA0] =	vst v59  }
0x52a: {  	v28 =	vld.idx.msk [tilespmem:v33+s15+$0x0], $0xffff;
	[tilespmem:s28+$0xFFFFFEB0] =	vst v23  }
0x52b: {  	v23 =	vld.idx.msk [tilespmem:v34+s15+$0x0], $0xffff;
	[tilespmem:s28+$0xFFFFFEC0] =	vst v25  }
0x52c: {  	v25 =	vld.idx.msk [tilespmem:v35+s15+$0x0], $0xffff;
	[tilespmem:s28+$0xFFFFFFF0] =	vst v21  }
0x52d: {  	[tilespmem:s28+$0xFFFFFED0] =	vst v22;
	v21 =	vld.idx.msk [tilespmem:v27+s15+$0x0], $0xffff  }
0x52e: {  	v22 =	vld.idx.msk [tilespmem:v36+s15+$0x0], $0xffff;
	[tilespmem:s28+$0xFFFFFEE0] =	vst v26  }
0x52f: {  	v26 =	vor.u32 $0x280, v3;
	[tilespmem:s28+$0xFFFFFF00] =	vst v24;
	v24 =	vld.idx.msk [tilespmem:v37+s15+$0x0], $0xffff  }
0x530: {  	[tilespmem:s28+$0xFFFFFF10] =	vst v28;
	v27 =	vld.idx.msk [tilespmem:v39+s15+$0x0], $0xffff  }
0x531: {  	v28 =	vld.idx.msk [tilespmem:v38+s15+$0x0], $0xffff;
	[tilespmem:s28+$0xFFFFFF20] =	vst v23  }
0x532: {  	v23 =	vld.idx.msk [tilespmem:v40+s15+$0x0], $0xffff;
	[tilespmem:s28+$0xFFFFFF30] =	vst v25  }
0x533: {  	v25 =	vld.idx.msk [tilespmem:v41+s15+$0x0], $0xffff;
	[tilespmem:s28+$0x70] =	vst v21  }
0x534: {  	[tilespmem:s28+$0xFFFFFF40] =	vst v22;
	v21 =	vld.idx.msk [tilespmem:v26+s15+$0x0], $0xffff  }
0x535: {  	v22 =	vld.idx.msk [tilespmem:v42+s15+$0x0], $0xffff;
	[tilespmem:s28+$0xFFFFFF50] =	vst v24  }
0x536: {  	v26 =	vor.u32 $0x300, v3;
	v24 =	vld.idx.msk [tilespmem:v43+s15+$0x0], $0xffff;
	[tilespmem:s28+$0xFFFFFF60] =	vst v27  }
0x537: {  	[tilespmem:s28+$0xFFFFFF80] =	vst v28;
	v27 =	vld.idx.msk [tilespmem:v44+s15+$0x0], $0xffff  }
0x538: {  	[tilespmem:s28+$0xFFFFFF90] =	vst v23;
	v23 =	vld.idx.msk [tilespmem:v45+s15+$0x0], $0xffff  }
0x539: {  	v28 =	vld.idx.msk [tilespmem:v46+s15+$0x0], $0xffff;
	[tilespmem:s28+$0xFFFFFFA0] =	vst v25  }
0x53a: {  	v25 =	vld.idx.msk [tilespmem:v47+s15+$0x0], $0xffff;
	[tilespmem:s28+$0xF0] =	vst v21  }
0x53b: {  	[tilespmem:s28+$0xFFFFFFB0] =	vst v22;
	v21 =	vld.idx.msk [tilespmem:v26+s15+$0x0], $0xffff  }
0x53c: {  	v22 =	vld.idx.msk [tilespmem:v48+s15+$0x0], $0xffff;
	[tilespmem:s28+$0xFFFFFFC0] =	vst v24  }
0x53d: {  	v3 =	vor.u32 $0x380, v3;
	v24 =	vld.idx.msk [tilespmem:v49+s15+$0x0], $0xffff;
	[tilespmem:s28+$0xFFFFFFD0] =	vst v27  }
0x53e: {  	v26 =	vld.idx.msk [tilespmem:v50+s15+$0x0], $0xffff;
	[tilespmem:s28+$0xFFFFFFE0] =	vst v23  }
0x53f: {  	[tilespmem:s28+$0x0] =	vst v28;
	v23 =	vld.idx.msk [tilespmem:v51+s15+$0x0], $0xffff  }
0x540: {  	[tilespmem:s28+$0x10] =	vst v25;
	v25 =	vld.idx.msk [tilespmem:v53+s15+$0x0], $0xffff  }
0x541: {  	v27 =	vld.idx.msk [tilespmem:v52+s15+$0x0], $0xffff;
	[tilespmem:s28+$0x170] =	vst v21  }
0x542: {  	[tilespmem:s28+$0x20] =	vst v22;
	v3 =	vld.idx.msk [tilespmem:v3+s15+$0x0], $0xffff  }
0x543: {  	v18 =	vld.idx.msk [tilespmem:v18+s15+$0x0], $0xffff;
	[tilespmem:s28+$0x30] =	vst v24  }
0x544: {  	v20 =	vld.idx.msk [tilespmem:v20+s15+$0x0], $0xffff;
	[tilespmem:s28+$0x40] =	vst v26  }
0x545: {  	v19 =	vld.idx.msk [tilespmem:v19+s15+$0x0], $0xffff;
	[tilespmem:s28+$0x50] =	vst v23  }
0x546: {  	v21 =	vld.idx.msk [tilespmem:v15+s15+$0x0], $0xffff;
	[tilespmem:s28+$0x60] =	vst v25  }
0x547: {  	[tilespmem:s28+$0x80] =	vst v27;
	v17 =	vld.idx.msk [tilespmem:v17+s15+$0x0], $0xffff  }
0x548: {  	v15 =	vld.idx.msk [tilespmem:v16+s15+$0x0], $0xffff;
	[tilespmem:s28+$0x1F0] =	vst v3  }
.Ltmp13:
0x549: {  	v14 =	vld.idx.msk [tilespmem:v14+s15+$0x0], $0xffff;
	[tilespmem:s28+$0x90] =	vst v18;
	(pc) =	sbr.rel @p1 .LBB2_24-.Ltmp13, $4  }
0x54a: {  	v13 =	vld.idx.msk [tilespmem:v13+s15+$0x0], $0xffff;
	[tilespmem:s28+$0xA0] =	vst v20  }
0x54b: {  	v16 =	vld.idx.msk [tilespmem:v10+s15+$0x0], $0xffff;
	[tilespmem:s28+$0xB0] =	vst v19  }
0x54c: {  	v3 =	vld.idx.msk [tilespmem:v12+s15+$0x0], $0xffff;
	[tilespmem:s28+$0xC0] =	vst v21  }
0x54d: {  	s30 =	sadd.s32 $0x400, s30;
	v10 =	vld.idx.msk [tilespmem:v11+s15+$0x0], $0xffff;
	[tilespmem:s28+$0xD0] =	vst v17  }
0x54e: {  	_ =	sdelay $0x2  }
0x54f: {  	[tilespmem:s28+$0xE0] =	vst v15  }
0x550: {  	[tilespmem:s28+$0x100] =	vst v14;
	v8 =	vld.idx.msk [tilespmem:v8+s15+$0x0], $0xffff  }
0x551: {  	[tilespmem:s28+$0x110] =	vst v13;
	v9 =	vld.idx.msk [tilespmem:v9+s15+$0x0], $0xffff  }
0x552: {  	v7 =	vld.idx.msk [tilespmem:v7+s15+$0x0], $0xffff;
	[tilespmem:s28+$0x120] =	vst v16  }
0x553: {  	v63 =	vld.idx.msk [tilespmem:v6+s15+$0x0], $0xffff;
	[tilespmem:s28+$0x130] =	vst v3  }
0x554: {  	v5 =	vld.idx.msk [tilespmem:v5+s15+$0x0], $0xffff;
	[tilespmem:s28+$0x140] =	vst v10  }
0x555: {  	v4 =	vld.idx.msk [tilespmem:v4+s15+$0x0], $0xffff;
	[tilespmem:s28+$0x150] =	vst v8  }
0x556: {  	v2 =	vld.idx.msk [tilespmem:v2+s15+$0x0], $0xffff;
	[tilespmem:s28+$0x160] =	vst v9  }
0x557: {  	[tilespmem:s28+$0x180] =	vst v7;
	v1 =	vld.idx.msk [tilespmem:v1+s15+$0x0], $0xffff  }
0x558: {  	s26 =	smul.u32 $0x7D, s26;
	s24 =	sadd.s32 $0x1, s24;
	[tilespmem:s25+$0x190] =	vst v63;
	v0 =	vld.idx.msk [tilespmem:v0+s15+$0x0], $0xffff  }
0x559: {  	p1 =	sne.s32 s24, $0x19;
	[tilespmem:s25+$0x1A0] =	vst v5  }
.Ltmp14:
0x55a: {  	s26 =	sadd.s32 s9, s26;
	[tilespmem:s25+$0x1B0] =	vst v4;
	(pc) =	sbr.rel @p1 .LBB2_21-.Ltmp14, $4  }
0x55b: {  	s26 =	sshll.u32 s26, $0xA;
	[tilespmem:s25+$0x1C0] =	vst v2  }
0x55c: {  	s23 =	sadd.s32 $0x800, s23;
	s26 =	sand.u32 $0x1FFFFC00, s26;
	[tilespmem:s25+$0x1D0] =	vst v1  }
0x55d: {  	s22 =	sadd.s32 $0x1, s22;
	s21 =	sadd.s32 $0x2, s21;
	s31 =	sadd.s32 s3, s26;
	[tilespmem:s25+$0x1E0] =	vst v0  }
0x55e: {  	[hbm4b:s31+s4] =	stream.linear.scatter [tilespmem:s17], [sflag:$0x2], $0x2000, $0x38;
	[tilespmem:$0x14000] =	vst v63  }
0x55f: {  	_ =	swait.ge [sflag:s18], $0x2000  }
.Ltmp15:
0x560: {  	[sflag:s18] =	ssyncset.done $0x0;
	(pc) =	sbr.rel .LBB2_27-.Ltmp15, $4  }
0x561: {  	[sflag:s18] =	ssyncadd.s32 $0xFFFFE000  }
0x562: {  	_ =	swait.ge [sflag:s19], $0x2000  }
0x563: {  	[sflag:s19] =	ssyncset.done $0x0  }
0x564: {  	[sflag:s19] =	ssyncadd.s32 $0xFFFFE000  }
.LBB2_28:
0x565: {  	_ =	sfence.sel $0x180000  }
0x566: {  	[bflag:$0x0] =	sbarrier.arrive $0xFFFF  }
0x567: {  	p0 =	sne.s32 s2, $0x0;
	_ =	strace $0x90000047  }
0x568: {  	s0 =	sadd.s32 @!p0 $0x100000, s0;
	[bflag:$0x2] =	sbarrier.arrive $0xFFFF  }
0x569: {  	[sflag:s0] =	ssyncadd.tile.s32 @!p0 $0x1;
	_ =	shalt  }
.Lfunc_end2:
_tile_overlayer_lowered:
.L_overlay_start_2:
0x56a: {  	(tag) =	ssettag $0x2  }
0x56b: {  	s0 =	rddreg [dreg:$0x0];
	s2 =	stileid.u32  }
0x56c: {  	s1 =	rddreg [dreg:$0x1];
	p0 =	sne.s32 s2, $0x0  }
0x56d: {  	s3 =	rddreg [dreg:$0x2];
	[bflag:$0x3] =	sbarrier.arrive $0xFFFF;
	s2 =	simm.s32 @!p0 $0x1C03  }
0x56e: {  	[timem:s3], [sflag:s2] =	dma.local @!p0 [hbm:s0], s1  }
0x56f: {  	s0 =	simm.s32 @!p0 $0x3  }
0x570: {  	_ =	swait.ge @!p0 [sflag:s0], s1  }
0x571: {  	s1 =	ssub.s32 @!p0 $0x0, s1;
	[sflag:s0] =	ssyncset.done @!p0 $0x0  }
0x572: {  	[sflag:s0] =	ssyncadd.s32 @!p0 s1  }
0x573: {  	[bflag:$0x3] =	sbarrier.arrive $0xFFFF  }
0x574: {  	_ =	shalt  }

</sc_bundles>
